<compile_context>
chip_gen: v7x
topology: tpu7x:2x2x1
jax: 0.10.2.dev20260603
libtpu: 0.0.44.dev20260713+nightly
codegen_flags: <defaults>
</compile_context>

<pallas_src>
import functools

import jax
import jax.numpy as jnp
from jax import lax
from jax.experimental import pallas as pl
from jax.experimental.pallas import tpu as pltpu
from jax.experimental.pallas import tpu_sc as plsc

N_NODES = 10000
N_EDGES = 320000
D = 128
EPS = 1e-5

NC = 2
NS = 16
NW = NC * NS
CH = 80
EPT = 10000
CPT = EPT // CH
E_PAD = NW * EPT
WR = 80
NPAD = 10240
RPT = NPAD // NS
ZR = 128
DEGW = 128

_mesh = plsc.VectorSubcoreMesh(core_axis_name="c", subcore_axis_name="s")


def _agg_body(feat, src, dst, out, acc, srcv, dstv, rows_a, rows_b,
              sem_a, sem_b):
    c = lax.axis_index("c")
    s = lax.axis_index("s")
    wid = c * NS + s

    pltpu.sync_copy(src.at[pl.ds(wid * EPT, EPT)], srcv)
    pltpu.sync_copy(dst.at[pl.ds(wid * EPT, EPT)], dstv)

    @pl.loop(0, WR)
    def _(i):
        for j in range(D // 16):
            rows_a[i, pl.ds(j * 16, 16)] = jnp.zeros((16,), jnp.float32)

    for k in range(RPT // WR):
        pltpu.sync_copy(rows_a.at[pl.ds(0, WR)],
                        acc.at[pl.ds(s * RPT + k * WR, WR)])
    plsc.subcore_barrier()

    def start(buf, sem, j):
        pltpu.async_copy(feat.at[srcv.at[pl.ds(j * CH, CH)]], buf, sem)

    def drain(buf, sem):
        pltpu.make_async_copy(feat.at[srcv.at[pl.ds(0, CH)]], buf, sem).wait()

    def scat(buf, j):
        pltpu.sync_copy(buf, acc.at[dstv.at[pl.ds(j * CH, CH)]], add=True)

    start(rows_a, sem_a, 0)

    @pl.loop(0, CPT - 1, step=2)
    def _(j):
        start(rows_b, sem_b, j + 1)
        drain(rows_a, sem_a)
        scat(rows_a, j)
        start(rows_a, sem_a, j + 2)
        drain(rows_b, sem_b)
        scat(rows_b, j + 1)

    drain(rows_a, sem_a)
    scat(rows_a, CPT - 1)

    plsc.subcore_barrier()

    for k in range(RPT // WR):
        r0 = s * RPT + k * WR
        pltpu.sync_copy(acc.at[pl.ds(r0, WR)], rows_a.at[pl.ds(0, WR)])
        pltpu.sync_copy(rows_a.at[pl.ds(0, WR)], out.at[c, pl.ds(r0, WR)])


_sc_agg = pl.kernel(
    _agg_body,
    out_type=jax.ShapeDtypeStruct((NC, NPAD, D), jnp.float32),
    mesh=_mesh,
    scratch_types=[
        pltpu.VMEM_SHARED((NPAD, D), jnp.float32),
        pltpu.VMEM((EPT,), jnp.int32),
        pltpu.VMEM((EPT,), jnp.int32),
        pltpu.VMEM((CH, D), jnp.float32),
        pltpu.VMEM((CH, D), jnp.float32),
        pltpu.SemaphoreType.DMA,
        pltpu.SemaphoreType.DMA,
    ],
)


def _deg_body(dst, out, acc, dstv, ones, zbuf):
    c = lax.axis_index("c")
    s = lax.axis_index("s")
    wid = c * NS + s

    pltpu.sync_copy(dst.at[pl.ds(wid * EPT, EPT)], dstv)

    @pl.loop(0, CH)
    def _(i):
        for j in range(DEGW // 16):
            ones[i, pl.ds(j * 16, 16)] = jnp.ones((16,), jnp.float32)

    @pl.loop(0, WR)
    def _(i):
        for j in range(DEGW // 16):
            zbuf[i, pl.ds(j * 16, 16)] = jnp.zeros((16,), jnp.float32)

    for k in range(RPT // WR):
        pltpu.sync_copy(zbuf.at[pl.ds(0, WR)],
                        acc.at[pl.ds(s * RPT + k * WR, WR)])
    plsc.subcore_barrier()

    @pl.loop(0, CPT)
    def _(j):
        pltpu.sync_copy(ones, acc.at[dstv.at[pl.ds(j * CH, CH)]], add=True)

    plsc.subcore_barrier()

    for k in range(RPT // WR):
        r0 = s * RPT + k * WR
        pltpu.sync_copy(acc.at[pl.ds(r0, WR)], zbuf.at[pl.ds(0, WR)])
        pltpu.sync_copy(zbuf.at[pl.ds(0, WR)], out.at[c, pl.ds(r0, WR)])


_sc_deg = pl.kernel(
    _deg_body,
    out_type=jax.ShapeDtypeStruct((NC, NPAD, DEGW), jnp.float32),
    mesh=_mesh,
    scratch_types=[
        pltpu.VMEM_SHARED((NPAD, DEGW), jnp.float32),
        pltpu.VMEM((EPT,), jnp.int32),
        pltpu.VMEM((CH, DEGW), jnp.float32),
        pltpu.VMEM((CH, DEGW), jnp.float32),
    ],
)


def _proj_body(x_ref, wst_ref, wnt_ref, ps_ref, pn_ref):
    h = x_ref[...]
    ps_ref[...] = jnp.dot(h, wst_ref[...], preferred_element_type=jnp.float32)
    pn_ref[...] = jnp.dot(h, wnt_ref[...], preferred_element_type=jnp.float32)


_tc_proj = pl.pallas_call(
    _proj_body,
    out_shape=[
        jax.ShapeDtypeStruct((N_NODES, D), jnp.float32),
        jax.ShapeDtypeStruct((N_NODES, D), jnp.float32),
    ],
)


def _combine(ps_ref, sp_ref, degp_ref):
    sp = sp_ref[...]
    degp = degp_ref[...]
    deg = degp[0, :N_NODES] + degp[1, :N_NODES]
    invd = 1.0 / jnp.maximum(deg[:, 0:1], 1.0)
    return ps_ref[...] + (sp[0, :N_NODES] + sp[1, :N_NODES]) * invd


def _mid_body(ps_ref, sp_ref, degp_ref, g_ref, b_ref, wst_ref, wnt_ref,
              ps_out, pn_out):
    z = _combine(ps_ref, sp_ref, degp_ref)
    mean = jnp.mean(z, axis=0, keepdims=True)
    var = jnp.mean((z - mean) ** 2, axis=0, keepdims=True)
    h = (z - mean) * lax.rsqrt(var + EPS) * g_ref[...] + b_ref[...]
    h = jnp.maximum(h, 0.0)
    ps_out[...] = jnp.dot(h, wst_ref[...], preferred_element_type=jnp.float32)
    pn_out[...] = jnp.dot(h, wnt_ref[...], preferred_element_type=jnp.float32)


_tc_mid = pl.pallas_call(
    _mid_body,
    out_shape=[
        jax.ShapeDtypeStruct((N_NODES, D), jnp.float32),
        jax.ShapeDtypeStruct((N_NODES, D), jnp.float32),
    ],
)


def _final_body(ps_ref, sp_ref, degp_ref, o_ref):
    z = _combine(ps_ref, sp_ref, degp_ref)
    m = jnp.max(z, axis=-1, keepdims=True)
    lse = jnp.log(jnp.sum(jnp.exp(z - m), axis=-1, keepdims=True)) + m
    o_ref[...] = z - lse


_tc_final = pl.pallas_call(
    _final_body,
    out_shape=jax.ShapeDtypeStruct((N_NODES, D), jnp.float32),
)


def kernel(x, edge_index, W_self0, W_neigh0, W_self1, W_neigh1,
           W_self2, W_neigh2, gamma0, beta0, gamma1, beta1):
    ei = edge_index.astype(jnp.int32)
    npad_e = E_PAD - N_EDGES
    src1d = jnp.concatenate([ei[0], jnp.zeros((npad_e,), jnp.int32)])
    pad_rows = N_NODES + (jnp.arange(npad_e, dtype=jnp.int32) % (NPAD - N_NODES))
    dst1d = jnp.concatenate([ei[1], pad_rows])
    g0 = gamma0.reshape(1, D)
    b0 = beta0.reshape(1, D)
    g1 = gamma1.reshape(1, D)
    b1 = beta1.reshape(1, D)

    degp = _sc_deg(dst1d)
    ps0, pn0 = _tc_proj(x, W_self0.T, W_neigh0.T)
    sp0 = _sc_agg(pn0, src1d, dst1d)
    ps1, pn1 = _tc_mid(ps0, sp0, degp, g0, b0, W_self1.T, W_neigh1.T)
    sp1 = _sc_agg(pn1, src1d, dst1d)
    ps2, pn2 = _tc_mid(ps1, sp1, degp, g1, b1, W_self2.T, W_neigh2.T)
    sp2 = _sc_agg(pn2, src1d, dst1d)
    return _tc_final(ps2, sp2, degp)

# --- scband reference (transcript-rebuilt; emitter-appended) ---
"""Pipeline reference for scband-graph-sage-41850161332331 (READ-ONLY COPY).

The authoritative reference and input builder live on the scoring server;
editing this copy changes nothing except your own understanding.
"""

import jax, jax.numpy as jnp
import numpy as np

N_NODES = 10000
N_EDGES = 320000
D_IN = 128
D_HID = 128
D_OUT = 128
EPS = 1e-5


def setup_inputs(seed: int = 0) -> dict:
    key = jax.random.key(seed)
    ks = jax.random.split(key, 12)
    x = jax.random.normal(ks[0], (N_NODES, D_IN), dtype=jnp.float32)
    edge_index = jax.random.randint(ks[1], (2, N_EDGES), 0, N_NODES, dtype=jnp.int64 if jax.config.jax_enable_x64 else jnp.int32)
    def xavier(k, shape, gain):
        fan_in, fan_out = shape[1], shape[0]
        a = gain * np.sqrt(6.0 / (fan_in + fan_out))
        return jax.random.uniform(k, shape, dtype=jnp.float32, minval=-a, maxval=a)
    gain = np.sqrt(2.0)  # calculate_gain('relu')
    W_self0 = xavier(ks[2], (D_HID, D_IN), gain)
    W_neigh0 = xavier(ks[3], (D_HID, D_IN), gain)
    W_self1 = xavier(ks[4], (D_HID, D_HID), gain)
    W_neigh1 = xavier(ks[5], (D_HID, D_HID), gain)
    W_self2 = xavier(ks[6], (D_OUT, D_HID), gain)
    W_neigh2 = xavier(ks[7], (D_OUT, D_HID), gain)
    gamma0 = jnp.ones((D_HID,), dtype=jnp.float32)
    beta0 = jnp.zeros((D_HID,), dtype=jnp.float32)
    gamma1 = jnp.ones((D_HID,), dtype=jnp.float32)
    beta1 = jnp.zeros((D_HID,), dtype=jnp.float32)
    return {"x": x, "edge_index": edge_index,
            "W_self0": W_self0, "W_neigh0": W_neigh0,
            "W_self1": W_self1, "W_neigh1": W_neigh1,
            "W_self2": W_self2, "W_neigh2": W_neigh2,
            "gamma0": gamma0, "beta0": beta0,
            "gamma1": gamma1, "beta1": beta1}


def _sage_conv(feat, src, dst, W_self, W_neigh):
    # graph.update_all(copy_src('h','m'), mean('m','neigh'))
    msg = feat[src]  # gather src features per edge
    summed = jax.ops.segment_sum(msg, dst, num_segments=N_NODES)
    deg = jax.ops.segment_sum(jnp.ones((msg.shape[0],), dtype=feat.dtype), dst, num_segments=N_NODES)
    neigh = summed / jnp.maximum(deg, 1.0)[:, None]
    return feat @ W_self.T + neigh @ W_neigh.T


def _batchnorm(h, gamma, beta):
    mean = jnp.mean(h, axis=0)
    var = jnp.mean((h - mean) ** 2, axis=0)  # biased var, training-mode BN
    return (h - mean) / jnp.sqrt(var + EPS) * gamma + beta


def reference(x, edge_index, W_self0, W_neigh0, W_self1, W_neigh1, W_self2, W_neigh2, gamma0, beta0, gamma1, beta1):
    src = edge_index[0]
    dst = edge_index[1]
    h = _sage_conv(x, src, dst, W_self0, W_neigh0)
    h = _batchnorm(h, gamma0, beta0)
    h = jax.nn.relu(h)
    # dropout: identity in eval mode
    h = _sage_conv(h, src, dst, W_self1, W_neigh1)
    h = _batchnorm(h, gamma1, beta1)
    h = jax.nn.relu(h)
    h = _sage_conv(h, src, dst, W_self2, W_neigh2)
    return jax.nn.log_softmax(h, axis=-1)


if False:  # reference __main__ guard neutralized (emitter)
    out = reference(**setup_inputs())
    print(out.shape, out.dtype)

if __name__ == "__main__":
    import jax
    _d = setup_inputs()
    print(jax.jit(kernel)(*tuple(_d.values())))

</pallas_src>

<mosaic_0001>
#map = affine_map<(d0, d1) -> (0, 0)>
#map1 = affine_map<(d0, d1) -> (0)>
#map2 = affine_map<(d0, d1) -> (0, 0, 0)>
module attributes {stable_mosaic.version = 14 : i64} {
  func.func @_agg_body(%arg0: i32, %arg1: i32, %arg2: memref<10000x128xf32, #tpu.memory_space<hbm>>, %arg3: memref<320000xi32, #tpu.memory_space<hbm>>, %arg4: memref<320000xi32, #tpu.memory_space<hbm>>, %arg5: memref<2x10240x128xf32, #tpu.memory_space<hbm>>, %arg6: memref<10240x128xf32, #tpu.memory_space<vmem_shared>>, %arg7: memref<10000xi32, #tpu.memory_space<vmem>>, %arg8: memref<10000xi32, #tpu.memory_space<vmem>>, %arg9: memref<80x128xf32, #tpu.memory_space<vmem>>, %arg10: memref<80x128xf32, #tpu.memory_space<vmem>>, %arg11: memref<!tpu.dma_semaphore, #tpu.memory_space<semaphore_mem>>, %arg12: memref<!tpu.dma_semaphore, #tpu.memory_space<semaphore_mem>>) attributes {dimension_semantics = [#tpu.dimension_semantics<core_parallel>, #tpu.dimension_semantics<subcore_parallel>], iteration_bounds = array<i64: 2, 16>, scalar_prefetch = 0 : i64, scratch_operands = 7 : i64, tpu.core_type = #tpu.core_type<sc_vector_subcore>, window_params = [{transform_indices = #map}, {transform_indices = #map1}, {transform_indices = #map1}, {transform_indices = #map2}]} {
    %mul3A = arith.constant 16 : i32
    %mul3A_0 = arith.muli %arg0, %mul3A : i32
    %add3A = arith.addi %mul3A_0, %arg1 : i32
    %mul3A_1 = arith.constant 10000 : i32
    %mul3A_2 = arith.muli %add3A, %mul3A_1 : i32
    "tpu.region"() ({
      %run_scoped3A = tpu.sem_alloc : memref<!tpu.dma_semaphore, #tpu.memory_space<semaphore_mem>>
      %dma_start3A_87 = tpu.memref_slice %arg3[%mul3A_2] : memref<320000xi32, #tpu.memory_space<hbm>> -> memref<10000xi32, #tpu.memory_space<hbm>>
      %dma_start3A_88 = tpu.memref_slice %arg3[%mul3A_2] : memref<320000xi32, #tpu.memory_space<hbm>> -> memref<10000xi32, #tpu.memory_space<hbm>>
      tpu.enqueue_dma source(%dma_start3A_88 : memref<10000xi32, #tpu.memory_space<hbm>>) target(%arg7 : memref<10000xi32, #tpu.memory_space<vmem>>) target_semaphore(%run_scoped3A : memref<!tpu.dma_semaphore, #tpu.memory_space<semaphore_mem>>)
      %dma_wait3A_89 = tpu.memref_slice %arg3[%mul3A_2] : memref<320000xi32, #tpu.memory_space<hbm>> -> memref<10000xi32, #tpu.memory_space<hbm>>
      %dma_wait3A_90 = tpu.memref_slice %arg3[%mul3A_2] : memref<320000xi32, #tpu.memory_space<hbm>> -> memref<10000xi32, #tpu.memory_space<hbm>>
      tpu.wait_dma2 semaphore(%run_scoped3A : memref<!tpu.dma_semaphore, #tpu.memory_space<semaphore_mem>>) src(%dma_wait3A_90 : memref<10000xi32, #tpu.memory_space<hbm>>) dst(%arg7 : memref<10000xi32, #tpu.memory_space<vmem>>)
      tpu.yield
    }) : () -> ()
    %mul3A_3 = arith.constant 10000 : i32
    %mul3A_4 = arith.muli %add3A, %mul3A_3 : i32
    "tpu.region"() ({
      %run_scoped3A = tpu.sem_alloc : memref<!tpu.dma_semaphore, #tpu.memory_space<semaphore_mem>>
      %dma_start3A_87 = tpu.memref_slice %arg4[%mul3A_4] : memref<320000xi32, #tpu.memory_space<hbm>> -> memref<10000xi32, #tpu.memory_space<hbm>>
      %dma_start3A_88 = tpu.memref_slice %arg4[%mul3A_4] : memref<320000xi32, #tpu.memory_space<hbm>> -> memref<10000xi32, #tpu.memory_space<hbm>>
      tpu.enqueue_dma source(%dma_start3A_88 : memref<10000xi32, #tpu.memory_space<hbm>>) target(%arg8 : memref<10000xi32, #tpu.memory_space<vmem>>) target_semaphore(%run_scoped3A : memref<!tpu.dma_semaphore, #tpu.memory_space<semaphore_mem>>)
      %dma_wait3A_89 = tpu.memref_slice %arg4[%mul3A_4] : memref<320000xi32, #tpu.memory_space<hbm>> -> memref<10000xi32, #tpu.memory_space<hbm>>
      %dma_wait3A_90 = tpu.memref_slice %arg4[%mul3A_4] : memref<320000xi32, #tpu.memory_space<hbm>> -> memref<10000xi32, #tpu.memory_space<hbm>>
      tpu.wait_dma2 semaphore(%run_scoped3A : memref<!tpu.dma_semaphore, #tpu.memory_space<semaphore_mem>>) src(%dma_wait3A_90 : memref<10000xi32, #tpu.memory_space<hbm>>) dst(%arg8 : memref<10000xi32, #tpu.memory_space<vmem>>)
      tpu.yield
    }) : () -> ()
    %scan3A = arith.constant 0 : i32
    %scan3A_5 = arith.constant 80 : i32
    %scan3A_6 = arith.addi %scan3A, %scan3A_5 : i32
    %scan3A_7 = arith.constant 1 : i32
    scf.for %scan3A_87 = %scan3A to %scan3A_6 step %scan3A_7  : i32 {
      %mul3A_88 = arith.constant 1 : i32
      %mul3A_89 = arith.muli %scan3A_87, %mul3A_88 : i32
      %add3A_90 = arith.constant 0 : i32
      %add3A_91 = arith.addi %add3A_90, %mul3A_89 : i32
      %broadcast_in_dim3A = arith.constant 0.000000e+00 : f32
      %broadcast_in_dim3A_92 = vector.broadcast %broadcast_in_dim3A : f32 to vector<16xf32>
      %swap3A = arith.index_cast %add3A_91 : i32 to index
      %swap3A_93 = arith.constant 0 : index
      %swap3A_94 = tpu.vector_load %arg9[%swap3A, %swap3A_93] {strides = array<i32>} : memref<80x128xf32, #tpu.memory_space<vmem>>, vector<1x16xf32>,
      %swap3A_95 = vector.shape_cast %swap3A_94 : vector<1x16xf32> to vector<16xf32>
      %swap3A_96 = vector.shape_cast %broadcast_in_dim3A_92 : vector<16xf32> to vector<1x16xf32>
      tpu.vector_store %arg9[%swap3A, %swap3A_93], %swap3A_96 {strides = array<i32>} : memref<80x128xf32, #tpu.memory_space<vmem>>, vector<1x16xf32>,
      %broadcast_in_dim3A_97 = arith.constant 0.000000e+00 : f32
      %broadcast_in_dim3A_98 = vector.broadcast %broadcast_in_dim3A_97 : f32 to vector<16xf32>
      %swap3A_99 = arith.index_cast %add3A_91 : i32 to index
      %swap3A_100 = arith.constant 16 : index
      %swap3A_101 = tpu.vector_load %arg9[%swap3A_99, %swap3A_100] {strides = array<i32>} : memref<80x128xf32, #tpu.memory_space<vmem>>, vector<1x16xf32>,
      %swap3A_102 = vector.shape_cast %swap3A_101 : vector<1x16xf32> to vector<16xf32>
      %swap3A_103 = vector.shape_cast %broadcast_in_dim3A_98 : vector<16xf32> to vector<1x16xf32>
      tpu.vector_store %arg9[%swap3A_99, %swap3A_100], %swap3A_103 {strides = array<i32>} : memref<80x128xf32, #tpu.memory_space<vmem>>, vector<1x16xf32>,
      %broadcast_in_dim3A_104 = arith.constant 0.000000e+00 : f32
      %broadcast_in_dim3A_105 = vector.broadcast %broadcast_in_dim3A_104 : f32 to vector<16xf32>
      %swap3A_106 = arith.index_cast %add3A_91 : i32 to index
      %swap3A_107 = arith.constant 32 : index
      %swap3A_108 = tpu.vector_load %arg9[%swap3A_106, %swap3A_107] {strides = array<i32>} : memref<80x128xf32, #tpu.memory_space<vmem>>, vector<1x16xf32>,
      %swap3A_109 = vector.shape_cast %swap3A_108 : vector<1x16xf32> to vector<16xf32>
      %swap3A_110 = vector.shape_cast %broadcast_in_dim3A_105 : vector<16xf32> to vector<1x16xf32>
      tpu.vector_store %arg9[%swap3A_106, %swap3A_107], %swap3A_110 {strides = array<i32>} : memref<80x128xf32, #tpu.memory_space<vmem>>, vector<1x16xf32>,
      %broadcast_in_dim3A_111 = arith.constant 0.000000e+00 : f32
      %broadcast_in_dim3A_112 = vector.broadcast %broadcast_in_dim3A_111 : f32 to vector<16xf32>
      %swap3A_113 = arith.index_cast %add3A_91 : i32 to index
      %swap3A_114 = arith.constant 48 : index
      %swap3A_115 = tpu.vector_load %arg9[%swap3A_113, %swap3A_114] {strides = array<i32>} : memref<80x128xf32, #tpu.memory_space<vmem>>, vector<1x16xf32>,
      %swap3A_116 = vector.shape_cast %swap3A_115 : vector<1x16xf32> to vector<16xf32>
      %swap3A_117 = vector.shape_cast %broadcast_in_dim3A_112 : vector<16xf32> to vector<1x16xf32>
      tpu.vector_store %arg9[%swap3A_113, %swap3A_114], %swap3A_117 {strides = array<i32>} : memref<80x128xf32, #tpu.memory_space<vmem>>, vector<1x16xf32>,
      %broadcast_in_dim3A_118 = arith.constant 0.000000e+00 : f32
      %broadcast_in_dim3A_119 = vector.broadcast %broadcast_in_dim3A_118 : f32 to vector<16xf32>
      %swap3A_120 = arith.index_cast %add3A_91 : i32 to index
      %swap3A_121 = arith.constant 64 : index
      %swap3A_122 = tpu.vector_load %arg9[%swap3A_120, %swap3A_121] {strides = array<i32>} : memref<80x128xf32, #tpu.memory_space<vmem>>, vector<1x16xf32>,
      %swap3A_123 = vector.shape_cast %swap3A_122 : vector<1x16xf32> to vector<16xf32>
      %swap3A_124 = vector.shape_cast %broadcast_in_dim3A_119 : vector<16xf32> to vector<1x16xf32>
      tpu.vector_store %arg9[%swap3A_120, %swap3A_121], %swap3A_124 {strides = array<i32>} : memref<80x128xf32, #tpu.memory_space<vmem>>, vector<1x16xf32>,
      %broadcast_in_dim3A_125 = arith.constant 0.000000e+00 : f32
      %broadcast_in_dim3A_126 = vector.broadcast %broadcast_in_dim3A_125 : f32 to vector<16xf32>
      %swap3A_127 = arith.index_cast %add3A_91 : i32 to index
      %swap3A_128 = arith.constant 80 : index
      %swap3A_129 = tpu.vector_load %arg9[%swap3A_127, %swap3A_128] {strides = array<i32>} : memref<80x128xf32, #tpu.memory_space<vmem>>, vector<1x16xf32>,
      %swap3A_130 = vector.shape_cast %swap3A_129 : vector<1x16xf32> to vector<16xf32>
      %swap3A_131 = vector.shape_cast %broadcast_in_dim3A_126 : vector<16xf32> to vector<1x16xf32>
      tpu.vector_store %arg9[%swap3A_127, %swap3A_128], %swap3A_131 {strides = array<i32>} : memref<80x128xf32, #tpu.memory_space<vmem>>, vector<1x16xf32>,
      %broadcast_in_dim3A_132 = arith.constant 0.000000e+00 : f32
      %broadcast_in_dim3A_133 = vector.broadcast %broadcast_in_dim3A_132 : f32 to vector<16xf32>
      %swap3A_134 = arith.index_cast %add3A_91 : i32 to index
      %swap3A_135 = arith.constant 96 : index
      %swap3A_136 = tpu.vector_load %arg9[%swap3A_134, %swap3A_135] {strides = array<i32>} : memref<80x128xf32, #tpu.memory_space<vmem>>, vector<1x16xf32>,
      %swap3A_137 = vector.shape_cast %swap3A_136 : vector<1x16xf32> to vector<16xf32>
      %swap3A_138 = vector.shape_cast %broadcast_in_dim3A_133 : vector<16xf32> to vector<1x16xf32>
      tpu.vector_store %arg9[%swap3A_134, %swap3A_135], %swap3A_138 {strides = array<i32>} : memref<80x128xf32, #tpu.memory_space<vmem>>, vector<1x16xf32>,
      %broadcast_in_dim3A_139 = arith.constant 0.000000e+00 : f32
      %broadcast_in_dim3A_140 = vector.broadcast %broadcast_in_dim3A_139 : f32 to vector<16xf32>
      %swap3A_141 = arith.index_cast %add3A_91 : i32 to index
      %swap3A_142 = arith.constant 112 : index
      %swap3A_143 = tpu.vector_load %arg9[%swap3A_141, %swap3A_142] {strides = array<i32>} : memref<80x128xf32, #tpu.memory_space<vmem>>, vector<1x16xf32>,
      %swap3A_144 = vector.shape_cast %swap3A_143 : vector<1x16xf32> to vector<16xf32>
      %swap3A_145 = vector.shape_cast %broadcast_in_dim3A_140 : vector<16xf32> to vector<1x16xf32>
      tpu.vector_store %arg9[%swap3A_141, %swap3A_142], %swap3A_145 {strides = array<i32>} : memref<80x128xf32, #tpu.memory_space<vmem>>, vector<1x16xf32>,
    }
    %scan3A_8 = arith.constant 80 : i32
    %mul3A_9 = arith.constant 640 : i32
    %mul3A_10 = arith.muli %arg1, %mul3A_9 : i32
    %add3A_11 = arith.constant 0 : i32
    %add3A_12 = arith.addi %mul3A_10, %add3A_11 : i32
    "tpu.region"() ({
      %run_scoped3A = tpu.sem_alloc : memref<!tpu.dma_semaphore, #tpu.memory_space<semaphore_mem>>
      %dma_start3A_87 = arith.constant 0 : i32
      %dma_start3A_88 = arith.constant 0 : i32
      %dma_start3A_89 = tpu.memref_slice %arg9[%dma_start3A_87, %dma_start3A_88] : memref<80x128xf32, #tpu.memory_space<vmem>> -> memref<80x128xf32, #tpu.memory_space<vmem>>
      %dma_start3A_90 = arith.constant 0 : i32
      %dma_start3A_91 = tpu.memref_slice %arg6[%add3A_12, %dma_start3A_90] : memref<10240x128xf32, #tpu.memory_space<vmem_shared>> -> memref<80x128xf32, #tpu.memory_space<vmem_shared>>
      %dma_start3A_92 = arith.constant 0 : i32
      %dma_start3A_93 = tpu.memref_slice %arg6[%add3A_12, %dma_start3A_92] : memref<10240x128xf32, #tpu.memory_space<vmem_shared>> -> memref<80x128xf32, #tpu.memory_space<vmem_shared>>
      %dma_start3A_94 = arith.constant 0 : i32
      %dma_start3A_95 = arith.constant 0 : i32
      %dma_start3A_96 = tpu.memref_slice %arg9[%dma_start3A_94, %dma_start3A_95] : memref<80x128xf32, #tpu.memory_space<vmem>> -> memref<80x128xf32, #tpu.memory_space<vmem>>
      tpu.enqueue_dma source(%dma_start3A_96 : memref<80x128xf32, #tpu.memory_space<vmem>>) target(%dma_start3A_93 : memref<80x128xf32, #tpu.memory_space<vmem_shared>>) target_semaphore(%run_scoped3A : memref<!tpu.dma_semaphore, #tpu.memory_space<semaphore_mem>>)
      %dma_wait3A_97 = arith.constant 0 : i32
      %dma_wait3A_98 = arith.constant 0 : i32
      %dma_wait3A_99 = tpu.memref_slice %arg9[%dma_wait3A_97, %dma_wait3A_98] : memref<80x128xf32, #tpu.memory_space<vmem>> -> memref<80x128xf32, #tpu.memory_space<vmem>>
      %dma_wait3A_100 = arith.constant 0 : i32
      %dma_wait3A_101 = tpu.memref_slice %arg6[%add3A_12, %dma_wait3A_100] : memref<10240x128xf32, #tpu.memory_space<vmem_shared>> -> memref<80x128xf32, #tpu.memory_space<vmem_shared>>
      %dma_wait3A_102 = arith.constant 0 : i32
      %dma_wait3A_103 = tpu.memref_slice %arg6[%add3A_12, %dma_wait3A_102] : memref<10240x128xf32, #tpu.memory_space<vmem_shared>> -> memref<80x128xf32, #tpu.memory_space<vmem_shared>>
      %dma_wait3A_104 = arith.constant 0 : i32
      %dma_wait3A_105 = arith.constant 0 : i32
      %dma_wait3A_106 = tpu.memref_slice %arg9[%dma_wait3A_104, %dma_wait3A_105] : memref<80x128xf32, #tpu.memory_space<vmem>> -> memref<80x128xf32, #tpu.memory_space<vmem>>
      tpu.wait_dma2 semaphore(%run_scoped3A : memref<!tpu.dma_semaphore, #tpu.memory_space<semaphore_mem>>) src(%dma_wait3A_106 : memref<80x128xf32, #tpu.memory_space<vmem>>) dst(%dma_wait3A_103 : memref<80x128xf32, #tpu.memory_space<vmem_shared>>)
      tpu.yield
    }) : () -> ()
    %mul3A_13 = arith.constant 640 : i32
    %mul3A_14 = arith.muli %arg1, %mul3A_13 : i32
    %add3A_15 = arith.constant 80 : i32
    %add3A_16 = arith.addi %mul3A_14, %add3A_15 : i32
    "tpu.region"() ({
      %run_scoped3A = tpu.sem_alloc : memref<!tpu.dma_semaphore, #tpu.memory_space<semaphore_mem>>
      %dma_start3A_87 = arith.constant 0 : i32
      %dma_start3A_88 = arith.constant 0 : i32
      %dma_start3A_89 = tpu.memref_slice %arg9[%dma_start3A_87, %dma_start3A_88] : memref<80x128xf32, #tpu.memory_space<vmem>> -> memref<80x128xf32, #tpu.memory_space<vmem>>
      %dma_start3A_90 = arith.constant 0 : i32
      %dma_start3A_91 = tpu.memref_slice %arg6[%add3A_16, %dma_start3A_90] : memref<10240x128xf32, #tpu.memory_space<vmem_shared>> -> memref<80x128xf32, #tpu.memory_space<vmem_shared>>
      %dma_start3A_92 = arith.constant 0 : i32
      %dma_start3A_93 = tpu.memref_slice %arg6[%add3A_16, %dma_start3A_92] : memref<10240x128xf32, #tpu.memory_space<vmem_shared>> -> memref<80x128xf32, #tpu.memory_space<vmem_shared>>
      %dma_start3A_94 = arith.constant 0 : i32
      %dma_start3A_95 = arith.constant 0 : i32
      %dma_start3A_96 = tpu.memref_slice %arg9[%dma_start3A_94, %dma_start3A_95] : memref<80x128xf32, #tpu.memory_space<vmem>> -> memref<80x128xf32, #tpu.memory_space<vmem>>
      tpu.enqueue_dma source(%dma_start3A_96 : memref<80x128xf32, #tpu.memory_space<vmem>>) target(%dma_start3A_93 : memref<80x128xf32, #tpu.memory_space<vmem_shared>>) target_semaphore(%run_scoped3A : memref<!tpu.dma_semaphore, #tpu.memory_space<semaphore_mem>>)
      %dma_wait3A_97 = arith.constant 0 : i32
      %dma_wait3A_98 = arith.constant 0 : i32
      %dma_wait3A_99 = tpu.memref_slice %arg9[%dma_wait3A_97, %dma_wait3A_98] : memref<80x128xf32, #tpu.memory_space<vmem>> -> memref<80x128xf32, #tpu.memory_space<vmem>>
      %dma_wait3A_100 = arith.constant 0 : i32
      %dma_wait3A_101 = tpu.memref_slice %arg6[%add3A_16, %dma_wait3A_100] : memref<10240x128xf32, #tpu.memory_space<vmem_shared>> -> memref<80x128xf32, #tpu.memory_space<vmem_shared>>
      %dma_wait3A_102 = arith.constant 0 : i32
      %dma_wait3A_103 = tpu.memref_slice %arg6[%add3A_16, %dma_wait3A_102] : memref<10240x128xf32, #tpu.memory_space<vmem_shared>> -> memref<80x128xf32, #tpu.memory_space<vmem_shared>>
      %dma_wait3A_104 = arith.constant 0 : i32
      %dma_wait3A_105 = arith.constant 0 : i32
      %dma_wait3A_106 = tpu.memref_slice %arg9[%dma_wait3A_104, %dma_wait3A_105] : memref<80x128xf32, #tpu.memory_space<vmem>> -> memref<80x128xf32, #tpu.memory_space<vmem>>
      tpu.wait_dma2 semaphore(%run_scoped3A : memref<!tpu.dma_semaphore, #tpu.memory_space<semaphore_mem>>) src(%dma_wait3A_106 : memref<80x128xf32, #tpu.memory_space<vmem>>) dst(%dma_wait3A_103 : memref<80x128xf32, #tpu.memory_space<vmem_shared>>)
      tpu.yield
    }) : () -> ()
    %mul3A_17 = arith.constant 640 : i32
    %mul3A_18 = arith.muli %arg1, %mul3A_17 : i32
    %add3A_19 = arith.constant 160 : i32
    %add3A_20 = arith.addi %mul3A_18, %add3A_19 : i32
    "tpu.region"() ({
      %run_scoped3A = tpu.sem_alloc : memref<!tpu.dma_semaphore, #tpu.memory_space<semaphore_mem>>
      %dma_start3A_87 = arith.constant 0 : i32
      %dma_start3A_88 = arith.constant 0 : i32
      %dma_start3A_89 = tpu.memref_slice %arg9[%dma_start3A_87, %dma_start3A_88] : memref<80x128xf32, #tpu.memory_space<vmem>> -> memref<80x128xf32, #tpu.memory_space<vmem>>
      %dma_start3A_90 = arith.constant 0 : i32
      %dma_start3A_91 = tpu.memref_slice %arg6[%add3A_20, %dma_start3A_90] : memref<10240x128xf32, #tpu.memory_space<vmem_shared>> -> memref<80x128xf32, #tpu.memory_space<vmem_shared>>
      %dma_start3A_92 = arith.constant 0 : i32
      %dma_start3A_93 = tpu.memref_slice %arg6[%add3A_20, %dma_start3A_92] : memref<10240x128xf32, #tpu.memory_space<vmem_shared>> -> memref<80x128xf32, #tpu.memory_space<vmem_shared>>
      %dma_start3A_94 = arith.constant 0 : i32
      %dma_start3A_95 = arith.constant 0 : i32
      %dma_start3A_96 = tpu.memref_slice %arg9[%dma_start3A_94, %dma_start3A_95] : memref<80x128xf32, #tpu.memory_space<vmem>> -> memref<80x128xf32, #tpu.memory_space<vmem>>
      tpu.enqueue_dma source(%dma_start3A_96 : memref<80x128xf32, #tpu.memory_space<vmem>>) target(%dma_start3A_93 : memref<80x128xf32, #tpu.memory_space<vmem_shared>>) target_semaphore(%run_scoped3A : memref<!tpu.dma_semaphore, #tpu.memory_space<semaphore_mem>>)
      %dma_wait3A_97 = arith.constant 0 : i32
      %dma_wait3A_98 = arith.constant 0 : i32
      %dma_wait3A_99 = tpu.memref_slice %arg9[%dma_wait3A_97, %dma_wait3A_98] : memref<80x128xf32, #tpu.memory_space<vmem>> -> memref<80x128xf32, #tpu.memory_space<vmem>>
      %dma_wait3A_100 = arith.constant 0 : i32
      %dma_wait3A_101 = tpu.memref_slice %arg6[%add3A_20, %dma_wait3A_100] : memref<10240x128xf32, #tpu.memory_space<vmem_shared>> -> memref<80x128xf32, #tpu.memory_space<vmem_shared>>
      %dma_wait3A_102 = arith.constant 0 : i32
      %dma_wait3A_103 = tpu.memref_slice %arg6[%add3A_20, %dma_wait3A_102] : memref<10240x128xf32, #tpu.memory_space<vmem_shared>> -> memref<80x128xf32, #tpu.memory_space<vmem_shared>>
      %dma_wait3A_104 = arith.constant 0 : i32
      %dma_wait3A_105 = arith.constant 0 : i32
      %dma_wait3A_106 = tpu.memref_slice %arg9[%dma_wait3A_104, %dma_wait3A_105] : memref<80x128xf32, #tpu.memory_space<vmem>> -> memref<80x128xf32, #tpu.memory_space<vmem>>
      tpu.wait_dma2 semaphore(%run_scoped3A : memref<!tpu.dma_semaphore, #tpu.memory_space<semaphore_mem>>) src(%dma_wait3A_106 : memref<80x128xf32, #tpu.memory_space<vmem>>) dst(%dma_wait3A_103 : memref<80x128xf32, #tpu.memory_space<vmem_shared>>)
      tpu.yield
    }) : () -> ()
    %mul3A_21 = arith.constant 640 : i32
    %mul3A_22 = arith.muli %arg1, %mul3A_21 : i32
    %add3A_23 = arith.constant 240 : i32
    %add3A_24 = arith.addi %mul3A_22, %add3A_23 : i32
    "tpu.region"() ({
      %run_scoped3A = tpu.sem_alloc : memref<!tpu.dma_semaphore, #tpu.memory_space<semaphore_mem>>
      %dma_start3A_87 = arith.constant 0 : i32
      %dma_start3A_88 = arith.constant 0 : i32
      %dma_start3A_89 = tpu.memref_slice %arg9[%dma_start3A_87, %dma_start3A_88] : memref<80x128xf32, #tpu.memory_space<vmem>> -> memref<80x128xf32, #tpu.memory_space<vmem>>
      %dma_start3A_90 = arith.constant 0 : i32
      %dma_start3A_91 = tpu.memref_slice %arg6[%add3A_24, %dma_start3A_90] : memref<10240x128xf32, #tpu.memory_space<vmem_shared>> -> memref<80x128xf32, #tpu.memory_space<vmem_shared>>
      %dma_start3A_92 = arith.constant 0 : i32
      %dma_start3A_93 = tpu.memref_slice %arg6[%add3A_24, %dma_start3A_92] : memref<10240x128xf32, #tpu.memory_space<vmem_shared>> -> memref<80x128xf32, #tpu.memory_space<vmem_shared>>
      %dma_start3A_94 = arith.constant 0 : i32
      %dma_start3A_95 = arith.constant 0 : i32
      %dma_start3A_96 = tpu.memref_slice %arg9[%dma_start3A_94, %dma_start3A_95] : memref<80x128xf32, #tpu.memory_space<vmem>> -> memref<80x128xf32, #tpu.memory_space<vmem>>
      tpu.enqueue_dma source(%dma_start3A_96 : memref<80x128xf32, #tpu.memory_space<vmem>>) target(%dma_start3A_93 : memref<80x128xf32, #tpu.memory_space<vmem_shared>>) target_semaphore(%run_scoped3A : memref<!tpu.dma_semaphore, #tpu.memory_space<semaphore_mem>>)
      %dma_wait3A_97 = arith.constant 0 : i32
      %dma_wait3A_98 = arith.constant 0 : i32
      %dma_wait3A_99 = tpu.memref_slice %arg9[%dma_wait3A_97, %dma_wait3A_98] : memref<80x128xf32, #tpu.memory_space<vmem>> -> memref<80x128xf32, #tpu.memory_space<vmem>>
      %dma_wait3A_100 = arith.constant 0 : i32
      %dma_wait3A_101 = tpu.memref_slice %arg6[%add3A_24, %dma_wait3A_100] : memref<10240x128xf32, #tpu.memory_space<vmem_shared>> -> memref<80x128xf32, #tpu.memory_space<vmem_shared>>
      %dma_wait3A_102 = arith.constant 0 : i32
      %dma_wait3A_103 = tpu.memref_slice %arg6[%add3A_24, %dma_wait3A_102] : memref<10240x128xf32, #tpu.memory_space<vmem_shared>> -> memref<80x128xf32, #tpu.memory_space<vmem_shared>>
      %dma_wait3A_104 = arith.constant 0 : i32
      %dma_wait3A_105 = arith.constant 0 : i32
      %dma_wait3A_106 = tpu.memref_slice %arg9[%dma_wait3A_104, %dma_wait3A_105] : memref<80x128xf32, #tpu.memory_space<vmem>> -> memref<80x128xf32, #tpu.memory_space<vmem>>
      tpu.wait_dma2 semaphore(%run_scoped3A : memref<!tpu.dma_semaphore, #tpu.memory_space<semaphore_mem>>) src(%dma_wait3A_106 : memref<80x128xf32, #tpu.memory_space<vmem>>) dst(%dma_wait3A_103 : memref<80x128xf32, #tpu.memory_space<vmem_shared>>)
      tpu.yield
    }) : () -> ()
    %mul3A_25 = arith.constant 640 : i32
    %mul3A_26 = arith.muli %arg1, %mul3A_25 : i32
    %add3A_27 = arith.constant 320 : i32
    %add3A_28 = arith.addi %mul3A_26, %add3A_27 : i32
    "tpu.region"() ({
      %run_scoped3A = tpu.sem_alloc : memref<!tpu.dma_semaphore, #tpu.memory_space<semaphore_mem>>
      %dma_start3A_87 = arith.constant 0 : i32
      %dma_start3A_88 = arith.constant 0 : i32
      %dma_start3A_89 = tpu.memref_slice %arg9[%dma_start3A_87, %dma_start3A_88] : memref<80x128xf32, #tpu.memory_space<vmem>> -> memref<80x128xf32, #tpu.memory_space<vmem>>
      %dma_start3A_90 = arith.constant 0 : i32
      %dma_start3A_91 = tpu.memref_slice %arg6[%add3A_28, %dma_start3A_90] : memref<10240x128xf32, #tpu.memory_space<vmem_shared>> -> memref<80x128xf32, #tpu.memory_space<vmem_shared>>
      %dma_start3A_92 = arith.constant 0 : i32
      %dma_start3A_93 = tpu.memref_slice %arg6[%add3A_28, %dma_start3A_92] : memref<10240x128xf32, #tpu.memory_space<vmem_shared>> -> memref<80x128xf32, #tpu.memory_space<vmem_shared>>
      %dma_start3A_94 = arith.constant 0 : i32
      %dma_start3A_95 = arith.constant 0 : i32
      %dma_start3A_96 = tpu.memref_slice %arg9[%dma_start3A_94, %dma_start3A_95] : memref<80x128xf32, #tpu.memory_space<vmem>> -> memref<80x128xf32, #tpu.memory_space<vmem>>
      tpu.enqueue_dma source(%dma_start3A_96 : memref<80x128xf32, #tpu.memory_space<vmem>>) target(%dma_start3A_93 : memref<80x128xf32, #tpu.memory_space<vmem_shared>>) target_semaphore(%run_scoped3A : memref<!tpu.dma_semaphore, #tpu.memory_space<semaphore_mem>>)
      %dma_wait3A_97 = arith.constant 0 : i32
      %dma_wait3A_98 = arith.constant 0 : i32
      %dma_wait3A_99 = tpu.memref_slice %arg9[%dma_wait3A_97, %dma_wait3A_98] : memref<80x128xf32, #tpu.memory_space<vmem>> -> memref<80x128xf32, #tpu.memory_space<vmem>>
      %dma_wait3A_100 = arith.constant 0 : i32
      %dma_wait3A_101 = tpu.memref_slice %arg6[%add3A_28, %dma_wait3A_100] : memref<10240x128xf32, #tpu.memory_space<vmem_shared>> -> memref<80x128xf32, #tpu.memory_space<vmem_shared>>
      %dma_wait3A_102 = arith.constant 0 : i32
      %dma_wait3A_103 = tpu.memref_slice %arg6[%add3A_28, %dma_wait3A_102] : memref<10240x128xf32, #tpu.memory_space<vmem_shared>> -> memref<80x128xf32, #tpu.memory_space<vmem_shared>>
      %dma_wait3A_104 = arith.constant 0 : i32
      %dma_wait3A_105 = arith.constant 0 : i32
      %dma_wait3A_106 = tpu.memref_slice %arg9[%dma_wait3A_104, %dma_wait3A_105] : memref<80x128xf32, #tpu.memory_space<vmem>> -> memref<80x128xf32, #tpu.memory_space<vmem>>
      tpu.wait_dma2 semaphore(%run_scoped3A : memref<!tpu.dma_semaphore, #tpu.memory_space<semaphore_mem>>) src(%dma_wait3A_106 : memref<80x128xf32, #tpu.memory_space<vmem>>) dst(%dma_wait3A_103 : memref<80x128xf32, #tpu.memory_space<vmem_shared>>)
      tpu.yield
    }) : () -> ()
    %mul3A_29 = arith.constant 640 : i32
    %mul3A_30 = arith.muli %arg1, %mul3A_29 : i32
    %add3A_31 = arith.constant 400 : i32
    %add3A_32 = arith.addi %mul3A_30, %add3A_31 : i32
    "tpu.region"() ({
      %run_scoped3A = tpu.sem_alloc : memref<!tpu.dma_semaphore, #tpu.memory_space<semaphore_mem>>
      %dma_start3A_87 = arith.constant 0 : i32
      %dma_start3A_88 = arith.constant 0 : i32
      %dma_start3A_89 = tpu.memref_slice %arg9[%dma_start3A_87, %dma_start3A_88] : memref<80x128xf32, #tpu.memory_space<vmem>> -> memref<80x128xf32, #tpu.memory_space<vmem>>
      %dma_start3A_90 = arith.constant 0 : i32
      %dma_start3A_91 = tpu.memref_slice %arg6[%add3A_32, %dma_start3A_90] : memref<10240x128xf32, #tpu.memory_space<vmem_shared>> -> memref<80x128xf32, #tpu.memory_space<vmem_shared>>
      %dma_start3A_92 = arith.constant 0 : i32
      %dma_start3A_93 = tpu.memref_slice %arg6[%add3A_32, %dma_start3A_92] : memref<10240x128xf32, #tpu.memory_space<vmem_shared>> -> memref<80x128xf32, #tpu.memory_space<vmem_shared>>
      %dma_start3A_94 = arith.constant 0 : i32
      %dma_start3A_95 = arith.constant 0 : i32
      %dma_start3A_96 = tpu.memref_slice %arg9[%dma_start3A_94, %dma_start3A_95] : memref<80x128xf32, #tpu.memory_space<vmem>> -> memref<80x128xf32, #tpu.memory_space<vmem>>
      tpu.enqueue_dma source(%dma_start3A_96 : memref<80x128xf32, #tpu.memory_space<vmem>>) target(%dma_start3A_93 : memref<80x128xf32, #tpu.memory_space<vmem_shared>>) target_semaphore(%run_scoped3A : memref<!tpu.dma_semaphore, #tpu.memory_space<semaphore_mem>>)
      %dma_wait3A_97 = arith.constant 0 : i32
      %dma_wait3A_98 = arith.constant 0 : i32
      %dma_wait3A_99 = tpu.memref_slice %arg9[%dma_wait3A_97, %dma_wait3A_98] : memref<80x128xf32, #tpu.memory_space<vmem>> -> memref<80x128xf32, #tpu.memory_space<vmem>>
      %dma_wait3A_100 = arith.constant 0 : i32
      %dma_wait3A_101 = tpu.memref_slice %arg6[%add3A_32, %dma_wait3A_100] : memref<10240x128xf32, #tpu.memory_space<vmem_shared>> -> memref<80x128xf32, #tpu.memory_space<vmem_shared>>
      %dma_wait3A_102 = arith.constant 0 : i32
      %dma_wait3A_103 = tpu.memref_slice %arg6[%add3A_32, %dma_wait3A_102] : memref<10240x128xf32, #tpu.memory_space<vmem_shared>> -> memref<80x128xf32, #tpu.memory_space<vmem_shared>>
      %dma_wait3A_104 = arith.constant 0 : i32
      %dma_wait3A_105 = arith.constant 0 : i32
      %dma_wait3A_106 = tpu.memref_slice %arg9[%dma_wait3A_104, %dma_wait3A_105] : memref<80x128xf32, #tpu.memory_space<vmem>> -> memref<80x128xf32, #tpu.memory_space<vmem>>
      tpu.wait_dma2 semaphore(%run_scoped3A : memref<!tpu.dma_semaphore, #tpu.memory_space<semaphore_mem>>) src(%dma_wait3A_106 : memref<80x128xf32, #tpu.memory_space<vmem>>) dst(%dma_wait3A_103 : memref<80x128xf32, #tpu.memory_space<vmem_shared>>)
      tpu.yield
    }) : () -> ()
    %mul3A_33 = arith.constant 640 : i32
    %mul3A_34 = arith.muli %arg1, %mul3A_33 : i32
    %add3A_35 = arith.constant 480 : i32
    %add3A_36 = arith.addi %mul3A_34, %add3A_35 : i32
    "tpu.region"() ({
      %run_scoped3A = tpu.sem_alloc : memref<!tpu.dma_semaphore, #tpu.memory_space<semaphore_mem>>
      %dma_start3A_87 = arith.constant 0 : i32
      %dma_start3A_88 = arith.constant 0 : i32
      %dma_start3A_89 = tpu.memref_slice %arg9[%dma_start3A_87, %dma_start3A_88] : memref<80x128xf32, #tpu.memory_space<vmem>> -> memref<80x128xf32, #tpu.memory_space<vmem>>
      %dma_start3A_90 = arith.constant 0 : i32
      %dma_start3A_91 = tpu.memref_slice %arg6[%add3A_36, %dma_start3A_90] : memref<10240x128xf32, #tpu.memory_space<vmem_shared>> -> memref<80x128xf32, #tpu.memory_space<vmem_shared>>
      %dma_start3A_92 = arith.constant 0 : i32
      %dma_start3A_93 = tpu.memref_slice %arg6[%add3A_36, %dma_start3A_92] : memref<10240x128xf32, #tpu.memory_space<vmem_shared>> -> memref<80x128xf32, #tpu.memory_space<vmem_shared>>
      %dma_start3A_94 = arith.constant 0 : i32
      %dma_start3A_95 = arith.constant 0 : i32
      %dma_start3A_96 = tpu.memref_slice %arg9[%dma_start3A_94, %dma_start3A_95] : memref<80x128xf32, #tpu.memory_space<vmem>> -> memref<80x128xf32, #tpu.memory_space<vmem>>
      tpu.enqueue_dma source(%dma_start3A_96 : memref<80x128xf32, #tpu.memory_space<vmem>>) target(%dma_start3A_93 : memref<80x128xf32, #tpu.memory_space<vmem_shared>>) target_semaphore(%run_scoped3A : memref<!tpu.dma_semaphore, #tpu.memory_space<semaphore_mem>>)
      %dma_wait3A_97 = arith.constant 0 : i32
      %dma_wait3A_98 = arith.constant 0 : i32
      %dma_wait3A_99 = tpu.memref_slice %arg9[%dma_wait3A_97, %dma_wait3A_98] : memref<80x128xf32, #tpu.memory_space<vmem>> -> memref<80x128xf32, #tpu.memory_space<vmem>>
      %dma_wait3A_100 = arith.constant 0 : i32
      %dma_wait3A_101 = tpu.memref_slice %arg6[%add3A_36, %dma_wait3A_100] : memref<10240x128xf32, #tpu.memory_space<vmem_shared>> -> memref<80x128xf32, #tpu.memory_space<vmem_shared>>
      %dma_wait3A_102 = arith.constant 0 : i32
      %dma_wait3A_103 = tpu.memref_slice %arg6[%add3A_36, %dma_wait3A_102] : memref<10240x128xf32, #tpu.memory_space<vmem_shared>> -> memref<80x128xf32, #tpu.memory_space<vmem_shared>>
      %dma_wait3A_104 = arith.constant 0 : i32
      %dma_wait3A_105 = arith.constant 0 : i32
      %dma_wait3A_106 = tpu.memref_slice %arg9[%dma_wait3A_104, %dma_wait3A_105] : memref<80x128xf32, #tpu.memory_space<vmem>> -> memref<80x128xf32, #tpu.memory_space<vmem>>
      tpu.wait_dma2 semaphore(%run_scoped3A : memref<!tpu.dma_semaphore, #tpu.memory_space<semaphore_mem>>) src(%dma_wait3A_106 : memref<80x128xf32, #tpu.memory_space<vmem>>) dst(%dma_wait3A_103 : memref<80x128xf32, #tpu.memory_space<vmem_shared>>)
      tpu.yield
    }) : () -> ()
    %mul3A_37 = arith.constant 640 : i32
    %mul3A_38 = arith.muli %arg1, %mul3A_37 : i32
    %add3A_39 = arith.constant 560 : i32
    %add3A_40 = arith.addi %mul3A_38, %add3A_39 : i32
    "tpu.region"() ({
      %run_scoped3A = tpu.sem_alloc : memref<!tpu.dma_semaphore, #tpu.memory_space<semaphore_mem>>
      %dma_start3A_87 = arith.constant 0 : i32
      %dma_start3A_88 = arith.constant 0 : i32
      %dma_start3A_89 = tpu.memref_slice %arg9[%dma_start3A_87, %dma_start3A_88] : memref<80x128xf32, #tpu.memory_space<vmem>> -> memref<80x128xf32, #tpu.memory_space<vmem>>
      %dma_start3A_90 = arith.constant 0 : i32
      %dma_start3A_91 = tpu.memref_slice %arg6[%add3A_40, %dma_start3A_90] : memref<10240x128xf32, #tpu.memory_space<vmem_shared>> -> memref<80x128xf32, #tpu.memory_space<vmem_shared>>
      %dma_start3A_92 = arith.constant 0 : i32
      %dma_start3A_93 = tpu.memref_slice %arg6[%add3A_40, %dma_start3A_92] : memref<10240x128xf32, #tpu.memory_space<vmem_shared>> -> memref<80x128xf32, #tpu.memory_space<vmem_shared>>
      %dma_start3A_94 = arith.constant 0 : i32
      %dma_start3A_95 = arith.constant 0 : i32
      %dma_start3A_96 = tpu.memref_slice %arg9[%dma_start3A_94, %dma_start3A_95] : memref<80x128xf32, #tpu.memory_space<vmem>> -> memref<80x128xf32, #tpu.memory_space<vmem>>
      tpu.enqueue_dma source(%dma_start3A_96 : memref<80x128xf32, #tpu.memory_space<vmem>>) target(%dma_start3A_93 : memref<80x128xf32, #tpu.memory_space<vmem_shared>>) target_semaphore(%run_scoped3A : memref<!tpu.dma_semaphore, #tpu.memory_space<semaphore_mem>>)
      %dma_wait3A_97 = arith.constant 0 : i32
      %dma_wait3A_98 = arith.constant 0 : i32
      %dma_wait3A_99 = tpu.memref_slice %arg9[%dma_wait3A_97, %dma_wait3A_98] : memref<80x128xf32, #tpu.memory_space<vmem>> -> memref<80x128xf32, #tpu.memory_space<vmem>>
      %dma_wait3A_100 = arith.constant 0 : i32
      %dma_wait3A_101 = tpu.memref_slice %arg6[%add3A_40, %dma_wait3A_100] : memref<10240x128xf32, #tpu.memory_space<vmem_shared>> -> memref<80x128xf32, #tpu.memory_space<vmem_shared>>
      %dma_wait3A_102 = arith.constant 0 : i32
      %dma_wait3A_103 = tpu.memref_slice %arg6[%add3A_40, %dma_wait3A_102] : memref<10240x128xf32, #tpu.memory_space<vmem_shared>> -> memref<80x128xf32, #tpu.memory_space<vmem_shared>>
      %dma_wait3A_104 = arith.constant 0 : i32
      %dma_wait3A_105 = arith.constant 0 : i32
      %dma_wait3A_106 = tpu.memref_slice %arg9[%dma_wait3A_104, %dma_wait3A_105] : memref<80x128xf32, #tpu.memory_space<vmem>> -> memref<80x128xf32, #tpu.memory_space<vmem>>
      tpu.wait_dma2 semaphore(%run_scoped3A : memref<!tpu.dma_semaphore, #tpu.memory_space<semaphore_mem>>) src(%dma_wait3A_106 : memref<80x128xf32, #tpu.memory_space<vmem>>) dst(%dma_wait3A_103 : memref<80x128xf32, #tpu.memory_space<vmem_shared>>)
      tpu.yield
    }) : () -> ()
    %barrier3A = arith.constant 0 : index
    tpu.barrier barrier_id(%barrier3A)
    %dma_start3A = arith.constant 0 : i32
    %dma_start3A_41 = tpu.memref_slice %arg7[%dma_start3A] : memref<10000xi32, #tpu.memory_space<vmem>> -> memref<80xi32, #tpu.memory_space<vmem>>
    %dma_start3A_42 = arith.constant 0 : i32
    %dma_start3A_43 = arith.constant 0 : i32
    %dma_start3A_44 = tpu.memref_slice %arg2[%dma_start3A_42, %dma_start3A_43] : memref<10000x128xf32, #tpu.memory_space<hbm>> -> memref<10000x128xf32, #tpu.memory_space<hbm>>
    tpu.enqueue_indirect_dma source(%dma_start3A_44 : memref<10000x128xf32, #tpu.memory_space<hbm>>) target(%arg9 : memref<80x128xf32, #tpu.memory_space<vmem>>) offsets(%dma_start3A_41 : memref<80xi32, #tpu.memory_space<vmem>>) semaphore(%arg11 : memref<!tpu.dma_semaphore, #tpu.memory_space<semaphore_mem>>)
    %scan3A_45 = arith.constant 0 : i32
    %scan3A_46 = arith.constant 62 : i32
    %scan3A_47 = arith.addi %scan3A_45, %scan3A_46 : i32
    %scan3A_48 = arith.constant 1 : i32
    scf.for %scan3A_87 = %scan3A_45 to %scan3A_47 step %scan3A_48  : i32 {
      %mul3A_88 = arith.constant 2 : i32
      %mul3A_89 = arith.muli %scan3A_87, %mul3A_88 : i32
      %add3A_90 = arith.constant 0 : i32
      %add3A_91 = arith.addi %add3A_90, %mul3A_89 : i32
      %add3A_92 = arith.constant 1 : i32
      %add3A_93 = arith.addi %add3A_91, %add3A_92 : i32
      %mul3A_94 = arith.constant 80 : i32
      %mul3A_95 = arith.muli %add3A_93, %mul3A_94 : i32
      %dma_start3A_96 = tpu.memref_slice %arg7[%mul3A_95] : memref<10000xi32, #tpu.memory_space<vmem>> -> memref<80xi32, #tpu.memory_space<vmem>>
      %dma_start3A_97 = arith.constant 0 : i32
      %dma_start3A_98 = arith.constant 0 : i32
      %dma_start3A_99 = tpu.memref_slice %arg2[%dma_start3A_97, %dma_start3A_98] : memref<10000x128xf32, #tpu.memory_space<hbm>> -> memref<10000x128xf32, #tpu.memory_space<hbm>>
      tpu.enqueue_indirect_dma source(%dma_start3A_99 : memref<10000x128xf32, #tpu.memory_space<hbm>>) target(%arg10 : memref<80x128xf32, #tpu.memory_space<vmem>>) offsets(%dma_start3A_96 : memref<80xi32, #tpu.memory_space<vmem>>) semaphore(%arg12 : memref<!tpu.dma_semaphore, #tpu.memory_space<semaphore_mem>>)
      %dma_wait3A_100 = arith.constant 0 : i32
      %dma_wait3A_101 = tpu.memref_slice %arg7[%dma_wait3A_100] : memref<10000xi32, #tpu.memory_space<vmem>> -> memref<80xi32, #tpu.memory_space<vmem>>
      %dma_wait3A_102 = arith.constant 0 : i32
      %dma_wait3A_103 = arith.constant 0 : i32
      %dma_wait3A_104 = tpu.memref_slice %arg2[%dma_wait3A_102, %dma_wait3A_103] : memref<10000x128xf32, #tpu.memory_space<hbm>> -> memref<10000x128xf32, #tpu.memory_space<hbm>>
      tpu.wait_indirect_dma semaphore(%arg11 : memref<!tpu.dma_semaphore, #tpu.memory_space<semaphore_mem>>) src(%dma_wait3A_104 : memref<10000x128xf32, #tpu.memory_space<hbm>>) dst(%arg9 : memref<80x128xf32, #tpu.memory_space<vmem>>)
      %mul3A_105 = arith.constant 80 : i32
      %mul3A_106 = arith.muli %add3A_91, %mul3A_105 : i32
      "tpu.region"() ({
        %run_scoped3A = tpu.sem_alloc : memref<!tpu.dma_semaphore, #tpu.memory_space<semaphore_mem>>
        %dma_start3A_124 = tpu.memref_slice %arg8[%mul3A_106] : memref<10000xi32, #tpu.memory_space<vmem>> -> memref<80xi32, #tpu.memory_space<vmem>>
        %dma_start3A_125 = arith.constant 0 : i32
        %dma_start3A_126 = arith.constant 0 : i32
        %dma_start3A_127 = tpu.memref_slice %arg6[%dma_start3A_125, %dma_start3A_126] : memref<10240x128xf32, #tpu.memory_space<vmem_shared>> -> memref<10240x128xf32, #tpu.memory_space<vmem_shared>>
        tpu.enqueue_indirect_dma source(%arg9 : memref<80x128xf32, #tpu.memory_space<vmem>>) target(%dma_start3A_127 : memref<10240x128xf32, #tpu.memory_space<vmem_shared>>) offsets(%dma_start3A_124 : memref<80xi32, #tpu.memory_space<vmem>>) semaphore(%run_scoped3A : memref<!tpu.dma_semaphore, #tpu.memory_space<semaphore_mem>>) {add = true}
        %dma_wait3A_128 = tpu.memref_slice %arg8[%mul3A_106] : memref<10000xi32, #tpu.memory_space<vmem>> -> memref<80xi32, #tpu.memory_space<vmem>>
        %dma_wait3A_129 = arith.constant 0 : i32
        %dma_wait3A_130 = arith.constant 0 : i32
        %dma_wait3A_131 = tpu.memref_slice %arg6[%dma_wait3A_129, %dma_wait3A_130] : memref<10240x128xf32, #tpu.memory_space<vmem_shared>> -> memref<10240x128xf32, #tpu.memory_space<vmem_shared>>
        tpu.wait_indirect_dma semaphore(%run_scoped3A : memref<!tpu.dma_semaphore, #tpu.memory_space<semaphore_mem>>) src(%arg9 : memref<80x128xf32, #tpu.memory_space<vmem>>) dst(%dma_wait3A_131 : memref<10240x128xf32, #tpu.memory_space<vmem_shared>>)
        tpu.yield
      }) : () -> ()
      %add3A_107 = arith.constant 2 : i32
      %add3A_108 = arith.addi %add3A_91, %add3A_107 : i32
      %mul3A_109 = arith.constant 80 : i32
      %mul3A_110 = arith.muli %add3A_108, %mul3A_109 : i32
      %dma_start3A_111 = tpu.memref_slice %arg7[%mul3A_110] : memref<10000xi32, #tpu.memory_space<vmem>> -> memref<80xi32, #tpu.memory_space<vmem>>
      %dma_start3A_112 = arith.constant 0 : i32
      %dma_start3A_113 = arith.constant 0 : i32
      %dma_start3A_114 = tpu.memref_slice %arg2[%dma_start3A_112, %dma_start3A_113] : memref<10000x128xf32, #tpu.memory_space<hbm>> -> memref<10000x128xf32, #tpu.memory_space<hbm>>
      tpu.enqueue_indirect_dma source(%dma_start3A_114 : memref<10000x128xf32, #tpu.memory_space<hbm>>) target(%arg9 : memref<80x128xf32, #tpu.memory_space<vmem>>) offsets(%dma_start3A_111 : memref<80xi32, #tpu.memory_space<vmem>>) semaphore(%arg11 : memref<!tpu.dma_semaphore, #tpu.memory_space<semaphore_mem>>)
      %dma_wait3A_115 = arith.constant 0 : i32
      %dma_wait3A_116 = tpu.memref_slice %arg7[%dma_wait3A_115] : memref<10000xi32, #tpu.memory_space<vmem>> -> memref<80xi32, #tpu.memory_space<vmem>>
      %dma_wait3A_117 = arith.constant 0 : i32
      %dma_wait3A_118 = arith.constant 0 : i32
      %dma_wait3A_119 = tpu.memref_slice %arg2[%dma_wait3A_117, %dma_wait3A_118] : memref<10000x128xf32, #tpu.memory_space<hbm>> -> memref<10000x128xf32, #tpu.memory_space<hbm>>
      tpu.wait_indirect_dma semaphore(%arg12 : memref<!tpu.dma_semaphore, #tpu.memory_space<semaphore_mem>>) src(%dma_wait3A_119 : memref<10000x128xf32, #tpu.memory_space<hbm>>) dst(%arg10 : memref<80x128xf32, #tpu.memory_space<vmem>>)
      %add3A_120 = arith.constant 1 : i32
      %add3A_121 = arith.addi %add3A_91, %add3A_120 : i32
      %mul3A_122 = arith.constant 80 : i32
      %mul3A_123 = arith.muli %add3A_121, %mul3A_122 : i32
      "tpu.region"() ({
        %run_scoped3A = tpu.sem_alloc : memref<!tpu.dma_semaphore, #tpu.memory_space<semaphore_mem>>
        %dma_start3A_124 = tpu.memref_slice %arg8[%mul3A_123] : memref<10000xi32, #tpu.memory_space<vmem>> -> memref<80xi32, #tpu.memory_space<vmem>>
        %dma_start3A_125 = arith.constant 0 : i32
        %dma_start3A_126 = arith.constant 0 : i32
        %dma_start3A_127 = tpu.memref_slice %arg6[%dma_start3A_125, %dma_start3A_126] : memref<10240x128xf32, #tpu.memory_space<vmem_shared>> -> memref<10240x128xf32, #tpu.memory_space<vmem_shared>>
        tpu.enqueue_indirect_dma source(%arg10 : memref<80x128xf32, #tpu.memory_space<vmem>>) target(%dma_start3A_127 : memref<10240x128xf32, #tpu.memory_space<vmem_shared>>) offsets(%dma_start3A_124 : memref<80xi32, #tpu.memory_space<vmem>>) semaphore(%run_scoped3A : memref<!tpu.dma_semaphore, #tpu.memory_space<semaphore_mem>>) {add = true}
        %dma_wait3A_128 = tpu.memref_slice %arg8[%mul3A_123] : memref<10000xi32, #tpu.memory_space<vmem>> -> memref<80xi32, #tpu.memory_space<vmem>>
        %dma_wait3A_129 = arith.constant 0 : i32
        %dma_wait3A_130 = arith.constant 0 : i32
        %dma_wait3A_131 = tpu.memref_slice %arg6[%dma_wait3A_129, %dma_wait3A_130] : memref<10240x128xf32, #tpu.memory_space<vmem_shared>> -> memref<10240x128xf32, #tpu.memory_space<vmem_shared>>
        tpu.wait_indirect_dma semaphore(%run_scoped3A : memref<!tpu.dma_semaphore, #tpu.memory_space<semaphore_mem>>) src(%arg10 : memref<80x128xf32, #tpu.memory_space<vmem>>) dst(%dma_wait3A_131 : memref<10240x128xf32, #tpu.memory_space<vmem_shared>>)
        tpu.yield
      }) : () -> ()
    }
    %scan3A_49 = arith.constant 62 : i32
    %dma_wait3A = arith.constant 0 : i32
    %dma_wait3A_50 = tpu.memref_slice %arg7[%dma_wait3A] : memref<10000xi32, #tpu.memory_space<vmem>> -> memref<80xi32, #tpu.memory_space<vmem>>
    %dma_wait3A_51 = arith.constant 0 : i32
    %dma_wait3A_52 = arith.constant 0 : i32
    %dma_wait3A_53 = tpu.memref_slice %arg2[%dma_wait3A_51, %dma_wait3A_52] : memref<10000x128xf32, #tpu.memory_space<hbm>> -> memref<10000x128xf32, #tpu.memory_space<hbm>>
    tpu.wait_indirect_dma semaphore(%arg11 : memref<!tpu.dma_semaphore, #tpu.memory_space<semaphore_mem>>) src(%dma_wait3A_53 : memref<10000x128xf32, #tpu.memory_space<hbm>>) dst(%arg9 : memref<80x128xf32, #tpu.memory_space<vmem>>)
    "tpu.region"() ({
      %run_scoped3A = tpu.sem_alloc : memref<!tpu.dma_semaphore, #tpu.memory_space<semaphore_mem>>
      %dma_start3A_87 = arith.constant 9920 : i32
      %dma_start3A_88 = tpu.memref_slice %arg8[%dma_start3A_87] : memref<10000xi32, #tpu.memory_space<vmem>> -> memref<80xi32, #tpu.memory_space<vmem>>
      %dma_start3A_89 = arith.constant 0 : i32
      %dma_start3A_90 = arith.constant 0 : i32
      %dma_start3A_91 = tpu.memref_slice %arg6[%dma_start3A_89, %dma_start3A_90] : memref<10240x128xf32, #tpu.memory_space<vmem_shared>> -> memref<10240x128xf32, #tpu.memory_space<vmem_shared>>
      tpu.enqueue_indirect_dma source(%arg9 : memref<80x128xf32, #tpu.memory_space<vmem>>) target(%dma_start3A_91 : memref<10240x128xf32, #tpu.memory_space<vmem_shared>>) offsets(%dma_start3A_88 : memref<80xi32, #tpu.memory_space<vmem>>) semaphore(%run_scoped3A : memref<!tpu.dma_semaphore, #tpu.memory_space<semaphore_mem>>) {add = true}
      %dma_wait3A_92 = arith.constant 9920 : i32
      %dma_wait3A_93 = tpu.memref_slice %arg8[%dma_wait3A_92] : memref<10000xi32, #tpu.memory_space<vmem>> -> memref<80xi32, #tpu.memory_space<vmem>>
      %dma_wait3A_94 = arith.constant 0 : i32
      %dma_wait3A_95 = arith.constant 0 : i32
      %dma_wait3A_96 = tpu.memref_slice %arg6[%dma_wait3A_94, %dma_wait3A_95] : memref<10240x128xf32, #tpu.memory_space<vmem_shared>> -> memref<10240x128xf32, #tpu.memory_space<vmem_shared>>
      tpu.wait_indirect_dma semaphore(%run_scoped3A : memref<!tpu.dma_semaphore, #tpu.memory_space<semaphore_mem>>) src(%arg9 : memref<80x128xf32, #tpu.memory_space<vmem>>) dst(%dma_wait3A_96 : memref<10240x128xf32, #tpu.memory_space<vmem_shared>>)
      tpu.yield
    }) : () -> ()
    %barrier3A_54 = arith.constant 0 : index
    tpu.barrier barrier_id(%barrier3A_54)
    %mul3A_55 = arith.constant 640 : i32
    %mul3A_56 = arith.muli %arg1, %mul3A_55 : i32
    %add3A_57 = arith.constant 0 : i32
    %add3A_58 = arith.addi %mul3A_56, %add3A_57 : i32
    "tpu.region"() ({
      %run_scoped3A = tpu.sem_alloc : memref<!tpu.dma_semaphore, #tpu.memory_space<semaphore_mem>>
      %dma_start3A_87 = arith.constant 0 : i32
      %dma_start3A_88 = arith.constant 0 : i32
      %dma_start3A_89 = tpu.memref_slice %arg9[%dma_start3A_87, %dma_start3A_88] : memref<80x128xf32, #tpu.memory_space<vmem>> -> memref<80x128xf32, #tpu.memory_space<vmem>>
      %dma_start3A_90 = arith.constant 0 : i32
      %dma_start3A_91 = tpu.memref_slice %arg6[%add3A_58, %dma_start3A_90] : memref<10240x128xf32, #tpu.memory_space<vmem_shared>> -> memref<80x128xf32, #tpu.memory_space<vmem_shared>>
      %dma_start3A_92 = arith.constant 0 : i32
      %dma_start3A_93 = arith.constant 0 : i32
      %dma_start3A_94 = tpu.memref_slice %arg9[%dma_start3A_92, %dma_start3A_93] : memref<80x128xf32, #tpu.memory_space<vmem>> -> memref<80x128xf32, #tpu.memory_space<vmem>>
      %dma_start3A_95 = arith.constant 0 : i32
      %dma_start3A_96 = tpu.memref_slice %arg6[%add3A_58, %dma_start3A_95] : memref<10240x128xf32, #tpu.memory_space<vmem_shared>> -> memref<80x128xf32, #tpu.memory_space<vmem_shared>>
      tpu.enqueue_dma source(%dma_start3A_96 : memref<80x128xf32, #tpu.memory_space<vmem_shared>>) target(%dma_start3A_94 : memref<80x128xf32, #tpu.memory_space<vmem>>) target_semaphore(%run_scoped3A : memref<!tpu.dma_semaphore, #tpu.memory_space<semaphore_mem>>)
      %dma_wait3A_97 = arith.constant 0 : i32
      %dma_wait3A_98 = arith.constant 0 : i32
      %dma_wait3A_99 = tpu.memref_slice %arg9[%dma_wait3A_97, %dma_wait3A_98] : memref<80x128xf32, #tpu.memory_space<vmem>> -> memref<80x128xf32, #tpu.memory_space<vmem>>
      %dma_wait3A_100 = arith.constant 0 : i32
      %dma_wait3A_101 = tpu.memref_slice %arg6[%add3A_58, %dma_wait3A_100] : memref<10240x128xf32, #tpu.memory_space<vmem_shared>> -> memref<80x128xf32, #tpu.memory_space<vmem_shared>>
      %dma_wait3A_102 = arith.constant 0 : i32
      %dma_wait3A_103 = arith.constant 0 : i32
      %dma_wait3A_104 = tpu.memref_slice %arg9[%dma_wait3A_102, %dma_wait3A_103] : memref<80x128xf32, #tpu.memory_space<vmem>> -> memref<80x128xf32, #tpu.memory_space<vmem>>
      %dma_wait3A_105 = arith.constant 0 : i32
      %dma_wait3A_106 = tpu.memref_slice %arg6[%add3A_58, %dma_wait3A_105] : memref<10240x128xf32, #tpu.memory_space<vmem_shared>> -> memref<80x128xf32, #tpu.memory_space<vmem_shared>>
      tpu.wait_dma2 semaphore(%run_scoped3A : memref<!tpu.dma_semaphore, #tpu.memory_space<semaphore_mem>>) src(%dma_wait3A_106 : memref<80x128xf32, #tpu.memory_space<vmem_shared>>) dst(%dma_wait3A_104 : memref<80x128xf32, #tpu.memory_space<vmem>>)
      tpu.yield
    }) : () -> ()
    "tpu.region"() ({
      %run_scoped3A = tpu.sem_alloc : memref<!tpu.dma_semaphore, #tpu.memory_space<semaphore_mem>>
      %dma_start3A_87 = arith.constant 0 : i32
      %dma_start3A_88 = arith.constant 0 : i32
      %dma_start3A_89 = tpu.memref_slice %arg9[%dma_start3A_87, %dma_start3A_88] : memref<80x128xf32, #tpu.memory_space<vmem>> -> memref<80x128xf32, #tpu.memory_space<vmem>>
      %dma_start3A_90 = arith.constant 0 : i32
      %dma_start3A_91 = tpu.memref_slice %arg5[%arg0, %add3A_58, %dma_start3A_90] : memref<2x10240x128xf32, #tpu.memory_space<hbm>> -> memref<1x80x128xf32, #tpu.memory_space<hbm>>
      %dma_start3A_92 = tpu.memref_squeeze %dma_start3A_91 : memref<1x80x128xf32, #tpu.memory_space<hbm>> -> memref<80x128xf32, #tpu.memory_space<hbm>>
      %dma_start3A_93 = arith.constant 0 : i32
      %dma_start3A_94 = tpu.memref_slice %arg5[%arg0, %add3A_58, %dma_start3A_93] : memref<2x10240x128xf32, #tpu.memory_space<hbm>> -> memref<1x80x128xf32, #tpu.memory_space<hbm>>
      %dma_start3A_95 = tpu.memref_squeeze %dma_start3A_94 : memref<1x80x128xf32, #tpu.memory_space<hbm>> -> memref<80x128xf32, #tpu.memory_space<hbm>>
      %dma_start3A_96 = arith.constant 0 : i32
      %dma_start3A_97 = arith.constant 0 : i32
      %dma_start3A_98 = tpu.memref_slice %arg9[%dma_start3A_96, %dma_start3A_97] : memref<80x128xf32, #tpu.memory_space<vmem>> -> memref<80x128xf32, #tpu.memory_space<vmem>>
      tpu.enqueue_dma source(%dma_start3A_98 : memref<80x128xf32, #tpu.memory_space<vmem>>) target(%dma_start3A_95 : memref<80x128xf32, #tpu.memory_space<hbm>>) target_semaphore(%run_scoped3A : memref<!tpu.dma_semaphore, #tpu.memory_space<semaphore_mem>>)
      %dma_wait3A_99 = arith.constant 0 : i32
      %dma_wait3A_100 = arith.constant 0 : i32
      %dma_wait3A_101 = tpu.memref_slice %arg9[%dma_wait3A_99, %dma_wait3A_100] : memref<80x128xf32, #tpu.memory_space<vmem>> -> memref<80x128xf32, #tpu.memory_space<vmem>>
      %dma_wait3A_102 = arith.constant 0 : i32
      %dma_wait3A_103 = tpu.memref_slice %arg5[%arg0, %add3A_58, %dma_wait3A_102] : memref<2x10240x128xf32, #tpu.memory_space<hbm>> -> memref<1x80x128xf32, #tpu.memory_space<hbm>>
      %dma_wait3A_104 = tpu.memref_squeeze %dma_wait3A_103 : memref<1x80x128xf32, #tpu.memory_space<hbm>> -> memref<80x128xf32, #tpu.memory_space<hbm>>
      %dma_wait3A_105 = arith.constant 0 : i32
      %dma_wait3A_106 = tpu.memref_slice %arg5[%arg0, %add3A_58, %dma_wait3A_105] : memref<2x10240x128xf32, #tpu.memory_space<hbm>> -> memref<1x80x128xf32, #tpu.memory_space<hbm>>
      %dma_wait3A_107 = tpu.memref_squeeze %dma_wait3A_106 : memref<1x80x128xf32, #tpu.memory_space<hbm>> -> memref<80x128xf32, #tpu.memory_space<hbm>>
      %dma_wait3A_108 = arith.constant 0 : i32
      %dma_wait3A_109 = arith.constant 0 : i32
      %dma_wait3A_110 = tpu.memref_slice %arg9[%dma_wait3A_108, %dma_wait3A_109] : memref<80x128xf32, #tpu.memory_space<vmem>> -> memref<80x128xf32, #tpu.memory_space<vmem>>
      tpu.wait_dma2 semaphore(%run_scoped3A : memref<!tpu.dma_semaphore, #tpu.memory_space<semaphore_mem>>) src(%dma_wait3A_110 : memref<80x128xf32, #tpu.memory_space<vmem>>) dst(%dma_wait3A_107 : memref<80x128xf32, #tpu.memory_space<hbm>>)
      tpu.yield
    }) : () -> ()
    %mul3A_59 = arith.constant 640 : i32
    %mul3A_60 = arith.muli %arg1, %mul3A_59 : i32
    %add3A_61 = arith.constant 80 : i32
    %add3A_62 = arith.addi %mul3A_60, %add3A_61 : i32
    "tpu.region"() ({
      %run_scoped3A = tpu.sem_alloc : memref<!tpu.dma_semaphore, #tpu.memory_space<semaphore_mem>>
      %dma_start3A_87 = arith.constant 0 : i32
      %dma_start3A_88 = arith.constant 0 : i32
      %dma_start3A_89 = tpu.memref_slice %arg9[%dma_start3A_87, %dma_start3A_88] : memref<80x128xf32, #tpu.memory_space<vmem>> -> memref<80x128xf32, #tpu.memory_space<vmem>>
      %dma_start3A_90 = arith.constant 0 : i32
      %dma_start3A_91 = tpu.memref_slice %arg6[%add3A_62, %dma_start3A_90] : memref<10240x128xf32, #tpu.memory_space<vmem_shared>> -> memref<80x128xf32, #tpu.memory_space<vmem_shared>>
      %dma_start3A_92 = arith.constant 0 : i32
      %dma_start3A_93 = arith.constant 0 : i32
      %dma_start3A_94 = tpu.memref_slice %arg9[%dma_start3A_92, %dma_start3A_93] : memref<80x128xf32, #tpu.memory_space<vmem>> -> memref<80x128xf32, #tpu.memory_space<vmem>>
      %dma_start3A_95 = arith.constant 0 : i32
      %dma_start3A_96 = tpu.memref_slice %arg6[%add3A_62, %dma_start3A_95] : memref<10240x128xf32, #tpu.memory_space<vmem_shared>> -> memref<80x128xf32, #tpu.memory_space<vmem_shared>>
      tpu.enqueue_dma source(%dma_start3A_96 : memref<80x128xf32, #tpu.memory_space<vmem_shared>>) target(%dma_start3A_94 : memref<80x128xf32, #tpu.memory_space<vmem>>) target_semaphore(%run_scoped3A : memref<!tpu.dma_semaphore, #tpu.memory_space<semaphore_mem>>)
      %dma_wait3A_97 = arith.constant 0 : i32
      %dma_wait3A_98 = arith.constant 0 : i32
      %dma_wait3A_99 = tpu.memref_slice %arg9[%dma_wait3A_97, %dma_wait3A_98] : memref<80x128xf32, #tpu.memory_space<vmem>> -> memref<80x128xf32, #tpu.memory_space<vmem>>
      %dma_wait3A_100 = arith.constant 0 : i32
      %dma_wait3A_101 = tpu.memref_slice %arg6[%add3A_62, %dma_wait3A_100] : memref<10240x128xf32, #tpu.memory_space<vmem_shared>> -> memref<80x128xf32, #tpu.memory_space<vmem_shared>>
      %dma_wait3A_102 = arith.constant 0 : i32
      %dma_wait3A_103 = arith.constant 0 : i32
      %dma_wait3A_104 = tpu.memref_slice %arg9[%dma_wait3A_102, %dma_wait3A_103] : memref<80x128xf32, #tpu.memory_space<vmem>> -> memref<80x128xf32, #tpu.memory_space<vmem>>
      %dma_wait3A_105 = arith.constant 0 : i32
      %dma_wait3A_106 = tpu.memref_slice %arg6[%add3A_62, %dma_wait3A_105] : memref<10240x128xf32, #tpu.memory_space<vmem_shared>> -> memref<80x128xf32, #tpu.memory_space<vmem_shared>>
      tpu.wait_dma2 semaphore(%run_scoped3A : memref<!tpu.dma_semaphore, #tpu.memory_space<semaphore_mem>>) src(%dma_wait3A_106 : memref<80x128xf32, #tpu.memory_space<vmem_shared>>) dst(%dma_wait3A_104 : memref<80x128xf32, #tpu.memory_space<vmem>>)
      tpu.yield
    }) : () -> ()
    "tpu.region"() ({
      %run_scoped3A = tpu.sem_alloc : memref<!tpu.dma_semaphore, #tpu.memory_space<semaphore_mem>>
      %dma_start3A_87 = arith.constant 0 : i32
      %dma_start3A_88 = arith.constant 0 : i32
      %dma_start3A_89 = tpu.memref_slice %arg9[%dma_start3A_87, %dma_start3A_88] : memref<80x128xf32, #tpu.memory_space<vmem>> -> memref<80x128xf32, #tpu.memory_space<vmem>>
      %dma_start3A_90 = arith.constant 0 : i32
      %dma_start3A_91 = tpu.memref_slice %arg5[%arg0, %add3A_62, %dma_start3A_90] : memref<2x10240x128xf32, #tpu.memory_space<hbm>> -> memref<1x80x128xf32, #tpu.memory_space<hbm>>
      %dma_start3A_92 = tpu.memref_squeeze %dma_start3A_91 : memref<1x80x128xf32, #tpu.memory_space<hbm>> -> memref<80x128xf32, #tpu.memory_space<hbm>>
      %dma_start3A_93 = arith.constant 0 : i32
      %dma_start3A_94 = tpu.memref_slice %arg5[%arg0, %add3A_62, %dma_start3A_93] : memref<2x10240x128xf32, #tpu.memory_space<hbm>> -> memref<1x80x128xf32, #tpu.memory_space<hbm>>
      %dma_start3A_95 = tpu.memref_squeeze %dma_start3A_94 : memref<1x80x128xf32, #tpu.memory_space<hbm>> -> memref<80x128xf32, #tpu.memory_space<hbm>>
      %dma_start3A_96 = arith.constant 0 : i32
      %dma_start3A_97 = arith.constant 0 : i32
      %dma_start3A_98 = tpu.memref_slice %arg9[%dma_start3A_96, %dma_start3A_97] : memref<80x128xf32, #tpu.memory_space<vmem>> -> memref<80x128xf32, #tpu.memory_space<vmem>>
      tpu.enqueue_dma source(%dma_start3A_98 : memref<80x128xf32, #tpu.memory_space<vmem>>) target(%dma_start3A_95 : memref<80x128xf32, #tpu.memory_space<hbm>>) target_semaphore(%run_scoped3A : memref<!tpu.dma_semaphore, #tpu.memory_space<semaphore_mem>>)
      %dma_wait3A_99 = arith.constant 0 : i32
      %dma_wait3A_100 = arith.constant 0 : i32
      %dma_wait3A_101 = tpu.memref_slice %arg9[%dma_wait3A_99, %dma_wait3A_100] : memref<80x128xf32, #tpu.memory_space<vmem>> -> memref<80x128xf32, #tpu.memory_space<vmem>>
      %dma_wait3A_102 = arith.constant 0 : i32
      %dma_wait3A_103 = tpu.memref_slice %arg5[%arg0, %add3A_62, %dma_wait3A_102] : memref<2x10240x128xf32, #tpu.memory_space<hbm>> -> memref<1x80x128xf32, #tpu.memory_space<hbm>>
      %dma_wait3A_104 = tpu.memref_squeeze %dma_wait3A_103 : memref<1x80x128xf32, #tpu.memory_space<hbm>> -> memref<80x128xf32, #tpu.memory_space<hbm>>
      %dma_wait3A_105 = arith.constant 0 : i32
      %dma_wait3A_106 = tpu.memref_slice %arg5[%arg0, %add3A_62, %dma_wait3A_105] : memref<2x10240x128xf32, #tpu.memory_space<hbm>> -> memref<1x80x128xf32, #tpu.memory_space<hbm>>
      %dma_wait3A_107 = tpu.memref_squeeze %dma_wait3A_106 : memref<1x80x128xf32, #tpu.memory_space<hbm>> -> memref<80x128xf32, #tpu.memory_space<hbm>>
      %dma_wait3A_108 = arith.constant 0 : i32
      %dma_wait3A_109 = arith.constant 0 : i32
      %dma_wait3A_110 = tpu.memref_slice %arg9[%dma_wait3A_108, %dma_wait3A_109] : memref<80x128xf32, #tpu.memory_space<vmem>> -> memref<80x128xf32, #tpu.memory_space<vmem>>
      tpu.wait_dma2 semaphore(%run_scoped3A : memref<!tpu.dma_semaphore, #tpu.memory_space<semaphore_mem>>) src(%dma_wait3A_110 : memref<80x128xf32, #tpu.memory_space<vmem>>) dst(%dma_wait3A_107 : memref<80x128xf32, #tpu.memory_space<hbm>>)
      tpu.yield
    }) : () -> ()
    %mul3A_63 = arith.constant 640 : i32
    %mul3A_64 = arith.muli %arg1, %mul3A_63 : i32
    %add3A_65 = arith.constant 160 : i32
    %add3A_66 = arith.addi %mul3A_64, %add3A_65 : i32
    "tpu.region"() ({
      %run_scoped3A = tpu.sem_alloc : memref<!tpu.dma_semaphore, #tpu.memory_space<semaphore_mem>>
      %dma_start3A_87 = arith.constant 0 : i32
      %dma_start3A_88 = arith.constant 0 : i32
      %dma_start3A_89 = tpu.memref_slice %arg9[%dma_start3A_87, %dma_start3A_88] : memref<80x128xf32, #tpu.memory_space<vmem>> -> memref<80x128xf32, #tpu.memory_space<vmem>>
      %dma_start3A_90 = arith.constant 0 : i32
      %dma_start3A_91 = tpu.memref_slice %arg6[%add3A_66, %dma_start3A_90] : memref<10240x128xf32, #tpu.memory_space<vmem_shared>> -> memref<80x128xf32, #tpu.memory_space<vmem_shared>>
      %dma_start3A_92 = arith.constant 0 : i32
      %dma_start3A_93 = arith.constant 0 : i32
      %dma_start3A_94 = tpu.memref_slice %arg9[%dma_start3A_92, %dma_start3A_93] : memref<80x128xf32, #tpu.memory_space<vmem>> -> memref<80x128xf32, #tpu.memory_space<vmem>>
      %dma_start3A_95 = arith.constant 0 : i32
      %dma_start3A_96 = tpu.memref_slice %arg6[%add3A_66, %dma_start3A_95] : memref<10240x128xf32, #tpu.memory_space<vmem_shared>> -> memref<80x128xf32, #tpu.memory_space<vmem_shared>>
      tpu.enqueue_dma source(%dma_start3A_96 : memref<80x128xf32, #tpu.memory_space<vmem_shared>>) target(%dma_start3A_94 : memref<80x128xf32, #tpu.memory_space<vmem>>) target_semaphore(%run_scoped3A : memref<!tpu.dma_semaphore, #tpu.memory_space<semaphore_mem>>)
      %dma_wait3A_97 = arith.constant 0 : i32
      %dma_wait3A_98 = arith.constant 0 : i32
      %dma_wait3A_99 = tpu.memref_slice %arg9[%dma_wait3A_97, %dma_wait3A_98] : memref<80x128xf32, #tpu.memory_space<vmem>> -> memref<80x128xf32, #tpu.memory_space<vmem>>
      %dma_wait3A_100 = arith.constant 0 : i32
      %dma_wait3A_101 = tpu.memref_slice %arg6[%add3A_66, %dma_wait3A_100] : memref<10240x128xf32, #tpu.memory_space<vmem_shared>> -> memref<80x128xf32, #tpu.memory_space<vmem_shared>>
      %dma_wait3A_102 = arith.constant 0 : i32
      %dma_wait3A_103 = arith.constant 0 : i32
      %dma_wait3A_104 = tpu.memref_slice %arg9[%dma_wait3A_102, %dma_wait3A_103] : memref<80x128xf32, #tpu.memory_space<vmem>> -> memref<80x128xf32, #tpu.memory_space<vmem>>
      %dma_wait3A_105 = arith.constant 0 : i32
      %dma_wait3A_106 = tpu.memref_slice %arg6[%add3A_66, %dma_wait3A_105] : memref<10240x128xf32, #tpu.memory_space<vmem_shared>> -> memref<80x128xf32, #tpu.memory_space<vmem_shared>>
      tpu.wait_dma2 semaphore(%run_scoped3A : memref<!tpu.dma_semaphore, #tpu.memory_space<semaphore_mem>>) src(%dma_wait3A_106 : memref<80x128xf32, #tpu.memory_space<vmem_shared>>) dst(%dma_wait3A_104 : memref<80x128xf32, #tpu.memory_space<vmem>>)
      tpu.yield
    }) : () -> ()
    "tpu.region"() ({
      %run_scoped3A = tpu.sem_alloc : memref<!tpu.dma_semaphore, #tpu.memory_space<semaphore_mem>>
      %dma_start3A_87 = arith.constant 0 : i32
      %dma_start3A_88 = arith.constant 0 : i32
      %dma_start3A_89 = tpu.memref_slice %arg9[%dma_start3A_87, %dma_start3A_88] : memref<80x128xf32, #tpu.memory_space<vmem>> -> memref<80x128xf32, #tpu.memory_space<vmem>>
      %dma_start3A_90 = arith.constant 0 : i32
      %dma_start3A_91 = tpu.memref_slice %arg5[%arg0, %add3A_66, %dma_start3A_90] : memref<2x10240x128xf32, #tpu.memory_space<hbm>> -> memref<1x80x128xf32, #tpu.memory_space<hbm>>
      %dma_start3A_92 = tpu.memref_squeeze %dma_start3A_91 : memref<1x80x128xf32, #tpu.memory_space<hbm>> -> memref<80x128xf32, #tpu.memory_space<hbm>>
      %dma_start3A_93 = arith.constant 0 : i32
      %dma_start3A_94 = tpu.memref_slice %arg5[%arg0, %add3A_66, %dma_start3A_93] : memref<2x10240x128xf32, #tpu.memory_space<hbm>> -> memref<1x80x128xf32, #tpu.memory_space<hbm>>
      %dma_start3A_95 = tpu.memref_squeeze %dma_start3A_94 : memref<1x80x128xf32, #tpu.memory_space<hbm>> -> memref<80x128xf32, #tpu.memory_space<hbm>>
      %dma_start3A_96 = arith.constant 0 : i32
      %dma_start3A_97 = arith.constant 0 : i32
      %dma_start3A_98 = tpu.memref_slice %arg9[%dma_start3A_96, %dma_start3A_97] : memref<80x128xf32, #tpu.memory_space<vmem>> -> memref<80x128xf32, #tpu.memory_space<vmem>>
      tpu.enqueue_dma source(%dma_start3A_98 : memref<80x128xf32, #tpu.memory_space<vmem>>) target(%dma_start3A_95 : memref<80x128xf32, #tpu.memory_space<hbm>>) target_semaphore(%run_scoped3A : memref<!tpu.dma_semaphore, #tpu.memory_space<semaphore_mem>>)
      %dma_wait3A_99 = arith.constant 0 : i32
      %dma_wait3A_100 = arith.constant 0 : i32
      %dma_wait3A_101 = tpu.memref_slice %arg9[%dma_wait3A_99, %dma_wait3A_100] : memref<80x128xf32, #tpu.memory_space<vmem>> -> memref<80x128xf32, #tpu.memory_space<vmem>>
      %dma_wait3A_102 = arith.constant 0 : i32
      %dma_wait3A_103 = tpu.memref_slice %arg5[%arg0, %add3A_66, %dma_wait3A_102] : memref<2x10240x128xf32, #tpu.memory_space<hbm>> -> memref<1x80x128xf32, #tpu.memory_space<hbm>>
      %dma_wait3A_104 = tpu.memref_squeeze %dma_wait3A_103 : memref<1x80x128xf32, #tpu.memory_space<hbm>> -> memref<80x128xf32, #tpu.memory_space<hbm>>
      %dma_wait3A_105 = arith.constant 0 : i32
      %dma_wait3A_106 = tpu.memref_slice %arg5[%arg0, %add3A_66, %dma_wait3A_105] : memref<2x10240x128xf32, #tpu.memory_space<hbm>> -> memref<1x80x128xf32, #tpu.memory_space<hbm>>
      %dma_wait3A_107 = tpu.memref_squeeze %dma_wait3A_106 : memref<1x80x128xf32, #tpu.memory_space<hbm>> -> memref<80x128xf32, #tpu.memory_space<hbm>>
      %dma_wait3A_108 = arith.constant 0 : i32
      %dma_wait3A_109 = arith.constant 0 : i32
      %dma_wait3A_110 = tpu.memref_slice %arg9[%dma_wait3A_108, %dma_wait3A_109] : memref<80x128xf32, #tpu.memory_space<vmem>> -> memref<80x128xf32, #tpu.memory_space<vmem>>
      tpu.wait_dma2 semaphore(%run_scoped3A : memref<!tpu.dma_semaphore, #tpu.memory_space<semaphore_mem>>) src(%dma_wait3A_110 : memref<80x128xf32, #tpu.memory_space<vmem>>) dst(%dma_wait3A_107 : memref<80x128xf32, #tpu.memory_space<hbm>>)
      tpu.yield
    }) : () -> ()
    %mul3A_67 = arith.constant 640 : i32
    %mul3A_68 = arith.muli %arg1, %mul3A_67 : i32
    %add3A_69 = arith.constant 240 : i32
    %add3A_70 = arith.addi %mul3A_68, %add3A_69 : i32
    "tpu.region"() ({
      %run_scoped3A = tpu.sem_alloc : memref<!tpu.dma_semaphore, #tpu.memory_space<semaphore_mem>>
      %dma_start3A_87 = arith.constant 0 : i32
      %dma_start3A_88 = arith.constant 0 : i32
      %dma_start3A_89 = tpu.memref_slice %arg9[%dma_start3A_87, %dma_start3A_88] : memref<80x128xf32, #tpu.memory_space<vmem>> -> memref<80x128xf32, #tpu.memory_space<vmem>>
      %dma_start3A_90 = arith.constant 0 : i32
      %dma_start3A_91 = tpu.memref_slice %arg6[%add3A_70, %dma_start3A_90] : memref<10240x128xf32, #tpu.memory_space<vmem_shared>> -> memref<80x128xf32, #tpu.memory_space<vmem_shared>>
      %dma_start3A_92 = arith.constant 0 : i32
      %dma_start3A_93 = arith.constant 0 : i32
      %dma_start3A_94 = tpu.memref_slice %arg9[%dma_start3A_92, %dma_start3A_93] : memref<80x128xf32, #tpu.memory_space<vmem>> -> memref<80x128xf32, #tpu.memory_space<vmem>>
      %dma_start3A_95 = arith.constant 0 : i32
      %dma_start3A_96 = tpu.memref_slice %arg6[%add3A_70, %dma_start3A_95] : memref<10240x128xf32, #tpu.memory_space<vmem_shared>> -> memref<80x128xf32, #tpu.memory_space<vmem_shared>>
      tpu.enqueue_dma source(%dma_start3A_96 : memref<80x128xf32, #tpu.memory_space<vmem_shared>>) target(%dma_start3A_94 : memref<80x128xf32, #tpu.memory_space<vmem>>) target_semaphore(%run_scoped3A : memref<!tpu.dma_semaphore, #tpu.memory_space<semaphore_mem>>)
      %dma_wait3A_97 = arith.constant 0 : i32
      %dma_wait3A_98 = arith.constant 0 : i32
      %dma_wait3A_99 = tpu.memref_slice %arg9[%dma_wait3A_97, %dma_wait3A_98] : memref<80x128xf32, #tpu.memory_space<vmem>> -> memref<80x128xf32, #tpu.memory_space<vmem>>
      %dma_wait3A_100 = arith.constant 0 : i32
      %dma_wait3A_101 = tpu.memref_slice %arg6[%add3A_70, %dma_wait3A_100] : memref<10240x128xf32, #tpu.memory_space<vmem_shared>> -> memref<80x128xf32, #tpu.memory_space<vmem_shared>>
      %dma_wait3A_102 = arith.constant 0 : i32
      %dma_wait3A_103 = arith.constant 0 : i32
      %dma_wait3A_104 = tpu.memref_slice %arg9[%dma_wait3A_102, %dma_wait3A_103] : memref<80x128xf32, #tpu.memory_space<vmem>> -> memref<80x128xf32, #tpu.memory_space<vmem>>
      %dma_wait3A_105 = arith.constant 0 : i32
      %dma_wait3A_106 = tpu.memref_slice %arg6[%add3A_70, %dma_wait3A_105] : memref<10240x128xf32, #tpu.memory_space<vmem_shared>> -> memref<80x128xf32, #tpu.memory_space<vmem_shared>>
      tpu.wait_dma2 semaphore(%run_scoped3A : memref<!tpu.dma_semaphore, #tpu.memory_space<semaphore_mem>>) src(%dma_wait3A_106 : memref<80x128xf32, #tpu.memory_space<vmem_shared>>) dst(%dma_wait3A_104 : memref<80x128xf32, #tpu.memory_space<vmem>>)
      tpu.yield
    }) : () -> ()
    "tpu.region"() ({
      %run_scoped3A = tpu.sem_alloc : memref<!tpu.dma_semaphore, #tpu.memory_space<semaphore_mem>>
      %dma_start3A_87 = arith.constant 0 : i32
      %dma_start3A_88 = arith.constant 0 : i32
      %dma_start3A_89 = tpu.memref_slice %arg9[%dma_start3A_87, %dma_start3A_88] : memref<80x128xf32, #tpu.memory_space<vmem>> -> memref<80x128xf32, #tpu.memory_space<vmem>>
      %dma_start3A_90 = arith.constant 0 : i32
      %dma_start3A_91 = tpu.memref_slice %arg5[%arg0, %add3A_70, %dma_start3A_90] : memref<2x10240x128xf32, #tpu.memory_space<hbm>> -> memref<1x80x128xf32, #tpu.memory_space<hbm>>
      %dma_start3A_92 = tpu.memref_squeeze %dma_start3A_91 : memref<1x80x128xf32, #tpu.memory_space<hbm>> -> memref<80x128xf32, #tpu.memory_space<hbm>>
      %dma_start3A_93 = arith.constant 0 : i32
      %dma_start3A_94 = tpu.memref_slice %arg5[%arg0, %add3A_70, %dma_start3A_93] : memref<2x10240x128xf32, #tpu.memory_space<hbm>> -> memref<1x80x128xf32, #tpu.memory_space<hbm>>
      %dma_start3A_95 = tpu.memref_squeeze %dma_start3A_94 : memref<1x80x128xf32, #tpu.memory_space<hbm>> -> memref<80x128xf32, #tpu.memory_space<hbm>>
      %dma_start3A_96 = arith.constant 0 : i32
      %dma_start3A_97 = arith.constant 0 : i32
      %dma_start3A_98 = tpu.memref_slice %arg9[%dma_start3A_96, %dma_start3A_97] : memref<80x128xf32, #tpu.memory_space<vmem>> -> memref<80x128xf32, #tpu.memory_space<vmem>>
      tpu.enqueue_dma source(%dma_start3A_98 : memref<80x128xf32, #tpu.memory_space<vmem>>) target(%dma_start3A_95 : memref<80x128xf32, #tpu.memory_space<hbm>>) target_semaphore(%run_scoped3A : memref<!tpu.dma_semaphore, #tpu.memory_space<semaphore_mem>>)
      %dma_wait3A_99 = arith.constant 0 : i32
      %dma_wait3A_100 = arith.constant 0 : i32
      %dma_wait3A_101 = tpu.memref_slice %arg9[%dma_wait3A_99, %dma_wait3A_100] : memref<80x128xf32, #tpu.memory_space<vmem>> -> memref<80x128xf32, #tpu.memory_space<vmem>>
      %dma_wait3A_102 = arith.constant 0 : i32
      %dma_wait3A_103 = tpu.memref_slice %arg5[%arg0, %add3A_70, %dma_wait3A_102] : memref<2x10240x128xf32, #tpu.memory_space<hbm>> -> memref<1x80x128xf32, #tpu.memory_space<hbm>>
      %dma_wait3A_104 = tpu.memref_squeeze %dma_wait3A_103 : memref<1x80x128xf32, #tpu.memory_space<hbm>> -> memref<80x128xf32, #tpu.memory_space<hbm>>
      %dma_wait3A_105 = arith.constant 0 : i32
      %dma_wait3A_106 = tpu.memref_slice %arg5[%arg0, %add3A_70, %dma_wait3A_105] : memref<2x10240x128xf32, #tpu.memory_space<hbm>> -> memref<1x80x128xf32, #tpu.memory_space<hbm>>
      %dma_wait3A_107 = tpu.memref_squeeze %dma_wait3A_106 : memref<1x80x128xf32, #tpu.memory_space<hbm>> -> memref<80x128xf32, #tpu.memory_space<hbm>>
      %dma_wait3A_108 = arith.constant 0 : i32
      %dma_wait3A_109 = arith.constant 0 : i32
      %dma_wait3A_110 = tpu.memref_slice %arg9[%dma_wait3A_108, %dma_wait3A_109] : memref<80x128xf32, #tpu.memory_space<vmem>> -> memref<80x128xf32, #tpu.memory_space<vmem>>
      tpu.wait_dma2 semaphore(%run_scoped3A : memref<!tpu.dma_semaphore, #tpu.memory_space<semaphore_mem>>) src(%dma_wait3A_110 : memref<80x128xf32, #tpu.memory_space<vmem>>) dst(%dma_wait3A_107 : memref<80x128xf32, #tpu.memory_space<hbm>>)
      tpu.yield
    }) : () -> ()
    %mul3A_71 = arith.constant 640 : i32
    %mul3A_72 = arith.muli %arg1, %mul3A_71 : i32
    %add3A_73 = arith.constant 320 : i32
    %add3A_74 = arith.addi %mul3A_72, %add3A_73 : i32
    "tpu.region"() ({
      %run_scoped3A = tpu.sem_alloc : memref<!tpu.dma_semaphore, #tpu.memory_space<semaphore_mem>>
      %dma_start3A_87 = arith.constant 0 : i32
      %dma_start3A_88 = arith.constant 0 : i32
      %dma_start3A_89 = tpu.memref_slice %arg9[%dma_start3A_87, %dma_start3A_88] : memref<80x128xf32, #tpu.memory_space<vmem>> -> memref<80x128xf32, #tpu.memory_space<vmem>>
      %dma_start3A_90 = arith.constant 0 : i32
      %dma_start3A_91 = tpu.memref_slice %arg6[%add3A_74, %dma_start3A_90] : memref<10240x128xf32, #tpu.memory_space<vmem_shared>> -> memref<80x128xf32, #tpu.memory_space<vmem_shared>>
      %dma_start3A_92 = arith.constant 0 : i32
      %dma_start3A_93 = arith.constant 0 : i32
      %dma_start3A_94 = tpu.memref_slice %arg9[%dma_start3A_92, %dma_start3A_93] : memref<80x128xf32, #tpu.memory_space<vmem>> -> memref<80x128xf32, #tpu.memory_space<vmem>>
      %dma_start3A_95 = arith.constant 0 : i32
      %dma_start3A_96 = tpu.memref_slice %arg6[%add3A_74, %dma_start3A_95] : memref<10240x128xf32, #tpu.memory_space<vmem_shared>> -> memref<80x128xf32, #tpu.memory_space<vmem_shared>>
      tpu.enqueue_dma source(%dma_start3A_96 : memref<80x128xf32, #tpu.memory_space<vmem_shared>>) target(%dma_start3A_94 : memref<80x128xf32, #tpu.memory_space<vmem>>) target_semaphore(%run_scoped3A : memref<!tpu.dma_semaphore, #tpu.memory_space<semaphore_mem>>)
      %dma_wait3A_97 = arith.constant 0 : i32
      %dma_wait3A_98 = arith.constant 0 : i32
      %dma_wait3A_99 = tpu.memref_slice %arg9[%dma_wait3A_97, %dma_wait3A_98] : memref<80x128xf32, #tpu.memory_space<vmem>> -> memref<80x128xf32, #tpu.memory_space<vmem>>
      %dma_wait3A_100 = arith.constant 0 : i32
      %dma_wait3A_101 = tpu.memref_slice %arg6[%add3A_74, %dma_wait3A_100] : memref<10240x128xf32, #tpu.memory_space<vmem_shared>> -> memref<80x128xf32, #tpu.memory_space<vmem_shared>>
      %dma_wait3A_102 = arith.constant 0 : i32
      %dma_wait3A_103 = arith.constant 0 : i32
      %dma_wait3A_104 = tpu.memref_slice %arg9[%dma_wait3A_102, %dma_wait3A_103] : memref<80x128xf32, #tpu.memory_space<vmem>> -> memref<80x128xf32, #tpu.memory_space<vmem>>
      %dma_wait3A_105 = arith.constant 0 : i32
      %dma_wait3A_106 = tpu.memref_slice %arg6[%add3A_74, %dma_wait3A_105] : memref<10240x128xf32, #tpu.memory_space<vmem_shared>> -> memref<80x128xf32, #tpu.memory_space<vmem_shared>>
      tpu.wait_dma2 semaphore(%run_scoped3A : memref<!tpu.dma_semaphore, #tpu.memory_space<semaphore_mem>>) src(%dma_wait3A_106 : memref<80x128xf32, #tpu.memory_space<vmem_shared>>) dst(%dma_wait3A_104 : memref<80x128xf32, #tpu.memory_space<vmem>>)
      tpu.yield
    }) : () -> ()
    "tpu.region"() ({
      %run_scoped3A = tpu.sem_alloc : memref<!tpu.dma_semaphore, #tpu.memory_space<semaphore_mem>>
      %dma_start3A_87 = arith.constant 0 : i32
      %dma_start3A_88 = arith.constant 0 : i32
      %dma_start3A_89 = tpu.memref_slice %arg9[%dma_start3A_87, %dma_start3A_88] : memref<80x128xf32, #tpu.memory_space<vmem>> -> memref<80x128xf32, #tpu.memory_space<vmem>>
      %dma_start3A_90 = arith.constant 0 : i32
      %dma_start3A_91 = tpu.memref_slice %arg5[%arg0, %add3A_74, %dma_start3A_90] : memref<2x10240x128xf32, #tpu.memory_space<hbm>> -> memref<1x80x128xf32, #tpu.memory_space<hbm>>
      %dma_start3A_92 = tpu.memref_squeeze %dma_start3A_91 : memref<1x80x128xf32, #tpu.memory_space<hbm>> -> memref<80x128xf32, #tpu.memory_space<hbm>>
      %dma_start3A_93 = arith.constant 0 : i32
      %dma_start3A_94 = tpu.memref_slice %arg5[%arg0, %add3A_74, %dma_start3A_93] : memref<2x10240x128xf32, #tpu.memory_space<hbm>> -> memref<1x80x128xf32, #tpu.memory_space<hbm>>
      %dma_start3A_95 = tpu.memref_squeeze %dma_start3A_94 : memref<1x80x128xf32, #tpu.memory_space<hbm>> -> memref<80x128xf32, #tpu.memory_space<hbm>>
      %dma_start3A_96 = arith.constant 0 : i32
      %dma_start3A_97 = arith.constant 0 : i32
      %dma_start3A_98 = tpu.memref_slice %arg9[%dma_start3A_96, %dma_start3A_97] : memref<80x128xf32, #tpu.memory_space<vmem>> -> memref<80x128xf32, #tpu.memory_space<vmem>>
      tpu.enqueue_dma source(%dma_start3A_98 : memref<80x128xf32, #tpu.memory_space<vmem>>) target(%dma_start3A_95 : memref<80x128xf32, #tpu.memory_space<hbm>>) target_semaphore(%run_scoped3A : memref<!tpu.dma_semaphore, #tpu.memory_space<semaphore_mem>>)
      %dma_wait3A_99 = arith.constant 0 : i32
      %dma_wait3A_100 = arith.constant 0 : i32
      %dma_wait3A_101 = tpu.memref_slice %arg9[%dma_wait3A_99, %dma_wait3A_100] : memref<80x128xf32, #tpu.memory_space<vmem>> -> memref<80x128xf32, #tpu.memory_space<vmem>>
      %dma_wait3A_102 = arith.constant 0 : i32
      %dma_wait3A_103 = tpu.memref_slice %arg5[%arg0, %add3A_74, %dma_wait3A_102] : memref<2x10240x128xf32, #tpu.memory_space<hbm>> -> memref<1x80x128xf32, #tpu.memory_space<hbm>>
      %dma_wait3A_104 = tpu.memref_squeeze %dma_wait3A_103 : memref<1x80x128xf32, #tpu.memory_space<hbm>> -> memref<80x128xf32, #tpu.memory_space<hbm>>
      %dma_wait3A_105 = arith.constant 0 : i32
      %dma_wait3A_106 = tpu.memref_slice %arg5[%arg0, %add3A_74, %dma_wait3A_105] : memref<2x10240x128xf32, #tpu.memory_space<hbm>> -> memref<1x80x128xf32, #tpu.memory_space<hbm>>
      %dma_wait3A_107 = tpu.memref_squeeze %dma_wait3A_106 : memref<1x80x128xf32, #tpu.memory_space<hbm>> -> memref<80x128xf32, #tpu.memory_space<hbm>>
      %dma_wait3A_108 = arith.constant 0 : i32
      %dma_wait3A_109 = arith.constant 0 : i32
      %dma_wait3A_110 = tpu.memref_slice %arg9[%dma_wait3A_108, %dma_wait3A_109] : memref<80x128xf32, #tpu.memory_space<vmem>> -> memref<80x128xf32, #tpu.memory_space<vmem>>
      tpu.wait_dma2 semaphore(%run_scoped3A : memref<!tpu.dma_semaphore, #tpu.memory_space<semaphore_mem>>) src(%dma_wait3A_110 : memref<80x128xf32, #tpu.memory_space<vmem>>) dst(%dma_wait3A_107 : memref<80x128xf32, #tpu.memory_space<hbm>>)
      tpu.yield
    }) : () -> ()
    %mul3A_75 = arith.constant 640 : i32
    %mul3A_76 = arith.muli %arg1, %mul3A_75 : i32
    %add3A_77 = arith.constant 400 : i32
    %add3A_78 = arith.addi %mul3A_76, %add3A_77 : i32
    "tpu.region"() ({
      %run_scoped3A = tpu.sem_alloc : memref<!tpu.dma_semaphore, #tpu.memory_space<semaphore_mem>>
      %dma_start3A_87 = arith.constant 0 : i32
      %dma_start3A_88 = arith.constant 0 : i32
      %dma_start3A_89 = tpu.memref_slice %arg9[%dma_start3A_87, %dma_start3A_88] : memref<80x128xf32, #tpu.memory_space<vmem>> -> memref<80x128xf32, #tpu.memory_space<vmem>>
      %dma_start3A_90 = arith.constant 0 : i32
      %dma_start3A_91 = tpu.memref_slice %arg6[%add3A_78, %dma_start3A_90] : memref<10240x128xf32, #tpu.memory_space<vmem_shared>> -> memref<80x128xf32, #tpu.memory_space<vmem_shared>>
      %dma_start3A_92 = arith.constant 0 : i32
      %dma_start3A_93 = arith.constant 0 : i32
      %dma_start3A_94 = tpu.memref_slice %arg9[%dma_start3A_92, %dma_start3A_93] : memref<80x128xf32, #tpu.memory_space<vmem>> -> memref<80x128xf32, #tpu.memory_space<vmem>>
      %dma_start3A_95 = arith.constant 0 : i32
      %dma_start3A_96 = tpu.memref_slice %arg6[%add3A_78, %dma_start3A_95] : memref<10240x128xf32, #tpu.memory_space<vmem_shared>> -> memref<80x128xf32, #tpu.memory_space<vmem_shared>>
      tpu.enqueue_dma source(%dma_start3A_96 : memref<80x128xf32, #tpu.memory_space<vmem_shared>>) target(%dma_start3A_94 : memref<80x128xf32, #tpu.memory_space<vmem>>) target_semaphore(%run_scoped3A : memref<!tpu.dma_semaphore, #tpu.memory_space<semaphore_mem>>)
      %dma_wait3A_97 = arith.constant 0 : i32
      %dma_wait3A_98 = arith.constant 0 : i32
      %dma_wait3A_99 = tpu.memref_slice %arg9[%dma_wait3A_97, %dma_wait3A_98] : memref<80x128xf32, #tpu.memory_space<vmem>> -> memref<80x128xf32, #tpu.memory_space<vmem>>
      %dma_wait3A_100 = arith.constant 0 : i32
      %dma_wait3A_101 = tpu.memref_slice %arg6[%add3A_78, %dma_wait3A_100] : memref<10240x128xf32, #tpu.memory_space<vmem_shared>> -> memref<80x128xf32, #tpu.memory_space<vmem_shared>>
      %dma_wait3A_102 = arith.constant 0 : i32
      %dma_wait3A_103 = arith.constant 0 : i32
      %dma_wait3A_104 = tpu.memref_slice %arg9[%dma_wait3A_102, %dma_wait3A_103] : memref<80x128xf32, #tpu.memory_space<vmem>> -> memref<80x128xf32, #tpu.memory_space<vmem>>
      %dma_wait3A_105 = arith.constant 0 : i32
      %dma_wait3A_106 = tpu.memref_slice %arg6[%add3A_78, %dma_wait3A_105] : memref<10240x128xf32, #tpu.memory_space<vmem_shared>> -> memref<80x128xf32, #tpu.memory_space<vmem_shared>>
      tpu.wait_dma2 semaphore(%run_scoped3A : memref<!tpu.dma_semaphore, #tpu.memory_space<semaphore_mem>>) src(%dma_wait3A_106 : memref<80x128xf32, #tpu.memory_space<vmem_shared>>) dst(%dma_wait3A_104 : memref<80x128xf32, #tpu.memory_space<vmem>>)
      tpu.yield
    }) : () -> ()
    "tpu.region"() ({
      %run_scoped3A = tpu.sem_alloc : memref<!tpu.dma_semaphore, #tpu.memory_space<semaphore_mem>>
      %dma_start3A_87 = arith.constant 0 : i32
      %dma_start3A_88 = arith.constant 0 : i32
      %dma_start3A_89 = tpu.memref_slice %arg9[%dma_start3A_87, %dma_start3A_88] : memref<80x128xf32, #tpu.memory_space<vmem>> -> memref<80x128xf32, #tpu.memory_space<vmem>>
      %dma_start3A_90 = arith.constant 0 : i32
      %dma_start3A_91 = tpu.memref_slice %arg5[%arg0, %add3A_78, %dma_start3A_90] : memref<2x10240x128xf32, #tpu.memory_space<hbm>> -> memref<1x80x128xf32, #tpu.memory_space<hbm>>
      %dma_start3A_92 = tpu.memref_squeeze %dma_start3A_91 : memref<1x80x128xf32, #tpu.memory_space<hbm>> -> memref<80x128xf32, #tpu.memory_space<hbm>>
      %dma_start3A_93 = arith.constant 0 : i32
      %dma_start3A_94 = tpu.memref_slice %arg5[%arg0, %add3A_78, %dma_start3A_93] : memref<2x10240x128xf32, #tpu.memory_space<hbm>> -> memref<1x80x128xf32, #tpu.memory_space<hbm>>
      %dma_start3A_95 = tpu.memref_squeeze %dma_start3A_94 : memref<1x80x128xf32, #tpu.memory_space<hbm>> -> memref<80x128xf32, #tpu.memory_space<hbm>>
      %dma_start3A_96 = arith.constant 0 : i32
      %dma_start3A_97 = arith.constant 0 : i32
      %dma_start3A_98 = tpu.memref_slice %arg9[%dma_start3A_96, %dma_start3A_97] : memref<80x128xf32, #tpu.memory_space<vmem>> -> memref<80x128xf32, #tpu.memory_space<vmem>>
      tpu.enqueue_dma source(%dma_start3A_98 : memref<80x128xf32, #tpu.memory_space<vmem>>) target(%dma_start3A_95 : memref<80x128xf32, #tpu.memory_space<hbm>>) target_semaphore(%run_scoped3A : memref<!tpu.dma_semaphore, #tpu.memory_space<semaphore_mem>>)
      %dma_wait3A_99 = arith.constant 0 : i32
      %dma_wait3A_100 = arith.constant 0 : i32
      %dma_wait3A_101 = tpu.memref_slice %arg9[%dma_wait3A_99, %dma_wait3A_100] : memref<80x128xf32, #tpu.memory_space<vmem>> -> memref<80x128xf32, #tpu.memory_space<vmem>>
      %dma_wait3A_102 = arith.constant 0 : i32
      %dma_wait3A_103 = tpu.memref_slice %arg5[%arg0, %add3A_78, %dma_wait3A_102] : memref<2x10240x128xf32, #tpu.memory_space<hbm>> -> memref<1x80x128xf32, #tpu.memory_space<hbm>>
      %dma_wait3A_104 = tpu.memref_squeeze %dma_wait3A_103 : memref<1x80x128xf32, #tpu.memory_space<hbm>> -> memref<80x128xf32, #tpu.memory_space<hbm>>
      %dma_wait3A_105 = arith.constant 0 : i32
      %dma_wait3A_106 = tpu.memref_slice %arg5[%arg0, %add3A_78, %dma_wait3A_105] : memref<2x10240x128xf32, #tpu.memory_space<hbm>> -> memref<1x80x128xf32, #tpu.memory_space<hbm>>
      %dma_wait3A_107 = tpu.memref_squeeze %dma_wait3A_106 : memref<1x80x128xf32, #tpu.memory_space<hbm>> -> memref<80x128xf32, #tpu.memory_space<hbm>>
      %dma_wait3A_108 = arith.constant 0 : i32
      %dma_wait3A_109 = arith.constant 0 : i32
      %dma_wait3A_110 = tpu.memref_slice %arg9[%dma_wait3A_108, %dma_wait3A_109] : memref<80x128xf32, #tpu.memory_space<vmem>> -> memref<80x128xf32, #tpu.memory_space<vmem>>
      tpu.wait_dma2 semaphore(%run_scoped3A : memref<!tpu.dma_semaphore, #tpu.memory_space<semaphore_mem>>) src(%dma_wait3A_110 : memref<80x128xf32, #tpu.memory_space<vmem>>) dst(%dma_wait3A_107 : memref<80x128xf32, #tpu.memory_space<hbm>>)
      tpu.yield
    }) : () -> ()
    %mul3A_79 = arith.constant 640 : i32
    %mul3A_80 = arith.muli %arg1, %mul3A_79 : i32
    %add3A_81 = arith.constant 480 : i32
    %add3A_82 = arith.addi %mul3A_80, %add3A_81 : i32
    "tpu.region"() ({
      %run_scoped3A = tpu.sem_alloc : memref<!tpu.dma_semaphore, #tpu.memory_space<semaphore_mem>>
      %dma_start3A_87 = arith.constant 0 : i32
      %dma_start3A_88 = arith.constant 0 : i32
      %dma_start3A_89 = tpu.memref_slice %arg9[%dma_start3A_87, %dma_start3A_88] : memref<80x128xf32, #tpu.memory_space<vmem>> -> memref<80x128xf32, #tpu.memory_space<vmem>>
      %dma_start3A_90 = arith.constant 0 : i32
      %dma_start3A_91 = tpu.memref_slice %arg6[%add3A_82, %dma_start3A_90] : memref<10240x128xf32, #tpu.memory_space<vmem_shared>> -> memref<80x128xf32, #tpu.memory_space<vmem_shared>>
      %dma_start3A_92 = arith.constant 0 : i32
      %dma_start3A_93 = arith.constant 0 : i32
      %dma_start3A_94 = tpu.memref_slice %arg9[%dma_start3A_92, %dma_start3A_93] : memref<80x128xf32, #tpu.memory_space<vmem>> -> memref<80x128xf32, #tpu.memory_space<vmem>>
      %dma_start3A_95 = arith.constant 0 : i32
      %dma_start3A_96 = tpu.memref_slice %arg6[%add3A_82, %dma_start3A_95] : memref<10240x128xf32, #tpu.memory_space<vmem_shared>> -> memref<80x128xf32, #tpu.memory_space<vmem_shared>>
      tpu.enqueue_dma source(%dma_start3A_96 : memref<80x128xf32, #tpu.memory_space<vmem_shared>>) target(%dma_start3A_94 : memref<80x128xf32, #tpu.memory_space<vmem>>) target_semaphore(%run_scoped3A : memref<!tpu.dma_semaphore, #tpu.memory_space<semaphore_mem>>)
      %dma_wait3A_97 = arith.constant 0 : i32
      %dma_wait3A_98 = arith.constant 0 : i32
      %dma_wait3A_99 = tpu.memref_slice %arg9[%dma_wait3A_97, %dma_wait3A_98] : memref<80x128xf32, #tpu.memory_space<vmem>> -> memref<80x128xf32, #tpu.memory_space<vmem>>
      %dma_wait3A_100 = arith.constant 0 : i32
      %dma_wait3A_101 = tpu.memref_slice %arg6[%add3A_82, %dma_wait3A_100] : memref<10240x128xf32, #tpu.memory_space<vmem_shared>> -> memref<80x128xf32, #tpu.memory_space<vmem_shared>>
      %dma_wait3A_102 = arith.constant 0 : i32
      %dma_wait3A_103 = arith.constant 0 : i32
      %dma_wait3A_104 = tpu.memref_slice %arg9[%dma_wait3A_102, %dma_wait3A_103] : memref<80x128xf32, #tpu.memory_space<vmem>> -> memref<80x128xf32, #tpu.memory_space<vmem>>
      %dma_wait3A_105 = arith.constant 0 : i32
      %dma_wait3A_106 = tpu.memref_slice %arg6[%add3A_82, %dma_wait3A_105] : memref<10240x128xf32, #tpu.memory_space<vmem_shared>> -> memref<80x128xf32, #tpu.memory_space<vmem_shared>>
      tpu.wait_dma2 semaphore(%run_scoped3A : memref<!tpu.dma_semaphore, #tpu.memory_space<semaphore_mem>>) src(%dma_wait3A_106 : memref<80x128xf32, #tpu.memory_space<vmem_shared>>) dst(%dma_wait3A_104 : memref<80x128xf32, #tpu.memory_space<vmem>>)
      tpu.yield
    }) : () -> ()
    "tpu.region"() ({
      %run_scoped3A = tpu.sem_alloc : memref<!tpu.dma_semaphore, #tpu.memory_space<semaphore_mem>>
      %dma_start3A_87 = arith.constant 0 : i32
      %dma_start3A_88 = arith.constant 0 : i32
      %dma_start3A_89 = tpu.memref_slice %arg9[%dma_start3A_87, %dma_start3A_88] : memref<80x128xf32, #tpu.memory_space<vmem>> -> memref<80x128xf32, #tpu.memory_space<vmem>>
      %dma_start3A_90 = arith.constant 0 : i32
      %dma_start3A_91 = tpu.memref_slice %arg5[%arg0, %add3A_82, %dma_start3A_90] : memref<2x10240x128xf32, #tpu.memory_space<hbm>> -> memref<1x80x128xf32, #tpu.memory_space<hbm>>
      %dma_start3A_92 = tpu.memref_squeeze %dma_start3A_91 : memref<1x80x128xf32, #tpu.memory_space<hbm>> -> memref<80x128xf32, #tpu.memory_space<hbm>>
      %dma_start3A_93 = arith.constant 0 : i32
      %dma_start3A_94 = tpu.memref_slice %arg5[%arg0, %add3A_82, %dma_start3A_93] : memref<2x10240x128xf32, #tpu.memory_space<hbm>> -> memref<1x80x128xf32, #tpu.memory_space<hbm>>
      %dma_start3A_95 = tpu.memref_squeeze %dma_start3A_94 : memref<1x80x128xf32, #tpu.memory_space<hbm>> -> memref<80x128xf32, #tpu.memory_space<hbm>>
      %dma_start3A_96 = arith.constant 0 : i32
      %dma_start3A_97 = arith.constant 0 : i32
      %dma_start3A_98 = tpu.memref_slice %arg9[%dma_start3A_96, %dma_start3A_97] : memref<80x128xf32, #tpu.memory_space<vmem>> -> memref<80x128xf32, #tpu.memory_space<vmem>>
      tpu.enqueue_dma source(%dma_start3A_98 : memref<80x128xf32, #tpu.memory_space<vmem>>) target(%dma_start3A_95 : memref<80x128xf32, #tpu.memory_space<hbm>>) target_semaphore(%run_scoped3A : memref<!tpu.dma_semaphore, #tpu.memory_space<semaphore_mem>>)
      %dma_wait3A_99 = arith.constant 0 : i32
      %dma_wait3A_100 = arith.constant 0 : i32
      %dma_wait3A_101 = tpu.memref_slice %arg9[%dma_wait3A_99, %dma_wait3A_100] : memref<80x128xf32, #tpu.memory_space<vmem>> -> memref<80x128xf32, #tpu.memory_space<vmem>>
      %dma_wait3A_102 = arith.constant 0 : i32
      %dma_wait3A_103 = tpu.memref_slice %arg5[%arg0, %add3A_82, %dma_wait3A_102] : memref<2x10240x128xf32, #tpu.memory_space<hbm>> -> memref<1x80x128xf32, #tpu.memory_space<hbm>>
      %dma_wait3A_104 = tpu.memref_squeeze %dma_wait3A_103 : memref<1x80x128xf32, #tpu.memory_space<hbm>> -> memref<80x128xf32, #tpu.memory_space<hbm>>
      %dma_wait3A_105 = arith.constant 0 : i32
      %dma_wait3A_106 = tpu.memref_slice %arg5[%arg0, %add3A_82, %dma_wait3A_105] : memref<2x10240x128xf32, #tpu.memory_space<hbm>> -> memref<1x80x128xf32, #tpu.memory_space<hbm>>
      %dma_wait3A_107 = tpu.memref_squeeze %dma_wait3A_106 : memref<1x80x128xf32, #tpu.memory_space<hbm>> -> memref<80x128xf32, #tpu.memory_space<hbm>>
      %dma_wait3A_108 = arith.constant 0 : i32
      %dma_wait3A_109 = arith.constant 0 : i32
      %dma_wait3A_110 = tpu.memref_slice %arg9[%dma_wait3A_108, %dma_wait3A_109] : memref<80x128xf32, #tpu.memory_space<vmem>> -> memref<80x128xf32, #tpu.memory_space<vmem>>
      tpu.wait_dma2 semaphore(%run_scoped3A : memref<!tpu.dma_semaphore, #tpu.memory_space<semaphore_mem>>) src(%dma_wait3A_110 : memref<80x128xf32, #tpu.memory_space<vmem>>) dst(%dma_wait3A_107 : memref<80x128xf32, #tpu.memory_space<hbm>>)
      tpu.yield
    }) : () -> ()
    %mul3A_83 = arith.constant 640 : i32
    %mul3A_84 = arith.muli %arg1, %mul3A_83 : i32
    %add3A_85 = arith.constant 560 : i32
    %add3A_86 = arith.addi %mul3A_84, %add3A_85 : i32
    "tpu.region"() ({
      %run_scoped3A = tpu.sem_alloc : memref<!tpu.dma_semaphore, #tpu.memory_space<semaphore_mem>>
      %dma_start3A_87 = arith.constant 0 : i32
      %dma_start3A_88 = arith.constant 0 : i32
      %dma_start3A_89 = tpu.memref_slice %arg9[%dma_start3A_87, %dma_start3A_88] : memref<80x128xf32, #tpu.memory_space<vmem>> -> memref<80x128xf32, #tpu.memory_space<vmem>>
      %dma_start3A_90 = arith.constant 0 : i32
      %dma_start3A_91 = tpu.memref_slice %arg6[%add3A_86, %dma_start3A_90] : memref<10240x128xf32, #tpu.memory_space<vmem_shared>> -> memref<80x128xf32, #tpu.memory_space<vmem_shared>>
      %dma_start3A_92 = arith.constant 0 : i32
      %dma_start3A_93 = arith.constant 0 : i32
      %dma_start3A_94 = tpu.memref_slice %arg9[%dma_start3A_92, %dma_start3A_93] : memref<80x128xf32, #tpu.memory_space<vmem>> -> memref<80x128xf32, #tpu.memory_space<vmem>>
      %dma_start3A_95 = arith.constant 0 : i32
      %dma_start3A_96 = tpu.memref_slice %arg6[%add3A_86, %dma_start3A_95] : memref<10240x128xf32, #tpu.memory_space<vmem_shared>> -> memref<80x128xf32, #tpu.memory_space<vmem_shared>>
      tpu.enqueue_dma source(%dma_start3A_96 : memref<80x128xf32, #tpu.memory_space<vmem_shared>>) target(%dma_start3A_94 : memref<80x128xf32, #tpu.memory_space<vmem>>) target_semaphore(%run_scoped3A : memref<!tpu.dma_semaphore, #tpu.memory_space<semaphore_mem>>)
      %dma_wait3A_97 = arith.constant 0 : i32
      %dma_wait3A_98 = arith.constant 0 : i32
      %dma_wait3A_99 = tpu.memref_slice %arg9[%dma_wait3A_97, %dma_wait3A_98] : memref<80x128xf32, #tpu.memory_space<vmem>> -> memref<80x128xf32, #tpu.memory_space<vmem>>
      %dma_wait3A_100 = arith.constant 0 : i32
      %dma_wait3A_101 = tpu.memref_slice %arg6[%add3A_86, %dma_wait3A_100] : memref<10240x128xf32, #tpu.memory_space<vmem_shared>> -> memref<80x128xf32, #tpu.memory_space<vmem_shared>>
      %dma_wait3A_102 = arith.constant 0 : i32
      %dma_wait3A_103 = arith.constant 0 : i32
      %dma_wait3A_104 = tpu.memref_slice %arg9[%dma_wait3A_102, %dma_wait3A_103] : memref<80x128xf32, #tpu.memory_space<vmem>> -> memref<80x128xf32, #tpu.memory_space<vmem>>
      %dma_wait3A_105 = arith.constant 0 : i32
      %dma_wait3A_106 = tpu.memref_slice %arg6[%add3A_86, %dma_wait3A_105] : memref<10240x128xf32, #tpu.memory_space<vmem_shared>> -> memref<80x128xf32, #tpu.memory_space<vmem_shared>>
      tpu.wait_dma2 semaphore(%run_scoped3A : memref<!tpu.dma_semaphore, #tpu.memory_space<semaphore_mem>>) src(%dma_wait3A_106 : memref<80x128xf32, #tpu.memory_space<vmem_shared>>) dst(%dma_wait3A_104 : memref<80x128xf32, #tpu.memory_space<vmem>>)
      tpu.yield
    }) : () -> ()
    "tpu.region"() ({
      %run_scoped3A = tpu.sem_alloc : memref<!tpu.dma_semaphore, #tpu.memory_space<semaphore_mem>>
      %dma_start3A_87 = arith.constant 0 : i32
      %dma_start3A_88 = arith.constant 0 : i32
      %dma_start3A_89 = tpu.memref_slice %arg9[%dma_start3A_87, %dma_start3A_88] : memref<80x128xf32, #tpu.memory_space<vmem>> -> memref<80x128xf32, #tpu.memory_space<vmem>>
      %dma_start3A_90 = arith.constant 0 : i32
      %dma_start3A_91 = tpu.memref_slice %arg5[%arg0, %add3A_86, %dma_start3A_90] : memref<2x10240x128xf32, #tpu.memory_space<hbm>> -> memref<1x80x128xf32, #tpu.memory_space<hbm>>
      %dma_start3A_92 = tpu.memref_squeeze %dma_start3A_91 : memref<1x80x128xf32, #tpu.memory_space<hbm>> -> memref<80x128xf32, #tpu.memory_space<hbm>>
      %dma_start3A_93 = arith.constant 0 : i32
      %dma_start3A_94 = tpu.memref_slice %arg5[%arg0, %add3A_86, %dma_start3A_93] : memref<2x10240x128xf32, #tpu.memory_space<hbm>> -> memref<1x80x128xf32, #tpu.memory_space<hbm>>
      %dma_start3A_95 = tpu.memref_squeeze %dma_start3A_94 : memref<1x80x128xf32, #tpu.memory_space<hbm>> -> memref<80x128xf32, #tpu.memory_space<hbm>>
      %dma_start3A_96 = arith.constant 0 : i32
      %dma_start3A_97 = arith.constant 0 : i32
      %dma_start3A_98 = tpu.memref_slice %arg9[%dma_start3A_96, %dma_start3A_97] : memref<80x128xf32, #tpu.memory_space<vmem>> -> memref<80x128xf32, #tpu.memory_space<vmem>>
      tpu.enqueue_dma source(%dma_start3A_98 : memref<80x128xf32, #tpu.memory_space<vmem>>) target(%dma_start3A_95 : memref<80x128xf32, #tpu.memory_space<hbm>>) target_semaphore(%run_scoped3A : memref<!tpu.dma_semaphore, #tpu.memory_space<semaphore_mem>>)
      %dma_wait3A_99 = arith.constant 0 : i32
      %dma_wait3A_100 = arith.constant 0 : i32
      %dma_wait3A_101 = tpu.memref_slice %arg9[%dma_wait3A_99, %dma_wait3A_100] : memref<80x128xf32, #tpu.memory_space<vmem>> -> memref<80x128xf32, #tpu.memory_space<vmem>>
      %dma_wait3A_102 = arith.constant 0 : i32
      %dma_wait3A_103 = tpu.memref_slice %arg5[%arg0, %add3A_86, %dma_wait3A_102] : memref<2x10240x128xf32, #tpu.memory_space<hbm>> -> memref<1x80x128xf32, #tpu.memory_space<hbm>>
      %dma_wait3A_104 = tpu.memref_squeeze %dma_wait3A_103 : memref<1x80x128xf32, #tpu.memory_space<hbm>> -> memref<80x128xf32, #tpu.memory_space<hbm>>
      %dma_wait3A_105 = arith.constant 0 : i32
      %dma_wait3A_106 = tpu.memref_slice %arg5[%arg0, %add3A_86, %dma_wait3A_105] : memref<2x10240x128xf32, #tpu.memory_space<hbm>> -> memref<1x80x128xf32, #tpu.memory_space<hbm>>
      %dma_wait3A_107 = tpu.memref_squeeze %dma_wait3A_106 : memref<1x80x128xf32, #tpu.memory_space<hbm>> -> memref<80x128xf32, #tpu.memory_space<hbm>>
      %dma_wait3A_108 = arith.constant 0 : i32
      %dma_wait3A_109 = arith.constant 0 : i32
      %dma_wait3A_110 = tpu.memref_slice %arg9[%dma_wait3A_108, %dma_wait3A_109] : memref<80x128xf32, #tpu.memory_space<vmem>> -> memref<80x128xf32, #tpu.memory_space<vmem>>
      tpu.wait_dma2 semaphore(%run_scoped3A : memref<!tpu.dma_semaphore, #tpu.memory_space<semaphore_mem>>) src(%dma_wait3A_110 : memref<80x128xf32, #tpu.memory_space<vmem>>) dst(%dma_wait3A_107 : memref<80x128xf32, #tpu.memory_space<hbm>>)
      tpu.yield
    }) : () -> ()
    return
  }
}

#map = affine_map<(d0, d1) -> (0, 0)>
#map1 = affine_map<(d0, d1) -> (0)>
#map2 = affine_map<(d0, d1) -> (0, 0, 0)>
module attributes {stable_mosaic.version = 14 : i64} {
  func.func @_agg_body(%arg0: i32, %arg1: i32, %arg2: memref<10000x128xf32, #tpu.memory_space<hbm>>, %arg3: memref<320000xi32, #tpu.memory_space<hbm>>, %arg4: memref<320000xi32, #tpu.memory_space<hbm>>, %arg5: memref<2x10240x128xf32, #tpu.memory_space<hbm>>, %arg6: memref<10240x128xf32, #tpu.memory_space<vmem_shared>>, %arg7: memref<10000xi32, #tpu.memory_space<vmem>>, %arg8: memref<10000xi32, #tpu.memory_space<vmem>>, %arg9: memref<80x128xf32, #tpu.memory_space<vmem>>, %arg10: memref<80x128xf32, #tpu.memory_space<vmem>>, %arg11: memref<!tpu.dma_semaphore, #tpu.memory_space<semaphore_mem>>, %arg12: memref<!tpu.dma_semaphore, #tpu.memory_space<semaphore_mem>>) attributes {dimension_semantics = [#tpu.dimension_semantics<core_parallel>, #tpu.dimension_semantics<subcore_parallel>], iteration_bounds = array<i64: 2, 16>, scalar_prefetch = 0 : i64, scratch_operands = 7 : i64, tpu.core_type = #tpu.core_type<sc_vector_subcore>, window_params = [{transform_indices = #map}, {transform_indices = #map1}, {transform_indices = #map1}, {transform_indices = #map2}]} {
    %mul3A = arith.constant 16 : i32
    %mul3A_0 = arith.muli %arg0, %mul3A : i32
    %add3A = arith.addi %mul3A_0, %arg1 : i32
    %mul3A_1 = arith.constant 10000 : i32
    %mul3A_2 = arith.muli %add3A, %mul3A_1 : i32
    "tpu.region"() ({
      %run_scoped3A = tpu.sem_alloc : memref<!tpu.dma_semaphore, #tpu.memory_space<semaphore_mem>>
      %dma_start3A_87 = tpu.memref_slice %arg3[%mul3A_2] : memref<320000xi32, #tpu.memory_space<hbm>> -> memref<10000xi32, #tpu.memory_space<hbm>>
      %dma_start3A_88 = tpu.memref_slice %arg3[%mul3A_2] : memref<320000xi32, #tpu.memory_space<hbm>> -> memref<10000xi32, #tpu.memory_space<hbm>>
      tpu.enqueue_dma source(%dma_start3A_88 : memref<10000xi32, #tpu.memory_space<hbm>>) target(%arg7 : memref<10000xi32, #tpu.memory_space<vmem>>) target_semaphore(%run_scoped3A : memref<!tpu.dma_semaphore, #tpu.memory_space<semaphore_mem>>)
      %dma_wait3A_89 = tpu.memref_slice %arg3[%mul3A_2] : memref<320000xi32, #tpu.memory_space<hbm>> -> memref<10000xi32, #tpu.memory_space<hbm>>
      %dma_wait3A_90 = tpu.memref_slice %arg3[%mul3A_2] : memref<320000xi32, #tpu.memory_space<hbm>> -> memref<10000xi32, #tpu.memory_space<hbm>>
      tpu.wait_dma2 semaphore(%run_scoped3A : memref<!tpu.dma_semaphore, #tpu.memory_space<semaphore_mem>>) src(%dma_wait3A_90 : memref<10000xi32, #tpu.memory_space<hbm>>) dst(%arg7 : memref<10000xi32, #tpu.memory_space<vmem>>)
      tpu.yield
    }) : () -> ()
    %mul3A_3 = arith.constant 10000 : i32
    %mul3A_4 = arith.muli %add3A, %mul3A_3 : i32
    "tpu.region"() ({
      %run_scoped3A = tpu.sem_alloc : memref<!tpu.dma_semaphore, #tpu.memory_space<semaphore_mem>>
      %dma_start3A_87 = tpu.memref_slice %arg4[%mul3A_4] : memref<320000xi32, #tpu.memory_space<hbm>> -> memref<10000xi32, #tpu.memory_space<hbm>>
      %dma_start3A_88 = tpu.memref_slice %arg4[%mul3A_4] : memref<320000xi32, #tpu.memory_space<hbm>> -> memref<10000xi32, #tpu.memory_space<hbm>>
      tpu.enqueue_dma source(%dma_start3A_88 : memref<10000xi32, #tpu.memory_space<hbm>>) target(%arg8 : memref<10000xi32, #tpu.memory_space<vmem>>) target_semaphore(%run_scoped3A : memref<!tpu.dma_semaphore, #tpu.memory_space<semaphore_mem>>)
      %dma_wait3A_89 = tpu.memref_slice %arg4[%mul3A_4] : memref<320000xi32, #tpu.memory_space<hbm>> -> memref<10000xi32, #tpu.memory_space<hbm>>
      %dma_wait3A_90 = tpu.memref_slice %arg4[%mul3A_4] : memref<320000xi32, #tpu.memory_space<hbm>> -> memref<10000xi32, #tpu.memory_space<hbm>>
      tpu.wait_dma2 semaphore(%run_scoped3A : memref<!tpu.dma_semaphore, #tpu.memory_space<semaphore_mem>>) src(%dma_wait3A_90 : memref<10000xi32, #tpu.memory_space<hbm>>) dst(%arg8 : memref<10000xi32, #tpu.memory_space<vmem>>)
      tpu.yield
    }) : () -> ()
    %scan3A = arith.constant 0 : i32
    %scan3A_5 = arith.constant 80 : i32
    %scan3A_6 = arith.addi %scan3A, %scan3A_5 : i32
    %scan3A_7 = arith.constant 1 : i32
    scf.for %scan3A_87 = %scan3A to %scan3A_6 step %scan3A_7  : i32 {
      %mul3A_88 = arith.constant 1 : i32
      %mul3A_89 = arith.muli %scan3A_87, %mul3A_88 : i32
      %add3A_90 = arith.constant 0 : i32
      %add3A_91 = arith.addi %add3A_90, %mul3A_89 : i32
      %broadcast_in_dim3A = arith.constant 0.000000e+00 : f32
      %broadcast_in_dim3A_92 = vector.broadcast %broadcast_in_dim3A : f32 to vector<16xf32>
      %swap3A = arith.index_cast %add3A_91 : i32 to index
      %swap3A_93 = arith.constant 0 : index
      %swap3A_94 = tpu.vector_load %arg9[%swap3A, %swap3A_93] {strides = array<i32>} : memref<80x128xf32, #tpu.memory_space<vmem>>, vector<1x16xf32>,
      %swap3A_95 = vector.shape_cast %swap3A_94 : vector<1x16xf32> to vector<16xf32>
      %swap3A_96 = vector.shape_cast %broadcast_in_dim3A_92 : vector<16xf32> to vector<1x16xf32>
      tpu.vector_store %arg9[%swap3A, %swap3A_93], %swap3A_96 {strides = array<i32>} : memref<80x128xf32, #tpu.memory_space<vmem>>, vector<1x16xf32>,
      %broadcast_in_dim3A_97 = arith.constant 0.000000e+00 : f32
      %broadcast_in_dim3A_98 = vector.broadcast %broadcast_in_dim3A_97 : f32 to vector<16xf32>
      %swap3A_99 = arith.index_cast %add3A_91 : i32 to index
      %swap3A_100 = arith.constant 16 : index
      %swap3A_101 = tpu.vector_load %arg9[%swap3A_99, %swap3A_100] {strides = array<i32>} : memref<80x128xf32, #tpu.memory_space<vmem>>, vector<1x16xf32>,
      %swap3A_102 = vector.shape_cast %swap3A_101 : vector<1x16xf32> to vector<16xf32>
      %swap3A_103 = vector.shape_cast %broadcast_in_dim3A_98 : vector<16xf32> to vector<1x16xf32>
      tpu.vector_store %arg9[%swap3A_99, %swap3A_100], %swap3A_103 {strides = array<i32>} : memref<80x128xf32, #tpu.memory_space<vmem>>, vector<1x16xf32>,
      %broadcast_in_dim3A_104 = arith.constant 0.000000e+00 : f32
      %broadcast_in_dim3A_105 = vector.broadcast %broadcast_in_dim3A_104 : f32 to vector<16xf32>
      %swap3A_106 = arith.index_cast %add3A_91 : i32 to index
      %swap3A_107 = arith.constant 32 : index
      %swap3A_108 = tpu.vector_load %arg9[%swap3A_106, %swap3A_107] {strides = array<i32>} : memref<80x128xf32, #tpu.memory_space<vmem>>, vector<1x16xf32>,
      %swap3A_109 = vector.shape_cast %swap3A_108 : vector<1x16xf32> to vector<16xf32>
      %swap3A_110 = vector.shape_cast %broadcast_in_dim3A_105 : vector<16xf32> to vector<1x16xf32>
      tpu.vector_store %arg9[%swap3A_106, %swap3A_107], %swap3A_110 {strides = array<i32>} : memref<80x128xf32, #tpu.memory_space<vmem>>, vector<1x16xf32>,
      %broadcast_in_dim3A_111 = arith.constant 0.000000e+00 : f32
      %broadcast_in_dim3A_112 = vector.broadcast %broadcast_in_dim3A_111 : f32 to vector<16xf32>
      %swap3A_113 = arith.index_cast %add3A_91 : i32 to index
      %swap3A_114 = arith.constant 48 : index
      %swap3A_115 = tpu.vector_load %arg9[%swap3A_113, %swap3A_114] {strides = array<i32>} : memref<80x128xf32, #tpu.memory_space<vmem>>, vector<1x16xf32>,
      %swap3A_116 = vector.shape_cast %swap3A_115 : vector<1x16xf32> to vector<16xf32>
      %swap3A_117 = vector.shape_cast %broadcast_in_dim3A_112 : vector<16xf32> to vector<1x16xf32>
      tpu.vector_store %arg9[%swap3A_113, %swap3A_114], %swap3A_117 {strides = array<i32>} : memref<80x128xf32, #tpu.memory_space<vmem>>, vector<1x16xf32>,
      %broadcast_in_dim3A_118 = arith.constant 0.000000e+00 : f32
      %broadcast_in_dim3A_119 = vector.broadcast %broadcast_in_dim3A_118 : f32 to vector<16xf32>
      %swap3A_120 = arith.index_cast %add3A_91 : i32 to index
      %swap3A_121 = arith.constant 64 : index
      %swap3A_122 = tpu.vector_load %arg9[%swap3A_120, %swap3A_121] {strides = array<i32>} : memref<80x128xf32, #tpu.memory_space<vmem>>, vector<1x16xf32>,
      %swap3A_123 = vector.shape_cast %swap3A_122 : vector<1x16xf32> to vector<16xf32>
      %swap3A_124 = vector.shape_cast %broadcast_in_dim3A_119 : vector<16xf32> to vector<1x16xf32>
      tpu.vector_store %arg9[%swap3A_120, %swap3A_121], %swap3A_124 {strides = array<i32>} : memref<80x128xf32, #tpu.memory_space<vmem>>, vector<1x16xf32>,
      %broadcast_in_dim3A_125 = arith.constant 0.000000e+00 : f32
      %broadcast_in_dim3A_126 = vector.broadcast %broadcast_in_dim3A_125 : f32 to vector<16xf32>
      %swap3A_127 = arith.index_cast %add3A_91 : i32 to index
      %swap3A_128 = arith.constant 80 : index
      %swap3A_129 = tpu.vector_load %arg9[%swap3A_127, %swap3A_128] {strides = array<i32>} : memref<80x128xf32, #tpu.memory_space<vmem>>, vector<1x16xf32>,
      %swap3A_130 = vector.shape_cast %swap3A_129 : vector<1x16xf32> to vector<16xf32>
      %swap3A_131 = vector.shape_cast %broadcast_in_dim3A_126 : vector<16xf32> to vector<1x16xf32>
      tpu.vector_store %arg9[%swap3A_127, %swap3A_128], %swap3A_131 {strides = array<i32>} : memref<80x128xf32, #tpu.memory_space<vmem>>, vector<1x16xf32>,
      %broadcast_in_dim3A_132 = arith.constant 0.000000e+00 : f32
      %broadcast_in_dim3A_133 = vector.broadcast %broadcast_in_dim3A_132 : f32 to vector<16xf32>
      %swap3A_134 = arith.index_cast %add3A_91 : i32 to index
      %swap3A_135 = arith.constant 96 : index
      %swap3A_136 = tpu.vector_load %arg9[%swap3A_134, %swap3A_135] {strides = array<i32>} : memref<80x128xf32, #tpu.memory_space<vmem>>, vector<1x16xf32>,
      %swap3A_137 = vector.shape_cast %swap3A_136 : vector<1x16xf32> to vector<16xf32>
      %swap3A_138 = vector.shape_cast %broadcast_in_dim3A_133 : vector<16xf32> to vector<1x16xf32>
      tpu.vector_store %arg9[%swap3A_134, %swap3A_135], %swap3A_138 {strides = array<i32>} : memref<80x128xf32, #tpu.memory_space<vmem>>, vector<1x16xf32>,
      %broadcast_in_dim3A_139 = arith.constant 0.000000e+00 : f32
      %broadcast_in_dim3A_140 = vector.broadcast %broadcast_in_dim3A_139 : f32 to vector<16xf32>
      %swap3A_141 = arith.index_cast %add3A_91 : i32 to index
      %swap3A_142 = arith.constant 112 : index
      %swap3A_143 = tpu.vector_load %arg9[%swap3A_141, %swap3A_142] {strides = array<i32>} : memref<80x128xf32, #tpu.memory_space<vmem>>, vector<1x16xf32>,
      %swap3A_144 = vector.shape_cast %swap3A_143 : vector<1x16xf32> to vector<16xf32>
      %swap3A_145 = vector.shape_cast %broadcast_in_dim3A_140 : vector<16xf32> to vector<1x16xf32>
      tpu.vector_store %arg9[%swap3A_141, %swap3A_142], %swap3A_145 {strides = array<i32>} : memref<80x128xf32, #tpu.memory_space<vmem>>, vector<1x16xf32>,
    }
    %scan3A_8 = arith.constant 80 : i32
    %mul3A_9 = arith.constant 640 : i32
    %mul3A_10 = arith.muli %arg1, %mul3A_9 : i32
    %add3A_11 = arith.constant 0 : i32
    %add3A_12 = arith.addi %mul3A_10, %add3A_11 : i32
    "tpu.region"() ({
      %run_scoped3A = tpu.sem_alloc : memref<!tpu.dma_semaphore, #tpu.memory_space<semaphore_mem>>
      %dma_start3A_87 = arith.constant 0 : i32
      %dma_start3A_88 = arith.constant 0 : i32
      %dma_start3A_89 = tpu.memref_slice %arg9[%dma_start3A_87, %dma_start3A_88] : memref<80x128xf32, #tpu.memory_space<vmem>> -> memref<80x128xf32, #tpu.memory_space<vmem>>
      %dma_start3A_90 = arith.constant 0 : i32
      %dma_start3A_91 = tpu.memref_slice %arg6[%add3A_12, %dma_start3A_90] : memref<10240x128xf32, #tpu.memory_space<vmem_shared>> -> memref<80x128xf32, #tpu.memory_space<vmem_shared>>
      %dma_start3A_92 = arith.constant 0 : i32
      %dma_start3A_93 = tpu.memref_slice %arg6[%add3A_12, %dma_start3A_92] : memref<10240x128xf32, #tpu.memory_space<vmem_shared>> -> memref<80x128xf32, #tpu.memory_space<vmem_shared>>
      %dma_start3A_94 = arith.constant 0 : i32
      %dma_start3A_95 = arith.constant 0 : i32
      %dma_start3A_96 = tpu.memref_slice %arg9[%dma_start3A_94, %dma_start3A_95] : memref<80x128xf32, #tpu.memory_space<vmem>> -> memref<80x128xf32, #tpu.memory_space<vmem>>
      tpu.enqueue_dma source(%dma_start3A_96 : memref<80x128xf32, #tpu.memory_space<vmem>>) target(%dma_start3A_93 : memref<80x128xf32, #tpu.memory_space<vmem_shared>>) target_semaphore(%run_scoped3A : memref<!tpu.dma_semaphore, #tpu.memory_space<semaphore_mem>>)
      %dma_wait3A_97 = arith.constant 0 : i32
      %dma_wait3A_98 = arith.constant 0 : i32
      %dma_wait3A_99 = tpu.memref_slice %arg9[%dma_wait3A_97, %dma_wait3A_98] : memref<80x128xf32, #tpu.memory_space<vmem>> -> memref<80x128xf32, #tpu.memory_space<vmem>>
      %dma_wait3A_100 = arith.constant 0 : i32
      %dma_wait3A_101 = tpu.memref_slice %arg6[%add3A_12, %dma_wait3A_100] : memref<10240x128xf32, #tpu.memory_space<vmem_shared>> -> memref<80x128xf32, #tpu.memory_space<vmem_shared>>
      %dma_wait3A_102 = arith.constant 0 : i32
      %dma_wait3A_103 = tpu.memref_slice %arg6[%add3A_12, %dma_wait3A_102] : memref<10240x128xf32, #tpu.memory_space<vmem_shared>> -> memref<80x128xf32, #tpu.memory_space<vmem_shared>>
      %dma_wait3A_104 = arith.constant 0 : i32
      %dma_wait3A_105 = arith.constant 0 : i32
      %dma_wait3A_106 = tpu.memref_slice %arg9[%dma_wait3A_104, %dma_wait3A_105] : memref<80x128xf32, #tpu.memory_space<vmem>> -> memref<80x128xf32, #tpu.memory_space<vmem>>
      tpu.wait_dma2 semaphore(%run_scoped3A : memref<!tpu.dma_semaphore, #tpu.memory_space<semaphore_mem>>) src(%dma_wait3A_106 : memref<80x128xf32, #tpu.memory_space<vmem>>) dst(%dma_wait3A_103 : memref<80x128xf32, #tpu.memory_space<vmem_shared>>)
      tpu.yield
    }) : () -> ()
    %mul3A_13 = arith.constant 640 : i32
    %mul3A_14 = arith.muli %arg1, %mul3A_13 : i32
    %add3A_15 = arith.constant 80 : i32
    %add3A_16 = arith.addi %mul3A_14, %add3A_15 : i32
    "tpu.region"() ({
      %run_scoped3A = tpu.sem_alloc : memref<!tpu.dma_semaphore, #tpu.memory_space<semaphore_mem>>
      %dma_start3A_87 = arith.constant 0 : i32
      %dma_start3A_88 = arith.constant 0 : i32
      %dma_start3A_89 = tpu.memref_slice %arg9[%dma_start3A_87, %dma_start3A_88] : memref<80x128xf32, #tpu.memory_space<vmem>> -> memref<80x128xf32, #tpu.memory_space<vmem>>
      %dma_start3A_90 = arith.constant 0 : i32
      %dma_start3A_91 = tpu.memref_slice %arg6[%add3A_16, %dma_start3A_90] : memref<10240x128xf32, #tpu.memory_space<vmem_shared>> -> memref<80x128xf32, #tpu.memory_space<vmem_shared>>
      %dma_start3A_92 = arith.constant 0 : i32
      %dma_start3A_93 = tpu.memref_slice %arg6[%add3A_16, %dma_start3A_92] : memref<10240x128xf32, #tpu.memory_space<vmem_shared>> -> memref<80x128xf32, #tpu.memory_space<vmem_shared>>
      %dma_start3A_94 = arith.constant 0 : i32
      %dma_start3A_95 = arith.constant 0 : i32
      %dma_start3A_96 = tpu.memref_slice %arg9[%dma_start3A_94, %dma_start3A_95] : memref<80x128xf32, #tpu.memory_space<vmem>> -> memref<80x128xf32, #tpu.memory_space<vmem>>
      tpu.enqueue_dma source(%dma_start3A_96 : memref<80x128xf32, #tpu.memory_space<vmem>>) target(%dma_start3A_93 : memref<80x128xf32, #tpu.memory_space<vmem_shared>>) target_semaphore(%run_scoped3A : memref<!tpu.dma_semaphore, #tpu.memory_space<semaphore_mem>>)
      %dma_wait3A_97 = arith.constant 0 : i32
      %dma_wait3A_98 = arith.constant 0 : i32
      %dma_wait3A_99 = tpu.memref_slice %arg9[%dma_wait3A_97, %dma_wait3A_98] : memref<80x128xf32, #tpu.memory_space<vmem>> -> memref<80x128xf32, #tpu.memory_space<vmem>>
      %dma_wait3A_100 = arith.constant 0 : i32
      %dma_wait3A_101 = tpu.memref_slice %arg6[%add3A_16, %dma_wait3A_100] : memref<10240x128xf32, #tpu.memory_space<vmem_shared>> -> memref<80x128xf32, #tpu.memory_space<vmem_shared>>
      %dma_wait3A_102 = arith.constant 0 : i32
      %dma_wait3A_103 = tpu.memref_slice %arg6[%add3A_16, %dma_wait3A_102] : memref<10240x128xf32, #tpu.memory_space<vmem_shared>> -> memref<80x128xf32, #tpu.memory_space<vmem_shared>>
      %dma_wait3A_104 = arith.constant 0 : i32
      %dma_wait3A_105 = arith.constant 0 : i32
      %dma_wait3A_106 = tpu.memref_slice %arg9[%dma_wait3A_104, %dma_wait3A_105] : memref<80x128xf32, #tpu.memory_space<vmem>> -> memref<80x128xf32, #tpu.memory_space<vmem>>
      tpu.wait_dma2 semaphore(%run_scoped3A : memref<!tpu.dma_semaphore, #tpu.memory_space<semaphore_mem>>) src(%dma_wait3A_106 : memref<80x128xf32, #tpu.memory_space<vmem>>) dst(%dma_wait3A_103 : memref<80x128xf32, #tpu.memory_space<vmem_shared>>)
      tpu.yield
    }) : () -> ()
    %mul3A_17 = arith.constant 640 : i32
    %mul3A_18 = arith.muli %arg1, %mul3A_17 : i32
    %add3A_19 = arith.constant 160 : i32
    %add3A_20 = arith.addi %mul3A_18, %add3A_19 : i32
    "tpu.region"() ({
      %run_scoped3A = tpu.sem_alloc : memref<!tpu.dma_semaphore, #tpu.memory_space<semaphore_mem>>
      %dma_start3A_87 = arith.constant 0 : i32
      %dma_start3A_88 = arith.constant 0 : i32
      %dma_start3A_89 = tpu.memref_slice %arg9[%dma_start3A_87, %dma_start3A_88] : memref<80x128xf32, #tpu.memory_space<vmem>> -> memref<80x128xf32, #tpu.memory_space<vmem>>
      %dma_start3A_90 = arith.constant 0 : i32
      %dma_start3A_91 = tpu.memref_slice %arg6[%add3A_20, %dma_start3A_90] : memref<10240x128xf32, #tpu.memory_space<vmem_shared>> -> memref<80x128xf32, #tpu.memory_space<vmem_shared>>
      %dma_start3A_92 = arith.constant 0 : i32
      %dma_start3A_93 = tpu.memref_slice %arg6[%add3A_20, %dma_start3A_92] : memref<10240x128xf32, #tpu.memory_space<vmem_shared>> -> memref<80x128xf32, #tpu.memory_space<vmem_shared>>
      %dma_start3A_94 = arith.constant 0 : i32
      %dma_start3A_95 = arith.constant 0 : i32
      %dma_start3A_96 = tpu.memref_slice %arg9[%dma_start3A_94, %dma_start3A_95] : memref<80x128xf32, #tpu.memory_space<vmem>> -> memref<80x128xf32, #tpu.memory_space<vmem>>
      tpu.enqueue_dma source(%dma_start3A_96 : memref<80x128xf32, #tpu.memory_space<vmem>>) target(%dma_start3A_93 : memref<80x128xf32, #tpu.memory_space<vmem_shared>>) target_semaphore(%run_scoped3A : memref<!tpu.dma_semaphore, #tpu.memory_space<semaphore_mem>>)
      %dma_wait3A_97 = arith.constant 0 : i32
      %dma_wait3A_98 = arith.constant 0 : i32
      %dma_wait3A_99 = tpu.memref_slice %arg9[%dma_wait3A_97, %dma_wait3A_98] : memref<80x128xf32, #tpu.memory_space<vmem>> -> memref<80x128xf32, #tpu.memory_space<vmem>>
      %dma_wait3A_100 = arith.constant 0 : i32
      %dma_wait3A_101 = tpu.memref_slice %arg6[%add3A_20, %dma_wait3A_100] : memref<10240x128xf32, #tpu.memory_space<vmem_shared>> -> memref<80x128xf32, #tpu.memory_space<vmem_shared>>
      %dma_wait3A_102 = arith.constant 0 : i32
      %dma_wait3A_103 = tpu.memref_slice %arg6[%add3A_20, %dma_wait3A_102] : memref<10240x128xf32, #tpu.memory_space<vmem_shared>> -> memref<80x128xf32, #tpu.memory_space<vmem_shared>>
      %dma_wait3A_104 = arith.constant 0 : i32
      %dma_wait3A_105 = arith.constant 0 : i32
      %dma_wait3A_106 = tpu.memref_slice %arg9[%dma_wait3A_104, %dma_wait3A_105] : memref<80x128xf32, #tpu.memory_space<vmem>> -> memref<80x128xf32, #tpu.memory_space<vmem>>
      tpu.wait_dma2 semaphore(%run_scoped3A : memref<!tpu.dma_semaphore, #tpu.memory_space<semaphore_mem>>) src(%dma_wait3A_106 : memref<80x128xf32, #tpu.memory_space<vmem>>) dst(%dma_wait3A_103 : memref<80x128xf32, #tpu.memory_space<vmem_shared>>)
      tpu.yield
    }) : () -> ()
    %mul3A_21 = arith.constant 640 : i32
    %mul3A_22 = arith.muli %arg1, %mul3A_21 : i32
    %add3A_23 = arith.constant 240 : i32
    %add3A_24 = arith.addi %mul3A_22, %add3A_23 : i32
    "tpu.region"() ({
      %run_scoped3A = tpu.sem_alloc : memref<!tpu.dma_semaphore, #tpu.memory_space<semaphore_mem>>
      %dma_start3A_87 = arith.constant 0 : i32
      %dma_start3A_88 = arith.constant 0 : i32
      %dma_start3A_89 = tpu.memref_slice %arg9[%dma_start3A_87, %dma_start3A_88] : memref<80x128xf32, #tpu.memory_space<vmem>> -> memref<80x128xf32, #tpu.memory_space<vmem>>
      %dma_start3A_90 = arith.constant 0 : i32
      %dma_start3A_91 = tpu.memref_slice %arg6[%add3A_24, %dma_start3A_90] : memref<10240x128xf32, #tpu.memory_space<vmem_shared>> -> memref<80x128xf32, #tpu.memory_space<vmem_shared>>
      %dma_start3A_92 = arith.constant 0 : i32
      %dma_start3A_93 = tpu.memref_slice %arg6[%add3A_24, %dma_start3A_92] : memref<10240x128xf32, #tpu.memory_space<vmem_shared>> -> memref<80x128xf32, #tpu.memory_space<vmem_shared>>
      %dma_start3A_94 = arith.constant 0 : i32
      %dma_start3A_95 = arith.constant 0 : i32
      %dma_start3A_96 = tpu.memref_slice %arg9[%dma_start3A_94, %dma_start3A_95] : memref<80x128xf32, #tpu.memory_space<vmem>> -> memref<80x128xf32, #tpu.memory_space<vmem>>
      tpu.enqueue_dma source(%dma_start3A_96 : memref<80x128xf32, #tpu.memory_space<vmem>>) target(%dma_start3A_93 : memref<80x128xf32, #tpu.memory_space<vmem_shared>>) target_semaphore(%run_scoped3A : memref<!tpu.dma_semaphore, #tpu.memory_space<semaphore_mem>>)
      %dma_wait3A_97 = arith.constant 0 : i32
      %dma_wait3A_98 = arith.constant 0 : i32
      %dma_wait3A_99 = tpu.memref_slice %arg9[%dma_wait3A_97, %dma_wait3A_98] : memref<80x128xf32, #tpu.memory_space<vmem>> -> memref<80x128xf32, #tpu.memory_space<vmem>>
      %dma_wait3A_100 = arith.constant 0 : i32
      %dma_wait3A_101 = tpu.memref_slice %arg6[%add3A_24, %dma_wait3A_100] : memref<10240x128xf32, #tpu.memory_space<vmem_shared>> -> memref<80x128xf32, #tpu.memory_space<vmem_shared>>
      %dma_wait3A_102 = arith.constant 0 : i32
      %dma_wait3A_103 = tpu.memref_slice %arg6[%add3A_24, %dma_wait3A_102] : memref<10240x128xf32, #tpu.memory_space<vmem_shared>> -> memref<80x128xf32, #tpu.memory_space<vmem_shared>>
      %dma_wait3A_104 = arith.constant 0 : i32
      %dma_wait3A_105 = arith.constant 0 : i32
      %dma_wait3A_106 = tpu.memref_slice %arg9[%dma_wait3A_104, %dma_wait3A_105] : memref<80x128xf32, #tpu.memory_space<vmem>> -> memref<80x128xf32, #tpu.memory_space<vmem>>
      tpu.wait_dma2 semaphore(%run_scoped3A : memref<!tpu.dma_semaphore, #tpu.memory_space<semaphore_mem>>) src(%dma_wait3A_106 : memref<80x128xf32, #tpu.memory_space<vmem>>) dst(%dma_wait3A_103 : memref<80x128xf32, #tpu.memory_space<vmem_shared>>)
      tpu.yield
    }) : () -> ()
    %mul3A_25 = arith.constant 640 : i32
    %mul3A_26 = arith.muli %arg1, %mul3A_25 : i32
    %add3A_27 = arith.constant 320 : i32
    %add3A_28 = arith.addi %mul3A_26, %add3A_27 : i32
    "tpu.region"() ({
      %run_scoped3A = tpu.sem_alloc : memref<!tpu.dma_semaphore, #tpu.memory_space<semaphore_mem>>
      %dma_start3A_87 = arith.constant 0 : i32
      %dma_start3A_88 = arith.constant 0 : i32
      %dma_start3A_89 = tpu.memref_slice %arg9[%dma_start3A_87, %dma_start3A_88] : memref<80x128xf32, #tpu.memory_space<vmem>> -> memref<80x128xf32, #tpu.memory_space<vmem>>
      %dma_start3A_90 = arith.constant 0 : i32
      %dma_start3A_91 = tpu.memref_slice %arg6[%add3A_28, %dma_start3A_90] : memref<10240x128xf32, #tpu.memory_space<vmem_shared>> -> memref<80x128xf32, #tpu.memory_space<vmem_shared>>
      %dma_start3A_92 = arith.constant 0 : i32
      %dma_start3A_93 = tpu.memref_slice %arg6[%add3A_28, %dma_start3A_92] : memref<10240x128xf32, #tpu.memory_space<vmem_shared>> -> memref<80x128xf32, #tpu.memory_space<vmem_shared>>
      %dma_start3A_94 = arith.constant 0 : i32
      %dma_start3A_95 = arith.constant 0 : i32
      %dma_start3A_96 = tpu.memref_slice %arg9[%dma_start3A_94, %dma_start3A_95] : memref<80x128xf32, #tpu.memory_space<vmem>> -> memref<80x128xf32, #tpu.memory_space<vmem>>
      tpu.enqueue_dma source(%dma_start3A_96 : memref<80x128xf32, #tpu.memory_space<vmem>>) target(%dma_start3A_93 : memref<80x128xf32, #tpu.memory_space<vmem_shared>>) target_semaphore(%run_scoped3A : memref<!tpu.dma_semaphore, #tpu.memory_space<semaphore_mem>>)
      %dma_wait3A_97 = arith.constant 0 : i32
      %dma_wait3A_98 = arith.constant 0 : i32
      %dma_wait3A_99 = tpu.memref_slice %arg9[%dma_wait3A_97, %dma_wait3A_98] : memref<80x128xf32, #tpu.memory_space<vmem>> -> memref<80x128xf32, #tpu.memory_space<vmem>>
      %dma_wait3A_100 = arith.constant 0 : i32
      %dma_wait3A_101 = tpu.memref_slice %arg6[%add3A_28, %dma_wait3A_100] : memref<10240x128xf32, #tpu.memory_space<vmem_shared>> -> memref<80x128xf32, #tpu.memory_space<vmem_shared>>
      %dma_wait3A_102 = arith.constant 0 : i32
      %dma_wait3A_103 = tpu.memref_slice %arg6[%add3A_28, %dma_wait3A_102] : memref<10240x128xf32, #tpu.memory_space<vmem_shared>> -> memref<80x128xf32, #tpu.memory_space<vmem_shared>>
      %dma_wait3A_104 = arith.constant 0 : i32
      %dma_wait3A_105 = arith.constant 0 : i32
      %dma_wait3A_106 = tpu.memref_slice %arg9[%dma_wait3A_104, %dma_wait3A_105] : memref<80x128xf32, #tpu.memory_space<vmem>> -> memref<80x128xf32, #tpu.memory_space<vmem>>
      tpu.wait_dma2 semaphore(%run_scoped3A : memref<!tpu.dma_semaphore, #tpu.memory_space<semaphore_mem>>) src(%dma_wait3A_106 : memref<80x128xf32, #tpu.memory_space<vmem>>) dst(%dma_wait3A_103 : memref<80x128xf32, #tpu.memory_space<vmem_shared>>)
      tpu.yield
    }) : () -> ()
    %mul3A_29 = arith.constant 640 : i32
    %mul3A_30 = arith.muli %arg1, %mul3A_29 : i32
    %add3A_31 = arith.constant 400 : i32
    %add3A_32 = arith.addi %mul3A_30, %add3A_31 : i32
    "tpu.region"() ({
      %run_scoped3A = tpu.sem_alloc : memref<!tpu.dma_semaphore, #tpu.memory_space<semaphore_mem>>
      %dma_start3A_87 = arith.constant 0 : i32
      %dma_start3A_88 = arith.constant 0 : i32
      %dma_start3A_89 = tpu.memref_slice %arg9[%dma_start3A_87, %dma_start3A_88] : memref<80x128xf32, #tpu.memory_space<vmem>> -> memref<80x128xf32, #tpu.memory_space<vmem>>
      %dma_start3A_90 = arith.constant 0 : i32
      %dma_start3A_91 = tpu.memref_slice %arg6[%add3A_32, %dma_start3A_90] : memref<10240x128xf32, #tpu.memory_space<vmem_shared>> -> memref<80x128xf32, #tpu.memory_space<vmem_shared>>
      %dma_start3A_92 = arith.constant 0 : i32
      %dma_start3A_93 = tpu.memref_slice %arg6[%add3A_32, %dma_start3A_92] : memref<10240x128xf32, #tpu.memory_space<vmem_shared>> -> memref<80x128xf32, #tpu.memory_space<vmem_shared>>
      %dma_start3A_94 = arith.constant 0 : i32
      %dma_start3A_95 = arith.constant 0 : i32
      %dma_start3A_96 = tpu.memref_slice %arg9[%dma_start3A_94, %dma_start3A_95] : memref<80x128xf32, #tpu.memory_space<vmem>> -> memref<80x128xf32, #tpu.memory_space<vmem>>
      tpu.enqueue_dma source(%dma_start3A_96 : memref<80x128xf32, #tpu.memory_space<vmem>>) target(%dma_start3A_93 : memref<80x128xf32, #tpu.memory_space<vmem_shared>>) target_semaphore(%run_scoped3A : memref<!tpu.dma_semaphore, #tpu.memory_space<semaphore_mem>>)
      %dma_wait3A_97 = arith.constant 0 : i32
      %dma_wait3A_98 = arith.constant 0 : i32
      %dma_wait3A_99 = tpu.memref_slice %arg9[%dma_wait3A_97, %dma_wait3A_98] : memref<80x128xf32, #tpu.memory_space<vmem>> -> memref<80x128xf32, #tpu.memory_space<vmem>>
      %dma_wait3A_100 = arith.constant 0 : i32
      %dma_wait3A_101 = tpu.memref_slice %arg6[%add3A_32, %dma_wait3A_100] : memref<10240x128xf32, #tpu.memory_space<vmem_shared>> -> memref<80x128xf32, #tpu.memory_space<vmem_shared>>
      %dma_wait3A_102 = arith.constant 0 : i32
      %dma_wait3A_103 = tpu.memref_slice %arg6[%add3A_32, %dma_wait3A_102] : memref<10240x128xf32, #tpu.memory_space<vmem_shared>> -> memref<80x128xf32, #tpu.memory_space<vmem_shared>>
      %dma_wait3A_104 = arith.constant 0 : i32
      %dma_wait3A_105 = arith.constant 0 : i32
      %dma_wait3A_106 = tpu.memref_slice %arg9[%dma_wait3A_104, %dma_wait3A_105] : memref<80x128xf32, #tpu.memory_space<vmem>> -> memref<80x128xf32, #tpu.memory_space<vmem>>
      tpu.wait_dma2 semaphore(%run_scoped3A : memref<!tpu.dma_semaphore, #tpu.memory_space<semaphore_mem>>) src(%dma_wait3A_106 : memref<80x128xf32, #tpu.memory_space<vmem>>) dst(%dma_wait3A_103 : memref<80x128xf32, #tpu.memory_space<vmem_shared>>)
      tpu.yield
    }) : () -> ()
    %mul3A_33 = arith.constant 640 : i32
    %mul3A_34 = arith.muli %arg1, %mul3A_33 : i32
    %add3A_35 = arith.constant 480 : i32
    %add3A_36 = arith.addi %mul3A_34, %add3A_35 : i32
    "tpu.region"() ({
      %run_scoped3A = tpu.sem_alloc : memref<!tpu.dma_semaphore, #tpu.memory_space<semaphore_mem>>
      %dma_start3A_87 = arith.constant 0 : i32
      %dma_start3A_88 = arith.constant 0 : i32
      %dma_start3A_89 = tpu.memref_slice %arg9[%dma_start3A_87, %dma_start3A_88] : memref<80x128xf32, #tpu.memory_space<vmem>> -> memref<80x128xf32, #tpu.memory_space<vmem>>
      %dma_start3A_90 = arith.constant 0 : i32
      %dma_start3A_91 = tpu.memref_slice %arg6[%add3A_36, %dma_start3A_90] : memref<10240x128xf32, #tpu.memory_space<vmem_shared>> -> memref<80x128xf32, #tpu.memory_space<vmem_shared>>
      %dma_start3A_92 = arith.constant 0 : i32
      %dma_start3A_93 = tpu.memref_slice %arg6[%add3A_36, %dma_start3A_92] : memref<10240x128xf32, #tpu.memory_space<vmem_shared>> -> memref<80x128xf32, #tpu.memory_space<vmem_shared>>
      %dma_start3A_94 = arith.constant 0 : i32
      %dma_start3A_95 = arith.constant 0 : i32
      %dma_start3A_96 = tpu.memref_slice %arg9[%dma_start3A_94, %dma_start3A_95] : memref<80x128xf32, #tpu.memory_space<vmem>> -> memref<80x128xf32, #tpu.memory_space<vmem>>
      tpu.enqueue_dma source(%dma_start3A_96 : memref<80x128xf32, #tpu.memory_space<vmem>>) target(%dma_start3A_93 : memref<80x128xf32, #tpu.memory_space<vmem_shared>>) target_semaphore(%run_scoped3A : memref<!tpu.dma_semaphore, #tpu.memory_space<semaphore_mem>>)
      %dma_wait3A_97 = arith.constant 0 : i32
      %dma_wait3A_98 = arith.constant 0 : i32
      %dma_wait3A_99 = tpu.memref_slice %arg9[%dma_wait3A_97, %dma_wait3A_98] : memref<80x128xf32, #tpu.memory_space<vmem>> -> memref<80x128xf32, #tpu.memory_space<vmem>>
      %dma_wait3A_100 = arith.constant 0 : i32
      %dma_wait3A_101 = tpu.memref_slice %arg6[%add3A_36, %dma_wait3A_100] : memref<10240x128xf32, #tpu.memory_space<vmem_shared>> -> memref<80x128xf32, #tpu.memory_space<vmem_shared>>
      %dma_wait3A_102 = arith.constant 0 : i32
      %dma_wait3A_103 = tpu.memref_slice %arg6[%add3A_36, %dma_wait3A_102] : memref<10240x128xf32, #tpu.memory_space<vmem_shared>> -> memref<80x128xf32, #tpu.memory_space<vmem_shared>>
      %dma_wait3A_104 = arith.constant 0 : i32
      %dma_wait3A_105 = arith.constant 0 : i32
      %dma_wait3A_106 = tpu.memref_slice %arg9[%dma_wait3A_104, %dma_wait3A_105] : memref<80x128xf32, #tpu.memory_space<vmem>> -> memref<80x128xf32, #tpu.memory_space<vmem>>
      tpu.wait_dma2 semaphore(%run_scoped3A : memref<!tpu.dma_semaphore, #tpu.memory_space<semaphore_mem>>) src(%dma_wait3A_106 : memref<80x128xf32, #tpu.memory_space<vmem>>) dst(%dma_wait3A_103 : memref<80x128xf32, #tpu.memory_space<vmem_shared>>)
      tpu.yield
    }) : () -> ()
    %mul3A_37 = arith.constant 640 : i32
    %mul3A_38 = arith.muli %arg1, %mul3A_37 : i32
    %add3A_39 = arith.constant 560 : i32
    %add3A_40 = arith.addi %mul3A_38, %add3A_39 : i32
    "tpu.region"() ({
      %run_scoped3A = tpu.sem_alloc : memref<!tpu.dma_semaphore, #tpu.memory_space<semaphore_mem>>
      %dma_start3A_87 = arith.constant 0 : i32
      %dma_start3A_88 = arith.constant 0 : i32
      %dma_start3A_89 = tpu.memref_slice %arg9[%dma_start3A_87, %dma_start3A_88] : memref<80x128xf32, #tpu.memory_space<vmem>> -> memref<80x128xf32, #tpu.memory_space<vmem>>
      %dma_start3A_90 = arith.constant 0 : i32
      %dma_start3A_91 = tpu.memref_slice %arg6[%add3A_40, %dma_start3A_90] : memref<10240x128xf32, #tpu.memory_space<vmem_shared>> -> memref<80x128xf32, #tpu.memory_space<vmem_shared>>
      %dma_start3A_92 = arith.constant 0 : i32
      %dma_start3A_93 = tpu.memref_slice %arg6[%add3A_40, %dma_start3A_92] : memref<10240x128xf32, #tpu.memory_space<vmem_shared>> -> memref<80x128xf32, #tpu.memory_space<vmem_shared>>
      %dma_start3A_94 = arith.constant 0 : i32
      %dma_start3A_95 = arith.constant 0 : i32
      %dma_start3A_96 = tpu.memref_slice %arg9[%dma_start3A_94, %dma_start3A_95] : memref<80x128xf32, #tpu.memory_space<vmem>> -> memref<80x128xf32, #tpu.memory_space<vmem>>
      tpu.enqueue_dma source(%dma_start3A_96 : memref<80x128xf32, #tpu.memory_space<vmem>>) target(%dma_start3A_93 : memref<80x128xf32, #tpu.memory_space<vmem_shared>>) target_semaphore(%run_scoped3A : memref<!tpu.dma_semaphore, #tpu.memory_space<semaphore_mem>>)
      %dma_wait3A_97 = arith.constant 0 : i32
      %dma_wait3A_98 = arith.constant 0 : i32
      %dma_wait3A_99 = tpu.memref_slice %arg9[%dma_wait3A_97, %dma_wait3A_98] : memref<80x128xf32, #tpu.memory_space<vmem>> -> memref<80x128xf32, #tpu.memory_space<vmem>>
      %dma_wait3A_100 = arith.constant 0 : i32
      %dma_wait3A_101 = tpu.memref_slice %arg6[%add3A_40, %dma_wait3A_100] : memref<10240x128xf32, #tpu.memory_space<vmem_shared>> -> memref<80x128xf32, #tpu.memory_space<vmem_shared>>
      %dma_wait3A_102 = arith.constant 0 : i32
      %dma_wait3A_103 = tpu.memref_slice %arg6[%add3A_40, %dma_wait3A_102] : memref<10240x128xf32, #tpu.memory_space<vmem_shared>> -> memref<80x128xf32, #tpu.memory_space<vmem_shared>>
      %dma_wait3A_104 = arith.constant 0 : i32
      %dma_wait3A_105 = arith.constant 0 : i32
      %dma_wait3A_106 = tpu.memref_slice %arg9[%dma_wait3A_104, %dma_wait3A_105] : memref<80x128xf32, #tpu.memory_space<vmem>> -> memref<80x128xf32, #tpu.memory_space<vmem>>
      tpu.wait_dma2 semaphore(%run_scoped3A : memref<!tpu.dma_semaphore, #tpu.memory_space<semaphore_mem>>) src(%dma_wait3A_106 : memref<80x128xf32, #tpu.memory_space<vmem>>) dst(%dma_wait3A_103 : memref<80x128xf32, #tpu.memory_space<vmem_shared>>)
      tpu.yield
    }) : () -> ()
    %barrier3A = arith.constant 0 : index
    tpu.barrier barrier_id(%barrier3A)
    %dma_start3A = arith.constant 0 : i32
    %dma_start3A_41 = tpu.memref_slice %arg7[%dma_start3A] : memref<10000xi32, #tpu.memory_space<vmem>> -> memref<80xi32, #tpu.memory_space<vmem>>
    %dma_start3A_42 = arith.constant 0 : i32
    %dma_start3A_43 = arith.constant 0 : i32
    %dma_start3A_44 = tpu.memref_slice %arg2[%dma_start3A_42, %dma_start3A_43] : memref<10000x128xf32, #tpu.memory_space<hbm>> -> memref<10000x128xf32, #tpu.memory_space<hbm>>
    tpu.enqueue_indirect_dma source(%dma_start3A_44 : memref<10000x128xf32, #tpu.memory_space<hbm>>) target(%arg9 : memref<80x128xf32, #tpu.memory_space<vmem>>) offsets(%dma_start3A_41 : memref<80xi32, #tpu.memory_space<vmem>>) semaphore(%arg11 : memref<!tpu.dma_semaphore, #tpu.memory_space<semaphore_mem>>)
    %scan3A_45 = arith.constant 0 : i32
    %scan3A_46 = arith.constant 62 : i32
    %scan3A_47 = arith.addi %scan3A_45, %scan3A_46 : i32
    %scan3A_48 = arith.constant 1 : i32
    scf.for %scan3A_87 = %scan3A_45 to %scan3A_47 step %scan3A_48  : i32 {
      %mul3A_88 = arith.constant 2 : i32
      %mul3A_89 = arith.muli %scan3A_87, %mul3A_88 : i32
      %add3A_90 = arith.constant 0 : i32
      %add3A_91 = arith.addi %add3A_90, %mul3A_89 : i32
      %add3A_92 = arith.constant 1 : i32
      %add3A_93 = arith.addi %add3A_91, %add3A_92 : i32
      %mul3A_94 = arith.constant 80 : i32
      %mul3A_95 = arith.muli %add3A_93, %mul3A_94 : i32
      %dma_start3A_96 = tpu.memref_slice %arg7[%mul3A_95] : memref<10000xi32, #tpu.memory_space<vmem>> -> memref<80xi32, #tpu.memory_space<vmem>>
      %dma_start3A_97 = arith.constant 0 : i32
      %dma_start3A_98 = arith.constant 0 : i32
      %dma_start3A_99 = tpu.memref_slice %arg2[%dma_start3A_97, %dma_start3A_98] : memref<10000x128xf32, #tpu.memory_space<hbm>> -> memref<10000x128xf32, #tpu.memory_space<hbm>>
      tpu.enqueue_indirect_dma source(%dma_start3A_99 : memref<10000x128xf32, #tpu.memory_space<hbm>>) target(%arg10 : memref<80x128xf32, #tpu.memory_space<vmem>>) offsets(%dma_start3A_96 : memref<80xi32, #tpu.memory_space<vmem>>) semaphore(%arg12 : memref<!tpu.dma_semaphore, #tpu.memory_space<semaphore_mem>>)
      %dma_wait3A_100 = arith.constant 0 : i32
      %dma_wait3A_101 = tpu.memref_slice %arg7[%dma_wait3A_100] : memref<10000xi32, #tpu.memory_space<vmem>> -> memref<80xi32, #tpu.memory_space<vmem>>
      %dma_wait3A_102 = arith.constant 0 : i32
      %dma_wait3A_103 = arith.constant 0 : i32
      %dma_wait3A_104 = tpu.memref_slice %arg2[%dma_wait3A_102, %dma_wait3A_103] : memref<10000x128xf32, #tpu.memory_space<hbm>> -> memref<10000x128xf32, #tpu.memory_space<hbm>>
      tpu.wait_indirect_dma semaphore(%arg11 : memref<!tpu.dma_semaphore, #tpu.memory_space<semaphore_mem>>) src(%dma_wait3A_104 : memref<10000x128xf32, #tpu.memory_space<hbm>>) dst(%arg9 : memref<80x128xf32, #tpu.memory_space<vmem>>)
      %mul3A_105 = arith.constant 80 : i32
      %mul3A_106 = arith.muli %add3A_91, %mul3A_105 : i32
      "tpu.region"() ({
        %run_scoped3A = tpu.sem_alloc : memref<!tpu.dma_semaphore, #tpu.memory_space<semaphore_mem>>
        %dma_start3A_124 = tpu.memref_slice %arg8[%mul3A_106] : memref<10000xi32, #tpu.memory_space<vmem>> -> memref<80xi32, #tpu.memory_space<vmem>>
        %dma_start3A_125 = arith.constant 0 : i32
        %dma_start3A_126 = arith.constant 0 : i32
        %dma_start3A_127 = tpu.memref_slice %arg6[%dma_start3A_125, %dma_start3A_126] : memref<10240x128xf32, #tpu.memory_space<vmem_shared>> -> memref<10240x128xf32, #tpu.memory_space<vmem_shared>>
        tpu.enqueue_indirect_dma source(%arg9 : memref<80x128xf32, #tpu.memory_space<vmem>>) target(%dma_start3A_127 : memref<10240x128xf32, #tpu.memory_space<vmem_shared>>) offsets(%dma_start3A_124 : memref<80xi32, #tpu.memory_space<vmem>>) semaphore(%run_scoped3A : memref<!tpu.dma_semaphore, #tpu.memory_space<semaphore_mem>>) {add = true}
        %dma_wait3A_128 = tpu.memref_slice %arg8[%mul3A_106] : memref<10000xi32, #tpu.memory_space<vmem>> -> memref<80xi32, #tpu.memory_space<vmem>>
        %dma_wait3A_129 = arith.constant 0 : i32
        %dma_wait3A_130 = arith.constant 0 : i32
        %dma_wait3A_131 = tpu.memref_slice %arg6[%dma_wait3A_129, %dma_wait3A_130] : memref<10240x128xf32, #tpu.memory_space<vmem_shared>> -> memref<10240x128xf32, #tpu.memory_space<vmem_shared>>
        tpu.wait_indirect_dma semaphore(%run_scoped3A : memref<!tpu.dma_semaphore, #tpu.memory_space<semaphore_mem>>) src(%arg9 : memref<80x128xf32, #tpu.memory_space<vmem>>) dst(%dma_wait3A_131 : memref<10240x128xf32, #tpu.memory_space<vmem_shared>>)
        tpu.yield
      }) : () -> ()
      %add3A_107 = arith.constant 2 : i32
      %add3A_108 = arith.addi %add3A_91, %add3A_107 : i32
      %mul3A_109 = arith.constant 80 : i32
      %mul3A_110 = arith.muli %add3A_108, %mul3A_109 : i32
      %dma_start3A_111 = tpu.memref_slice %arg7[%mul3A_110] : memref<10000xi32, #tpu.memory_space<vmem>> -> memref<80xi32, #tpu.memory_space<vmem>>
      %dma_start3A_112 = arith.constant 0 : i32
      %dma_start3A_113 = arith.constant 0 : i32
      %dma_start3A_114 = tpu.memref_slice %arg2[%dma_start3A_112, %dma_start3A_113] : memref<10000x128xf32, #tpu.memory_space<hbm>> -> memref<10000x128xf32, #tpu.memory_space<hbm>>
      tpu.enqueue_indirect_dma source(%dma_start3A_114 : memref<10000x128xf32, #tpu.memory_space<hbm>>) target(%arg9 : memref<80x128xf32, #tpu.memory_space<vmem>>) offsets(%dma_start3A_111 : memref<80xi32, #tpu.memory_space<vmem>>) semaphore(%arg11 : memref<!tpu.dma_semaphore, #tpu.memory_space<semaphore_mem>>)
      %dma_wait3A_115 = arith.constant 0 : i32
      %dma_wait3A_116 = tpu.memref_slice %arg7[%dma_wait3A_115] : memref<10000xi32, #tpu.memory_space<vmem>> -> memref<80xi32, #tpu.memory_space<vmem>>
      %dma_wait3A_117 = arith.constant 0 : i32
      %dma_wait3A_118 = arith.constant 0 : i32
      %dma_wait3A_119 = tpu.memref_slice %arg2[%dma_wait3A_117, %dma_wait3A_118] : memref<10000x128xf32, #tpu.memory_space<hbm>> -> memref<10000x128xf32, #tpu.memory_space<hbm>>
      tpu.wait_indirect_dma semaphore(%arg12 : memref<!tpu.dma_semaphore, #tpu.memory_space<semaphore_mem>>) src(%dma_wait3A_119 : memref<10000x128xf32, #tpu.memory_space<hbm>>) dst(%arg10 : memref<80x128xf32, #tpu.memory_space<vmem>>)
      %add3A_120 = arith.constant 1 : i32
      %add3A_121 = arith.addi %add3A_91, %add3A_120 : i32
      %mul3A_122 = arith.constant 80 : i32
      %mul3A_123 = arith.muli %add3A_121, %mul3A_122 : i32
      "tpu.region"() ({
        %run_scoped3A = tpu.sem_alloc : memref<!tpu.dma_semaphore, #tpu.memory_space<semaphore_mem>>
        %dma_start3A_124 = tpu.memref_slice %arg8[%mul3A_123] : memref<10000xi32, #tpu.memory_space<vmem>> -> memref<80xi32, #tpu.memory_space<vmem>>
        %dma_start3A_125 = arith.constant 0 : i32
        %dma_start3A_126 = arith.constant 0 : i32
        %dma_start3A_127 = tpu.memref_slice %arg6[%dma_start3A_125, %dma_start3A_126] : memref<10240x128xf32, #tpu.memory_space<vmem_shared>> -> memref<10240x128xf32, #tpu.memory_space<vmem_shared>>
        tpu.enqueue_indirect_dma source(%arg10 : memref<80x128xf32, #tpu.memory_space<vmem>>) target(%dma_start3A_127 : memref<10240x128xf32, #tpu.memory_space<vmem_shared>>) offsets(%dma_start3A_124 : memref<80xi32, #tpu.memory_space<vmem>>) semaphore(%run_scoped3A : memref<!tpu.dma_semaphore, #tpu.memory_space<semaphore_mem>>) {add = true}
        %dma_wait3A_128 = tpu.memref_slice %arg8[%mul3A_123] : memref<10000xi32, #tpu.memory_space<vmem>> -> memref<80xi32, #tpu.memory_space<vmem>>
        %dma_wait3A_129 = arith.constant 0 : i32
        %dma_wait3A_130 = arith.constant 0 : i32
        %dma_wait3A_131 = tpu.memref_slice %arg6[%dma_wait3A_129, %dma_wait3A_130] : memref<10240x128xf32, #tpu.memory_space<vmem_shared>> -> memref<10240x128xf32, #tpu.memory_space<vmem_shared>>
        tpu.wait_indirect_dma semaphore(%run_scoped3A : memref<!tpu.dma_semaphore, #tpu.memory_space<semaphore_mem>>) src(%arg10 : memref<80x128xf32, #tpu.memory_space<vmem>>) dst(%dma_wait3A_131 : memref<10240x128xf32, #tpu.memory_space<vmem_shared>>)
        tpu.yield
      }) : () -> ()
    }
    %scan3A_49 = arith.constant 62 : i32
    %dma_wait3A = arith.constant 0 : i32
    %dma_wait3A_50 = tpu.memref_slice %arg7[%dma_wait3A] : memref<10000xi32, #tpu.memory_space<vmem>> -> memref<80xi32, #tpu.memory_space<vmem>>
    %dma_wait3A_51 = arith.constant 0 : i32
    %dma_wait3A_52 = arith.constant 0 : i32
    %dma_wait3A_53 = tpu.memref_slice %arg2[%dma_wait3A_51, %dma_wait3A_52] : memref<10000x128xf32, #tpu.memory_space<hbm>> -> memref<10000x128xf32, #tpu.memory_space<hbm>>
    tpu.wait_indirect_dma semaphore(%arg11 : memref<!tpu.dma_semaphore, #tpu.memory_space<semaphore_mem>>) src(%dma_wait3A_53 : memref<10000x128xf32, #tpu.memory_space<hbm>>) dst(%arg9 : memref<80x128xf32, #tpu.memory_space<vmem>>)
    "tpu.region"() ({
      %run_scoped3A = tpu.sem_alloc : memref<!tpu.dma_semaphore, #tpu.memory_space<semaphore_mem>>
      %dma_start3A_87 = arith.constant 9920 : i32
      %dma_start3A_88 = tpu.memref_slice %arg8[%dma_start3A_87] : memref<10000xi32, #tpu.memory_space<vmem>> -> memref<80xi32, #tpu.memory_space<vmem>>
      %dma_start3A_89 = arith.constant 0 : i32
      %dma_start3A_90 = arith.constant 0 : i32
      %dma_start3A_91 = tpu.memref_slice %arg6[%dma_start3A_89, %dma_start3A_90] : memref<10240x128xf32, #tpu.memory_space<vmem_shared>> -> memref<10240x128xf32, #tpu.memory_space<vmem_shared>>
      tpu.enqueue_indirect_dma source(%arg9 : memref<80x128xf32, #tpu.memory_space<vmem>>) target(%dma_start3A_91 : memref<10240x128xf32, #tpu.memory_space<vmem_shared>>) offsets(%dma_start3A_88 : memref<80xi32, #tpu.memory_space<vmem>>) semaphore(%run_scoped3A : memref<!tpu.dma_semaphore, #tpu.memory_space<semaphore_mem>>) {add = true}
      %dma_wait3A_92 = arith.constant 9920 : i32
      %dma_wait3A_93 = tpu.memref_slice %arg8[%dma_wait3A_92] : memref<10000xi32, #tpu.memory_space<vmem>> -> memref<80xi32, #tpu.memory_space<vmem>>
      %dma_wait3A_94 = arith.constant 0 : i32
      %dma_wait3A_95 = arith.constant 0 : i32
      %dma_wait3A_96 = tpu.memref_slice %arg6[%dma_wait3A_94, %dma_wait3A_95] : memref<10240x128xf32, #tpu.memory_space<vmem_shared>> -> memref<10240x128xf32, #tpu.memory_space<vmem_shared>>
      tpu.wait_indirect_dma semaphore(%run_scoped3A : memref<!tpu.dma_semaphore, #tpu.memory_space<semaphore_mem>>) src(%arg9 : memref<80x128xf32, #tpu.memory_space<vmem>>) dst(%dma_wait3A_96 : memref<10240x128xf32, #tpu.memory_space<vmem_shared>>)
      tpu.yield
    }) : () -> ()
    %barrier3A_54 = arith.constant 0 : index
    tpu.barrier barrier_id(%barrier3A_54)
    %mul3A_55 = arith.constant 640 : i32
    %mul3A_56 = arith.muli %arg1, %mul3A_55 : i32
    %add3A_57 = arith.constant 0 : i32
    %add3A_58 = arith.addi %mul3A_56, %add3A_57 : i32
    "tpu.region"() ({
      %run_scoped3A = tpu.sem_alloc : memref<!tpu.dma_semaphore, #tpu.memory_space<semaphore_mem>>
      %dma_start3A_87 = arith.constant 0 : i32
      %dma_start3A_88 = arith.constant 0 : i32
      %dma_start3A_89 = tpu.memref_slice %arg9[%dma_start3A_87, %dma_start3A_88] : memref<80x128xf32, #tpu.memory_space<vmem>> -> memref<80x128xf32, #tpu.memory_space<vmem>>
      %dma_start3A_90 = arith.constant 0 : i32
      %dma_start3A_91 = tpu.memref_slice %arg6[%add3A_58, %dma_start3A_90] : memref<10240x128xf32, #tpu.memory_space<vmem_shared>> -> memref<80x128xf32, #tpu.memory_space<vmem_shared>>
      %dma_start3A_92 = arith.constant 0 : i32
      %dma_start3A_93 = arith.constant 0 : i32
      %dma_start3A_94 = tpu.memref_slice %arg9[%dma_start3A_92, %dma_start3A_93] : memref<80x128xf32, #tpu.memory_space<vmem>> -> memref<80x128xf32, #tpu.memory_space<vmem>>
      %dma_start3A_95 = arith.constant 0 : i32
      %dma_start3A_96 = tpu.memref_slice %arg6[%add3A_58, %dma_start3A_95] : memref<10240x128xf32, #tpu.memory_space<vmem_shared>> -> memref<80x128xf32, #tpu.memory_space<vmem_shared>>
      tpu.enqueue_dma source(%dma_start3A_96 : memref<80x128xf32, #tpu.memory_space<vmem_shared>>) target(%dma_start3A_94 : memref<80x128xf32, #tpu.memory_space<vmem>>) target_semaphore(%run_scoped3A : memref<!tpu.dma_semaphore, #tpu.memory_space<semaphore_mem>>)
      %dma_wait3A_97 = arith.constant 0 : i32
      %dma_wait3A_98 = arith.constant 0 : i32
      %dma_wait3A_99 = tpu.memref_slice %arg9[%dma_wait3A_97, %dma_wait3A_98] : memref<80x128xf32, #tpu.memory_space<vmem>> -> memref<80x128xf32, #tpu.memory_space<vmem>>
      %dma_wait3A_100 = arith.constant 0 : i32
      %dma_wait3A_101 = tpu.memref_slice %arg6[%add3A_58, %dma_wait3A_100] : memref<10240x128xf32, #tpu.memory_space<vmem_shared>> -> memref<80x128xf32, #tpu.memory_space<vmem_shared>>
      %dma_wait3A_102 = arith.constant 0 : i32
      %dma_wait3A_103 = arith.constant 0 : i32
      %dma_wait3A_104 = tpu.memref_slice %arg9[%dma_wait3A_102, %dma_wait3A_103] : memref<80x128xf32, #tpu.memory_space<vmem>> -> memref<80x128xf32, #tpu.memory_space<vmem>>
      %dma_wait3A_105 = arith.constant 0 : i32
      %dma_wait3A_106 = tpu.memref_slice %arg6[%add3A_58, %dma_wait3A_105] : memref<10240x128xf32, #tpu.memory_space<vmem_shared>> -> memref<80x128xf32, #tpu.memory_space<vmem_shared>>
      tpu.wait_dma2 semaphore(%run_scoped3A : memref<!tpu.dma_semaphore, #tpu.memory_space<semaphore_mem>>) src(%dma_wait3A_106 : memref<80x128xf32, #tpu.memory_space<vmem_shared>>) dst(%dma_wait3A_104 : memref<80x128xf32, #tpu.memory_space<vmem>>)
      tpu.yield
    }) : () -> ()
    "tpu.region"() ({
      %run_scoped3A = tpu.sem_alloc : memref<!tpu.dma_semaphore, #tpu.memory_space<semaphore_mem>>
      %dma_start3A_87 = arith.constant 0 : i32
      %dma_start3A_88 = arith.constant 0 : i32
      %dma_start3A_89 = tpu.memref_slice %arg9[%dma_start3A_87, %dma_start3A_88] : memref<80x128xf32, #tpu.memory_space<vmem>> -> memref<80x128xf32, #tpu.memory_space<vmem>>
      %dma_start3A_90 = arith.constant 0 : i32
      %dma_start3A_91 = tpu.memref_slice %arg5[%arg0, %add3A_58, %dma_start3A_90] : memref<2x10240x128xf32, #tpu.memory_space<hbm>> -> memref<1x80x128xf32, #tpu.memory_space<hbm>>
      %dma_start3A_92 = tpu.memref_squeeze %dma_start3A_91 : memref<1x80x128xf32, #tpu.memory_space<hbm>> -> memref<80x128xf32, #tpu.memory_space<hbm>>
      %dma_start3A_93 = arith.constant 0 : i32
      %dma_start3A_94 = tpu.memref_slice %arg5[%arg0, %add3A_58, %dma_start3A_93] : memref<2x10240x128xf32, #tpu.memory_space<hbm>> -> memref<1x80x128xf32, #tpu.memory_space<hbm>>
      %dma_start3A_95 = tpu.memref_squeeze %dma_start3A_94 : memref<1x80x128xf32, #tpu.memory_space<hbm>> -> memref<80x128xf32, #tpu.memory_space<hbm>>
      %dma_start3A_96 = arith.constant 0 : i32
      %dma_start3A_97 = arith.constant 0 : i32
      %dma_start3A_98 = tpu.memref_slice %arg9[%dma_start3A_96, %dma_start3A_97] : memref<80x128xf32, #tpu.memory_space<vmem>> -> memref<80x128xf32, #tpu.memory_space<vmem>>
      tpu.enqueue_dma source(%dma_start3A_98 : memref<80x128xf32, #tpu.memory_space<vmem>>) target(%dma_start3A_95 : memref<80x128xf32, #tpu.memory_space<hbm>>) target_semaphore(%run_scoped3A : memref<!tpu.dma_semaphore, #tpu.memory_space<semaphore_mem>>)
      %dma_wait3A_99 = arith.constant 0 : i32
      %dma_wait3A_100 = arith.constant 0 : i32
      %dma_wait3A_101 = tpu.memref_slice %arg9[%dma_wait3A_99, %dma_wait3A_100] : memref<80x128xf32, #tpu.memory_space<vmem>> -> memref<80x128xf32, #tpu.memory_space<vmem>>
      %dma_wait3A_102 = arith.constant 0 : i32
      %dma_wait3A_103 = tpu.memref_slice %arg5[%arg0, %add3A_58, %dma_wait3A_102] : memref<2x10240x128xf32, #tpu.memory_space<hbm>> -> memref<1x80x128xf32, #tpu.memory_space<hbm>>
      %dma_wait3A_104 = tpu.memref_squeeze %dma_wait3A_103 : memref<1x80x128xf32, #tpu.memory_space<hbm>> -> memref<80x128xf32, #tpu.memory_space<hbm>>
      %dma_wait3A_105 = arith.constant 0 : i32
      %dma_wait3A_106 = tpu.memref_slice %arg5[%arg0, %add3A_58, %dma_wait3A_105] : memref<2x10240x128xf32, #tpu.memory_space<hbm>> -> memref<1x80x128xf32, #tpu.memory_space<hbm>>
      %dma_wait3A_107 = tpu.memref_squeeze %dma_wait3A_106 : memref<1x80x128xf32, #tpu.memory_space<hbm>> -> memref<80x128xf32, #tpu.memory_space<hbm>>
      %dma_wait3A_108 = arith.constant 0 : i32
      %dma_wait3A_109 = arith.constant 0 : i32
      %dma_wait3A_110 = tpu.memref_slice %arg9[%dma_wait3A_108, %dma_wait3A_109] : memref<80x128xf32, #tpu.memory_space<vmem>> -> memref<80x128xf32, #tpu.memory_space<vmem>>
      tpu.wait_dma2 semaphore(%run_scoped3A : memref<!tpu.dma_semaphore, #tpu.memory_space<semaphore_mem>>) src(%dma_wait3A_110 : memref<80x128xf32, #tpu.memory_space<vmem>>) dst(%dma_wait3A_107 : memref<80x128xf32, #tpu.memory_space<hbm>>)
      tpu.yield
    }) : () -> ()
    %mul3A_59 = arith.constant 640 : i32
    %mul3A_60 = arith.muli %arg1, %mul3A_59 : i32
    %add3A_61 = arith.constant 80 : i32
    %add3A_62 = arith.addi %mul3A_60, %add3A_61 : i32
    "tpu.region"() ({
      %run_scoped3A = tpu.sem_alloc : memref<!tpu.dma_semaphore, #tpu.memory_space<semaphore_mem>>
      %dma_start3A_87 = arith.constant 0 : i32
      %dma_start3A_88 = arith.constant 0 : i32
      %dma_start3A_89 = tpu.memref_slice %arg9[%dma_start3A_87, %dma_start3A_88] : memref<80x128xf32, #tpu.memory_space<vmem>> -> memref<80x128xf32, #tpu.memory_space<vmem>>
      %dma_start3A_90 = arith.constant 0 : i32
      %dma_start3A_91 = tpu.memref_slice %arg6[%add3A_62, %dma_start3A_90] : memref<10240x128xf32, #tpu.memory_space<vmem_shared>> -> memref<80x128xf32, #tpu.memory_space<vmem_shared>>
      %dma_start3A_92 = arith.constant 0 : i32
      %dma_start3A_93 = arith.constant 0 : i32
      %dma_start3A_94 = tpu.memref_slice %arg9[%dma_start3A_92, %dma_start3A_93] : memref<80x128xf32, #tpu.memory_space<vmem>> -> memref<80x128xf32, #tpu.memory_space<vmem>>
      %dma_start3A_95 = arith.constant 0 : i32
      %dma_start3A_96 = tpu.memref_slice %arg6[%add3A_62, %dma_start3A_95] : memref<10240x128xf32, #tpu.memory_space<vmem_shared>> -> memref<80x128xf32, #tpu.memory_space<vmem_shared>>
      tpu.enqueue_dma source(%dma_start3A_96 : memref<80x128xf32, #tpu.memory_space<vmem_shared>>) target(%dma_start3A_94 : memref<80x128xf32, #tpu.memory_space<vmem>>) target_semaphore(%run_scoped3A : memref<!tpu.dma_semaphore, #tpu.memory_space<semaphore_mem>>)
      %dma_wait3A_97 = arith.constant 0 : i32
      %dma_wait3A_98 = arith.constant 0 : i32
      %dma_wait3A_99 = tpu.memref_slice %arg9[%dma_wait3A_97, %dma_wait3A_98] : memref<80x128xf32, #tpu.memory_space<vmem>> -> memref<80x128xf32, #tpu.memory_space<vmem>>
      %dma_wait3A_100 = arith.constant 0 : i32
      %dma_wait3A_101 = tpu.memref_slice %arg6[%add3A_62, %dma_wait3A_100] : memref<10240x128xf32, #tpu.memory_space<vmem_shared>> -> memref<80x128xf32, #tpu.memory_space<vmem_shared>>
      %dma_wait3A_102 = arith.constant 0 : i32
      %dma_wait3A_103 = arith.constant 0 : i32
      %dma_wait3A_104 = tpu.memref_slice %arg9[%dma_wait3A_102, %dma_wait3A_103] : memref<80x128xf32, #tpu.memory_space<vmem>> -> memref<80x128xf32, #tpu.memory_space<vmem>>
      %dma_wait3A_105 = arith.constant 0 : i32
      %dma_wait3A_106 = tpu.memref_slice %arg6[%add3A_62, %dma_wait3A_105] : memref<10240x128xf32, #tpu.memory_space<vmem_shared>> -> memref<80x128xf32, #tpu.memory_space<vmem_shared>>
      tpu.wait_dma2 semaphore(%run_scoped3A : memref<!tpu.dma_semaphore, #tpu.memory_space<semaphore_mem>>) src(%dma_wait3A_106 : memref<80x128xf32, #tpu.memory_space<vmem_shared>>) dst(%dma_wait3A_104 : memref<80x128xf32, #tpu.memory_space<vmem>>)
      tpu.yield
    }) : () -> ()
    "tpu.region"() ({
      %run_scoped3A = tpu.sem_alloc : memref<!tpu.dma_semaphore, #tpu.memory_space<semaphore_mem>>
      %dma_start3A_87 = arith.constant 0 : i32
      %dma_start3A_88 = arith.constant 0 : i32
      %dma_start3A_89 = tpu.memref_slice %arg9[%dma_start3A_87, %dma_start3A_88] : memref<80x128xf32, #tpu.memory_space<vmem>> -> memref<80x128xf32, #tpu.memory_space<vmem>>
      %dma_start3A_90 = arith.constant 0 : i32
      %dma_start3A_91 = tpu.memref_slice %arg5[%arg0, %add3A_62, %dma_start3A_90] : memref<2x10240x128xf32, #tpu.memory_space<hbm>> -> memref<1x80x128xf32, #tpu.memory_space<hbm>>
      %dma_start3A_92 = tpu.memref_squeeze %dma_start3A_91 : memref<1x80x128xf32, #tpu.memory_space<hbm>> -> memref<80x128xf32, #tpu.memory_space<hbm>>
      %dma_start3A_93 = arith.constant 0 : i32
      %dma_start3A_94 = tpu.memref_slice %arg5[%arg0, %add3A_62, %dma_start3A_93] : memref<2x10240x128xf32, #tpu.memory_space<hbm>> -> memref<1x80x128xf32, #tpu.memory_space<hbm>>
      %dma_start3A_95 = tpu.memref_squeeze %dma_start3A_94 : memref<1x80x128xf32, #tpu.memory_space<hbm>> -> memref<80x128xf32, #tpu.memory_space<hbm>>
      %dma_start3A_96 = arith.constant 0 : i32
      %dma_start3A_97 = arith.constant 0 : i32
      %dma_start3A_98 = tpu.memref_slice %arg9[%dma_start3A_96, %dma_start3A_97] : memref<80x128xf32, #tpu.memory_space<vmem>> -> memref<80x128xf32, #tpu.memory_space<vmem>>
      tpu.enqueue_dma source(%dma_start3A_98 : memref<80x128xf32, #tpu.memory_space<vmem>>) target(%dma_start3A_95 : memref<80x128xf32, #tpu.memory_space<hbm>>) target_semaphore(%run_scoped3A : memref<!tpu.dma_semaphore, #tpu.memory_space<semaphore_mem>>)
      %dma_wait3A_99 = arith.constant 0 : i32
      %dma_wait3A_100 = arith.constant 0 : i32
      %dma_wait3A_101 = tpu.memref_slice %arg9[%dma_wait3A_99, %dma_wait3A_100] : memref<80x128xf32, #tpu.memory_space<vmem>> -> memref<80x128xf32, #tpu.memory_space<vmem>>
      %dma_wait3A_102 = arith.constant 0 : i32
      %dma_wait3A_103 = tpu.memref_slice %arg5[%arg0, %add3A_62, %dma_wait3A_102] : memref<2x10240x128xf32, #tpu.memory_space<hbm>> -> memref<1x80x128xf32, #tpu.memory_space<hbm>>
      %dma_wait3A_104 = tpu.memref_squeeze %dma_wait3A_103 : memref<1x80x128xf32, #tpu.memory_space<hbm>> -> memref<80x128xf32, #tpu.memory_space<hbm>>
      %dma_wait3A_105 = arith.constant 0 : i32
      %dma_wait3A_106 = tpu.memref_slice %arg5[%arg0, %add3A_62, %dma_wait3A_105] : memref<2x10240x128xf32, #tpu.memory_space<hbm>> -> memref<1x80x128xf32, #tpu.memory_space<hbm>>
      %dma_wait3A_107 = tpu.memref_squeeze %dma_wait3A_106 : memref<1x80x128xf32, #tpu.memory_space<hbm>> -> memref<80x128xf32, #tpu.memory_space<hbm>>
      %dma_wait3A_108 = arith.constant 0 : i32
      %dma_wait3A_109 = arith.constant 0 : i32
      %dma_wait3A_110 = tpu.memref_slice %arg9[%dma_wait3A_108, %dma_wait3A_109] : memref<80x128xf32, #tpu.memory_space<vmem>> -> memref<80x128xf32, #tpu.memory_space<vmem>>
      tpu.wait_dma2 semaphore(%run_scoped3A : memref<!tpu.dma_semaphore, #tpu.memory_space<semaphore_mem>>) src(%dma_wait3A_110 : memref<80x128xf32, #tpu.memory_space<vmem>>) dst(%dma_wait3A_107 : memref<80x128xf32, #tpu.memory_space<hbm>>)
      tpu.yield
    }) : () -> ()
    %mul3A_63 = arith.constant 640 : i32
    %mul3A_64 = arith.muli %arg1, %mul3A_63 : i32
    %add3A_65 = arith.constant 160 : i32
    %add3A_66 = arith.addi %mul3A_64, %add3A_65 : i32
    "tpu.region"() ({
      %run_scoped3A = tpu.sem_alloc : memref<!tpu.dma_semaphore, #tpu.memory_space<semaphore_mem>>
      %dma_start3A_87 = arith.constant 0 : i32
      %dma_start3A_88 = arith.constant 0 : i32
      %dma_start3A_89 = tpu.memref_slice %arg9[%dma_start3A_87, %dma_start3A_88] : memref<80x128xf32, #tpu.memory_space<vmem>> -> memref<80x128xf32, #tpu.memory_space<vmem>>
      %dma_start3A_90 = arith.constant 0 : i32
      %dma_start3A_91 = tpu.memref_slice %arg6[%add3A_66, %dma_start3A_90] : memref<10240x128xf32, #tpu.memory_space<vmem_shared>> -> memref<80x128xf32, #tpu.memory_space<vmem_shared>>
      %dma_start3A_92 = arith.constant 0 : i32
      %dma_start3A_93 = arith.constant 0 : i32
      %dma_start3A_94 = tpu.memref_slice %arg9[%dma_start3A_92, %dma_start3A_93] : memref<80x128xf32, #tpu.memory_space<vmem>> -> memref<80x128xf32, #tpu.memory_space<vmem>>
      %dma_start3A_95 = arith.constant 0 : i32
      %dma_start3A_96 = tpu.memref_slice %arg6[%add3A_66, %dma_start3A_95] : memref<10240x128xf32, #tpu.memory_space<vmem_shared>> -> memref<80x128xf32, #tpu.memory_space<vmem_shared>>
      tpu.enqueue_dma source(%dma_start3A_96 : memref<80x128xf32, #tpu.memory_space<vmem_shared>>) target(%dma_start3A_94 : memref<80x128xf32, #tpu.memory_space<vmem>>) target_semaphore(%run_scoped3A : memref<!tpu.dma_semaphore, #tpu.memory_space<semaphore_mem>>)
      %dma_wait3A_97 = arith.constant 0 : i32
      %dma_wait3A_98 = arith.constant 0 : i32
      %dma_wait3A_99 = tpu.memref_slice %arg9[%dma_wait3A_97, %dma_wait3A_98] : memref<80x128xf32, #tpu.memory_space<vmem>> -> memref<80x128xf32, #tpu.memory_space<vmem>>
      %dma_wait3A_100 = arith.constant 0 : i32
      %dma_wait3A_101 = tpu.memref_slice %arg6[%add3A_66, %dma_wait3A_100] : memref<10240x128xf32, #tpu.memory_space<vmem_shared>> -> memref<80x128xf32, #tpu.memory_space<vmem_shared>>
      %dma_wait3A_102 = arith.constant 0 : i32
      %dma_wait3A_103 = arith.constant 0 : i32
      %dma_wait3A_104 = tpu.memref_slice %arg9[%dma_wait3A_102, %dma_wait3A_103] : memref<80x128xf32, #tpu.memory_space<vmem>> -> memref<80x128xf32, #tpu.memory_space<vmem>>
      %dma_wait3A_105 = arith.constant 0 : i32
      %dma_wait3A_106 = tpu.memref_slice %arg6[%add3A_66, %dma_wait3A_105] : memref<10240x128xf32, #tpu.memory_space<vmem_shared>> -> memref<80x128xf32, #tpu.memory_space<vmem_shared>>
      tpu.wait_dma2 semaphore(%run_scoped3A : memref<!tpu.dma_semaphore, #tpu.memory_space<semaphore_mem>>) src(%dma_wait3A_106 : memref<80x128xf32, #tpu.memory_space<vmem_shared>>) dst(%dma_wait3A_104 : memref<80x128xf32, #tpu.memory_space<vmem>>)
      tpu.yield
    }) : () -> ()
    "tpu.region"() ({
      %run_scoped3A = tpu.sem_alloc : memref<!tpu.dma_semaphore, #tpu.memory_space<semaphore_mem>>
      %dma_start3A_87 = arith.constant 0 : i32
      %dma_start3A_88 = arith.constant 0 : i32
      %dma_start3A_89 = tpu.memref_slice %arg9[%dma_start3A_87, %dma_start3A_88] : memref<80x128xf32, #tpu.memory_space<vmem>> -> memref<80x128xf32, #tpu.memory_space<vmem>>
      %dma_start3A_90 = arith.constant 0 : i32
      %dma_start3A_91 = tpu.memref_slice %arg5[%arg0, %add3A_66, %dma_start3A_90] : memref<2x10240x128xf32, #tpu.memory_space<hbm>> -> memref<1x80x128xf32, #tpu.memory_space<hbm>>
      %dma_start3A_92 = tpu.memref_squeeze %dma_start3A_91 : memref<1x80x128xf32, #tpu.memory_space<hbm>> -> memref<80x128xf32, #tpu.memory_space<hbm>>
      %dma_start3A_93 = arith.constant 0 : i32
      %dma_start3A_94 = tpu.memref_slice %arg5[%arg0, %add3A_66, %dma_start3A_93] : memref<2x10240x128xf32, #tpu.memory_space<hbm>> -> memref<1x80x128xf32, #tpu.memory_space<hbm>>
      %dma_start3A_95 = tpu.memref_squeeze %dma_start3A_94 : memref<1x80x128xf32, #tpu.memory_space<hbm>> -> memref<80x128xf32, #tpu.memory_space<hbm>>
      %dma_start3A_96 = arith.constant 0 : i32
      %dma_start3A_97 = arith.constant 0 : i32
      %dma_start3A_98 = tpu.memref_slice %arg9[%dma_start3A_96, %dma_start3A_97] : memref<80x128xf32, #tpu.memory_space<vmem>> -> memref<80x128xf32, #tpu.memory_space<vmem>>
      tpu.enqueue_dma source(%dma_start3A_98 : memref<80x128xf32, #tpu.memory_space<vmem>>) target(%dma_start3A_95 : memref<80x128xf32, #tpu.memory_space<hbm>>) target_semaphore(%run_scoped3A : memref<!tpu.dma_semaphore, #tpu.memory_space<semaphore_mem>>)
      %dma_wait3A_99 = arith.constant 0 : i32
      %dma_wait3A_100 = arith.constant 0 : i32
      %dma_wait3A_101 = tpu.memref_slice %arg9[%dma_wait3A_99, %dma_wait3A_100] : memref<80x128xf32, #tpu.memory_space<vmem>> -> memref<80x128xf32, #tpu.memory_space<vmem>>
      %dma_wait3A_102 = arith.constant 0 : i32
      %dma_wait3A_103 = tpu.memref_slice %arg5[%arg0, %add3A_66, %dma_wait3A_102] : memref<2x10240x128xf32, #tpu.memory_space<hbm>> -> memref<1x80x128xf32, #tpu.memory_space<hbm>>
      %dma_wait3A_104 = tpu.memref_squeeze %dma_wait3A_103 : memref<1x80x128xf32, #tpu.memory_space<hbm>> -> memref<80x128xf32, #tpu.memory_space<hbm>>
      %dma_wait3A_105 = arith.constant 0 : i32
      %dma_wait3A_106 = tpu.memref_slice %arg5[%arg0, %add3A_66, %dma_wait3A_105] : memref<2x10240x128xf32, #tpu.memory_space<hbm>> -> memref<1x80x128xf32, #tpu.memory_space<hbm>>
      %dma_wait3A_107 = tpu.memref_squeeze %dma_wait3A_106 : memref<1x80x128xf32, #tpu.memory_space<hbm>> -> memref<80x128xf32, #tpu.memory_space<hbm>>
      %dma_wait3A_108 = arith.constant 0 : i32
      %dma_wait3A_109 = arith.constant 0 : i32
      %dma_wait3A_110 = tpu.memref_slice %arg9[%dma_wait3A_108, %dma_wait3A_109] : memref<80x128xf32, #tpu.memory_space<vmem>> -> memref<80x128xf32, #tpu.memory_space<vmem>>
      tpu.wait_dma2 semaphore(%run_scoped3A : memref<!tpu.dma_semaphore, #tpu.memory_space<semaphore_mem>>) src(%dma_wait3A_110 : memref<80x128xf32, #tpu.memory_space<vmem>>) dst(%dma_wait3A_107 : memref<80x128xf32, #tpu.memory_space<hbm>>)
      tpu.yield
    }) : () -> ()
    %mul3A_67 = arith.constant 640 : i32
    %mul3A_68 = arith.muli %arg1, %mul3A_67 : i32
    %add3A_69 = arith.constant 240 : i32
    %add3A_70 = arith.addi %mul3A_68, %add3A_69 : i32
    "tpu.region"() ({
      %run_scoped3A = tpu.sem_alloc : memref<!tpu.dma_semaphore, #tpu.memory_space<semaphore_mem>>
      %dma_start3A_87 = arith.constant 0 : i32
      %dma_start3A_88 = arith.constant 0 : i32
      %dma_start3A_89 = tpu.memref_slice %arg9[%dma_start3A_87, %dma_start3A_88] : memref<80x128xf32, #tpu.memory_space<vmem>> -> memref<80x128xf32, #tpu.memory_space<vmem>>
      %dma_start3A_90 = arith.constant 0 : i32
      %dma_start3A_91 = tpu.memref_slice %arg6[%add3A_70, %dma_start3A_90] : memref<10240x128xf32, #tpu.memory_space<vmem_shared>> -> memref<80x128xf32, #tpu.memory_space<vmem_shared>>
      %dma_start3A_92 = arith.constant 0 : i32
      %dma_start3A_93 = arith.constant 0 : i32
      %dma_start3A_94 = tpu.memref_slice %arg9[%dma_start3A_92, %dma_start3A_93] : memref<80x128xf32, #tpu.memory_space<vmem>> -> memref<80x128xf32, #tpu.memory_space<vmem>>
      %dma_start3A_95 = arith.constant 0 : i32
      %dma_start3A_96 = tpu.memref_slice %arg6[%add3A_70, %dma_start3A_95] : memref<10240x128xf32, #tpu.memory_space<vmem_shared>> -> memref<80x128xf32, #tpu.memory_space<vmem_shared>>
      tpu.enqueue_dma source(%dma_start3A_96 : memref<80x128xf32, #tpu.memory_space<vmem_shared>>) target(%dma_start3A_94 : memref<80x128xf32, #tpu.memory_space<vmem>>) target_semaphore(%run_scoped3A : memref<!tpu.dma_semaphore, #tpu.memory_space<semaphore_mem>>)
      %dma_wait3A_97 = arith.constant 0 : i32
      %dma_wait3A_98 = arith.constant 0 : i32
      %dma_wait3A_99 = tpu.memref_slice %arg9[%dma_wait3A_97, %dma_wait3A_98] : memref<80x128xf32, #tpu.memory_space<vmem>> -> memref<80x128xf32, #tpu.memory_space<vmem>>
      %dma_wait3A_100 = arith.constant 0 : i32
      %dma_wait3A_101 = tpu.memref_slice %arg6[%add3A_70, %dma_wait3A_100] : memref<10240x128xf32, #tpu.memory_space<vmem_shared>> -> memref<80x128xf32, #tpu.memory_space<vmem_shared>>
      %dma_wait3A_102 = arith.constant 0 : i32
      %dma_wait3A_103 = arith.constant 0 : i32
      %dma_wait3A_104 = tpu.memref_slice %arg9[%dma_wait3A_102, %dma_wait3A_103] : memref<80x128xf32, #tpu.memory_space<vmem>> -> memref<80x128xf32, #tpu.memory_space<vmem>>
      %dma_wait3A_105 = arith.constant 0 : i32
      %dma_wait3A_106 = tpu.memref_slice %arg6[%add3A_70, %dma_wait3A_105] : memref<10240x128xf32, #tpu.memory_space<vmem_shared>> -> memref<80x128xf32, #tpu.memory_space<vmem_shared>>
      tpu.wait_dma2 semaphore(%run_scoped3A : memref<!tpu.dma_semaphore, #tpu.memory_space<semaphore_mem>>) src(%dma_wait3A_106 : memref<80x128xf32, #tpu.memory_space<vmem_shared>>) dst(%dma_wait3A_104 : memref<80x128xf32, #tpu.memory_space<vmem>>)
      tpu.yield
    }) : () -> ()
    "tpu.region"() ({
      %run_scoped3A = tpu.sem_alloc : memref<!tpu.dma_semaphore, #tpu.memory_space<semaphore_mem>>
      %dma_start3A_87 = arith.constant 0 : i32
      %dma_start3A_88 = arith.constant 0 : i32
      %dma_start3A_89 = tpu.memref_slice %arg9[%dma_start3A_87, %dma_start3A_88] : memref<80x128xf32, #tpu.memory_space<vmem>> -> memref<80x128xf32, #tpu.memory_space<vmem>>
      %dma_start3A_90 = arith.constant 0 : i32
      %dma_start3A_91 = tpu.memref_slice %arg5[%arg0, %add3A_70, %dma_start3A_90] : memref<2x10240x128xf32, #tpu.memory_space<hbm>> -> memref<1x80x128xf32, #tpu.memory_space<hbm>>
      %dma_start3A_92 = tpu.memref_squeeze %dma_start3A_91 : memref<1x80x128xf32, #tpu.memory_space<hbm>> -> memref<80x128xf32, #tpu.memory_space<hbm>>
      %dma_start3A_93 = arith.constant 0 : i32
      %dma_start3A_94 = tpu.memref_slice %arg5[%arg0, %add3A_70, %dma_start3A_93] : memref<2x10240x128xf32, #tpu.memory_space<hbm>> -> memref<1x80x128xf32, #tpu.memory_space<hbm>>
      %dma_start3A_95 = tpu.memref_squeeze %dma_start3A_94 : memref<1x80x128xf32, #tpu.memory_space<hbm>> -> memref<80x128xf32, #tpu.memory_space<hbm>>
      %dma_start3A_96 = arith.constant 0 : i32
      %dma_start3A_97 = arith.constant 0 : i32
      %dma_start3A_98 = tpu.memref_slice %arg9[%dma_start3A_96, %dma_start3A_97] : memref<80x128xf32, #tpu.memory_space<vmem>> -> memref<80x128xf32, #tpu.memory_space<vmem>>
      tpu.enqueue_dma source(%dma_start3A_98 : memref<80x128xf32, #tpu.memory_space<vmem>>) target(%dma_start3A_95 : memref<80x128xf32, #tpu.memory_space<hbm>>) target_semaphore(%run_scoped3A : memref<!tpu.dma_semaphore, #tpu.memory_space<semaphore_mem>>)
      %dma_wait3A_99 = arith.constant 0 : i32
      %dma_wait3A_100 = arith.constant 0 : i32
      %dma_wait3A_101 = tpu.memref_slice %arg9[%dma_wait3A_99, %dma_wait3A_100] : memref<80x128xf32, #tpu.memory_space<vmem>> -> memref<80x128xf32, #tpu.memory_space<vmem>>
      %dma_wait3A_102 = arith.constant 0 : i32
      %dma_wait3A_103 = tpu.memref_slice %arg5[%arg0, %add3A_70, %dma_wait3A_102] : memref<2x10240x128xf32, #tpu.memory_space<hbm>> -> memref<1x80x128xf32, #tpu.memory_space<hbm>>
      %dma_wait3A_104 = tpu.memref_squeeze %dma_wait3A_103 : memref<1x80x128xf32, #tpu.memory_space<hbm>> -> memref<80x128xf32, #tpu.memory_space<hbm>>
      %dma_wait3A_105 = arith.constant 0 : i32
      %dma_wait3A_106 = tpu.memref_slice %arg5[%arg0, %add3A_70, %dma_wait3A_105] : memref<2x10240x128xf32, #tpu.memory_space<hbm>> -> memref<1x80x128xf32, #tpu.memory_space<hbm>>
      %dma_wait3A_107 = tpu.memref_squeeze %dma_wait3A_106 : memref<1x80x128xf32, #tpu.memory_space<hbm>> -> memref<80x128xf32, #tpu.memory_space<hbm>>
      %dma_wait3A_108 = arith.constant 0 : i32
      %dma_wait3A_109 = arith.constant 0 : i32
      %dma_wait3A_110 = tpu.memref_slice %arg9[%dma_wait3A_108, %dma_wait3A_109] : memref<80x128xf32, #tpu.memory_space<vmem>> -> memref<80x128xf32, #tpu.memory_space<vmem>>
      tpu.wait_dma2 semaphore(%run_scoped3A : memref<!tpu.dma_semaphore, #tpu.memory_space<semaphore_mem>>) src(%dma_wait3A_110 : memref<80x128xf32, #tpu.memory_space<vmem>>) dst(%dma_wait3A_107 : memref<80x128xf32, #tpu.memory_space<hbm>>)
      tpu.yield
    }) : () -> ()
    %mul3A_71 = arith.constant 640 : i32
    %mul3A_72 = arith.muli %arg1, %mul3A_71 : i32
    %add3A_73 = arith.constant 320 : i32
    %add3A_74 = arith.addi %mul3A_72, %add3A_73 : i32
    "tpu.region"() ({
      %run_scoped3A = tpu.sem_alloc : memref<!tpu.dma_semaphore, #tpu.memory_space<semaphore_mem>>
      %dma_start3A_87 = arith.constant 0 : i32
      %dma_start3A_88 = arith.constant 0 : i32
      %dma_start3A_89 = tpu.memref_slice %arg9[%dma_start3A_87, %dma_start3A_88] : memref<80x128xf32, #tpu.memory_space<vmem>> -> memref<80x128xf32, #tpu.memory_space<vmem>>
      %dma_start3A_90 = arith.constant 0 : i32
      %dma_start3A_91 = tpu.memref_slice %arg6[%add3A_74, %dma_start3A_90] : memref<10240x128xf32, #tpu.memory_space<vmem_shared>> -> memref<80x128xf32, #tpu.memory_space<vmem_shared>>
      %dma_start3A_92 = arith.constant 0 : i32
      %dma_start3A_93 = arith.constant 0 : i32
      %dma_start3A_94 = tpu.memref_slice %arg9[%dma_start3A_92, %dma_start3A_93] : memref<80x128xf32, #tpu.memory_space<vmem>> -> memref<80x128xf32, #tpu.memory_space<vmem>>
      %dma_start3A_95 = arith.constant 0 : i32
      %dma_start3A_96 = tpu.memref_slice %arg6[%add3A_74, %dma_start3A_95] : memref<10240x128xf32, #tpu.memory_space<vmem_shared>> -> memref<80x128xf32, #tpu.memory_space<vmem_shared>>
      tpu.enqueue_dma source(%dma_start3A_96 : memref<80x128xf32, #tpu.memory_space<vmem_shared>>) target(%dma_start3A_94 : memref<80x128xf32, #tpu.memory_space<vmem>>) target_semaphore(%run_scoped3A : memref<!tpu.dma_semaphore, #tpu.memory_space<semaphore_mem>>)
      %dma_wait3A_97 = arith.constant 0 : i32
      %dma_wait3A_98 = arith.constant 0 : i32
      %dma_wait3A_99 = tpu.memref_slice %arg9[%dma_wait3A_97, %dma_wait3A_98] : memref<80x128xf32, #tpu.memory_space<vmem>> -> memref<80x128xf32, #tpu.memory_space<vmem>>
      %dma_wait3A_100 = arith.constant 0 : i32
      %dma_wait3A_101 = tpu.memref_slice %arg6[%add3A_74, %dma_wait3A_100] : memref<10240x128xf32, #tpu.memory_space<vmem_shared>> -> memref<80x128xf32, #tpu.memory_space<vmem_shared>>
      %dma_wait3A_102 = arith.constant 0 : i32
      %dma_wait3A_103 = arith.constant 0 : i32
      %dma_wait3A_104 = tpu.memref_slice %arg9[%dma_wait3A_102, %dma_wait3A_103] : memref<80x128xf32, #tpu.memory_space<vmem>> -> memref<80x128xf32, #tpu.memory_space<vmem>>
      %dma_wait3A_105 = arith.constant 0 : i32
      %dma_wait3A_106 = tpu.memref_slice %arg6[%add3A_74, %dma_wait3A_105] : memref<10240x128xf32, #tpu.memory_space<vmem_shared>> -> memref<80x128xf32, #tpu.memory_space<vmem_shared>>
      tpu.wait_dma2 semaphore(%run_scoped3A : memref<!tpu.dma_semaphore, #tpu.memory_space<semaphore_mem>>) src(%dma_wait3A_106 : memref<80x128xf32, #tpu.memory_space<vmem_shared>>) dst(%dma_wait3A_104 : memref<80x128xf32, #tpu.memory_space<vmem>>)
      tpu.yield
    }) : () -> ()
    "tpu.region"() ({
      %run_scoped3A = tpu.sem_alloc : memref<!tpu.dma_semaphore, #tpu.memory_space<semaphore_mem>>
      %dma_start3A_87 = arith.constant 0 : i32
      %dma_start3A_88 = arith.constant 0 : i32
      %dma_start3A_89 = tpu.memref_slice %arg9[%dma_start3A_87, %dma_start3A_88] : memref<80x128xf32, #tpu.memory_space<vmem>> -> memref<80x128xf32, #tpu.memory_space<vmem>>
      %dma_start3A_90 = arith.constant 0 : i32
      %dma_start3A_91 = tpu.memref_slice %arg5[%arg0, %add3A_74, %dma_start3A_90] : memref<2x10240x128xf32, #tpu.memory_space<hbm>> -> memref<1x80x128xf32, #tpu.memory_space<hbm>>
      %dma_start3A_92 = tpu.memref_squeeze %dma_start3A_91 : memref<1x80x128xf32, #tpu.memory_space<hbm>> -> memref<80x128xf32, #tpu.memory_space<hbm>>
      %dma_start3A_93 = arith.constant 0 : i32
      %dma_start3A_94 = tpu.memref_slice %arg5[%arg0, %add3A_74, %dma_start3A_93] : memref<2x10240x128xf32, #tpu.memory_space<hbm>> -> memref<1x80x128xf32, #tpu.memory_space<hbm>>
      %dma_start3A_95 = tpu.memref_squeeze %dma_start3A_94 : memref<1x80x128xf32, #tpu.memory_space<hbm>> -> memref<80x128xf32, #tpu.memory_space<hbm>>
      %dma_start3A_96 = arith.constant 0 : i32
      %dma_start3A_97 = arith.constant 0 : i32
      %dma_start3A_98 = tpu.memref_slice %arg9[%dma_start3A_96, %dma_start3A_97] : memref<80x128xf32, #tpu.memory_space<vmem>> -> memref<80x128xf32, #tpu.memory_space<vmem>>
      tpu.enqueue_dma source(%dma_start3A_98 : memref<80x128xf32, #tpu.memory_space<vmem>>) target(%dma_start3A_95 : memref<80x128xf32, #tpu.memory_space<hbm>>) target_semaphore(%run_scoped3A : memref<!tpu.dma_semaphore, #tpu.memory_space<semaphore_mem>>)
      %dma_wait3A_99 = arith.constant 0 : i32
      %dma_wait3A_100 = arith.constant 0 : i32
      %dma_wait3A_101 = tpu.memref_slice %arg9[%dma_wait3A_99, %dma_wait3A_100] : memref<80x128xf32, #tpu.memory_space<vmem>> -> memref<80x128xf32, #tpu.memory_space<vmem>>
      %dma_wait3A_102 = arith.constant 0 : i32
      %dma_wait3A_103 = tpu.memref_slice %arg5[%arg0, %add3A_74, %dma_wait3A_102] : memref<2x10240x128xf32, #tpu.memory_space<hbm>> -> memref<1x80x128xf32, #tpu.memory_space<hbm>>
      %dma_wait3A_104 = tpu.memref_squeeze %dma_wait3A_103 : memref<1x80x128xf32, #tpu.memory_space<hbm>> -> memref<80x128xf32, #tpu.memory_space<hbm>>
      %dma_wait3A_105 = arith.constant 0 : i32
      %dma_wait3A_106 = tpu.memref_slice %arg5[%arg0, %add3A_74, %dma_wait3A_105] : memref<2x10240x128xf32, #tpu.memory_space<hbm>> -> memref<1x80x128xf32, #tpu.memory_space<hbm>>
      %dma_wait3A_107 = tpu.memref_squeeze %dma_wait3A_106 : memref<1x80x128xf32, #tpu.memory_space<hbm>> -> memref<80x128xf32, #tpu.memory_space<hbm>>
      %dma_wait3A_108 = arith.constant 0 : i32
      %dma_wait3A_109 = arith.constant 0 : i32
      %dma_wait3A_110 = tpu.memref_slice %arg9[%dma_wait3A_108, %dma_wait3A_109] : memref<80x128xf32, #tpu.memory_space<vmem>> -> memref<80x128xf32, #tpu.memory_space<vmem>>
      tpu.wait_dma2 semaphore(%run_scoped3A : memref<!tpu.dma_semaphore, #tpu.memory_space<semaphore_mem>>) src(%dma_wait3A_110 : memref<80x128xf32, #tpu.memory_space<vmem>>) dst(%dma_wait3A_107 : memref<80x128xf32, #tpu.memory_space<hbm>>)
      tpu.yield
    }) : () -> ()
    %mul3A_75 = arith.constant 640 : i32
    %mul3A_76 = arith.muli %arg1, %mul3A_75 : i32
    %add3A_77 = arith.constant 400 : i32
    %add3A_78 = arith.addi %mul3A_76, %add3A_77 : i32
    "tpu.region"() ({
      %run_scoped3A = tpu.sem_alloc : memref<!tpu.dma_semaphore, #tpu.memory_space<semaphore_mem>>
      %dma_start3A_87 = arith.constant 0 : i32
      %dma_start3A_88 = arith.constant 0 : i32
      %dma_start3A_89 = tpu.memref_slice %arg9[%dma_start3A_87, %dma_start3A_88] : memref<80x128xf32, #tpu.memory_space<vmem>> -> memref<80x128xf32, #tpu.memory_space<vmem>>
      %dma_start3A_90 = arith.constant 0 : i32
      %dma_start3A_91 = tpu.memref_slice %arg6[%add3A_78, %dma_start3A_90] : memref<10240x128xf32, #tpu.memory_space<vmem_shared>> -> memref<80x128xf32, #tpu.memory_space<vmem_shared>>
      %dma_start3A_92 = arith.constant 0 : i32
      %dma_start3A_93 = arith.constant 0 : i32
      %dma_start3A_94 = tpu.memref_slice %arg9[%dma_start3A_92, %dma_start3A_93] : memref<80x128xf32, #tpu.memory_space<vmem>> -> memref<80x128xf32, #tpu.memory_space<vmem>>
      %dma_start3A_95 = arith.constant 0 : i32
      %dma_start3A_96 = tpu.memref_slice %arg6[%add3A_78, %dma_start3A_95] : memref<10240x128xf32, #tpu.memory_space<vmem_shared>> -> memref<80x128xf32, #tpu.memory_space<vmem_shared>>
      tpu.enqueue_dma source(%dma_start3A_96 : memref<80x128xf32, #tpu.memory_space<vmem_shared>>) target(%dma_start3A_94 : memref<80x128xf32, #tpu.memory_space<vmem>>) target_semaphore(%run_scoped3A : memref<!tpu.dma_semaphore, #tpu.memory_space<semaphore_mem>>)
      %dma_wait3A_97 = arith.constant 0 : i32
      %dma_wait3A_98 = arith.constant 0 : i32
      %dma_wait3A_99 = tpu.memref_slice %arg9[%dma_wait3A_97, %dma_wait3A_98] : memref<80x128xf32, #tpu.memory_space<vmem>> -> memref<80x128xf32, #tpu.memory_space<vmem>>
      %dma_wait3A_100 = arith.constant 0 : i32
      %dma_wait3A_101 = tpu.memref_slice %arg6[%add3A_78, %dma_wait3A_100] : memref<10240x128xf32, #tpu.memory_space<vmem_shared>> -> memref<80x128xf32, #tpu.memory_space<vmem_shared>>
      %dma_wait3A_102 = arith.constant 0 : i32
      %dma_wait3A_103 = arith.constant 0 : i32
      %dma_wait3A_104 = tpu.memref_slice %arg9[%dma_wait3A_102, %dma_wait3A_103] : memref<80x128xf32, #tpu.memory_space<vmem>> -> memref<80x128xf32, #tpu.memory_space<vmem>>
      %dma_wait3A_105 = arith.constant 0 : i32
      %dma_wait3A_106 = tpu.memref_slice %arg6[%add3A_78, %dma_wait3A_105] : memref<10240x128xf32, #tpu.memory_space<vmem_shared>> -> memref<80x128xf32, #tpu.memory_space<vmem_shared>>
      tpu.wait_dma2 semaphore(%run_scoped3A : memref<!tpu.dma_semaphore, #tpu.memory_space<semaphore_mem>>) src(%dma_wait3A_106 : memref<80x128xf32, #tpu.memory_space<vmem_shared>>) dst(%dma_wait3A_104 : memref<80x128xf32, #tpu.memory_space<vmem>>)
      tpu.yield
    }) : () -> ()
    "tpu.region"() ({
      %run_scoped3A = tpu.sem_alloc : memref<!tpu.dma_semaphore, #tpu.memory_space<semaphore_mem>>
      %dma_start3A_87 = arith.constant 0 : i32
      %dma_start3A_88 = arith.constant 0 : i32
      %dma_start3A_89 = tpu.memref_slice %arg9[%dma_start3A_87, %dma_start3A_88] : memref<80x128xf32, #tpu.memory_space<vmem>> -> memref<80x128xf32, #tpu.memory_space<vmem>>
      %dma_start3A_90 = arith.constant 0 : i32
      %dma_start3A_91 = tpu.memref_slice %arg5[%arg0, %add3A_78, %dma_start3A_90] : memref<2x10240x128xf32, #tpu.memory_space<hbm>> -> memref<1x80x128xf32, #tpu.memory_space<hbm>>
      %dma_start3A_92 = tpu.memref_squeeze %dma_start3A_91 : memref<1x80x128xf32, #tpu.memory_space<hbm>> -> memref<80x128xf32, #tpu.memory_space<hbm>>
      %dma_start3A_93 = arith.constant 0 : i32
      %dma_start3A_94 = tpu.memref_slice %arg5[%arg0, %add3A_78, %dma_start3A_93] : memref<2x10240x128xf32, #tpu.memory_space<hbm>> -> memref<1x80x128xf32, #tpu.memory_space<hbm>>
      %dma_start3A_95 = tpu.memref_squeeze %dma_start3A_94 : memref<1x80x128xf32, #tpu.memory_space<hbm>> -> memref<80x128xf32, #tpu.memory_space<hbm>>
      %dma_start3A_96 = arith.constant 0 : i32
      %dma_start3A_97 = arith.constant 0 : i32
      %dma_start3A_98 = tpu.memref_slice %arg9[%dma_start3A_96, %dma_start3A_97] : memref<80x128xf32, #tpu.memory_space<vmem>> -> memref<80x128xf32, #tpu.memory_space<vmem>>
      tpu.enqueue_dma source(%dma_start3A_98 : memref<80x128xf32, #tpu.memory_space<vmem>>) target(%dma_start3A_95 : memref<80x128xf32, #tpu.memory_space<hbm>>) target_semaphore(%run_scoped3A : memref<!tpu.dma_semaphore, #tpu.memory_space<semaphore_mem>>)
      %dma_wait3A_99 = arith.constant 0 : i32
      %dma_wait3A_100 = arith.constant 0 : i32
      %dma_wait3A_101 = tpu.memref_slice %arg9[%dma_wait3A_99, %dma_wait3A_100] : memref<80x128xf32, #tpu.memory_space<vmem>> -> memref<80x128xf32, #tpu.memory_space<vmem>>
      %dma_wait3A_102 = arith.constant 0 : i32
      %dma_wait3A_103 = tpu.memref_slice %arg5[%arg0, %add3A_78, %dma_wait3A_102] : memref<2x10240x128xf32, #tpu.memory_space<hbm>> -> memref<1x80x128xf32, #tpu.memory_space<hbm>>
      %dma_wait3A_104 = tpu.memref_squeeze %dma_wait3A_103 : memref<1x80x128xf32, #tpu.memory_space<hbm>> -> memref<80x128xf32, #tpu.memory_space<hbm>>
      %dma_wait3A_105 = arith.constant 0 : i32
      %dma_wait3A_106 = tpu.memref_slice %arg5[%arg0, %add3A_78, %dma_wait3A_105] : memref<2x10240x128xf32, #tpu.memory_space<hbm>> -> memref<1x80x128xf32, #tpu.memory_space<hbm>>
      %dma_wait3A_107 = tpu.memref_squeeze %dma_wait3A_106 : memref<1x80x128xf32, #tpu.memory_space<hbm>> -> memref<80x128xf32, #tpu.memory_space<hbm>>
      %dma_wait3A_108 = arith.constant 0 : i32
      %dma_wait3A_109 = arith.constant 0 : i32
      %dma_wait3A_110 = tpu.memref_slice %arg9[%dma_wait3A_108, %dma_wait3A_109] : memref<80x128xf32, #tpu.memory_space<vmem>> -> memref<80x128xf32, #tpu.memory_space<vmem>>
      tpu.wait_dma2 semaphore(%run_scoped3A : memref<!tpu.dma_semaphore, #tpu.memory_space<semaphore_mem>>) src(%dma_wait3A_110 : memref<80x128xf32, #tpu.memory_space<vmem>>) dst(%dma_wait3A_107 : memref<80x128xf32, #tpu.memory_space<hbm>>)
      tpu.yield
    }) : () -> ()
    %mul3A_79 = arith.constant 640 : i32
    %mul3A_80 = arith.muli %arg1, %mul3A_79 : i32
    %add3A_81 = arith.constant 480 : i32
    %add3A_82 = arith.addi %mul3A_80, %add3A_81 : i32
    "tpu.region"() ({
      %run_scoped3A = tpu.sem_alloc : memref<!tpu.dma_semaphore, #tpu.memory_space<semaphore_mem>>
      %dma_start3A_87 = arith.constant 0 : i32
      %dma_start3A_88 = arith.constant 0 : i32
      %dma_start3A_89 = tpu.memref_slice %arg9[%dma_start3A_87, %dma_start3A_88] : memref<80x128xf32, #tpu.memory_space<vmem>> -> memref<80x128xf32, #tpu.memory_space<vmem>>
      %dma_start3A_90 = arith.constant 0 : i32
      %dma_start3A_91 = tpu.memref_slice %arg6[%add3A_82, %dma_start3A_90] : memref<10240x128xf32, #tpu.memory_space<vmem_shared>> -> memref<80x128xf32, #tpu.memory_space<vmem_shared>>
      %dma_start3A_92 = arith.constant 0 : i32
      %dma_start3A_93 = arith.constant 0 : i32
      %dma_start3A_94 = tpu.memref_slice %arg9[%dma_start3A_92, %dma_start3A_93] : memref<80x128xf32, #tpu.memory_space<vmem>> -> memref<80x128xf32, #tpu.memory_space<vmem>>
      %dma_start3A_95 = arith.constant 0 : i32
      %dma_start3A_96 = tpu.memref_slice %arg6[%add3A_82, %dma_start3A_95] : memref<10240x128xf32, #tpu.memory_space<vmem_shared>> -> memref<80x128xf32, #tpu.memory_space<vmem_shared>>
      tpu.enqueue_dma source(%dma_start3A_96 : memref<80x128xf32, #tpu.memory_space<vmem_shared>>) target(%dma_start3A_94 : memref<80x128xf32, #tpu.memory_space<vmem>>) target_semaphore(%run_scoped3A : memref<!tpu.dma_semaphore, #tpu.memory_space<semaphore_mem>>)
      %dma_wait3A_97 = arith.constant 0 : i32
      %dma_wait3A_98 = arith.constant 0 : i32
      %dma_wait3A_99 = tpu.memref_slice %arg9[%dma_wait3A_97, %dma_wait3A_98] : memref<80x128xf32, #tpu.memory_space<vmem>> -> memref<80x128xf32, #tpu.memory_space<vmem>>
      %dma_wait3A_100 = arith.constant 0 : i32
      %dma_wait3A_101 = tpu.memref_slice %arg6[%add3A_82, %dma_wait3A_100] : memref<10240x128xf32, #tpu.memory_space<vmem_shared>> -> memref<80x128xf32, #tpu.memory_space<vmem_shared>>
      %dma_wait3A_102 = arith.constant 0 : i32
      %dma_wait3A_103 = arith.constant 0 : i32
      %dma_wait3A_104 = tpu.memref_slice %arg9[%dma_wait3A_102, %dma_wait3A_103] : memref<80x128xf32, #tpu.memory_space<vmem>> -> memref<80x128xf32, #tpu.memory_space<vmem>>
      %dma_wait3A_105 = arith.constant 0 : i32
      %dma_wait3A_106 = tpu.memref_slice %arg6[%add3A_82, %dma_wait3A_105] : memref<10240x128xf32, #tpu.memory_space<vmem_shared>> -> memref<80x128xf32, #tpu.memory_space<vmem_shared>>
      tpu.wait_dma2 semaphore(%run_scoped3A : memref<!tpu.dma_semaphore, #tpu.memory_space<semaphore_mem>>) src(%dma_wait3A_106 : memref<80x128xf32, #tpu.memory_space<vmem_shared>>) dst(%dma_wait3A_104 : memref<80x128xf32, #tpu.memory_space<vmem>>)
      tpu.yield
    }) : () -> ()
    "tpu.region"() ({
      %run_scoped3A = tpu.sem_alloc : memref<!tpu.dma_semaphore, #tpu.memory_space<semaphore_mem>>
      %dma_start3A_87 = arith.constant 0 : i32
      %dma_start3A_88 = arith.constant 0 : i32
      %dma_start3A_89 = tpu.memref_slice %arg9[%dma_start3A_87, %dma_start3A_88] : memref<80x128xf32, #tpu.memory_space<vmem>> -> memref<80x128xf32, #tpu.memory_space<vmem>>
      %dma_start3A_90 = arith.constant 0 : i32
      %dma_start3A_91 = tpu.memref_slice %arg5[%arg0, %add3A_82, %dma_start3A_90] : memref<2x10240x128xf32, #tpu.memory_space<hbm>> -> memref<1x80x128xf32, #tpu.memory_space<hbm>>
      %dma_start3A_92 = tpu.memref_squeeze %dma_start3A_91 : memref<1x80x128xf32, #tpu.memory_space<hbm>> -> memref<80x128xf32, #tpu.memory_space<hbm>>
      %dma_start3A_93 = arith.constant 0 : i32
      %dma_start3A_94 = tpu.memref_slice %arg5[%arg0, %add3A_82, %dma_start3A_93] : memref<2x10240x128xf32, #tpu.memory_space<hbm>> -> memref<1x80x128xf32, #tpu.memory_space<hbm>>
      %dma_start3A_95 = tpu.memref_squeeze %dma_start3A_94 : memref<1x80x128xf32, #tpu.memory_space<hbm>> -> memref<80x128xf32, #tpu.memory_space<hbm>>
      %dma_start3A_96 = arith.constant 0 : i32
      %dma_start3A_97 = arith.constant 0 : i32
      %dma_start3A_98 = tpu.memref_slice %arg9[%dma_start3A_96, %dma_start3A_97] : memref<80x128xf32, #tpu.memory_space<vmem>> -> memref<80x128xf32, #tpu.memory_space<vmem>>
      tpu.enqueue_dma source(%dma_start3A_98 : memref<80x128xf32, #tpu.memory_space<vmem>>) target(%dma_start3A_95 : memref<80x128xf32, #tpu.memory_space<hbm>>) target_semaphore(%run_scoped3A : memref<!tpu.dma_semaphore, #tpu.memory_space<semaphore_mem>>)
      %dma_wait3A_99 = arith.constant 0 : i32
      %dma_wait3A_100 = arith.constant 0 : i32
      %dma_wait3A_101 = tpu.memref_slice %arg9[%dma_wait3A_99, %dma_wait3A_100] : memref<80x128xf32, #tpu.memory_space<vmem>> -> memref<80x128xf32, #tpu.memory_space<vmem>>
      %dma_wait3A_102 = arith.constant 0 : i32
      %dma_wait3A_103 = tpu.memref_slice %arg5[%arg0, %add3A_82, %dma_wait3A_102] : memref<2x10240x128xf32, #tpu.memory_space<hbm>> -> memref<1x80x128xf32, #tpu.memory_space<hbm>>
      %dma_wait3A_104 = tpu.memref_squeeze %dma_wait3A_103 : memref<1x80x128xf32, #tpu.memory_space<hbm>> -> memref<80x128xf32, #tpu.memory_space<hbm>>
      %dma_wait3A_105 = arith.constant 0 : i32
      %dma_wait3A_106 = tpu.memref_slice %arg5[%arg0, %add3A_82, %dma_wait3A_105] : memref<2x10240x128xf32, #tpu.memory_space<hbm>> -> memref<1x80x128xf32, #tpu.memory_space<hbm>>
      %dma_wait3A_107 = tpu.memref_squeeze %dma_wait3A_106 : memref<1x80x128xf32, #tpu.memory_space<hbm>> -> memref<80x128xf32, #tpu.memory_space<hbm>>
      %dma_wait3A_108 = arith.constant 0 : i32
      %dma_wait3A_109 = arith.constant 0 : i32
      %dma_wait3A_110 = tpu.memref_slice %arg9[%dma_wait3A_108, %dma_wait3A_109] : memref<80x128xf32, #tpu.memory_space<vmem>> -> memref<80x128xf32, #tpu.memory_space<vmem>>
      tpu.wait_dma2 semaphore(%run_scoped3A : memref<!tpu.dma_semaphore, #tpu.memory_space<semaphore_mem>>) src(%dma_wait3A_110 : memref<80x128xf32, #tpu.memory_space<vmem>>) dst(%dma_wait3A_107 : memref<80x128xf32, #tpu.memory_space<hbm>>)
      tpu.yield
    }) : () -> ()
    %mul3A_83 = arith.constant 640 : i32
    %mul3A_84 = arith.muli %arg1, %mul3A_83 : i32
    %add3A_85 = arith.constant 560 : i32
    %add3A_86 = arith.addi %mul3A_84, %add3A_85 : i32
    "tpu.region"() ({
      %run_scoped3A = tpu.sem_alloc : memref<!tpu.dma_semaphore, #tpu.memory_space<semaphore_mem>>
      %dma_start3A_87 = arith.constant 0 : i32
      %dma_start3A_88 = arith.constant 0 : i32
      %dma_start3A_89 = tpu.memref_slice %arg9[%dma_start3A_87, %dma_start3A_88] : memref<80x128xf32, #tpu.memory_space<vmem>> -> memref<80x128xf32, #tpu.memory_space<vmem>>
      %dma_start3A_90 = arith.constant 0 : i32
      %dma_start3A_91 = tpu.memref_slice %arg6[%add3A_86, %dma_start3A_90] : memref<10240x128xf32, #tpu.memory_space<vmem_shared>> -> memref<80x128xf32, #tpu.memory_space<vmem_shared>>
      %dma_start3A_92 = arith.constant 0 : i32
      %dma_start3A_93 = arith.constant 0 : i32
      %dma_start3A_94 = tpu.memref_slice %arg9[%dma_start3A_92, %dma_start3A_93] : memref<80x128xf32, #tpu.memory_space<vmem>> -> memref<80x128xf32, #tpu.memory_space<vmem>>
      %dma_start3A_95 = arith.constant 0 : i32
      %dma_start3A_96 = tpu.memref_slice %arg6[%add3A_86, %dma_start3A_95] : memref<10240x128xf32, #tpu.memory_space<vmem_shared>> -> memref<80x128xf32, #tpu.memory_space<vmem_shared>>
      tpu.enqueue_dma source(%dma_start3A_96 : memref<80x128xf32, #tpu.memory_space<vmem_shared>>) target(%dma_start3A_94 : memref<80x128xf32, #tpu.memory_space<vmem>>) target_semaphore(%run_scoped3A : memref<!tpu.dma_semaphore, #tpu.memory_space<semaphore_mem>>)
      %dma_wait3A_97 = arith.constant 0 : i32
      %dma_wait3A_98 = arith.constant 0 : i32
      %dma_wait3A_99 = tpu.memref_slice %arg9[%dma_wait3A_97, %dma_wait3A_98] : memref<80x128xf32, #tpu.memory_space<vmem>> -> memref<80x128xf32, #tpu.memory_space<vmem>>
      %dma_wait3A_100 = arith.constant 0 : i32
      %dma_wait3A_101 = tpu.memref_slice %arg6[%add3A_86, %dma_wait3A_100] : memref<10240x128xf32, #tpu.memory_space<vmem_shared>> -> memref<80x128xf32, #tpu.memory_space<vmem_shared>>
      %dma_wait3A_102 = arith.constant 0 : i32
      %dma_wait3A_103 = arith.constant 0 : i32
      %dma_wait3A_104 = tpu.memref_slice %arg9[%dma_wait3A_102, %dma_wait3A_103] : memref<80x128xf32, #tpu.memory_space<vmem>> -> memref<80x128xf32, #tpu.memory_space<vmem>>
      %dma_wait3A_105 = arith.constant 0 : i32
      %dma_wait3A_106 = tpu.memref_slice %arg6[%add3A_86, %dma_wait3A_105] : memref<10240x128xf32, #tpu.memory_space<vmem_shared>> -> memref<80x128xf32, #tpu.memory_space<vmem_shared>>
      tpu.wait_dma2 semaphore(%run_scoped3A : memref<!tpu.dma_semaphore, #tpu.memory_space<semaphore_mem>>) src(%dma_wait3A_106 : memref<80x128xf32, #tpu.memory_space<vmem_shared>>) dst(%dma_wait3A_104 : memref<80x128xf32, #tpu.memory_space<vmem>>)
      tpu.yield
    }) : () -> ()
    "tpu.region"() ({
      %run_scoped3A = tpu.sem_alloc : memref<!tpu.dma_semaphore, #tpu.memory_space<semaphore_mem>>
      %dma_start3A_87 = arith.constant 0 : i32
      %dma_start3A_88 = arith.constant 0 : i32
      %dma_start3A_89 = tpu.memref_slice %arg9[%dma_start3A_87, %dma_start3A_88] : memref<80x128xf32, #tpu.memory_space<vmem>> -> memref<80x128xf32, #tpu.memory_space<vmem>>
      %dma_start3A_90 = arith.constant 0 : i32
      %dma_start3A_91 = tpu.memref_slice %arg5[%arg0, %add3A_86, %dma_start3A_90] : memref<2x10240x128xf32, #tpu.memory_space<hbm>> -> memref<1x80x128xf32, #tpu.memory_space<hbm>>
      %dma_start3A_92 = tpu.memref_squeeze %dma_start3A_91 : memref<1x80x128xf32, #tpu.memory_space<hbm>> -> memref<80x128xf32, #tpu.memory_space<hbm>>
      %dma_start3A_93 = arith.constant 0 : i32
      %dma_start3A_94 = tpu.memref_slice %arg5[%arg0, %add3A_86, %dma_start3A_93] : memref<2x10240x128xf32, #tpu.memory_space<hbm>> -> memref<1x80x128xf32, #tpu.memory_space<hbm>>
      %dma_start3A_95 = tpu.memref_squeeze %dma_start3A_94 : memref<1x80x128xf32, #tpu.memory_space<hbm>> -> memref<80x128xf32, #tpu.memory_space<hbm>>
      %dma_start3A_96 = arith.constant 0 : i32
      %dma_start3A_97 = arith.constant 0 : i32
      %dma_start3A_98 = tpu.memref_slice %arg9[%dma_start3A_96, %dma_start3A_97] : memref<80x128xf32, #tpu.memory_space<vmem>> -> memref<80x128xf32, #tpu.memory_space<vmem>>
      tpu.enqueue_dma source(%dma_start3A_98 : memref<80x128xf32, #tpu.memory_space<vmem>>) target(%dma_start3A_95 : memref<80x128xf32, #tpu.memory_space<hbm>>) target_semaphore(%run_scoped3A : memref<!tpu.dma_semaphore, #tpu.memory_space<semaphore_mem>>)
      %dma_wait3A_99 = arith.constant 0 : i32
      %dma_wait3A_100 = arith.constant 0 : i32
      %dma_wait3A_101 = tpu.memref_slice %arg9[%dma_wait3A_99, %dma_wait3A_100] : memref<80x128xf32, #tpu.memory_space<vmem>> -> memref<80x128xf32, #tpu.memory_space<vmem>>
      %dma_wait3A_102 = arith.constant 0 : i32
      %dma_wait3A_103 = tpu.memref_slice %arg5[%arg0, %add3A_86, %dma_wait3A_102] : memref<2x10240x128xf32, #tpu.memory_space<hbm>> -> memref<1x80x128xf32, #tpu.memory_space<hbm>>
      %dma_wait3A_104 = tpu.memref_squeeze %dma_wait3A_103 : memref<1x80x128xf32, #tpu.memory_space<hbm>> -> memref<80x128xf32, #tpu.memory_space<hbm>>
      %dma_wait3A_105 = arith.constant 0 : i32
      %dma_wait3A_106 = tpu.memref_slice %arg5[%arg0, %add3A_86, %dma_wait3A_105] : memref<2x10240x128xf32, #tpu.memory_space<hbm>> -> memref<1x80x128xf32, #tpu.memory_space<hbm>>
      %dma_wait3A_107 = tpu.memref_squeeze %dma_wait3A_106 : memref<1x80x128xf32, #tpu.memory_space<hbm>> -> memref<80x128xf32, #tpu.memory_space<hbm>>
      %dma_wait3A_108 = arith.constant 0 : i32
      %dma_wait3A_109 = arith.constant 0 : i32
      %dma_wait3A_110 = tpu.memref_slice %arg9[%dma_wait3A_108, %dma_wait3A_109] : memref<80x128xf32, #tpu.memory_space<vmem>> -> memref<80x128xf32, #tpu.memory_space<vmem>>
      tpu.wait_dma2 semaphore(%run_scoped3A : memref<!tpu.dma_semaphore, #tpu.memory_space<semaphore_mem>>) src(%dma_wait3A_110 : memref<80x128xf32, #tpu.memory_space<vmem>>) dst(%dma_wait3A_107 : memref<80x128xf32, #tpu.memory_space<hbm>>)
      tpu.yield
    }) : () -> ()
    return
  }
}

#map = affine_map<(d0, d1) -> (0)>
#map1 = affine_map<(d0, d1) -> (0, 0, 0)>
module attributes {stable_mosaic.version = 14 : i64} {
  func.func @_deg_body(%arg0: i32, %arg1: i32, %arg2: memref<320000xi32, #tpu.memory_space<hbm>>, %arg3: memref<2x10240x128xf32, #tpu.memory_space<hbm>>, %arg4: memref<10240x128xf32, #tpu.memory_space<vmem_shared>>, %arg5: memref<10000xi32, #tpu.memory_space<vmem>>, %arg6: memref<80x128xf32, #tpu.memory_space<vmem>>, %arg7: memref<80x128xf32, #tpu.memory_space<vmem>>) attributes {dimension_semantics = [#tpu.dimension_semantics<core_parallel>, #tpu.dimension_semantics<subcore_parallel>], iteration_bounds = array<i64: 2, 16>, scalar_prefetch = 0 : i64, scratch_operands = 4 : i64, tpu.core_type = #tpu.core_type<sc_vector_subcore>, window_params = [{transform_indices = #map}, {transform_indices = #map1}]} {
    %mul3A = arith.constant 16 : i32
    %mul3A_0 = arith.muli %arg0, %mul3A : i32
    %add3A = arith.addi %mul3A_0, %arg1 : i32
    %mul3A_1 = arith.constant 10000 : i32
    %mul3A_2 = arith.muli %add3A, %mul3A_1 : i32
    "tpu.region"() ({
      %run_scoped3A = tpu.sem_alloc : memref<!tpu.dma_semaphore, #tpu.memory_space<semaphore_mem>>
      %dma_start3A = tpu.memref_slice %arg2[%mul3A_2] : memref<320000xi32, #tpu.memory_space<hbm>> -> memref<10000xi32, #tpu.memory_space<hbm>>
      %dma_start3A_82 = tpu.memref_slice %arg2[%mul3A_2] : memref<320000xi32, #tpu.memory_space<hbm>> -> memref<10000xi32, #tpu.memory_space<hbm>>
      tpu.enqueue_dma source(%dma_start3A_82 : memref<10000xi32, #tpu.memory_space<hbm>>) target(%arg5 : memref<10000xi32, #tpu.memory_space<vmem>>) target_semaphore(%run_scoped3A : memref<!tpu.dma_semaphore, #tpu.memory_space<semaphore_mem>>)
      %dma_wait3A = tpu.memref_slice %arg2[%mul3A_2] : memref<320000xi32, #tpu.memory_space<hbm>> -> memref<10000xi32, #tpu.memory_space<hbm>>
      %dma_wait3A_83 = tpu.memref_slice %arg2[%mul3A_2] : memref<320000xi32, #tpu.memory_space<hbm>> -> memref<10000xi32, #tpu.memory_space<hbm>>
      tpu.wait_dma2 semaphore(%run_scoped3A : memref<!tpu.dma_semaphore, #tpu.memory_space<semaphore_mem>>) src(%dma_wait3A_83 : memref<10000xi32, #tpu.memory_space<hbm>>) dst(%arg5 : memref<10000xi32, #tpu.memory_space<vmem>>)
      tpu.yield
    }) : () -> ()
    %scan3A = arith.constant 0 : i32
    %scan3A_3 = arith.constant 80 : i32
    %scan3A_4 = arith.addi %scan3A, %scan3A_3 : i32
    %scan3A_5 = arith.constant 1 : i32
    scf.for %scan3A_82 = %scan3A to %scan3A_4 step %scan3A_5  : i32 {
      %mul3A_83 = arith.constant 1 : i32
      %mul3A_84 = arith.muli %scan3A_82, %mul3A_83 : i32
      %add3A_85 = arith.constant 0 : i32
      %add3A_86 = arith.addi %add3A_85, %mul3A_84 : i32
      %broadcast_in_dim3A = arith.constant 1.000000e+00 : f32
      %broadcast_in_dim3A_87 = vector.broadcast %broadcast_in_dim3A : f32 to vector<16xf32>
      %swap3A = arith.index_cast %add3A_86 : i32 to index
      %swap3A_88 = arith.constant 0 : index
      %swap3A_89 = tpu.vector_load %arg6[%swap3A, %swap3A_88] {strides = array<i32>} : memref<80x128xf32, #tpu.memory_space<vmem>>, vector<1x16xf32>,
      %swap3A_90 = vector.shape_cast %swap3A_89 : vector<1x16xf32> to vector<16xf32>
      %swap3A_91 = vector.shape_cast %broadcast_in_dim3A_87 : vector<16xf32> to vector<1x16xf32>
      tpu.vector_store %arg6[%swap3A, %swap3A_88], %swap3A_91 {strides = array<i32>} : memref<80x128xf32, #tpu.memory_space<vmem>>, vector<1x16xf32>,
      %broadcast_in_dim3A_92 = arith.constant 1.000000e+00 : f32
      %broadcast_in_dim3A_93 = vector.broadcast %broadcast_in_dim3A_92 : f32 to vector<16xf32>
      %swap3A_94 = arith.index_cast %add3A_86 : i32 to index
      %swap3A_95 = arith.constant 16 : index
      %swap3A_96 = tpu.vector_load %arg6[%swap3A_94, %swap3A_95] {strides = array<i32>} : memref<80x128xf32, #tpu.memory_space<vmem>>, vector<1x16xf32>,
      %swap3A_97 = vector.shape_cast %swap3A_96 : vector<1x16xf32> to vector<16xf32>
      %swap3A_98 = vector.shape_cast %broadcast_in_dim3A_93 : vector<16xf32> to vector<1x16xf32>
      tpu.vector_store %arg6[%swap3A_94, %swap3A_95], %swap3A_98 {strides = array<i32>} : memref<80x128xf32, #tpu.memory_space<vmem>>, vector<1x16xf32>,
      %broadcast_in_dim3A_99 = arith.constant 1.000000e+00 : f32
      %broadcast_in_dim3A_100 = vector.broadcast %broadcast_in_dim3A_99 : f32 to vector<16xf32>
      %swap3A_101 = arith.index_cast %add3A_86 : i32 to index
      %swap3A_102 = arith.constant 32 : index
      %swap3A_103 = tpu.vector_load %arg6[%swap3A_101, %swap3A_102] {strides = array<i32>} : memref<80x128xf32, #tpu.memory_space<vmem>>, vector<1x16xf32>,
      %swap3A_104 = vector.shape_cast %swap3A_103 : vector<1x16xf32> to vector<16xf32>
      %swap3A_105 = vector.shape_cast %broadcast_in_dim3A_100 : vector<16xf32> to vector<1x16xf32>
      tpu.vector_store %arg6[%swap3A_101, %swap3A_102], %swap3A_105 {strides = array<i32>} : memref<80x128xf32, #tpu.memory_space<vmem>>, vector<1x16xf32>,
      %broadcast_in_dim3A_106 = arith.constant 1.000000e+00 : f32
      %broadcast_in_dim3A_107 = vector.broadcast %broadcast_in_dim3A_106 : f32 to vector<16xf32>
      %swap3A_108 = arith.index_cast %add3A_86 : i32 to index
      %swap3A_109 = arith.constant 48 : index
      %swap3A_110 = tpu.vector_load %arg6[%swap3A_108, %swap3A_109] {strides = array<i32>} : memref<80x128xf32, #tpu.memory_space<vmem>>, vector<1x16xf32>,
      %swap3A_111 = vector.shape_cast %swap3A_110 : vector<1x16xf32> to vector<16xf32>
      %swap3A_112 = vector.shape_cast %broadcast_in_dim3A_107 : vector<16xf32> to vector<1x16xf32>
      tpu.vector_store %arg6[%swap3A_108, %swap3A_109], %swap3A_112 {strides = array<i32>} : memref<80x128xf32, #tpu.memory_space<vmem>>, vector<1x16xf32>,
      %broadcast_in_dim3A_113 = arith.constant 1.000000e+00 : f32
      %broadcast_in_dim3A_114 = vector.broadcast %broadcast_in_dim3A_113 : f32 to vector<16xf32>
      %swap3A_115 = arith.index_cast %add3A_86 : i32 to index
      %swap3A_116 = arith.constant 64 : index
      %swap3A_117 = tpu.vector_load %arg6[%swap3A_115, %swap3A_116] {strides = array<i32>} : memref<80x128xf32, #tpu.memory_space<vmem>>, vector<1x16xf32>,
      %swap3A_118 = vector.shape_cast %swap3A_117 : vector<1x16xf32> to vector<16xf32>
      %swap3A_119 = vector.shape_cast %broadcast_in_dim3A_114 : vector<16xf32> to vector<1x16xf32>
      tpu.vector_store %arg6[%swap3A_115, %swap3A_116], %swap3A_119 {strides = array<i32>} : memref<80x128xf32, #tpu.memory_space<vmem>>, vector<1x16xf32>,
      %broadcast_in_dim3A_120 = arith.constant 1.000000e+00 : f32
      %broadcast_in_dim3A_121 = vector.broadcast %broadcast_in_dim3A_120 : f32 to vector<16xf32>
      %swap3A_122 = arith.index_cast %add3A_86 : i32 to index
      %swap3A_123 = arith.constant 80 : index
      %swap3A_124 = tpu.vector_load %arg6[%swap3A_122, %swap3A_123] {strides = array<i32>} : memref<80x128xf32, #tpu.memory_space<vmem>>, vector<1x16xf32>,
      %swap3A_125 = vector.shape_cast %swap3A_124 : vector<1x16xf32> to vector<16xf32>
      %swap3A_126 = vector.shape_cast %broadcast_in_dim3A_121 : vector<16xf32> to vector<1x16xf32>
      tpu.vector_store %arg6[%swap3A_122, %swap3A_123], %swap3A_126 {strides = array<i32>} : memref<80x128xf32, #tpu.memory_space<vmem>>, vector<1x16xf32>,
      %broadcast_in_dim3A_127 = arith.constant 1.000000e+00 : f32
      %broadcast_in_dim3A_128 = vector.broadcast %broadcast_in_dim3A_127 : f32 to vector<16xf32>
      %swap3A_129 = arith.index_cast %add3A_86 : i32 to index
      %swap3A_130 = arith.constant 96 : index
      %swap3A_131 = tpu.vector_load %arg6[%swap3A_129, %swap3A_130] {strides = array<i32>} : memref<80x128xf32, #tpu.memory_space<vmem>>, vector<1x16xf32>,
      %swap3A_132 = vector.shape_cast %swap3A_131 : vector<1x16xf32> to vector<16xf32>
      %swap3A_133 = vector.shape_cast %broadcast_in_dim3A_128 : vector<16xf32> to vector<1x16xf32>
      tpu.vector_store %arg6[%swap3A_129, %swap3A_130], %swap3A_133 {strides = array<i32>} : memref<80x128xf32, #tpu.memory_space<vmem>>, vector<1x16xf32>,
      %broadcast_in_dim3A_134 = arith.constant 1.000000e+00 : f32
      %broadcast_in_dim3A_135 = vector.broadcast %broadcast_in_dim3A_134 : f32 to vector<16xf32>
      %swap3A_136 = arith.index_cast %add3A_86 : i32 to index
      %swap3A_137 = arith.constant 112 : index
      %swap3A_138 = tpu.vector_load %arg6[%swap3A_136, %swap3A_137] {strides = array<i32>} : memref<80x128xf32, #tpu.memory_space<vmem>>, vector<1x16xf32>,
      %swap3A_139 = vector.shape_cast %swap3A_138 : vector<1x16xf32> to vector<16xf32>
      %swap3A_140 = vector.shape_cast %broadcast_in_dim3A_135 : vector<16xf32> to vector<1x16xf32>
      tpu.vector_store %arg6[%swap3A_136, %swap3A_137], %swap3A_140 {strides = array<i32>} : memref<80x128xf32, #tpu.memory_space<vmem>>, vector<1x16xf32>,
    }
    %scan3A_6 = arith.constant 80 : i32
    %scan3A_7 = arith.constant 0 : i32
    %scan3A_8 = arith.constant 80 : i32
    %scan3A_9 = arith.addi %scan3A_7, %scan3A_8 : i32
    %scan3A_10 = arith.constant 1 : i32
    scf.for %scan3A_82 = %scan3A_7 to %scan3A_9 step %scan3A_10  : i32 {
      %mul3A_83 = arith.constant 1 : i32
      %mul3A_84 = arith.muli %scan3A_82, %mul3A_83 : i32
      %add3A_85 = arith.constant 0 : i32
      %add3A_86 = arith.addi %add3A_85, %mul3A_84 : i32
      %broadcast_in_dim3A = arith.constant 0.000000e+00 : f32
      %broadcast_in_dim3A_87 = vector.broadcast %broadcast_in_dim3A : f32 to vector<16xf32>
      %swap3A = arith.index_cast %add3A_86 : i32 to index
      %swap3A_88 = arith.constant 0 : index
      %swap3A_89 = tpu.vector_load %arg7[%swap3A, %swap3A_88] {strides = array<i32>} : memref<80x128xf32, #tpu.memory_space<vmem>>, vector<1x16xf32>,
      %swap3A_90 = vector.shape_cast %swap3A_89 : vector<1x16xf32> to vector<16xf32>
      %swap3A_91 = vector.shape_cast %broadcast_in_dim3A_87 : vector<16xf32> to vector<1x16xf32>
      tpu.vector_store %arg7[%swap3A, %swap3A_88], %swap3A_91 {strides = array<i32>} : memref<80x128xf32, #tpu.memory_space<vmem>>, vector<1x16xf32>,
      %broadcast_in_dim3A_92 = arith.constant 0.000000e+00 : f32
      %broadcast_in_dim3A_93 = vector.broadcast %broadcast_in_dim3A_92 : f32 to vector<16xf32>
      %swap3A_94 = arith.index_cast %add3A_86 : i32 to index
      %swap3A_95 = arith.constant 16 : index
      %swap3A_96 = tpu.vector_load %arg7[%swap3A_94, %swap3A_95] {strides = array<i32>} : memref<80x128xf32, #tpu.memory_space<vmem>>, vector<1x16xf32>,
      %swap3A_97 = vector.shape_cast %swap3A_96 : vector<1x16xf32> to vector<16xf32>
      %swap3A_98 = vector.shape_cast %broadcast_in_dim3A_93 : vector<16xf32> to vector<1x16xf32>
      tpu.vector_store %arg7[%swap3A_94, %swap3A_95], %swap3A_98 {strides = array<i32>} : memref<80x128xf32, #tpu.memory_space<vmem>>, vector<1x16xf32>,
      %broadcast_in_dim3A_99 = arith.constant 0.000000e+00 : f32
      %broadcast_in_dim3A_100 = vector.broadcast %broadcast_in_dim3A_99 : f32 to vector<16xf32>
      %swap3A_101 = arith.index_cast %add3A_86 : i32 to index
      %swap3A_102 = arith.constant 32 : index
      %swap3A_103 = tpu.vector_load %arg7[%swap3A_101, %swap3A_102] {strides = array<i32>} : memref<80x128xf32, #tpu.memory_space<vmem>>, vector<1x16xf32>,
      %swap3A_104 = vector.shape_cast %swap3A_103 : vector<1x16xf32> to vector<16xf32>
      %swap3A_105 = vector.shape_cast %broadcast_in_dim3A_100 : vector<16xf32> to vector<1x16xf32>
      tpu.vector_store %arg7[%swap3A_101, %swap3A_102], %swap3A_105 {strides = array<i32>} : memref<80x128xf32, #tpu.memory_space<vmem>>, vector<1x16xf32>,
      %broadcast_in_dim3A_106 = arith.constant 0.000000e+00 : f32
      %broadcast_in_dim3A_107 = vector.broadcast %broadcast_in_dim3A_106 : f32 to vector<16xf32>
      %swap3A_108 = arith.index_cast %add3A_86 : i32 to index
      %swap3A_109 = arith.constant 48 : index
      %swap3A_110 = tpu.vector_load %arg7[%swap3A_108, %swap3A_109] {strides = array<i32>} : memref<80x128xf32, #tpu.memory_space<vmem>>, vector<1x16xf32>,
      %swap3A_111 = vector.shape_cast %swap3A_110 : vector<1x16xf32> to vector<16xf32>
      %swap3A_112 = vector.shape_cast %broadcast_in_dim3A_107 : vector<16xf32> to vector<1x16xf32>
      tpu.vector_store %arg7[%swap3A_108, %swap3A_109], %swap3A_112 {strides = array<i32>} : memref<80x128xf32, #tpu.memory_space<vmem>>, vector<1x16xf32>,
      %broadcast_in_dim3A_113 = arith.constant 0.000000e+00 : f32
      %broadcast_in_dim3A_114 = vector.broadcast %broadcast_in_dim3A_113 : f32 to vector<16xf32>
      %swap3A_115 = arith.index_cast %add3A_86 : i32 to index
      %swap3A_116 = arith.constant 64 : index
      %swap3A_117 = tpu.vector_load %arg7[%swap3A_115, %swap3A_116] {strides = array<i32>} : memref<80x128xf32, #tpu.memory_space<vmem>>, vector<1x16xf32>,
      %swap3A_118 = vector.shape_cast %swap3A_117 : vector<1x16xf32> to vector<16xf32>
      %swap3A_119 = vector.shape_cast %broadcast_in_dim3A_114 : vector<16xf32> to vector<1x16xf32>
      tpu.vector_store %arg7[%swap3A_115, %swap3A_116], %swap3A_119 {strides = array<i32>} : memref<80x128xf32, #tpu.memory_space<vmem>>, vector<1x16xf32>,
      %broadcast_in_dim3A_120 = arith.constant 0.000000e+00 : f32
      %broadcast_in_dim3A_121 = vector.broadcast %broadcast_in_dim3A_120 : f32 to vector<16xf32>
      %swap3A_122 = arith.index_cast %add3A_86 : i32 to index
      %swap3A_123 = arith.constant 80 : index
      %swap3A_124 = tpu.vector_load %arg7[%swap3A_122, %swap3A_123] {strides = array<i32>} : memref<80x128xf32, #tpu.memory_space<vmem>>, vector<1x16xf32>,
      %swap3A_125 = vector.shape_cast %swap3A_124 : vector<1x16xf32> to vector<16xf32>
      %swap3A_126 = vector.shape_cast %broadcast_in_dim3A_121 : vector<16xf32> to vector<1x16xf32>
      tpu.vector_store %arg7[%swap3A_122, %swap3A_123], %swap3A_126 {strides = array<i32>} : memref<80x128xf32, #tpu.memory_space<vmem>>, vector<1x16xf32>,
      %broadcast_in_dim3A_127 = arith.constant 0.000000e+00 : f32
      %broadcast_in_dim3A_128 = vector.broadcast %broadcast_in_dim3A_127 : f32 to vector<16xf32>
      %swap3A_129 = arith.index_cast %add3A_86 : i32 to index
      %swap3A_130 = arith.constant 96 : index
      %swap3A_131 = tpu.vector_load %arg7[%swap3A_129, %swap3A_130] {strides = array<i32>} : memref<80x128xf32, #tpu.memory_space<vmem>>, vector<1x16xf32>,
      %swap3A_132 = vector.shape_cast %swap3A_131 : vector<1x16xf32> to vector<16xf32>
      %swap3A_133 = vector.shape_cast %broadcast_in_dim3A_128 : vector<16xf32> to vector<1x16xf32>
      tpu.vector_store %arg7[%swap3A_129, %swap3A_130], %swap3A_133 {strides = array<i32>} : memref<80x128xf32, #tpu.memory_space<vmem>>, vector<1x16xf32>,
      %broadcast_in_dim3A_134 = arith.constant 0.000000e+00 : f32
      %broadcast_in_dim3A_135 = vector.broadcast %broadcast_in_dim3A_134 : f32 to vector<16xf32>
      %swap3A_136 = arith.index_cast %add3A_86 : i32 to index
      %swap3A_137 = arith.constant 112 : index
      %swap3A_138 = tpu.vector_load %arg7[%swap3A_136, %swap3A_137] {strides = array<i32>} : memref<80x128xf32, #tpu.memory_space<vmem>>, vector<1x16xf32>,
      %swap3A_139 = vector.shape_cast %swap3A_138 : vector<1x16xf32> to vector<16xf32>
      %swap3A_140 = vector.shape_cast %broadcast_in_dim3A_135 : vector<16xf32> to vector<1x16xf32>
      tpu.vector_store %arg7[%swap3A_136, %swap3A_137], %swap3A_140 {strides = array<i32>} : memref<80x128xf32, #tpu.memory_space<vmem>>, vector<1x16xf32>,
    }
    %scan3A_11 = arith.constant 80 : i32
    %mul3A_12 = arith.constant 640 : i32
    %mul3A_13 = arith.muli %arg1, %mul3A_12 : i32
    %add3A_14 = arith.constant 0 : i32
    %add3A_15 = arith.addi %mul3A_13, %add3A_14 : i32
    "tpu.region"() ({
      %run_scoped3A = tpu.sem_alloc : memref<!tpu.dma_semaphore, #tpu.memory_space<semaphore_mem>>
      %dma_start3A = arith.constant 0 : i32
      %dma_start3A_82 = arith.constant 0 : i32
      %dma_start3A_83 = tpu.memref_slice %arg7[%dma_start3A, %dma_start3A_82] : memref<80x128xf32, #tpu.memory_space<vmem>> -> memref<80x128xf32, #tpu.memory_space<vmem>>
      %dma_start3A_84 = arith.constant 0 : i32
      %dma_start3A_85 = tpu.memref_slice %arg4[%add3A_15, %dma_start3A_84] : memref<10240x128xf32, #tpu.memory_space<vmem_shared>> -> memref<80x128xf32, #tpu.memory_space<vmem_shared>>
      %dma_start3A_86 = arith.constant 0 : i32
      %dma_start3A_87 = tpu.memref_slice %arg4[%add3A_15, %dma_start3A_86] : memref<10240x128xf32, #tpu.memory_space<vmem_shared>> -> memref<80x128xf32, #tpu.memory_space<vmem_shared>>
      %dma_start3A_88 = arith.constant 0 : i32
      %dma_start3A_89 = arith.constant 0 : i32
      %dma_start3A_90 = tpu.memref_slice %arg7[%dma_start3A_88, %dma_start3A_89] : memref<80x128xf32, #tpu.memory_space<vmem>> -> memref<80x128xf32, #tpu.memory_space<vmem>>
      tpu.enqueue_dma source(%dma_start3A_90 : memref<80x128xf32, #tpu.memory_space<vmem>>) target(%dma_start3A_87 : memref<80x128xf32, #tpu.memory_space<vmem_shared>>) target_semaphore(%run_scoped3A : memref<!tpu.dma_semaphore, #tpu.memory_space<semaphore_mem>>)
      %dma_wait3A = arith.constant 0 : i32
      %dma_wait3A_91 = arith.constant 0 : i32
      %dma_wait3A_92 = tpu.memref_slice %arg7[%dma_wait3A, %dma_wait3A_91] : memref<80x128xf32, #tpu.memory_space<vmem>> -> memref<80x128xf32, #tpu.memory_space<vmem>>
      %dma_wait3A_93 = arith.constant 0 : i32
      %dma_wait3A_94 = tpu.memref_slice %arg4[%add3A_15, %dma_wait3A_93] : memref<10240x128xf32, #tpu.memory_space<vmem_shared>> -> memref<80x128xf32, #tpu.memory_space<vmem_shared>>
      %dma_wait3A_95 = arith.constant 0 : i32
      %dma_wait3A_96 = tpu.memref_slice %arg4[%add3A_15, %dma_wait3A_95] : memref<10240x128xf32, #tpu.memory_space<vmem_shared>> -> memref<80x128xf32, #tpu.memory_space<vmem_shared>>
      %dma_wait3A_97 = arith.constant 0 : i32
      %dma_wait3A_98 = arith.constant 0 : i32
      %dma_wait3A_99 = tpu.memref_slice %arg7[%dma_wait3A_97, %dma_wait3A_98] : memref<80x128xf32, #tpu.memory_space<vmem>> -> memref<80x128xf32, #tpu.memory_space<vmem>>
      tpu.wait_dma2 semaphore(%run_scoped3A : memref<!tpu.dma_semaphore, #tpu.memory_space<semaphore_mem>>) src(%dma_wait3A_99 : memref<80x128xf32, #tpu.memory_space<vmem>>) dst(%dma_wait3A_96 : memref<80x128xf32, #tpu.memory_space<vmem_shared>>)
      tpu.yield
    }) : () -> ()
    %mul3A_16 = arith.constant 640 : i32
    %mul3A_17 = arith.muli %arg1, %mul3A_16 : i32
    %add3A_18 = arith.constant 80 : i32
    %add3A_19 = arith.addi %mul3A_17, %add3A_18 : i32
    "tpu.region"() ({
      %run_scoped3A = tpu.sem_alloc : memref<!tpu.dma_semaphore, #tpu.memory_space<semaphore_mem>>
      %dma_start3A = arith.constant 0 : i32
      %dma_start3A_82 = arith.constant 0 : i32
      %dma_start3A_83 = tpu.memref_slice %arg7[%dma_start3A, %dma_start3A_82] : memref<80x128xf32, #tpu.memory_space<vmem>> -> memref<80x128xf32, #tpu.memory_space<vmem>>
      %dma_start3A_84 = arith.constant 0 : i32
      %dma_start3A_85 = tpu.memref_slice %arg4[%add3A_19, %dma_start3A_84] : memref<10240x128xf32, #tpu.memory_space<vmem_shared>> -> memref<80x128xf32, #tpu.memory_space<vmem_shared>>
      %dma_start3A_86 = arith.constant 0 : i32
      %dma_start3A_87 = tpu.memref_slice %arg4[%add3A_19, %dma_start3A_86] : memref<10240x128xf32, #tpu.memory_space<vmem_shared>> -> memref<80x128xf32, #tpu.memory_space<vmem_shared>>
      %dma_start3A_88 = arith.constant 0 : i32
      %dma_start3A_89 = arith.constant 0 : i32
      %dma_start3A_90 = tpu.memref_slice %arg7[%dma_start3A_88, %dma_start3A_89] : memref<80x128xf32, #tpu.memory_space<vmem>> -> memref<80x128xf32, #tpu.memory_space<vmem>>
      tpu.enqueue_dma source(%dma_start3A_90 : memref<80x128xf32, #tpu.memory_space<vmem>>) target(%dma_start3A_87 : memref<80x128xf32, #tpu.memory_space<vmem_shared>>) target_semaphore(%run_scoped3A : memref<!tpu.dma_semaphore, #tpu.memory_space<semaphore_mem>>)
      %dma_wait3A = arith.constant 0 : i32
      %dma_wait3A_91 = arith.constant 0 : i32
      %dma_wait3A_92 = tpu.memref_slice %arg7[%dma_wait3A, %dma_wait3A_91] : memref<80x128xf32, #tpu.memory_space<vmem>> -> memref<80x128xf32, #tpu.memory_space<vmem>>
      %dma_wait3A_93 = arith.constant 0 : i32
      %dma_wait3A_94 = tpu.memref_slice %arg4[%add3A_19, %dma_wait3A_93] : memref<10240x128xf32, #tpu.memory_space<vmem_shared>> -> memref<80x128xf32, #tpu.memory_space<vmem_shared>>
      %dma_wait3A_95 = arith.constant 0 : i32
      %dma_wait3A_96 = tpu.memref_slice %arg4[%add3A_19, %dma_wait3A_95] : memref<10240x128xf32, #tpu.memory_space<vmem_shared>> -> memref<80x128xf32, #tpu.memory_space<vmem_shared>>
      %dma_wait3A_97 = arith.constant 0 : i32
      %dma_wait3A_98 = arith.constant 0 : i32
      %dma_wait3A_99 = tpu.memref_slice %arg7[%dma_wait3A_97, %dma_wait3A_98] : memref<80x128xf32, #tpu.memory_space<vmem>> -> memref<80x128xf32, #tpu.memory_space<vmem>>
      tpu.wait_dma2 semaphore(%run_scoped3A : memref<!tpu.dma_semaphore, #tpu.memory_space<semaphore_mem>>) src(%dma_wait3A_99 : memref<80x128xf32, #tpu.memory_space<vmem>>) dst(%dma_wait3A_96 : memref<80x128xf32, #tpu.memory_space<vmem_shared>>)
      tpu.yield
    }) : () -> ()
    %mul3A_20 = arith.constant 640 : i32
    %mul3A_21 = arith.muli %arg1, %mul3A_20 : i32
    %add3A_22 = arith.constant 160 : i32
    %add3A_23 = arith.addi %mul3A_21, %add3A_22 : i32
    "tpu.region"() ({
      %run_scoped3A = tpu.sem_alloc : memref<!tpu.dma_semaphore, #tpu.memory_space<semaphore_mem>>
      %dma_start3A = arith.constant 0 : i32
      %dma_start3A_82 = arith.constant 0 : i32
      %dma_start3A_83 = tpu.memref_slice %arg7[%dma_start3A, %dma_start3A_82] : memref<80x128xf32, #tpu.memory_space<vmem>> -> memref<80x128xf32, #tpu.memory_space<vmem>>
      %dma_start3A_84 = arith.constant 0 : i32
      %dma_start3A_85 = tpu.memref_slice %arg4[%add3A_23, %dma_start3A_84] : memref<10240x128xf32, #tpu.memory_space<vmem_shared>> -> memref<80x128xf32, #tpu.memory_space<vmem_shared>>
      %dma_start3A_86 = arith.constant 0 : i32
      %dma_start3A_87 = tpu.memref_slice %arg4[%add3A_23, %dma_start3A_86] : memref<10240x128xf32, #tpu.memory_space<vmem_shared>> -> memref<80x128xf32, #tpu.memory_space<vmem_shared>>
      %dma_start3A_88 = arith.constant 0 : i32
      %dma_start3A_89 = arith.constant 0 : i32
      %dma_start3A_90 = tpu.memref_slice %arg7[%dma_start3A_88, %dma_start3A_89] : memref<80x128xf32, #tpu.memory_space<vmem>> -> memref<80x128xf32, #tpu.memory_space<vmem>>
      tpu.enqueue_dma source(%dma_start3A_90 : memref<80x128xf32, #tpu.memory_space<vmem>>) target(%dma_start3A_87 : memref<80x128xf32, #tpu.memory_space<vmem_shared>>) target_semaphore(%run_scoped3A : memref<!tpu.dma_semaphore, #tpu.memory_space<semaphore_mem>>)
      %dma_wait3A = arith.constant 0 : i32
      %dma_wait3A_91 = arith.constant 0 : i32
      %dma_wait3A_92 = tpu.memref_slice %arg7[%dma_wait3A, %dma_wait3A_91] : memref<80x128xf32, #tpu.memory_space<vmem>> -> memref<80x128xf32, #tpu.memory_space<vmem>>
      %dma_wait3A_93 = arith.constant 0 : i32
      %dma_wait3A_94 = tpu.memref_slice %arg4[%add3A_23, %dma_wait3A_93] : memref<10240x128xf32, #tpu.memory_space<vmem_shared>> -> memref<80x128xf32, #tpu.memory_space<vmem_shared>>
      %dma_wait3A_95 = arith.constant 0 : i32
      %dma_wait3A_96 = tpu.memref_slice %arg4[%add3A_23, %dma_wait3A_95] : memref<10240x128xf32, #tpu.memory_space<vmem_shared>> -> memref<80x128xf32, #tpu.memory_space<vmem_shared>>
      %dma_wait3A_97 = arith.constant 0 : i32
      %dma_wait3A_98 = arith.constant 0 : i32
      %dma_wait3A_99 = tpu.memref_slice %arg7[%dma_wait3A_97, %dma_wait3A_98] : memref<80x128xf32, #tpu.memory_space<vmem>> -> memref<80x128xf32, #tpu.memory_space<vmem>>
      tpu.wait_dma2 semaphore(%run_scoped3A : memref<!tpu.dma_semaphore, #tpu.memory_space<semaphore_mem>>) src(%dma_wait3A_99 : memref<80x128xf32, #tpu.memory_space<vmem>>) dst(%dma_wait3A_96 : memref<80x128xf32, #tpu.memory_space<vmem_shared>>)
      tpu.yield
    }) : () -> ()
    %mul3A_24 = arith.constant 640 : i32
    %mul3A_25 = arith.muli %arg1, %mul3A_24 : i32
    %add3A_26 = arith.constant 240 : i32
    %add3A_27 = arith.addi %mul3A_25, %add3A_26 : i32
    "tpu.region"() ({
      %run_scoped3A = tpu.sem_alloc : memref<!tpu.dma_semaphore, #tpu.memory_space<semaphore_mem>>
      %dma_start3A = arith.constant 0 : i32
      %dma_start3A_82 = arith.constant 0 : i32
      %dma_start3A_83 = tpu.memref_slice %arg7[%dma_start3A, %dma_start3A_82] : memref<80x128xf32, #tpu.memory_space<vmem>> -> memref<80x128xf32, #tpu.memory_space<vmem>>
      %dma_start3A_84 = arith.constant 0 : i32
      %dma_start3A_85 = tpu.memref_slice %arg4[%add3A_27, %dma_start3A_84] : memref<10240x128xf32, #tpu.memory_space<vmem_shared>> -> memref<80x128xf32, #tpu.memory_space<vmem_shared>>
      %dma_start3A_86 = arith.constant 0 : i32
      %dma_start3A_87 = tpu.memref_slice %arg4[%add3A_27, %dma_start3A_86] : memref<10240x128xf32, #tpu.memory_space<vmem_shared>> -> memref<80x128xf32, #tpu.memory_space<vmem_shared>>
      %dma_start3A_88 = arith.constant 0 : i32
      %dma_start3A_89 = arith.constant 0 : i32
      %dma_start3A_90 = tpu.memref_slice %arg7[%dma_start3A_88, %dma_start3A_89] : memref<80x128xf32, #tpu.memory_space<vmem>> -> memref<80x128xf32, #tpu.memory_space<vmem>>
      tpu.enqueue_dma source(%dma_start3A_90 : memref<80x128xf32, #tpu.memory_space<vmem>>) target(%dma_start3A_87 : memref<80x128xf32, #tpu.memory_space<vmem_shared>>) target_semaphore(%run_scoped3A : memref<!tpu.dma_semaphore, #tpu.memory_space<semaphore_mem>>)
      %dma_wait3A = arith.constant 0 : i32
      %dma_wait3A_91 = arith.constant 0 : i32
      %dma_wait3A_92 = tpu.memref_slice %arg7[%dma_wait3A, %dma_wait3A_91] : memref<80x128xf32, #tpu.memory_space<vmem>> -> memref<80x128xf32, #tpu.memory_space<vmem>>
      %dma_wait3A_93 = arith.constant 0 : i32
      %dma_wait3A_94 = tpu.memref_slice %arg4[%add3A_27, %dma_wait3A_93] : memref<10240x128xf32, #tpu.memory_space<vmem_shared>> -> memref<80x128xf32, #tpu.memory_space<vmem_shared>>
      %dma_wait3A_95 = arith.constant 0 : i32
      %dma_wait3A_96 = tpu.memref_slice %arg4[%add3A_27, %dma_wait3A_95] : memref<10240x128xf32, #tpu.memory_space<vmem_shared>> -> memref<80x128xf32, #tpu.memory_space<vmem_shared>>
      %dma_wait3A_97 = arith.constant 0 : i32
      %dma_wait3A_98 = arith.constant 0 : i32
      %dma_wait3A_99 = tpu.memref_slice %arg7[%dma_wait3A_97, %dma_wait3A_98] : memref<80x128xf32, #tpu.memory_space<vmem>> -> memref<80x128xf32, #tpu.memory_space<vmem>>
      tpu.wait_dma2 semaphore(%run_scoped3A : memref<!tpu.dma_semaphore, #tpu.memory_space<semaphore_mem>>) src(%dma_wait3A_99 : memref<80x128xf32, #tpu.memory_space<vmem>>) dst(%dma_wait3A_96 : memref<80x128xf32, #tpu.memory_space<vmem_shared>>)
      tpu.yield
    }) : () -> ()
    %mul3A_28 = arith.constant 640 : i32
    %mul3A_29 = arith.muli %arg1, %mul3A_28 : i32
    %add3A_30 = arith.constant 320 : i32
    %add3A_31 = arith.addi %mul3A_29, %add3A_30 : i32
    "tpu.region"() ({
      %run_scoped3A = tpu.sem_alloc : memref<!tpu.dma_semaphore, #tpu.memory_space<semaphore_mem>>
      %dma_start3A = arith.constant 0 : i32
      %dma_start3A_82 = arith.constant 0 : i32
      %dma_start3A_83 = tpu.memref_slice %arg7[%dma_start3A, %dma_start3A_82] : memref<80x128xf32, #tpu.memory_space<vmem>> -> memref<80x128xf32, #tpu.memory_space<vmem>>
      %dma_start3A_84 = arith.constant 0 : i32
      %dma_start3A_85 = tpu.memref_slice %arg4[%add3A_31, %dma_start3A_84] : memref<10240x128xf32, #tpu.memory_space<vmem_shared>> -> memref<80x128xf32, #tpu.memory_space<vmem_shared>>
      %dma_start3A_86 = arith.constant 0 : i32
      %dma_start3A_87 = tpu.memref_slice %arg4[%add3A_31, %dma_start3A_86] : memref<10240x128xf32, #tpu.memory_space<vmem_shared>> -> memref<80x128xf32, #tpu.memory_space<vmem_shared>>
      %dma_start3A_88 = arith.constant 0 : i32
      %dma_start3A_89 = arith.constant 0 : i32
      %dma_start3A_90 = tpu.memref_slice %arg7[%dma_start3A_88, %dma_start3A_89] : memref<80x128xf32, #tpu.memory_space<vmem>> -> memref<80x128xf32, #tpu.memory_space<vmem>>
      tpu.enqueue_dma source(%dma_start3A_90 : memref<80x128xf32, #tpu.memory_space<vmem>>) target(%dma_start3A_87 : memref<80x128xf32, #tpu.memory_space<vmem_shared>>) target_semaphore(%run_scoped3A : memref<!tpu.dma_semaphore, #tpu.memory_space<semaphore_mem>>)
      %dma_wait3A = arith.constant 0 : i32
      %dma_wait3A_91 = arith.constant 0 : i32
      %dma_wait3A_92 = tpu.memref_slice %arg7[%dma_wait3A, %dma_wait3A_91] : memref<80x128xf32, #tpu.memory_space<vmem>> -> memref<80x128xf32, #tpu.memory_space<vmem>>
      %dma_wait3A_93 = arith.constant 0 : i32
      %dma_wait3A_94 = tpu.memref_slice %arg4[%add3A_31, %dma_wait3A_93] : memref<10240x128xf32, #tpu.memory_space<vmem_shared>> -> memref<80x128xf32, #tpu.memory_space<vmem_shared>>
      %dma_wait3A_95 = arith.constant 0 : i32
      %dma_wait3A_96 = tpu.memref_slice %arg4[%add3A_31, %dma_wait3A_95] : memref<10240x128xf32, #tpu.memory_space<vmem_shared>> -> memref<80x128xf32, #tpu.memory_space<vmem_shared>>
      %dma_wait3A_97 = arith.constant 0 : i32
      %dma_wait3A_98 = arith.constant 0 : i32
      %dma_wait3A_99 = tpu.memref_slice %arg7[%dma_wait3A_97, %dma_wait3A_98] : memref<80x128xf32, #tpu.memory_space<vmem>> -> memref<80x128xf32, #tpu.memory_space<vmem>>
      tpu.wait_dma2 semaphore(%run_scoped3A : memref<!tpu.dma_semaphore, #tpu.memory_space<semaphore_mem>>) src(%dma_wait3A_99 : memref<80x128xf32, #tpu.memory_space<vmem>>) dst(%dma_wait3A_96 : memref<80x128xf32, #tpu.memory_space<vmem_shared>>)
      tpu.yield
    }) : () -> ()
    %mul3A_32 = arith.constant 640 : i32
    %mul3A_33 = arith.muli %arg1, %mul3A_32 : i32
    %add3A_34 = arith.constant 400 : i32
    %add3A_35 = arith.addi %mul3A_33, %add3A_34 : i32
    "tpu.region"() ({
      %run_scoped3A = tpu.sem_alloc : memref<!tpu.dma_semaphore, #tpu.memory_space<semaphore_mem>>
      %dma_start3A = arith.constant 0 : i32
      %dma_start3A_82 = arith.constant 0 : i32
      %dma_start3A_83 = tpu.memref_slice %arg7[%dma_start3A, %dma_start3A_82] : memref<80x128xf32, #tpu.memory_space<vmem>> -> memref<80x128xf32, #tpu.memory_space<vmem>>
      %dma_start3A_84 = arith.constant 0 : i32
      %dma_start3A_85 = tpu.memref_slice %arg4[%add3A_35, %dma_start3A_84] : memref<10240x128xf32, #tpu.memory_space<vmem_shared>> -> memref<80x128xf32, #tpu.memory_space<vmem_shared>>
      %dma_start3A_86 = arith.constant 0 : i32
      %dma_start3A_87 = tpu.memref_slice %arg4[%add3A_35, %dma_start3A_86] : memref<10240x128xf32, #tpu.memory_space<vmem_shared>> -> memref<80x128xf32, #tpu.memory_space<vmem_shared>>
      %dma_start3A_88 = arith.constant 0 : i32
      %dma_start3A_89 = arith.constant 0 : i32
      %dma_start3A_90 = tpu.memref_slice %arg7[%dma_start3A_88, %dma_start3A_89] : memref<80x128xf32, #tpu.memory_space<vmem>> -> memref<80x128xf32, #tpu.memory_space<vmem>>
      tpu.enqueue_dma source(%dma_start3A_90 : memref<80x128xf32, #tpu.memory_space<vmem>>) target(%dma_start3A_87 : memref<80x128xf32, #tpu.memory_space<vmem_shared>>) target_semaphore(%run_scoped3A : memref<!tpu.dma_semaphore, #tpu.memory_space<semaphore_mem>>)
      %dma_wait3A = arith.constant 0 : i32
      %dma_wait3A_91 = arith.constant 0 : i32
      %dma_wait3A_92 = tpu.memref_slice %arg7[%dma_wait3A, %dma_wait3A_91] : memref<80x128xf32, #tpu.memory_space<vmem>> -> memref<80x128xf32, #tpu.memory_space<vmem>>
      %dma_wait3A_93 = arith.constant 0 : i32
      %dma_wait3A_94 = tpu.memref_slice %arg4[%add3A_35, %dma_wait3A_93] : memref<10240x128xf32, #tpu.memory_space<vmem_shared>> -> memref<80x128xf32, #tpu.memory_space<vmem_shared>>
      %dma_wait3A_95 = arith.constant 0 : i32
      %dma_wait3A_96 = tpu.memref_slice %arg4[%add3A_35, %dma_wait3A_95] : memref<10240x128xf32, #tpu.memory_space<vmem_shared>> -> memref<80x128xf32, #tpu.memory_space<vmem_shared>>
      %dma_wait3A_97 = arith.constant 0 : i32
      %dma_wait3A_98 = arith.constant 0 : i32
      %dma_wait3A_99 = tpu.memref_slice %arg7[%dma_wait3A_97, %dma_wait3A_98] : memref<80x128xf32, #tpu.memory_space<vmem>> -> memref<80x128xf32, #tpu.memory_space<vmem>>
      tpu.wait_dma2 semaphore(%run_scoped3A : memref<!tpu.dma_semaphore, #tpu.memory_space<semaphore_mem>>) src(%dma_wait3A_99 : memref<80x128xf32, #tpu.memory_space<vmem>>) dst(%dma_wait3A_96 : memref<80x128xf32, #tpu.memory_space<vmem_shared>>)
      tpu.yield
    }) : () -> ()
    %mul3A_36 = arith.constant 640 : i32
    %mul3A_37 = arith.muli %arg1, %mul3A_36 : i32
    %add3A_38 = arith.constant 480 : i32
    %add3A_39 = arith.addi %mul3A_37, %add3A_38 : i32
    "tpu.region"() ({
      %run_scoped3A = tpu.sem_alloc : memref<!tpu.dma_semaphore, #tpu.memory_space<semaphore_mem>>
      %dma_start3A = arith.constant 0 : i32
      %dma_start3A_82 = arith.constant 0 : i32
      %dma_start3A_83 = tpu.memref_slice %arg7[%dma_start3A, %dma_start3A_82] : memref<80x128xf32, #tpu.memory_space<vmem>> -> memref<80x128xf32, #tpu.memory_space<vmem>>
      %dma_start3A_84 = arith.constant 0 : i32
      %dma_start3A_85 = tpu.memref_slice %arg4[%add3A_39, %dma_start3A_84] : memref<10240x128xf32, #tpu.memory_space<vmem_shared>> -> memref<80x128xf32, #tpu.memory_space<vmem_shared>>
      %dma_start3A_86 = arith.constant 0 : i32
      %dma_start3A_87 = tpu.memref_slice %arg4[%add3A_39, %dma_start3A_86] : memref<10240x128xf32, #tpu.memory_space<vmem_shared>> -> memref<80x128xf32, #tpu.memory_space<vmem_shared>>
      %dma_start3A_88 = arith.constant 0 : i32
      %dma_start3A_89 = arith.constant 0 : i32
      %dma_start3A_90 = tpu.memref_slice %arg7[%dma_start3A_88, %dma_start3A_89] : memref<80x128xf32, #tpu.memory_space<vmem>> -> memref<80x128xf32, #tpu.memory_space<vmem>>
      tpu.enqueue_dma source(%dma_start3A_90 : memref<80x128xf32, #tpu.memory_space<vmem>>) target(%dma_start3A_87 : memref<80x128xf32, #tpu.memory_space<vmem_shared>>) target_semaphore(%run_scoped3A : memref<!tpu.dma_semaphore, #tpu.memory_space<semaphore_mem>>)
      %dma_wait3A = arith.constant 0 : i32
      %dma_wait3A_91 = arith.constant 0 : i32
      %dma_wait3A_92 = tpu.memref_slice %arg7[%dma_wait3A, %dma_wait3A_91] : memref<80x128xf32, #tpu.memory_space<vmem>> -> memref<80x128xf32, #tpu.memory_space<vmem>>
      %dma_wait3A_93 = arith.constant 0 : i32
      %dma_wait3A_94 = tpu.memref_slice %arg4[%add3A_39, %dma_wait3A_93] : memref<10240x128xf32, #tpu.memory_space<vmem_shared>> -> memref<80x128xf32, #tpu.memory_space<vmem_shared>>
      %dma_wait3A_95 = arith.constant 0 : i32
      %dma_wait3A_96 = tpu.memref_slice %arg4[%add3A_39, %dma_wait3A_95] : memref<10240x128xf32, #tpu.memory_space<vmem_shared>> -> memref<80x128xf32, #tpu.memory_space<vmem_shared>>
      %dma_wait3A_97 = arith.constant 0 : i32
      %dma_wait3A_98 = arith.constant 0 : i32
      %dma_wait3A_99 = tpu.memref_slice %arg7[%dma_wait3A_97, %dma_wait3A_98] : memref<80x128xf32, #tpu.memory_space<vmem>> -> memref<80x128xf32, #tpu.memory_space<vmem>>
      tpu.wait_dma2 semaphore(%run_scoped3A : memref<!tpu.dma_semaphore, #tpu.memory_space<semaphore_mem>>) src(%dma_wait3A_99 : memref<80x128xf32, #tpu.memory_space<vmem>>) dst(%dma_wait3A_96 : memref<80x128xf32, #tpu.memory_space<vmem_shared>>)
      tpu.yield
    }) : () -> ()
    %mul3A_40 = arith.constant 640 : i32
    %mul3A_41 = arith.muli %arg1, %mul3A_40 : i32
    %add3A_42 = arith.constant 560 : i32
    %add3A_43 = arith.addi %mul3A_41, %add3A_42 : i32
    "tpu.region"() ({
      %run_scoped3A = tpu.sem_alloc : memref<!tpu.dma_semaphore, #tpu.memory_space<semaphore_mem>>
      %dma_start3A = arith.constant 0 : i32
      %dma_start3A_82 = arith.constant 0 : i32
      %dma_start3A_83 = tpu.memref_slice %arg7[%dma_start3A, %dma_start3A_82] : memref<80x128xf32, #tpu.memory_space<vmem>> -> memref<80x128xf32, #tpu.memory_space<vmem>>
      %dma_start3A_84 = arith.constant 0 : i32
      %dma_start3A_85 = tpu.memref_slice %arg4[%add3A_43, %dma_start3A_84] : memref<10240x128xf32, #tpu.memory_space<vmem_shared>> -> memref<80x128xf32, #tpu.memory_space<vmem_shared>>
      %dma_start3A_86 = arith.constant 0 : i32
      %dma_start3A_87 = tpu.memref_slice %arg4[%add3A_43, %dma_start3A_86] : memref<10240x128xf32, #tpu.memory_space<vmem_shared>> -> memref<80x128xf32, #tpu.memory_space<vmem_shared>>
      %dma_start3A_88 = arith.constant 0 : i32
      %dma_start3A_89 = arith.constant 0 : i32
      %dma_start3A_90 = tpu.memref_slice %arg7[%dma_start3A_88, %dma_start3A_89] : memref<80x128xf32, #tpu.memory_space<vmem>> -> memref<80x128xf32, #tpu.memory_space<vmem>>
      tpu.enqueue_dma source(%dma_start3A_90 : memref<80x128xf32, #tpu.memory_space<vmem>>) target(%dma_start3A_87 : memref<80x128xf32, #tpu.memory_space<vmem_shared>>) target_semaphore(%run_scoped3A : memref<!tpu.dma_semaphore, #tpu.memory_space<semaphore_mem>>)
      %dma_wait3A = arith.constant 0 : i32
      %dma_wait3A_91 = arith.constant 0 : i32
      %dma_wait3A_92 = tpu.memref_slice %arg7[%dma_wait3A, %dma_wait3A_91] : memref<80x128xf32, #tpu.memory_space<vmem>> -> memref<80x128xf32, #tpu.memory_space<vmem>>
      %dma_wait3A_93 = arith.constant 0 : i32
      %dma_wait3A_94 = tpu.memref_slice %arg4[%add3A_43, %dma_wait3A_93] : memref<10240x128xf32, #tpu.memory_space<vmem_shared>> -> memref<80x128xf32, #tpu.memory_space<vmem_shared>>
      %dma_wait3A_95 = arith.constant 0 : i32
      %dma_wait3A_96 = tpu.memref_slice %arg4[%add3A_43, %dma_wait3A_95] : memref<10240x128xf32, #tpu.memory_space<vmem_shared>> -> memref<80x128xf32, #tpu.memory_space<vmem_shared>>
      %dma_wait3A_97 = arith.constant 0 : i32
      %dma_wait3A_98 = arith.constant 0 : i32
      %dma_wait3A_99 = tpu.memref_slice %arg7[%dma_wait3A_97, %dma_wait3A_98] : memref<80x128xf32, #tpu.memory_space<vmem>> -> memref<80x128xf32, #tpu.memory_space<vmem>>
      tpu.wait_dma2 semaphore(%run_scoped3A : memref<!tpu.dma_semaphore, #tpu.memory_space<semaphore_mem>>) src(%dma_wait3A_99 : memref<80x128xf32, #tpu.memory_space<vmem>>) dst(%dma_wait3A_96 : memref<80x128xf32, #tpu.memory_space<vmem_shared>>)
      tpu.yield
    }) : () -> ()
    %barrier3A = arith.constant 0 : index
    tpu.barrier barrier_id(%barrier3A)
    %scan3A_44 = arith.constant 0 : i32
    %scan3A_45 = arith.constant 125 : i32
    %scan3A_46 = arith.addi %scan3A_44, %scan3A_45 : i32
    %scan3A_47 = arith.constant 1 : i32
    scf.for %scan3A_82 = %scan3A_44 to %scan3A_46 step %scan3A_47  : i32 {
      %mul3A_83 = arith.constant 1 : i32
      %mul3A_84 = arith.muli %scan3A_82, %mul3A_83 : i32
      %add3A_85 = arith.constant 0 : i32
      %add3A_86 = arith.addi %add3A_85, %mul3A_84 : i32
      %mul3A_87 = arith.constant 80 : i32
      %mul3A_88 = arith.muli %add3A_86, %mul3A_87 : i32
      "tpu.region"() ({
        %run_scoped3A = tpu.sem_alloc : memref<!tpu.dma_semaphore, #tpu.memory_space<semaphore_mem>>
        %dma_start3A = tpu.memref_slice %arg5[%mul3A_88] : memref<10000xi32, #tpu.memory_space<vmem>> -> memref<80xi32, #tpu.memory_space<vmem>>
        %dma_start3A_89 = arith.constant 0 : i32
        %dma_start3A_90 = arith.constant 0 : i32
        %dma_start3A_91 = tpu.memref_slice %arg4[%dma_start3A_89, %dma_start3A_90] : memref<10240x128xf32, #tpu.memory_space<vmem_shared>> -> memref<10240x128xf32, #tpu.memory_space<vmem_shared>>
        tpu.enqueue_indirect_dma source(%arg6 : memref<80x128xf32, #tpu.memory_space<vmem>>) target(%dma_start3A_91 : memref<10240x128xf32, #tpu.memory_space<vmem_shared>>) offsets(%dma_start3A : memref<80xi32, #tpu.memory_space<vmem>>) semaphore(%run_scoped3A : memref<!tpu.dma_semaphore, #tpu.memory_space<semaphore_mem>>) {add = true}
        %dma_wait3A = tpu.memref_slice %arg5[%mul3A_88] : memref<10000xi32, #tpu.memory_space<vmem>> -> memref<80xi32, #tpu.memory_space<vmem>>
        %dma_wait3A_92 = arith.constant 0 : i32
        %dma_wait3A_93 = arith.constant 0 : i32
        %dma_wait3A_94 = tpu.memref_slice %arg4[%dma_wait3A_92, %dma_wait3A_93] : memref<10240x128xf32, #tpu.memory_space<vmem_shared>> -> memref<10240x128xf32, #tpu.memory_space<vmem_shared>>
        tpu.wait_indirect_dma semaphore(%run_scoped3A : memref<!tpu.dma_semaphore, #tpu.memory_space<semaphore_mem>>) src(%arg6 : memref<80x128xf32, #tpu.memory_space<vmem>>) dst(%dma_wait3A_94 : memref<10240x128xf32, #tpu.memory_space<vmem_shared>>)
        tpu.yield
      }) : () -> ()
    }
    %scan3A_48 = arith.constant 125 : i32
    %barrier3A_49 = arith.constant 0 : index
    tpu.barrier barrier_id(%barrier3A_49)
    %mul3A_50 = arith.constant 640 : i32
    %mul3A_51 = arith.muli %arg1, %mul3A_50 : i32
    %add3A_52 = arith.constant 0 : i32
    %add3A_53 = arith.addi %mul3A_51, %add3A_52 : i32
    "tpu.region"() ({
      %run_scoped3A = tpu.sem_alloc : memref<!tpu.dma_semaphore, #tpu.memory_space<semaphore_mem>>
      %dma_start3A = arith.constant 0 : i32
      %dma_start3A_82 = arith.constant 0 : i32
      %dma_start3A_83 = tpu.memref_slice %arg7[%dma_start3A, %dma_start3A_82] : memref<80x128xf32, #tpu.memory_space<vmem>> -> memref<80x128xf32, #tpu.memory_space<vmem>>
      %dma_start3A_84 = arith.constant 0 : i32
      %dma_start3A_85 = tpu.memref_slice %arg4[%add3A_53, %dma_start3A_84] : memref<10240x128xf32, #tpu.memory_space<vmem_shared>> -> memref<80x128xf32, #tpu.memory_space<vmem_shared>>
      %dma_start3A_86 = arith.constant 0 : i32
      %dma_start3A_87 = arith.constant 0 : i32
      %dma_start3A_88 = tpu.memref_slice %arg7[%dma_start3A_86, %dma_start3A_87] : memref<80x128xf32, #tpu.memory_space<vmem>> -> memref<80x128xf32, #tpu.memory_space<vmem>>
      %dma_start3A_89 = arith.constant 0 : i32
      %dma_start3A_90 = tpu.memref_slice %arg4[%add3A_53, %dma_start3A_89] : memref<10240x128xf32, #tpu.memory_space<vmem_shared>> -> memref<80x128xf32, #tpu.memory_space<vmem_shared>>
      tpu.enqueue_dma source(%dma_start3A_90 : memref<80x128xf32, #tpu.memory_space<vmem_shared>>) target(%dma_start3A_88 : memref<80x128xf32, #tpu.memory_space<vmem>>) target_semaphore(%run_scoped3A : memref<!tpu.dma_semaphore, #tpu.memory_space<semaphore_mem>>)
      %dma_wait3A = arith.constant 0 : i32
      %dma_wait3A_91 = arith.constant 0 : i32
      %dma_wait3A_92 = tpu.memref_slice %arg7[%dma_wait3A, %dma_wait3A_91] : memref<80x128xf32, #tpu.memory_space<vmem>> -> memref<80x128xf32, #tpu.memory_space<vmem>>
      %dma_wait3A_93 = arith.constant 0 : i32
      %dma_wait3A_94 = tpu.memref_slice %arg4[%add3A_53, %dma_wait3A_93] : memref<10240x128xf32, #tpu.memory_space<vmem_shared>> -> memref<80x128xf32, #tpu.memory_space<vmem_shared>>
      %dma_wait3A_95 = arith.constant 0 : i32
      %dma_wait3A_96 = arith.constant 0 : i32
      %dma_wait3A_97 = tpu.memref_slice %arg7[%dma_wait3A_95, %dma_wait3A_96] : memref<80x128xf32, #tpu.memory_space<vmem>> -> memref<80x128xf32, #tpu.memory_space<vmem>>
      %dma_wait3A_98 = arith.constant 0 : i32
      %dma_wait3A_99 = tpu.memref_slice %arg4[%add3A_53, %dma_wait3A_98] : memref<10240x128xf32, #tpu.memory_space<vmem_shared>> -> memref<80x128xf32, #tpu.memory_space<vmem_shared>>
      tpu.wait_dma2 semaphore(%run_scoped3A : memref<!tpu.dma_semaphore, #tpu.memory_space<semaphore_mem>>) src(%dma_wait3A_99 : memref<80x128xf32, #tpu.memory_space<vmem_shared>>) dst(%dma_wait3A_97 : memref<80x128xf32, #tpu.memory_space<vmem>>)
      tpu.yield
    }) : () -> ()
    "tpu.region"() ({
      %run_scoped3A = tpu.sem_alloc : memref<!tpu.dma_semaphore, #tpu.memory_space<semaphore_mem>>
      %dma_start3A = arith.constant 0 : i32
      %dma_start3A_82 = arith.constant 0 : i32
      %dma_start3A_83 = tpu.memref_slice %arg7[%dma_start3A, %dma_start3A_82] : memref<80x128xf32, #tpu.memory_space<vmem>> -> memref<80x128xf32, #tpu.memory_space<vmem>>
      %dma_start3A_84 = arith.constant 0 : i32
      %dma_start3A_85 = tpu.memref_slice %arg3[%arg0, %add3A_53, %dma_start3A_84] : memref<2x10240x128xf32, #tpu.memory_space<hbm>> -> memref<1x80x128xf32, #tpu.memory_space<hbm>>
      %dma_start3A_86 = tpu.memref_squeeze %dma_start3A_85 : memref<1x80x128xf32, #tpu.memory_space<hbm>> -> memref<80x128xf32, #tpu.memory_space<hbm>>
      %dma_start3A_87 = arith.constant 0 : i32
      %dma_start3A_88 = tpu.memref_slice %arg3[%arg0, %add3A_53, %dma_start3A_87] : memref<2x10240x128xf32, #tpu.memory_space<hbm>> -> memref<1x80x128xf32, #tpu.memory_space<hbm>>
      %dma_start3A_89 = tpu.memref_squeeze %dma_start3A_88 : memref<1x80x128xf32, #tpu.memory_space<hbm>> -> memref<80x128xf32, #tpu.memory_space<hbm>>
      %dma_start3A_90 = arith.constant 0 : i32
      %dma_start3A_91 = arith.constant 0 : i32
      %dma_start3A_92 = tpu.memref_slice %arg7[%dma_start3A_90, %dma_start3A_91] : memref<80x128xf32, #tpu.memory_space<vmem>> -> memref<80x128xf32, #tpu.memory_space<vmem>>
      tpu.enqueue_dma source(%dma_start3A_92 : memref<80x128xf32, #tpu.memory_space<vmem>>) target(%dma_start3A_89 : memref<80x128xf32, #tpu.memory_space<hbm>>) target_semaphore(%run_scoped3A : memref<!tpu.dma_semaphore, #tpu.memory_space<semaphore_mem>>)
      %dma_wait3A = arith.constant 0 : i32
      %dma_wait3A_93 = arith.constant 0 : i32
      %dma_wait3A_94 = tpu.memref_slice %arg7[%dma_wait3A, %dma_wait3A_93] : memref<80x128xf32, #tpu.memory_space<vmem>> -> memref<80x128xf32, #tpu.memory_space<vmem>>
      %dma_wait3A_95 = arith.constant 0 : i32
      %dma_wait3A_96 = tpu.memref_slice %arg3[%arg0, %add3A_53, %dma_wait3A_95] : memref<2x10240x128xf32, #tpu.memory_space<hbm>> -> memref<1x80x128xf32, #tpu.memory_space<hbm>>
      %dma_wait3A_97 = tpu.memref_squeeze %dma_wait3A_96 : memref<1x80x128xf32, #tpu.memory_space<hbm>> -> memref<80x128xf32, #tpu.memory_space<hbm>>
      %dma_wait3A_98 = arith.constant 0 : i32
      %dma_wait3A_99 = tpu.memref_slice %arg3[%arg0, %add3A_53, %dma_wait3A_98] : memref<2x10240x128xf32, #tpu.memory_space<hbm>> -> memref<1x80x128xf32, #tpu.memory_space<hbm>>
      %dma_wait3A_100 = tpu.memref_squeeze %dma_wait3A_99 : memref<1x80x128xf32, #tpu.memory_space<hbm>> -> memref<80x128xf32, #tpu.memory_space<hbm>>
      %dma_wait3A_101 = arith.constant 0 : i32
      %dma_wait3A_102 = arith.constant 0 : i32
      %dma_wait3A_103 = tpu.memref_slice %arg7[%dma_wait3A_101, %dma_wait3A_102] : memref<80x128xf32, #tpu.memory_space<vmem>> -> memref<80x128xf32, #tpu.memory_space<vmem>>
      tpu.wait_dma2 semaphore(%run_scoped3A : memref<!tpu.dma_semaphore, #tpu.memory_space<semaphore_mem>>) src(%dma_wait3A_103 : memref<80x128xf32, #tpu.memory_space<vmem>>) dst(%dma_wait3A_100 : memref<80x128xf32, #tpu.memory_space<hbm>>)
      tpu.yield
    }) : () -> ()
    %mul3A_54 = arith.constant 640 : i32
    %mul3A_55 = arith.muli %arg1, %mul3A_54 : i32
    %add3A_56 = arith.constant 80 : i32
    %add3A_57 = arith.addi %mul3A_55, %add3A_56 : i32
    "tpu.region"() ({
      %run_scoped3A = tpu.sem_alloc : memref<!tpu.dma_semaphore, #tpu.memory_space<semaphore_mem>>
      %dma_start3A = arith.constant 0 : i32
      %dma_start3A_82 = arith.constant 0 : i32
      %dma_start3A_83 = tpu.memref_slice %arg7[%dma_start3A, %dma_start3A_82] : memref<80x128xf32, #tpu.memory_space<vmem>> -> memref<80x128xf32, #tpu.memory_space<vmem>>
      %dma_start3A_84 = arith.constant 0 : i32
      %dma_start3A_85 = tpu.memref_slice %arg4[%add3A_57, %dma_start3A_84] : memref<10240x128xf32, #tpu.memory_space<vmem_shared>> -> memref<80x128xf32, #tpu.memory_space<vmem_shared>>
      %dma_start3A_86 = arith.constant 0 : i32
      %dma_start3A_87 = arith.constant 0 : i32
      %dma_start3A_88 = tpu.memref_slice %arg7[%dma_start3A_86, %dma_start3A_87] : memref<80x128xf32, #tpu.memory_space<vmem>> -> memref<80x128xf32, #tpu.memory_space<vmem>>
      %dma_start3A_89 = arith.constant 0 : i32
      %dma_start3A_90 = tpu.memref_slice %arg4[%add3A_57, %dma_start3A_89] : memref<10240x128xf32, #tpu.memory_space<vmem_shared>> -> memref<80x128xf32, #tpu.memory_space<vmem_shared>>
      tpu.enqueue_dma source(%dma_start3A_90 : memref<80x128xf32, #tpu.memory_space<vmem_shared>>) target(%dma_start3A_88 : memref<80x128xf32, #tpu.memory_space<vmem>>) target_semaphore(%run_scoped3A : memref<!tpu.dma_semaphore, #tpu.memory_space<semaphore_mem>>)
      %dma_wait3A = arith.constant 0 : i32
      %dma_wait3A_91 = arith.constant 0 : i32
      %dma_wait3A_92 = tpu.memref_slice %arg7[%dma_wait3A, %dma_wait3A_91] : memref<80x128xf32, #tpu.memory_space<vmem>> -> memref<80x128xf32, #tpu.memory_space<vmem>>
      %dma_wait3A_93 = arith.constant 0 : i32
      %dma_wait3A_94 = tpu.memref_slice %arg4[%add3A_57, %dma_wait3A_93] : memref<10240x128xf32, #tpu.memory_space<vmem_shared>> -> memref<80x128xf32, #tpu.memory_space<vmem_shared>>
      %dma_wait3A_95 = arith.constant 0 : i32
      %dma_wait3A_96 = arith.constant 0 : i32
      %dma_wait3A_97 = tpu.memref_slice %arg7[%dma_wait3A_95, %dma_wait3A_96] : memref<80x128xf32, #tpu.memory_space<vmem>> -> memref<80x128xf32, #tpu.memory_space<vmem>>
      %dma_wait3A_98 = arith.constant 0 : i32
      %dma_wait3A_99 = tpu.memref_slice %arg4[%add3A_57, %dma_wait3A_98] : memref<10240x128xf32, #tpu.memory_space<vmem_shared>> -> memref<80x128xf32, #tpu.memory_space<vmem_shared>>
      tpu.wait_dma2 semaphore(%run_scoped3A : memref<!tpu.dma_semaphore, #tpu.memory_space<semaphore_mem>>) src(%dma_wait3A_99 : memref<80x128xf32, #tpu.memory_space<vmem_shared>>) dst(%dma_wait3A_97 : memref<80x128xf32, #tpu.memory_space<vmem>>)
      tpu.yield
    }) : () -> ()
    "tpu.region"() ({
      %run_scoped3A = tpu.sem_alloc : memref<!tpu.dma_semaphore, #tpu.memory_space<semaphore_mem>>
      %dma_start3A = arith.constant 0 : i32
      %dma_start3A_82 = arith.constant 0 : i32
      %dma_start3A_83 = tpu.memref_slice %arg7[%dma_start3A, %dma_start3A_82] : memref<80x128xf32, #tpu.memory_space<vmem>> -> memref<80x128xf32, #tpu.memory_space<vmem>>
      %dma_start3A_84 = arith.constant 0 : i32
      %dma_start3A_85 = tpu.memref_slice %arg3[%arg0, %add3A_57, %dma_start3A_84] : memref<2x10240x128xf32, #tpu.memory_space<hbm>> -> memref<1x80x128xf32, #tpu.memory_space<hbm>>
      %dma_start3A_86 = tpu.memref_squeeze %dma_start3A_85 : memref<1x80x128xf32, #tpu.memory_space<hbm>> -> memref<80x128xf32, #tpu.memory_space<hbm>>
      %dma_start3A_87 = arith.constant 0 : i32
      %dma_start3A_88 = tpu.memref_slice %arg3[%arg0, %add3A_57, %dma_start3A_87] : memref<2x10240x128xf32, #tpu.memory_space<hbm>> -> memref<1x80x128xf32, #tpu.memory_space<hbm>>
      %dma_start3A_89 = tpu.memref_squeeze %dma_start3A_88 : memref<1x80x128xf32, #tpu.memory_space<hbm>> -> memref<80x128xf32, #tpu.memory_space<hbm>>
      %dma_start3A_90 = arith.constant 0 : i32
      %dma_start3A_91 = arith.constant 0 : i32
      %dma_start3A_92 = tpu.memref_slice %arg7[%dma_start3A_90, %dma_start3A_91] : memref<80x128xf32, #tpu.memory_space<vmem>> -> memref<80x128xf32, #tpu.memory_space<vmem>>
      tpu.enqueue_dma source(%dma_start3A_92 : memref<80x128xf32, #tpu.memory_space<vmem>>) target(%dma_start3A_89 : memref<80x128xf32, #tpu.memory_space<hbm>>) target_semaphore(%run_scoped3A : memref<!tpu.dma_semaphore, #tpu.memory_space<semaphore_mem>>)
      %dma_wait3A = arith.constant 0 : i32
      %dma_wait3A_93 = arith.constant 0 : i32
      %dma_wait3A_94 = tpu.memref_slice %arg7[%dma_wait3A, %dma_wait3A_93] : memref<80x128xf32, #tpu.memory_space<vmem>> -> memref<80x128xf32, #tpu.memory_space<vmem>>
      %dma_wait3A_95 = arith.constant 0 : i32
      %dma_wait3A_96 = tpu.memref_slice %arg3[%arg0, %add3A_57, %dma_wait3A_95] : memref<2x10240x128xf32, #tpu.memory_space<hbm>> -> memref<1x80x128xf32, #tpu.memory_space<hbm>>
      %dma_wait3A_97 = tpu.memref_squeeze %dma_wait3A_96 : memref<1x80x128xf32, #tpu.memory_space<hbm>> -> memref<80x128xf32, #tpu.memory_space<hbm>>
      %dma_wait3A_98 = arith.constant 0 : i32
      %dma_wait3A_99 = tpu.memref_slice %arg3[%arg0, %add3A_57, %dma_wait3A_98] : memref<2x10240x128xf32, #tpu.memory_space<hbm>> -> memref<1x80x128xf32, #tpu.memory_space<hbm>>
      %dma_wait3A_100 = tpu.memref_squeeze %dma_wait3A_99 : memref<1x80x128xf32, #tpu.memory_space<hbm>> -> memref<80x128xf32, #tpu.memory_space<hbm>>
      %dma_wait3A_101 = arith.constant 0 : i32
      %dma_wait3A_102 = arith.constant 0 : i32
      %dma_wait3A_103 = tpu.memref_slice %arg7[%dma_wait3A_101, %dma_wait3A_102] : memref<80x128xf32, #tpu.memory_space<vmem>> -> memref<80x128xf32, #tpu.memory_space<vmem>>
      tpu.wait_dma2 semaphore(%run_scoped3A : memref<!tpu.dma_semaphore, #tpu.memory_space<semaphore_mem>>) src(%dma_wait3A_103 : memref<80x128xf32, #tpu.memory_space<vmem>>) dst(%dma_wait3A_100 : memref<80x128xf32, #tpu.memory_space<hbm>>)
      tpu.yield
    }) : () -> ()
    %mul3A_58 = arith.constant 640 : i32
    %mul3A_59 = arith.muli %arg1, %mul3A_58 : i32
    %add3A_60 = arith.constant 160 : i32
    %add3A_61 = arith.addi %mul3A_59, %add3A_60 : i32
    "tpu.region"() ({
      %run_scoped3A = tpu.sem_alloc : memref<!tpu.dma_semaphore, #tpu.memory_space<semaphore_mem>>
      %dma_start3A = arith.constant 0 : i32
      %dma_start3A_82 = arith.constant 0 : i32
      %dma_start3A_83 = tpu.memref_slice %arg7[%dma_start3A, %dma_start3A_82] : memref<80x128xf32, #tpu.memory_space<vmem>> -> memref<80x128xf32, #tpu.memory_space<vmem>>
      %dma_start3A_84 = arith.constant 0 : i32
      %dma_start3A_85 = tpu.memref_slice %arg4[%add3A_61, %dma_start3A_84] : memref<10240x128xf32, #tpu.memory_space<vmem_shared>> -> memref<80x128xf32, #tpu.memory_space<vmem_shared>>
      %dma_start3A_86 = arith.constant 0 : i32
      %dma_start3A_87 = arith.constant 0 : i32
      %dma_start3A_88 = tpu.memref_slice %arg7[%dma_start3A_86, %dma_start3A_87] : memref<80x128xf32, #tpu.memory_space<vmem>> -> memref<80x128xf32, #tpu.memory_space<vmem>>
      %dma_start3A_89 = arith.constant 0 : i32
      %dma_start3A_90 = tpu.memref_slice %arg4[%add3A_61, %dma_start3A_89] : memref<10240x128xf32, #tpu.memory_space<vmem_shared>> -> memref<80x128xf32, #tpu.memory_space<vmem_shared>>
      tpu.enqueue_dma source(%dma_start3A_90 : memref<80x128xf32, #tpu.memory_space<vmem_shared>>) target(%dma_start3A_88 : memref<80x128xf32, #tpu.memory_space<vmem>>) target_semaphore(%run_scoped3A : memref<!tpu.dma_semaphore, #tpu.memory_space<semaphore_mem>>)
      %dma_wait3A = arith.constant 0 : i32
      %dma_wait3A_91 = arith.constant 0 : i32
      %dma_wait3A_92 = tpu.memref_slice %arg7[%dma_wait3A, %dma_wait3A_91] : memref<80x128xf32, #tpu.memory_space<vmem>> -> memref<80x128xf32, #tpu.memory_space<vmem>>
      %dma_wait3A_93 = arith.constant 0 : i32
      %dma_wait3A_94 = tpu.memref_slice %arg4[%add3A_61, %dma_wait3A_93] : memref<10240x128xf32, #tpu.memory_space<vmem_shared>> -> memref<80x128xf32, #tpu.memory_space<vmem_shared>>
      %dma_wait3A_95 = arith.constant 0 : i32
      %dma_wait3A_96 = arith.constant 0 : i32
      %dma_wait3A_97 = tpu.memref_slice %arg7[%dma_wait3A_95, %dma_wait3A_96] : memref<80x128xf32, #tpu.memory_space<vmem>> -> memref<80x128xf32, #tpu.memory_space<vmem>>
      %dma_wait3A_98 = arith.constant 0 : i32
      %dma_wait3A_99 = tpu.memref_slice %arg4[%add3A_61, %dma_wait3A_98] : memref<10240x128xf32, #tpu.memory_space<vmem_shared>> -> memref<80x128xf32, #tpu.memory_space<vmem_shared>>
      tpu.wait_dma2 semaphore(%run_scoped3A : memref<!tpu.dma_semaphore, #tpu.memory_space<semaphore_mem>>) src(%dma_wait3A_99 : memref<80x128xf32, #tpu.memory_space<vmem_shared>>) dst(%dma_wait3A_97 : memref<80x128xf32, #tpu.memory_space<vmem>>)
      tpu.yield
    }) : () -> ()
    "tpu.region"() ({
      %run_scoped3A = tpu.sem_alloc : memref<!tpu.dma_semaphore, #tpu.memory_space<semaphore_mem>>
      %dma_start3A = arith.constant 0 : i32
      %dma_start3A_82 = arith.constant 0 : i32
      %dma_start3A_83 = tpu.memref_slice %arg7[%dma_start3A, %dma_start3A_82] : memref<80x128xf32, #tpu.memory_space<vmem>> -> memref<80x128xf32, #tpu.memory_space<vmem>>
      %dma_start3A_84 = arith.constant 0 : i32
      %dma_start3A_85 = tpu.memref_slice %arg3[%arg0, %add3A_61, %dma_start3A_84] : memref<2x10240x128xf32, #tpu.memory_space<hbm>> -> memref<1x80x128xf32, #tpu.memory_space<hbm>>
      %dma_start3A_86 = tpu.memref_squeeze %dma_start3A_85 : memref<1x80x128xf32, #tpu.memory_space<hbm>> -> memref<80x128xf32, #tpu.memory_space<hbm>>
      %dma_start3A_87 = arith.constant 0 : i32
      %dma_start3A_88 = tpu.memref_slice %arg3[%arg0, %add3A_61, %dma_start3A_87] : memref<2x10240x128xf32, #tpu.memory_space<hbm>> -> memref<1x80x128xf32, #tpu.memory_space<hbm>>
      %dma_start3A_89 = tpu.memref_squeeze %dma_start3A_88 : memref<1x80x128xf32, #tpu.memory_space<hbm>> -> memref<80x128xf32, #tpu.memory_space<hbm>>
      %dma_start3A_90 = arith.constant 0 : i32
      %dma_start3A_91 = arith.constant 0 : i32
      %dma_start3A_92 = tpu.memref_slice %arg7[%dma_start3A_90, %dma_start3A_91] : memref<80x128xf32, #tpu.memory_space<vmem>> -> memref<80x128xf32, #tpu.memory_space<vmem>>
      tpu.enqueue_dma source(%dma_start3A_92 : memref<80x128xf32, #tpu.memory_space<vmem>>) target(%dma_start3A_89 : memref<80x128xf32, #tpu.memory_space<hbm>>) target_semaphore(%run_scoped3A : memref<!tpu.dma_semaphore, #tpu.memory_space<semaphore_mem>>)
      %dma_wait3A = arith.constant 0 : i32
      %dma_wait3A_93 = arith.constant 0 : i32
      %dma_wait3A_94 = tpu.memref_slice %arg7[%dma_wait3A, %dma_wait3A_93] : memref<80x128xf32, #tpu.memory_space<vmem>> -> memref<80x128xf32, #tpu.memory_space<vmem>>
      %dma_wait3A_95 = arith.constant 0 : i32
      %dma_wait3A_96 = tpu.memref_slice %arg3[%arg0, %add3A_61, %dma_wait3A_95] : memref<2x10240x128xf32, #tpu.memory_space<hbm>> -> memref<1x80x128xf32, #tpu.memory_space<hbm>>
      %dma_wait3A_97 = tpu.memref_squeeze %dma_wait3A_96 : memref<1x80x128xf32, #tpu.memory_space<hbm>> -> memref<80x128xf32, #tpu.memory_space<hbm>>
      %dma_wait3A_98 = arith.constant 0 : i32
      %dma_wait3A_99 = tpu.memref_slice %arg3[%arg0, %add3A_61, %dma_wait3A_98] : memref<2x10240x128xf32, #tpu.memory_space<hbm>> -> memref<1x80x128xf32, #tpu.memory_space<hbm>>
      %dma_wait3A_100 = tpu.memref_squeeze %dma_wait3A_99 : memref<1x80x128xf32, #tpu.memory_space<hbm>> -> memref<80x128xf32, #tpu.memory_space<hbm>>
      %dma_wait3A_101 = arith.constant 0 : i32
      %dma_wait3A_102 = arith.constant 0 : i32
      %dma_wait3A_103 = tpu.memref_slice %arg7[%dma_wait3A_101, %dma_wait3A_102] : memref<80x128xf32, #tpu.memory_space<vmem>> -> memref<80x128xf32, #tpu.memory_space<vmem>>
      tpu.wait_dma2 semaphore(%run_scoped3A : memref<!tpu.dma_semaphore, #tpu.memory_space<semaphore_mem>>) src(%dma_wait3A_103 : memref<80x128xf32, #tpu.memory_space<vmem>>) dst(%dma_wait3A_100 : memref<80x128xf32, #tpu.memory_space<hbm>>)
      tpu.yield
    }) : () -> ()
    %mul3A_62 = arith.constant 640 : i32
    %mul3A_63 = arith.muli %arg1, %mul3A_62 : i32
    %add3A_64 = arith.constant 240 : i32
    %add3A_65 = arith.addi %mul3A_63, %add3A_64 : i32
    "tpu.region"() ({
      %run_scoped3A = tpu.sem_alloc : memref<!tpu.dma_semaphore, #tpu.memory_space<semaphore_mem>>
      %dma_start3A = arith.constant 0 : i32
      %dma_start3A_82 = arith.constant 0 : i32
      %dma_start3A_83 = tpu.memref_slice %arg7[%dma_start3A, %dma_start3A_82] : memref<80x128xf32, #tpu.memory_space<vmem>> -> memref<80x128xf32, #tpu.memory_space<vmem>>
      %dma_start3A_84 = arith.constant 0 : i32
      %dma_start3A_85 = tpu.memref_slice %arg4[%add3A_65, %dma_start3A_84] : memref<10240x128xf32, #tpu.memory_space<vmem_shared>> -> memref<80x128xf32, #tpu.memory_space<vmem_shared>>
      %dma_start3A_86 = arith.constant 0 : i32
      %dma_start3A_87 = arith.constant 0 : i32
      %dma_start3A_88 = tpu.memref_slice %arg7[%dma_start3A_86, %dma_start3A_87] : memref<80x128xf32, #tpu.memory_space<vmem>> -> memref<80x128xf32, #tpu.memory_space<vmem>>
      %dma_start3A_89 = arith.constant 0 : i32
      %dma_start3A_90 = tpu.memref_slice %arg4[%add3A_65, %dma_start3A_89] : memref<10240x128xf32, #tpu.memory_space<vmem_shared>> -> memref<80x128xf32, #tpu.memory_space<vmem_shared>>
      tpu.enqueue_dma source(%dma_start3A_90 : memref<80x128xf32, #tpu.memory_space<vmem_shared>>) target(%dma_start3A_88 : memref<80x128xf32, #tpu.memory_space<vmem>>) target_semaphore(%run_scoped3A : memref<!tpu.dma_semaphore, #tpu.memory_space<semaphore_mem>>)
      %dma_wait3A = arith.constant 0 : i32
      %dma_wait3A_91 = arith.constant 0 : i32
      %dma_wait3A_92 = tpu.memref_slice %arg7[%dma_wait3A, %dma_wait3A_91] : memref<80x128xf32, #tpu.memory_space<vmem>> -> memref<80x128xf32, #tpu.memory_space<vmem>>
      %dma_wait3A_93 = arith.constant 0 : i32
      %dma_wait3A_94 = tpu.memref_slice %arg4[%add3A_65, %dma_wait3A_93] : memref<10240x128xf32, #tpu.memory_space<vmem_shared>> -> memref<80x128xf32, #tpu.memory_space<vmem_shared>>
      %dma_wait3A_95 = arith.constant 0 : i32
      %dma_wait3A_96 = arith.constant 0 : i32
      %dma_wait3A_97 = tpu.memref_slice %arg7[%dma_wait3A_95, %dma_wait3A_96] : memref<80x128xf32, #tpu.memory_space<vmem>> -> memref<80x128xf32, #tpu.memory_space<vmem>>
      %dma_wait3A_98 = arith.constant 0 : i32
      %dma_wait3A_99 = tpu.memref_slice %arg4[%add3A_65, %dma_wait3A_98] : memref<10240x128xf32, #tpu.memory_space<vmem_shared>> -> memref<80x128xf32, #tpu.memory_space<vmem_shared>>
      tpu.wait_dma2 semaphore(%run_scoped3A : memref<!tpu.dma_semaphore, #tpu.memory_space<semaphore_mem>>) src(%dma_wait3A_99 : memref<80x128xf32, #tpu.memory_space<vmem_shared>>) dst(%dma_wait3A_97 : memref<80x128xf32, #tpu.memory_space<vmem>>)
      tpu.yield
    }) : () -> ()
    "tpu.region"() ({
      %run_scoped3A = tpu.sem_alloc : memref<!tpu.dma_semaphore, #tpu.memory_space<semaphore_mem>>
      %dma_start3A = arith.constant 0 : i32
      %dma_start3A_82 = arith.constant 0 : i32
      %dma_start3A_83 = tpu.memref_slice %arg7[%dma_start3A, %dma_start3A_82] : memref<80x128xf32, #tpu.memory_space<vmem>> -> memref<80x128xf32, #tpu.memory_space<vmem>>
      %dma_start3A_84 = arith.constant 0 : i32
      %dma_start3A_85 = tpu.memref_slice %arg3[%arg0, %add3A_65, %dma_start3A_84] : memref<2x10240x128xf32, #tpu.memory_space<hbm>> -> memref<1x80x128xf32, #tpu.memory_space<hbm>>
      %dma_start3A_86 = tpu.memref_squeeze %dma_start3A_85 : memref<1x80x128xf32, #tpu.memory_space<hbm>> -> memref<80x128xf32, #tpu.memory_space<hbm>>
      %dma_start3A_87 = arith.constant 0 : i32
      %dma_start3A_88 = tpu.memref_slice %arg3[%arg0, %add3A_65, %dma_start3A_87] : memref<2x10240x128xf32, #tpu.memory_space<hbm>> -> memref<1x80x128xf32, #tpu.memory_space<hbm>>
      %dma_start3A_89 = tpu.memref_squeeze %dma_start3A_88 : memref<1x80x128xf32, #tpu.memory_space<hbm>> -> memref<80x128xf32, #tpu.memory_space<hbm>>
      %dma_start3A_90 = arith.constant 0 : i32
      %dma_start3A_91 = arith.constant 0 : i32
      %dma_start3A_92 = tpu.memref_slice %arg7[%dma_start3A_90, %dma_start3A_91] : memref<80x128xf32, #tpu.memory_space<vmem>> -> memref<80x128xf32, #tpu.memory_space<vmem>>
      tpu.enqueue_dma source(%dma_start3A_92 : memref<80x128xf32, #tpu.memory_space<vmem>>) target(%dma_start3A_89 : memref<80x128xf32, #tpu.memory_space<hbm>>) target_semaphore(%run_scoped3A : memref<!tpu.dma_semaphore, #tpu.memory_space<semaphore_mem>>)
      %dma_wait3A = arith.constant 0 : i32
      %dma_wait3A_93 = arith.constant 0 : i32
      %dma_wait3A_94 = tpu.memref_slice %arg7[%dma_wait3A, %dma_wait3A_93] : memref<80x128xf32, #tpu.memory_space<vmem>> -> memref<80x128xf32, #tpu.memory_space<vmem>>
      %dma_wait3A_95 = arith.constant 0 : i32
      %dma_wait3A_96 = tpu.memref_slice %arg3[%arg0, %add3A_65, %dma_wait3A_95] : memref<2x10240x128xf32, #tpu.memory_space<hbm>> -> memref<1x80x128xf32, #tpu.memory_space<hbm>>
      %dma_wait3A_97 = tpu.memref_squeeze %dma_wait3A_96 : memref<1x80x128xf32, #tpu.memory_space<hbm>> -> memref<80x128xf32, #tpu.memory_space<hbm>>
      %dma_wait3A_98 = arith.constant 0 : i32
      %dma_wait3A_99 = tpu.memref_slice %arg3[%arg0, %add3A_65, %dma_wait3A_98] : memref<2x10240x128xf32, #tpu.memory_space<hbm>> -> memref<1x80x128xf32, #tpu.memory_space<hbm>>
      %dma_wait3A_100 = tpu.memref_squeeze %dma_wait3A_99 : memref<1x80x128xf32, #tpu.memory_space<hbm>> -> memref<80x128xf32, #tpu.memory_space<hbm>>
      %dma_wait3A_101 = arith.constant 0 : i32
      %dma_wait3A_102 = arith.constant 0 : i32
      %dma_wait3A_103 = tpu.memref_slice %arg7[%dma_wait3A_101, %dma_wait3A_102] : memref<80x128xf32, #tpu.memory_space<vmem>> -> memref<80x128xf32, #tpu.memory_space<vmem>>
      tpu.wait_dma2 semaphore(%run_scoped3A : memref<!tpu.dma_semaphore, #tpu.memory_space<semaphore_mem>>) src(%dma_wait3A_103 : memref<80x128xf32, #tpu.memory_space<vmem>>) dst(%dma_wait3A_100 : memref<80x128xf32, #tpu.memory_space<hbm>>)
      tpu.yield
    }) : () -> ()
    %mul3A_66 = arith.constant 640 : i32
    %mul3A_67 = arith.muli %arg1, %mul3A_66 : i32
    %add3A_68 = arith.constant 320 : i32
    %add3A_69 = arith.addi %mul3A_67, %add3A_68 : i32
    "tpu.region"() ({
      %run_scoped3A = tpu.sem_alloc : memref<!tpu.dma_semaphore, #tpu.memory_space<semaphore_mem>>
      %dma_start3A = arith.constant 0 : i32
      %dma_start3A_82 = arith.constant 0 : i32
      %dma_start3A_83 = tpu.memref_slice %arg7[%dma_start3A, %dma_start3A_82] : memref<80x128xf32, #tpu.memory_space<vmem>> -> memref<80x128xf32, #tpu.memory_space<vmem>>
      %dma_start3A_84 = arith.constant 0 : i32
      %dma_start3A_85 = tpu.memref_slice %arg4[%add3A_69, %dma_start3A_84] : memref<10240x128xf32, #tpu.memory_space<vmem_shared>> -> memref<80x128xf32, #tpu.memory_space<vmem_shared>>
      %dma_start3A_86 = arith.constant 0 : i32
      %dma_start3A_87 = arith.constant 0 : i32
      %dma_start3A_88 = tpu.memref_slice %arg7[%dma_start3A_86, %dma_start3A_87] : memref<80x128xf32, #tpu.memory_space<vmem>> -> memref<80x128xf32, #tpu.memory_space<vmem>>
      %dma_start3A_89 = arith.constant 0 : i32
      %dma_start3A_90 = tpu.memref_slice %arg4[%add3A_69, %dma_start3A_89] : memref<10240x128xf32, #tpu.memory_space<vmem_shared>> -> memref<80x128xf32, #tpu.memory_space<vmem_shared>>
      tpu.enqueue_dma source(%dma_start3A_90 : memref<80x128xf32, #tpu.memory_space<vmem_shared>>) target(%dma_start3A_88 : memref<80x128xf32, #tpu.memory_space<vmem>>) target_semaphore(%run_scoped3A : memref<!tpu.dma_semaphore, #tpu.memory_space<semaphore_mem>>)
      %dma_wait3A = arith.constant 0 : i32
      %dma_wait3A_91 = arith.constant 0 : i32
      %dma_wait3A_92 = tpu.memref_slice %arg7[%dma_wait3A, %dma_wait3A_91] : memref<80x128xf32, #tpu.memory_space<vmem>> -> memref<80x128xf32, #tpu.memory_space<vmem>>
      %dma_wait3A_93 = arith.constant 0 : i32
      %dma_wait3A_94 = tpu.memref_slice %arg4[%add3A_69, %dma_wait3A_93] : memref<10240x128xf32, #tpu.memory_space<vmem_shared>> -> memref<80x128xf32, #tpu.memory_space<vmem_shared>>
      %dma_wait3A_95 = arith.constant 0 : i32
      %dma_wait3A_96 = arith.constant 0 : i32
      %dma_wait3A_97 = tpu.memref_slice %arg7[%dma_wait3A_95, %dma_wait3A_96] : memref<80x128xf32, #tpu.memory_space<vmem>> -> memref<80x128xf32, #tpu.memory_space<vmem>>
      %dma_wait3A_98 = arith.constant 0 : i32
      %dma_wait3A_99 = tpu.memref_slice %arg4[%add3A_69, %dma_wait3A_98] : memref<10240x128xf32, #tpu.memory_space<vmem_shared>> -> memref<80x128xf32, #tpu.memory_space<vmem_shared>>
      tpu.wait_dma2 semaphore(%run_scoped3A : memref<!tpu.dma_semaphore, #tpu.memory_space<semaphore_mem>>) src(%dma_wait3A_99 : memref<80x128xf32, #tpu.memory_space<vmem_shared>>) dst(%dma_wait3A_97 : memref<80x128xf32, #tpu.memory_space<vmem>>)
      tpu.yield
    }) : () -> ()
    "tpu.region"() ({
      %run_scoped3A = tpu.sem_alloc : memref<!tpu.dma_semaphore, #tpu.memory_space<semaphore_mem>>
      %dma_start3A = arith.constant 0 : i32
      %dma_start3A_82 = arith.constant 0 : i32
      %dma_start3A_83 = tpu.memref_slice %arg7[%dma_start3A, %dma_start3A_82] : memref<80x128xf32, #tpu.memory_space<vmem>> -> memref<80x128xf32, #tpu.memory_space<vmem>>
      %dma_start3A_84 = arith.constant 0 : i32
      %dma_start3A_85 = tpu.memref_slice %arg3[%arg0, %add3A_69, %dma_start3A_84] : memref<2x10240x128xf32, #tpu.memory_space<hbm>> -> memref<1x80x128xf32, #tpu.memory_space<hbm>>
      %dma_start3A_86 = tpu.memref_squeeze %dma_start3A_85 : memref<1x80x128xf32, #tpu.memory_space<hbm>> -> memref<80x128xf32, #tpu.memory_space<hbm>>
      %dma_start3A_87 = arith.constant 0 : i32
      %dma_start3A_88 = tpu.memref_slice %arg3[%arg0, %add3A_69, %dma_start3A_87] : memref<2x10240x128xf32, #tpu.memory_space<hbm>> -> memref<1x80x128xf32, #tpu.memory_space<hbm>>
      %dma_start3A_89 = tpu.memref_squeeze %dma_start3A_88 : memref<1x80x128xf32, #tpu.memory_space<hbm>> -> memref<80x128xf32, #tpu.memory_space<hbm>>
      %dma_start3A_90 = arith.constant 0 : i32
      %dma_start3A_91 = arith.constant 0 : i32
      %dma_start3A_92 = tpu.memref_slice %arg7[%dma_start3A_90, %dma_start3A_91] : memref<80x128xf32, #tpu.memory_space<vmem>> -> memref<80x128xf32, #tpu.memory_space<vmem>>
      tpu.enqueue_dma source(%dma_start3A_92 : memref<80x128xf32, #tpu.memory_space<vmem>>) target(%dma_start3A_89 : memref<80x128xf32, #tpu.memory_space<hbm>>) target_semaphore(%run_scoped3A : memref<!tpu.dma_semaphore, #tpu.memory_space<semaphore_mem>>)
      %dma_wait3A = arith.constant 0 : i32
      %dma_wait3A_93 = arith.constant 0 : i32
      %dma_wait3A_94 = tpu.memref_slice %arg7[%dma_wait3A, %dma_wait3A_93] : memref<80x128xf32, #tpu.memory_space<vmem>> -> memref<80x128xf32, #tpu.memory_space<vmem>>
      %dma_wait3A_95 = arith.constant 0 : i32
      %dma_wait3A_96 = tpu.memref_slice %arg3[%arg0, %add3A_69, %dma_wait3A_95] : memref<2x10240x128xf32, #tpu.memory_space<hbm>> -> memref<1x80x128xf32, #tpu.memory_space<hbm>>
      %dma_wait3A_97 = tpu.memref_squeeze %dma_wait3A_96 : memref<1x80x128xf32, #tpu.memory_space<hbm>> -> memref<80x128xf32, #tpu.memory_space<hbm>>
      %dma_wait3A_98 = arith.constant 0 : i32
      %dma_wait3A_99 = tpu.memref_slice %arg3[%arg0, %add3A_69, %dma_wait3A_98] : memref<2x10240x128xf32, #tpu.memory_space<hbm>> -> memref<1x80x128xf32, #tpu.memory_space<hbm>>
      %dma_wait3A_100 = tpu.memref_squeeze %dma_wait3A_99 : memref<1x80x128xf32, #tpu.memory_space<hbm>> -> memref<80x128xf32, #tpu.memory_space<hbm>>
      %dma_wait3A_101 = arith.constant 0 : i32
      %dma_wait3A_102 = arith.constant 0 : i32
      %dma_wait3A_103 = tpu.memref_slice %arg7[%dma_wait3A_101, %dma_wait3A_102] : memref<80x128xf32, #tpu.memory_space<vmem>> -> memref<80x128xf32, #tpu.memory_space<vmem>>
      tpu.wait_dma2 semaphore(%run_scoped3A : memref<!tpu.dma_semaphore, #tpu.memory_space<semaphore_mem>>) src(%dma_wait3A_103 : memref<80x128xf32, #tpu.memory_space<vmem>>) dst(%dma_wait3A_100 : memref<80x128xf32, #tpu.memory_space<hbm>>)
      tpu.yield
    }) : () -> ()
    %mul3A_70 = arith.constant 640 : i32
    %mul3A_71 = arith.muli %arg1, %mul3A_70 : i32
    %add3A_72 = arith.constant 400 : i32
    %add3A_73 = arith.addi %mul3A_71, %add3A_72 : i32
    "tpu.region"() ({
      %run_scoped3A = tpu.sem_alloc : memref<!tpu.dma_semaphore, #tpu.memory_space<semaphore_mem>>
      %dma_start3A = arith.constant 0 : i32
      %dma_start3A_82 = arith.constant 0 : i32
      %dma_start3A_83 = tpu.memref_slice %arg7[%dma_start3A, %dma_start3A_82] : memref<80x128xf32, #tpu.memory_space<vmem>> -> memref<80x128xf32, #tpu.memory_space<vmem>>
      %dma_start3A_84 = arith.constant 0 : i32
      %dma_start3A_85 = tpu.memref_slice %arg4[%add3A_73, %dma_start3A_84] : memref<10240x128xf32, #tpu.memory_space<vmem_shared>> -> memref<80x128xf32, #tpu.memory_space<vmem_shared>>
      %dma_start3A_86 = arith.constant 0 : i32
      %dma_start3A_87 = arith.constant 0 : i32
      %dma_start3A_88 = tpu.memref_slice %arg7[%dma_start3A_86, %dma_start3A_87] : memref<80x128xf32, #tpu.memory_space<vmem>> -> memref<80x128xf32, #tpu.memory_space<vmem>>
      %dma_start3A_89 = arith.constant 0 : i32
      %dma_start3A_90 = tpu.memref_slice %arg4[%add3A_73, %dma_start3A_89] : memref<10240x128xf32, #tpu.memory_space<vmem_shared>> -> memref<80x128xf32, #tpu.memory_space<vmem_shared>>
      tpu.enqueue_dma source(%dma_start3A_90 : memref<80x128xf32, #tpu.memory_space<vmem_shared>>) target(%dma_start3A_88 : memref<80x128xf32, #tpu.memory_space<vmem>>) target_semaphore(%run_scoped3A : memref<!tpu.dma_semaphore, #tpu.memory_space<semaphore_mem>>)
      %dma_wait3A = arith.constant 0 : i32
      %dma_wait3A_91 = arith.constant 0 : i32
      %dma_wait3A_92 = tpu.memref_slice %arg7[%dma_wait3A, %dma_wait3A_91] : memref<80x128xf32, #tpu.memory_space<vmem>> -> memref<80x128xf32, #tpu.memory_space<vmem>>
      %dma_wait3A_93 = arith.constant 0 : i32
      %dma_wait3A_94 = tpu.memref_slice %arg4[%add3A_73, %dma_wait3A_93] : memref<10240x128xf32, #tpu.memory_space<vmem_shared>> -> memref<80x128xf32, #tpu.memory_space<vmem_shared>>
      %dma_wait3A_95 = arith.constant 0 : i32
      %dma_wait3A_96 = arith.constant 0 : i32
      %dma_wait3A_97 = tpu.memref_slice %arg7[%dma_wait3A_95, %dma_wait3A_96] : memref<80x128xf32, #tpu.memory_space<vmem>> -> memref<80x128xf32, #tpu.memory_space<vmem>>
      %dma_wait3A_98 = arith.constant 0 : i32
      %dma_wait3A_99 = tpu.memref_slice %arg4[%add3A_73, %dma_wait3A_98] : memref<10240x128xf32, #tpu.memory_space<vmem_shared>> -> memref<80x128xf32, #tpu.memory_space<vmem_shared>>
      tpu.wait_dma2 semaphore(%run_scoped3A : memref<!tpu.dma_semaphore, #tpu.memory_space<semaphore_mem>>) src(%dma_wait3A_99 : memref<80x128xf32, #tpu.memory_space<vmem_shared>>) dst(%dma_wait3A_97 : memref<80x128xf32, #tpu.memory_space<vmem>>)
      tpu.yield
    }) : () -> ()
    "tpu.region"() ({
      %run_scoped3A = tpu.sem_alloc : memref<!tpu.dma_semaphore, #tpu.memory_space<semaphore_mem>>
      %dma_start3A = arith.constant 0 : i32
      %dma_start3A_82 = arith.constant 0 : i32
      %dma_start3A_83 = tpu.memref_slice %arg7[%dma_start3A, %dma_start3A_82] : memref<80x128xf32, #tpu.memory_space<vmem>> -> memref<80x128xf32, #tpu.memory_space<vmem>>
      %dma_start3A_84 = arith.constant 0 : i32
      %dma_start3A_85 = tpu.memref_slice %arg3[%arg0, %add3A_73, %dma_start3A_84] : memref<2x10240x128xf32, #tpu.memory_space<hbm>> -> memref<1x80x128xf32, #tpu.memory_space<hbm>>
      %dma_start3A_86 = tpu.memref_squeeze %dma_start3A_85 : memref<1x80x128xf32, #tpu.memory_space<hbm>> -> memref<80x128xf32, #tpu.memory_space<hbm>>
      %dma_start3A_87 = arith.constant 0 : i32
      %dma_start3A_88 = tpu.memref_slice %arg3[%arg0, %add3A_73, %dma_start3A_87] : memref<2x10240x128xf32, #tpu.memory_space<hbm>> -> memref<1x80x128xf32, #tpu.memory_space<hbm>>
      %dma_start3A_89 = tpu.memref_squeeze %dma_start3A_88 : memref<1x80x128xf32, #tpu.memory_space<hbm>> -> memref<80x128xf32, #tpu.memory_space<hbm>>
      %dma_start3A_90 = arith.constant 0 : i32
      %dma_start3A_91 = arith.constant 0 : i32
      %dma_start3A_92 = tpu.memref_slice %arg7[%dma_start3A_90, %dma_start3A_91] : memref<80x128xf32, #tpu.memory_space<vmem>> -> memref<80x128xf32, #tpu.memory_space<vmem>>
      tpu.enqueue_dma source(%dma_start3A_92 : memref<80x128xf32, #tpu.memory_space<vmem>>) target(%dma_start3A_89 : memref<80x128xf32, #tpu.memory_space<hbm>>) target_semaphore(%run_scoped3A : memref<!tpu.dma_semaphore, #tpu.memory_space<semaphore_mem>>)
      %dma_wait3A = arith.constant 0 : i32
      %dma_wait3A_93 = arith.constant 0 : i32
      %dma_wait3A_94 = tpu.memref_slice %arg7[%dma_wait3A, %dma_wait3A_93] : memref<80x128xf32, #tpu.memory_space<vmem>> -> memref<80x128xf32, #tpu.memory_space<vmem>>
      %dma_wait3A_95 = arith.constant 0 : i32
      %dma_wait3A_96 = tpu.memref_slice %arg3[%arg0, %add3A_73, %dma_wait3A_95] : memref<2x10240x128xf32, #tpu.memory_space<hbm>> -> memref<1x80x128xf32, #tpu.memory_space<hbm>>
      %dma_wait3A_97 = tpu.memref_squeeze %dma_wait3A_96 : memref<1x80x128xf32, #tpu.memory_space<hbm>> -> memref<80x128xf32, #tpu.memory_space<hbm>>
      %dma_wait3A_98 = arith.constant 0 : i32
      %dma_wait3A_99 = tpu.memref_slice %arg3[%arg0, %add3A_73, %dma_wait3A_98] : memref<2x10240x128xf32, #tpu.memory_space<hbm>> -> memref<1x80x128xf32, #tpu.memory_space<hbm>>
      %dma_wait3A_100 = tpu.memref_squeeze %dma_wait3A_99 : memref<1x80x128xf32, #tpu.memory_space<hbm>> -> memref<80x128xf32, #tpu.memory_space<hbm>>
      %dma_wait3A_101 = arith.constant 0 : i32
      %dma_wait3A_102 = arith.constant 0 : i32
      %dma_wait3A_103 = tpu.memref_slice %arg7[%dma_wait3A_101, %dma_wait3A_102] : memref<80x128xf32, #tpu.memory_space<vmem>> -> memref<80x128xf32, #tpu.memory_space<vmem>>
      tpu.wait_dma2 semaphore(%run_scoped3A : memref<!tpu.dma_semaphore, #tpu.memory_space<semaphore_mem>>) src(%dma_wait3A_103 : memref<80x128xf32, #tpu.memory_space<vmem>>) dst(%dma_wait3A_100 : memref<80x128xf32, #tpu.memory_space<hbm>>)
      tpu.yield
    }) : () -> ()
    %mul3A_74 = arith.constant 640 : i32
    %mul3A_75 = arith.muli %arg1, %mul3A_74 : i32
    %add3A_76 = arith.constant 480 : i32
    %add3A_77 = arith.addi %mul3A_75, %add3A_76 : i32
    "tpu.region"() ({
      %run_scoped3A = tpu.sem_alloc : memref<!tpu.dma_semaphore, #tpu.memory_space<semaphore_mem>>
      %dma_start3A = arith.constant 0 : i32
      %dma_start3A_82 = arith.constant 0 : i32
      %dma_start3A_83 = tpu.memref_slice %arg7[%dma_start3A, %dma_start3A_82] : memref<80x128xf32, #tpu.memory_space<vmem>> -> memref<80x128xf32, #tpu.memory_space<vmem>>
      %dma_start3A_84 = arith.constant 0 : i32
      %dma_start3A_85 = tpu.memref_slice %arg4[%add3A_77, %dma_start3A_84] : memref<10240x128xf32, #tpu.memory_space<vmem_shared>> -> memref<80x128xf32, #tpu.memory_space<vmem_shared>>
      %dma_start3A_86 = arith.constant 0 : i32
      %dma_start3A_87 = arith.constant 0 : i32
      %dma_start3A_88 = tpu.memref_slice %arg7[%dma_start3A_86, %dma_start3A_87] : memref<80x128xf32, #tpu.memory_space<vmem>> -> memref<80x128xf32, #tpu.memory_space<vmem>>
      %dma_start3A_89 = arith.constant 0 : i32
      %dma_start3A_90 = tpu.memref_slice %arg4[%add3A_77, %dma_start3A_89] : memref<10240x128xf32, #tpu.memory_space<vmem_shared>> -> memref<80x128xf32, #tpu.memory_space<vmem_shared>>
      tpu.enqueue_dma source(%dma_start3A_90 : memref<80x128xf32, #tpu.memory_space<vmem_shared>>) target(%dma_start3A_88 : memref<80x128xf32, #tpu.memory_space<vmem>>) target_semaphore(%run_scoped3A : memref<!tpu.dma_semaphore, #tpu.memory_space<semaphore_mem>>)
      %dma_wait3A = arith.constant 0 : i32
      %dma_wait3A_91 = arith.constant 0 : i32
      %dma_wait3A_92 = tpu.memref_slice %arg7[%dma_wait3A, %dma_wait3A_91] : memref<80x128xf32, #tpu.memory_space<vmem>> -> memref<80x128xf32, #tpu.memory_space<vmem>>
      %dma_wait3A_93 = arith.constant 0 : i32
      %dma_wait3A_94 = tpu.memref_slice %arg4[%add3A_77, %dma_wait3A_93] : memref<10240x128xf32, #tpu.memory_space<vmem_shared>> -> memref<80x128xf32, #tpu.memory_space<vmem_shared>>
      %dma_wait3A_95 = arith.constant 0 : i32
      %dma_wait3A_96 = arith.constant 0 : i32
      %dma_wait3A_97 = tpu.memref_slice %arg7[%dma_wait3A_95, %dma_wait3A_96] : memref<80x128xf32, #tpu.memory_space<vmem>> -> memref<80x128xf32, #tpu.memory_space<vmem>>
      %dma_wait3A_98 = arith.constant 0 : i32
      %dma_wait3A_99 = tpu.memref_slice %arg4[%add3A_77, %dma_wait3A_98] : memref<10240x128xf32, #tpu.memory_space<vmem_shared>> -> memref<80x128xf32, #tpu.memory_space<vmem_shared>>
      tpu.wait_dma2 semaphore(%run_scoped3A : memref<!tpu.dma_semaphore, #tpu.memory_space<semaphore_mem>>) src(%dma_wait3A_99 : memref<80x128xf32, #tpu.memory_space<vmem_shared>>) dst(%dma_wait3A_97 : memref<80x128xf32, #tpu.memory_space<vmem>>)
      tpu.yield
    }) : () -> ()
    "tpu.region"() ({
      %run_scoped3A = tpu.sem_alloc : memref<!tpu.dma_semaphore, #tpu.memory_space<semaphore_mem>>
      %dma_start3A = arith.constant 0 : i32
      %dma_start3A_82 = arith.constant 0 : i32
      %dma_start3A_83 = tpu.memref_slice %arg7[%dma_start3A, %dma_start3A_82] : memref<80x128xf32, #tpu.memory_space<vmem>> -> memref<80x128xf32, #tpu.memory_space<vmem>>
      %dma_start3A_84 = arith.constant 0 : i32
      %dma_start3A_85 = tpu.memref_slice %arg3[%arg0, %add3A_77, %dma_start3A_84] : memref<2x10240x128xf32, #tpu.memory_space<hbm>> -> memref<1x80x128xf32, #tpu.memory_space<hbm>>
      %dma_start3A_86 = tpu.memref_squeeze %dma_start3A_85 : memref<1x80x128xf32, #tpu.memory_space<hbm>> -> memref<80x128xf32, #tpu.memory_space<hbm>>
      %dma_start3A_87 = arith.constant 0 : i32
      %dma_start3A_88 = tpu.memref_slice %arg3[%arg0, %add3A_77, %dma_start3A_87] : memref<2x10240x128xf32, #tpu.memory_space<hbm>> -> memref<1x80x128xf32, #tpu.memory_space<hbm>>
      %dma_start3A_89 = tpu.memref_squeeze %dma_start3A_88 : memref<1x80x128xf32, #tpu.memory_space<hbm>> -> memref<80x128xf32, #tpu.memory_space<hbm>>
      %dma_start3A_90 = arith.constant 0 : i32
      %dma_start3A_91 = arith.constant 0 : i32
      %dma_start3A_92 = tpu.memref_slice %arg7[%dma_start3A_90, %dma_start3A_91] : memref<80x128xf32, #tpu.memory_space<vmem>> -> memref<80x128xf32, #tpu.memory_space<vmem>>
      tpu.enqueue_dma source(%dma_start3A_92 : memref<80x128xf32, #tpu.memory_space<vmem>>) target(%dma_start3A_89 : memref<80x128xf32, #tpu.memory_space<hbm>>) target_semaphore(%run_scoped3A : memref<!tpu.dma_semaphore, #tpu.memory_space<semaphore_mem>>)
      %dma_wait3A = arith.constant 0 : i32
      %dma_wait3A_93 = arith.constant 0 : i32
      %dma_wait3A_94 = tpu.memref_slice %arg7[%dma_wait3A, %dma_wait3A_93] : memref<80x128xf32, #tpu.memory_space<vmem>> -> memref<80x128xf32, #tpu.memory_space<vmem>>
      %dma_wait3A_95 = arith.constant 0 : i32
      %dma_wait3A_96 = tpu.memref_slice %arg3[%arg0, %add3A_77, %dma_wait3A_95] : memref<2x10240x128xf32, #tpu.memory_space<hbm>> -> memref<1x80x128xf32, #tpu.memory_space<hbm>>
      %dma_wait3A_97 = tpu.memref_squeeze %dma_wait3A_96 : memref<1x80x128xf32, #tpu.memory_space<hbm>> -> memref<80x128xf32, #tpu.memory_space<hbm>>
      %dma_wait3A_98 = arith.constant 0 : i32
      %dma_wait3A_99 = tpu.memref_slice %arg3[%arg0, %add3A_77, %dma_wait3A_98] : memref<2x10240x128xf32, #tpu.memory_space<hbm>> -> memref<1x80x128xf32, #tpu.memory_space<hbm>>
      %dma_wait3A_100 = tpu.memref_squeeze %dma_wait3A_99 : memref<1x80x128xf32, #tpu.memory_space<hbm>> -> memref<80x128xf32, #tpu.memory_space<hbm>>
      %dma_wait3A_101 = arith.constant 0 : i32
      %dma_wait3A_102 = arith.constant 0 : i32
      %dma_wait3A_103 = tpu.memref_slice %arg7[%dma_wait3A_101, %dma_wait3A_102] : memref<80x128xf32, #tpu.memory_space<vmem>> -> memref<80x128xf32, #tpu.memory_space<vmem>>
      tpu.wait_dma2 semaphore(%run_scoped3A : memref<!tpu.dma_semaphore, #tpu.memory_space<semaphore_mem>>) src(%dma_wait3A_103 : memref<80x128xf32, #tpu.memory_space<vmem>>) dst(%dma_wait3A_100 : memref<80x128xf32, #tpu.memory_space<hbm>>)
      tpu.yield
    }) : () -> ()
    %mul3A_78 = arith.constant 640 : i32
    %mul3A_79 = arith.muli %arg1, %mul3A_78 : i32
    %add3A_80 = arith.constant 560 : i32
    %add3A_81 = arith.addi %mul3A_79, %add3A_80 : i32
    "tpu.region"() ({
      %run_scoped3A = tpu.sem_alloc : memref<!tpu.dma_semaphore, #tpu.memory_space<semaphore_mem>>
      %dma_start3A = arith.constant 0 : i32
      %dma_start3A_82 = arith.constant 0 : i32
      %dma_start3A_83 = tpu.memref_slice %arg7[%dma_start3A, %dma_start3A_82] : memref<80x128xf32, #tpu.memory_space<vmem>> -> memref<80x128xf32, #tpu.memory_space<vmem>>
      %dma_start3A_84 = arith.constant 0 : i32
      %dma_start3A_85 = tpu.memref_slice %arg4[%add3A_81, %dma_start3A_84] : memref<10240x128xf32, #tpu.memory_space<vmem_shared>> -> memref<80x128xf32, #tpu.memory_space<vmem_shared>>
      %dma_start3A_86 = arith.constant 0 : i32
      %dma_start3A_87 = arith.constant 0 : i32
      %dma_start3A_88 = tpu.memref_slice %arg7[%dma_start3A_86, %dma_start3A_87] : memref<80x128xf32, #tpu.memory_space<vmem>> -> memref<80x128xf32, #tpu.memory_space<vmem>>
      %dma_start3A_89 = arith.constant 0 : i32
      %dma_start3A_90 = tpu.memref_slice %arg4[%add3A_81, %dma_start3A_89] : memref<10240x128xf32, #tpu.memory_space<vmem_shared>> -> memref<80x128xf32, #tpu.memory_space<vmem_shared>>
      tpu.enqueue_dma source(%dma_start3A_90 : memref<80x128xf32, #tpu.memory_space<vmem_shared>>) target(%dma_start3A_88 : memref<80x128xf32, #tpu.memory_space<vmem>>) target_semaphore(%run_scoped3A : memref<!tpu.dma_semaphore, #tpu.memory_space<semaphore_mem>>)
      %dma_wait3A = arith.constant 0 : i32
      %dma_wait3A_91 = arith.constant 0 : i32
      %dma_wait3A_92 = tpu.memref_slice %arg7[%dma_wait3A, %dma_wait3A_91] : memref<80x128xf32, #tpu.memory_space<vmem>> -> memref<80x128xf32, #tpu.memory_space<vmem>>
      %dma_wait3A_93 = arith.constant 0 : i32
      %dma_wait3A_94 = tpu.memref_slice %arg4[%add3A_81, %dma_wait3A_93] : memref<10240x128xf32, #tpu.memory_space<vmem_shared>> -> memref<80x128xf32, #tpu.memory_space<vmem_shared>>
      %dma_wait3A_95 = arith.constant 0 : i32
      %dma_wait3A_96 = arith.constant 0 : i32
      %dma_wait3A_97 = tpu.memref_slice %arg7[%dma_wait3A_95, %dma_wait3A_96] : memref<80x128xf32, #tpu.memory_space<vmem>> -> memref<80x128xf32, #tpu.memory_space<vmem>>
      %dma_wait3A_98 = arith.constant 0 : i32
      %dma_wait3A_99 = tpu.memref_slice %arg4[%add3A_81, %dma_wait3A_98] : memref<10240x128xf32, #tpu.memory_space<vmem_shared>> -> memref<80x128xf32, #tpu.memory_space<vmem_shared>>
      tpu.wait_dma2 semaphore(%run_scoped3A : memref<!tpu.dma_semaphore, #tpu.memory_space<semaphore_mem>>) src(%dma_wait3A_99 : memref<80x128xf32, #tpu.memory_space<vmem_shared>>) dst(%dma_wait3A_97 : memref<80x128xf32, #tpu.memory_space<vmem>>)
      tpu.yield
    }) : () -> ()
    "tpu.region"() ({
      %run_scoped3A = tpu.sem_alloc : memref<!tpu.dma_semaphore, #tpu.memory_space<semaphore_mem>>
      %dma_start3A = arith.constant 0 : i32
      %dma_start3A_82 = arith.constant 0 : i32
      %dma_start3A_83 = tpu.memref_slice %arg7[%dma_start3A, %dma_start3A_82] : memref<80x128xf32, #tpu.memory_space<vmem>> -> memref<80x128xf32, #tpu.memory_space<vmem>>
      %dma_start3A_84 = arith.constant 0 : i32
      %dma_start3A_85 = tpu.memref_slice %arg3[%arg0, %add3A_81, %dma_start3A_84] : memref<2x10240x128xf32, #tpu.memory_space<hbm>> -> memref<1x80x128xf32, #tpu.memory_space<hbm>>
      %dma_start3A_86 = tpu.memref_squeeze %dma_start3A_85 : memref<1x80x128xf32, #tpu.memory_space<hbm>> -> memref<80x128xf32, #tpu.memory_space<hbm>>
      %dma_start3A_87 = arith.constant 0 : i32
      %dma_start3A_88 = tpu.memref_slice %arg3[%arg0, %add3A_81, %dma_start3A_87] : memref<2x10240x128xf32, #tpu.memory_space<hbm>> -> memref<1x80x128xf32, #tpu.memory_space<hbm>>
      %dma_start3A_89 = tpu.memref_squeeze %dma_start3A_88 : memref<1x80x128xf32, #tpu.memory_space<hbm>> -> memref<80x128xf32, #tpu.memory_space<hbm>>
      %dma_start3A_90 = arith.constant 0 : i32
      %dma_start3A_91 = arith.constant 0 : i32
      %dma_start3A_92 = tpu.memref_slice %arg7[%dma_start3A_90, %dma_start3A_91] : memref<80x128xf32, #tpu.memory_space<vmem>> -> memref<80x128xf32, #tpu.memory_space<vmem>>
      tpu.enqueue_dma source(%dma_start3A_92 : memref<80x128xf32, #tpu.memory_space<vmem>>) target(%dma_start3A_89 : memref<80x128xf32, #tpu.memory_space<hbm>>) target_semaphore(%run_scoped3A : memref<!tpu.dma_semaphore, #tpu.memory_space<semaphore_mem>>)
      %dma_wait3A = arith.constant 0 : i32
      %dma_wait3A_93 = arith.constant 0 : i32
      %dma_wait3A_94 = tpu.memref_slice %arg7[%dma_wait3A, %dma_wait3A_93] : memref<80x128xf32, #tpu.memory_space<vmem>> -> memref<80x128xf32, #tpu.memory_space<vmem>>
      %dma_wait3A_95 = arith.constant 0 : i32
      %dma_wait3A_96 = tpu.memref_slice %arg3[%arg0, %add3A_81, %dma_wait3A_95] : memref<2x10240x128xf32, #tpu.memory_space<hbm>> -> memref<1x80x128xf32, #tpu.memory_space<hbm>>
      %dma_wait3A_97 = tpu.memref_squeeze %dma_wait3A_96 : memref<1x80x128xf32, #tpu.memory_space<hbm>> -> memref<80x128xf32, #tpu.memory_space<hbm>>
      %dma_wait3A_98 = arith.constant 0 : i32
      %dma_wait3A_99 = tpu.memref_slice %arg3[%arg0, %add3A_81, %dma_wait3A_98] : memref<2x10240x128xf32, #tpu.memory_space<hbm>> -> memref<1x80x128xf32, #tpu.memory_space<hbm>>
      %dma_wait3A_100 = tpu.memref_squeeze %dma_wait3A_99 : memref<1x80x128xf32, #tpu.memory_space<hbm>> -> memref<80x128xf32, #tpu.memory_space<hbm>>
      %dma_wait3A_101 = arith.constant 0 : i32
      %dma_wait3A_102 = arith.constant 0 : i32
      %dma_wait3A_103 = tpu.memref_slice %arg7[%dma_wait3A_101, %dma_wait3A_102] : memref<80x128xf32, #tpu.memory_space<vmem>> -> memref<80x128xf32, #tpu.memory_space<vmem>>
      tpu.wait_dma2 semaphore(%run_scoped3A : memref<!tpu.dma_semaphore, #tpu.memory_space<semaphore_mem>>) src(%dma_wait3A_103 : memref<80x128xf32, #tpu.memory_space<vmem>>) dst(%dma_wait3A_100 : memref<80x128xf32, #tpu.memory_space<hbm>>)
      tpu.yield
    }) : () -> ()
    return
  }
}

#map = affine_map<(d0, d1) -> (0, 0)>
#map1 = affine_map<(d0, d1) -> (0)>
#map2 = affine_map<(d0, d1) -> (0, 0, 0)>
module attributes {stable_mosaic.version = 14 : i64} {
  func.func @_agg_body(%arg0: i32, %arg1: i32, %arg2: memref<10000x128xf32, #tpu.memory_space<hbm>>, %arg3: memref<320000xi32, #tpu.memory_space<hbm>>, %arg4: memref<320000xi32, #tpu.memory_space<hbm>>, %arg5: memref<2x10240x128xf32, #tpu.memory_space<hbm>>, %arg6: memref<10240x128xf32, #tpu.memory_space<vmem_shared>>, %arg7: memref<10000xi32, #tpu.memory_space<vmem>>, %arg8: memref<10000xi32, #tpu.memory_space<vmem>>, %arg9: memref<80x128xf32, #tpu.memory_space<vmem>>, %arg10: memref<80x128xf32, #tpu.memory_space<vmem>>, %arg11: memref<!tpu.dma_semaphore, #tpu.memory_space<semaphore_mem>>, %arg12: memref<!tpu.dma_semaphore, #tpu.memory_space<semaphore_mem>>) attributes {dimension_semantics = [#tpu.dimension_semantics<core_parallel>, #tpu.dimension_semantics<subcore_parallel>], iteration_bounds = array<i64: 2, 16>, scalar_prefetch = 0 : i64, scratch_operands = 7 : i64, tpu.core_type = #tpu.core_type<sc_vector_subcore>, window_params = [{transform_indices = #map}, {transform_indices = #map1}, {transform_indices = #map1}, {transform_indices = #map2}]} {
    %mul3A = arith.constant 16 : i32
    %mul3A_0 = arith.muli %arg0, %mul3A : i32
    %add3A = arith.addi %mul3A_0, %arg1 : i32
    %mul3A_1 = arith.constant 10000 : i32
    %mul3A_2 = arith.muli %add3A, %mul3A_1 : i32
    "tpu.region"() ({
      %run_scoped3A = tpu.sem_alloc : memref<!tpu.dma_semaphore, #tpu.memory_space<semaphore_mem>>
      %dma_start3A_87 = tpu.memref_slice %arg3[%mul3A_2] : memref<320000xi32, #tpu.memory_space<hbm>> -> memref<10000xi32, #tpu.memory_space<hbm>>
      %dma_start3A_88 = tpu.memref_slice %arg3[%mul3A_2] : memref<320000xi32, #tpu.memory_space<hbm>> -> memref<10000xi32, #tpu.memory_space<hbm>>
      tpu.enqueue_dma source(%dma_start3A_88 : memref<10000xi32, #tpu.memory_space<hbm>>) target(%arg7 : memref<10000xi32, #tpu.memory_space<vmem>>) target_semaphore(%run_scoped3A : memref<!tpu.dma_semaphore, #tpu.memory_space<semaphore_mem>>)
      %dma_wait3A_89 = tpu.memref_slice %arg3[%mul3A_2] : memref<320000xi32, #tpu.memory_space<hbm>> -> memref<10000xi32, #tpu.memory_space<hbm>>
      %dma_wait3A_90 = tpu.memref_slice %arg3[%mul3A_2] : memref<320000xi32, #tpu.memory_space<hbm>> -> memref<10000xi32, #tpu.memory_space<hbm>>
      tpu.wait_dma2 semaphore(%run_scoped3A : memref<!tpu.dma_semaphore, #tpu.memory_space<semaphore_mem>>) src(%dma_wait3A_90 : memref<10000xi32, #tpu.memory_space<hbm>>) dst(%arg7 : memref<10000xi32, #tpu.memory_space<vmem>>)
      tpu.yield
    }) : () -> ()
    %mul3A_3 = arith.constant 10000 : i32
    %mul3A_4 = arith.muli %add3A, %mul3A_3 : i32
    "tpu.region"() ({
      %run_scoped3A = tpu.sem_alloc : memref<!tpu.dma_semaphore, #tpu.memory_space<semaphore_mem>>
      %dma_start3A_87 = tpu.memref_slice %arg4[%mul3A_4] : memref<320000xi32, #tpu.memory_space<hbm>> -> memref<10000xi32, #tpu.memory_space<hbm>>
      %dma_start3A_88 = tpu.memref_slice %arg4[%mul3A_4] : memref<320000xi32, #tpu.memory_space<hbm>> -> memref<10000xi32, #tpu.memory_space<hbm>>
      tpu.enqueue_dma source(%dma_start3A_88 : memref<10000xi32, #tpu.memory_space<hbm>>) target(%arg8 : memref<10000xi32, #tpu.memory_space<vmem>>) target_semaphore(%run_scoped3A : memref<!tpu.dma_semaphore, #tpu.memory_space<semaphore_mem>>)
      %dma_wait3A_89 = tpu.memref_slice %arg4[%mul3A_4] : memref<320000xi32, #tpu.memory_space<hbm>> -> memref<10000xi32, #tpu.memory_space<hbm>>
      %dma_wait3A_90 = tpu.memref_slice %arg4[%mul3A_4] : memref<320000xi32, #tpu.memory_space<hbm>> -> memref<10000xi32, #tpu.memory_space<hbm>>
      tpu.wait_dma2 semaphore(%run_scoped3A : memref<!tpu.dma_semaphore, #tpu.memory_space<semaphore_mem>>) src(%dma_wait3A_90 : memref<10000xi32, #tpu.memory_space<hbm>>) dst(%arg8 : memref<10000xi32, #tpu.memory_space<vmem>>)
      tpu.yield
    }) : () -> ()
    %scan3A = arith.constant 0 : i32
    %scan3A_5 = arith.constant 80 : i32
    %scan3A_6 = arith.addi %scan3A, %scan3A_5 : i32
    %scan3A_7 = arith.constant 1 : i32
    scf.for %scan3A_87 = %scan3A to %scan3A_6 step %scan3A_7  : i32 {
      %mul3A_88 = arith.constant 1 : i32
      %mul3A_89 = arith.muli %scan3A_87, %mul3A_88 : i32
      %add3A_90 = arith.constant 0 : i32
      %add3A_91 = arith.addi %add3A_90, %mul3A_89 : i32
      %broadcast_in_dim3A = arith.constant 0.000000e+00 : f32
      %broadcast_in_dim3A_92 = vector.broadcast %broadcast_in_dim3A : f32 to vector<16xf32>
      %swap3A = arith.index_cast %add3A_91 : i32 to index
      %swap3A_93 = arith.constant 0 : index
      %swap3A_94 = tpu.vector_load %arg9[%swap3A, %swap3A_93] {strides = array<i32>} : memref<80x128xf32, #tpu.memory_space<vmem>>, vector<1x16xf32>,
      %swap3A_95 = vector.shape_cast %swap3A_94 : vector<1x16xf32> to vector<16xf32>
      %swap3A_96 = vector.shape_cast %broadcast_in_dim3A_92 : vector<16xf32> to vector<1x16xf32>
      tpu.vector_store %arg9[%swap3A, %swap3A_93], %swap3A_96 {strides = array<i32>} : memref<80x128xf32, #tpu.memory_space<vmem>>, vector<1x16xf32>,
      %broadcast_in_dim3A_97 = arith.constant 0.000000e+00 : f32
      %broadcast_in_dim3A_98 = vector.broadcast %broadcast_in_dim3A_97 : f32 to vector<16xf32>
      %swap3A_99 = arith.index_cast %add3A_91 : i32 to index
      %swap3A_100 = arith.constant 16 : index
      %swap3A_101 = tpu.vector_load %arg9[%swap3A_99, %swap3A_100] {strides = array<i32>} : memref<80x128xf32, #tpu.memory_space<vmem>>, vector<1x16xf32>,
      %swap3A_102 = vector.shape_cast %swap3A_101 : vector<1x16xf32> to vector<16xf32>
      %swap3A_103 = vector.shape_cast %broadcast_in_dim3A_98 : vector<16xf32> to vector<1x16xf32>
      tpu.vector_store %arg9[%swap3A_99, %swap3A_100], %swap3A_103 {strides = array<i32>} : memref<80x128xf32, #tpu.memory_space<vmem>>, vector<1x16xf32>,
      %broadcast_in_dim3A_104 = arith.constant 0.000000e+00 : f32
      %broadcast_in_dim3A_105 = vector.broadcast %broadcast_in_dim3A_104 : f32 to vector<16xf32>
      %swap3A_106 = arith.index_cast %add3A_91 : i32 to index
      %swap3A_107 = arith.constant 32 : index
      %swap3A_108 = tpu.vector_load %arg9[%swap3A_106, %swap3A_107] {strides = array<i32>} : memref<80x128xf32, #tpu.memory_space<vmem>>, vector<1x16xf32>,
      %swap3A_109 = vector.shape_cast %swap3A_108 : vector<1x16xf32> to vector<16xf32>
      %swap3A_110 = vector.shape_cast %broadcast_in_dim3A_105 : vector<16xf32> to vector<1x16xf32>
      tpu.vector_store %arg9[%swap3A_106, %swap3A_107], %swap3A_110 {strides = array<i32>} : memref<80x128xf32, #tpu.memory_space<vmem>>, vector<1x16xf32>,
      %broadcast_in_dim3A_111 = arith.constant 0.000000e+00 : f32
      %broadcast_in_dim3A_112 = vector.broadcast %broadcast_in_dim3A_111 : f32 to vector<16xf32>
      %swap3A_113 = arith.index_cast %add3A_91 : i32 to index
      %swap3A_114 = arith.constant 48 : index
      %swap3A_115 = tpu.vector_load %arg9[%swap3A_113, %swap3A_114] {strides = array<i32>} : memref<80x128xf32, #tpu.memory_space<vmem>>, vector<1x16xf32>,
      %swap3A_116 = vector.shape_cast %swap3A_115 : vector<1x16xf32> to vector<16xf32>
      %swap3A_117 = vector.shape_cast %broadcast_in_dim3A_112 : vector<16xf32> to vector<1x16xf32>
      tpu.vector_store %arg9[%swap3A_113, %swap3A_114], %swap3A_117 {strides = array<i32>} : memref<80x128xf32, #tpu.memory_space<vmem>>, vector<1x16xf32>,
      %broadcast_in_dim3A_118 = arith.constant 0.000000e+00 : f32
      %broadcast_in_dim3A_119 = vector.broadcast %broadcast_in_dim3A_118 : f32 to vector<16xf32>
      %swap3A_120 = arith.index_cast %add3A_91 : i32 to index
      %swap3A_121 = arith.constant 64 : index
      %swap3A_122 = tpu.vector_load %arg9[%swap3A_120, %swap3A_121] {strides = array<i32>} : memref<80x128xf32, #tpu.memory_space<vmem>>, vector<1x16xf32>,
      %swap3A_123 = vector.shape_cast %swap3A_122 : vector<1x16xf32> to vector<16xf32>
      %swap3A_124 = vector.shape_cast %broadcast_in_dim3A_119 : vector<16xf32> to vector<1x16xf32>
      tpu.vector_store %arg9[%swap3A_120, %swap3A_121], %swap3A_124 {strides = array<i32>} : memref<80x128xf32, #tpu.memory_space<vmem>>, vector<1x16xf32>,
      %broadcast_in_dim3A_125 = arith.constant 0.000000e+00 : f32
      %broadcast_in_dim3A_126 = vector.broadcast %broadcast_in_dim3A_125 : f32 to vector<16xf32>
      %swap3A_127 = arith.index_cast %add3A_91 : i32 to index
      %swap3A_128 = arith.constant 80 : index
      %swap3A_129 = tpu.vector_load %arg9[%swap3A_127, %swap3A_128] {strides = array<i32>} : memref<80x128xf32, #tpu.memory_space<vmem>>, vector<1x16xf32>,
      %swap3A_130 = vector.shape_cast %swap3A_129 : vector<1x16xf32> to vector<16xf32>
      %swap3A_131 = vector.shape_cast %broadcast_in_dim3A_126 : vector<16xf32> to vector<1x16xf32>
      tpu.vector_store %arg9[%swap3A_127, %swap3A_128], %swap3A_131 {strides = array<i32>} : memref<80x128xf32, #tpu.memory_space<vmem>>, vector<1x16xf32>,
      %broadcast_in_dim3A_132 = arith.constant 0.000000e+00 : f32
      %broadcast_in_dim3A_133 = vector.broadcast %broadcast_in_dim3A_132 : f32 to vector<16xf32>
      %swap3A_134 = arith.index_cast %add3A_91 : i32 to index
      %swap3A_135 = arith.constant 96 : index
      %swap3A_136 = tpu.vector_load %arg9[%swap3A_134, %swap3A_135] {strides = array<i32>} : memref<80x128xf32, #tpu.memory_space<vmem>>, vector<1x16xf32>,
      %swap3A_137 = vector.shape_cast %swap3A_136 : vector<1x16xf32> to vector<16xf32>
      %swap3A_138 = vector.shape_cast %broadcast_in_dim3A_133 : vector<16xf32> to vector<1x16xf32>
      tpu.vector_store %arg9[%swap3A_134, %swap3A_135], %swap3A_138 {strides = array<i32>} : memref<80x128xf32, #tpu.memory_space<vmem>>, vector<1x16xf32>,
      %broadcast_in_dim3A_139 = arith.constant 0.000000e+00 : f32
      %broadcast_in_dim3A_140 = vector.broadcast %broadcast_in_dim3A_139 : f32 to vector<16xf32>
      %swap3A_141 = arith.index_cast %add3A_91 : i32 to index
      %swap3A_142 = arith.constant 112 : index
      %swap3A_143 = tpu.vector_load %arg9[%swap3A_141, %swap3A_142] {strides = array<i32>} : memref<80x128xf32, #tpu.memory_space<vmem>>, vector<1x16xf32>,
      %swap3A_144 = vector.shape_cast %swap3A_143 : vector<1x16xf32> to vector<16xf32>
      %swap3A_145 = vector.shape_cast %broadcast_in_dim3A_140 : vector<16xf32> to vector<1x16xf32>
      tpu.vector_store %arg9[%swap3A_141, %swap3A_142], %swap3A_145 {strides = array<i32>} : memref<80x128xf32, #tpu.memory_space<vmem>>, vector<1x16xf32>,
    }
    %scan3A_8 = arith.constant 80 : i32
    %mul3A_9 = arith.constant 640 : i32
    %mul3A_10 = arith.muli %arg1, %mul3A_9 : i32
    %add3A_11 = arith.constant 0 : i32
    %add3A_12 = arith.addi %mul3A_10, %add3A_11 : i32
    "tpu.region"() ({
      %run_scoped3A = tpu.sem_alloc : memref<!tpu.dma_semaphore, #tpu.memory_space<semaphore_mem>>
      %dma_start3A_87 = arith.constant 0 : i32
      %dma_start3A_88 = arith.constant 0 : i32
      %dma_start3A_89 = tpu.memref_slice %arg9[%dma_start3A_87, %dma_start3A_88] : memref<80x128xf32, #tpu.memory_space<vmem>> -> memref<80x128xf32, #tpu.memory_space<vmem>>
      %dma_start3A_90 = arith.constant 0 : i32
      %dma_start3A_91 = tpu.memref_slice %arg6[%add3A_12, %dma_start3A_90] : memref<10240x128xf32, #tpu.memory_space<vmem_shared>> -> memref<80x128xf32, #tpu.memory_space<vmem_shared>>
      %dma_start3A_92 = arith.constant 0 : i32
      %dma_start3A_93 = tpu.memref_slice %arg6[%add3A_12, %dma_start3A_92] : memref<10240x128xf32, #tpu.memory_space<vmem_shared>> -> memref<80x128xf32, #tpu.memory_space<vmem_shared>>
      %dma_start3A_94 = arith.constant 0 : i32
      %dma_start3A_95 = arith.constant 0 : i32
      %dma_start3A_96 = tpu.memref_slice %arg9[%dma_start3A_94, %dma_start3A_95] : memref<80x128xf32, #tpu.memory_space<vmem>> -> memref<80x128xf32, #tpu.memory_space<vmem>>
      tpu.enqueue_dma source(%dma_start3A_96 : memref<80x128xf32, #tpu.memory_space<vmem>>) target(%dma_start3A_93 : memref<80x128xf32, #tpu.memory_space<vmem_shared>>) target_semaphore(%run_scoped3A : memref<!tpu.dma_semaphore, #tpu.memory_space<semaphore_mem>>)
      %dma_wait3A_97 = arith.constant 0 : i32
      %dma_wait3A_98 = arith.constant 0 : i32
      %dma_wait3A_99 = tpu.memref_slice %arg9[%dma_wait3A_97, %dma_wait3A_98] : memref<80x128xf32, #tpu.memory_space<vmem>> -> memref<80x128xf32, #tpu.memory_space<vmem>>
      %dma_wait3A_100 = arith.constant 0 : i32
      %dma_wait3A_101 = tpu.memref_slice %arg6[%add3A_12, %dma_wait3A_100] : memref<10240x128xf32, #tpu.memory_space<vmem_shared>> -> memref<80x128xf32, #tpu.memory_space<vmem_shared>>
      %dma_wait3A_102 = arith.constant 0 : i32
      %dma_wait3A_103 = tpu.memref_slice %arg6[%add3A_12, %dma_wait3A_102] : memref<10240x128xf32, #tpu.memory_space<vmem_shared>> -> memref<80x128xf32, #tpu.memory_space<vmem_shared>>
      %dma_wait3A_104 = arith.constant 0 : i32
      %dma_wait3A_105 = arith.constant 0 : i32
      %dma_wait3A_106 = tpu.memref_slice %arg9[%dma_wait3A_104, %dma_wait3A_105] : memref<80x128xf32, #tpu.memory_space<vmem>> -> memref<80x128xf32, #tpu.memory_space<vmem>>
      tpu.wait_dma2 semaphore(%run_scoped3A : memref<!tpu.dma_semaphore, #tpu.memory_space<semaphore_mem>>) src(%dma_wait3A_106 : memref<80x128xf32, #tpu.memory_space<vmem>>) dst(%dma_wait3A_103 : memref<80x128xf32, #tpu.memory_space<vmem_shared>>)
      tpu.yield
    }) : () -> ()
    %mul3A_13 = arith.constant 640 : i32
    %mul3A_14 = arith.muli %arg1, %mul3A_13 : i32
    %add3A_15 = arith.constant 80 : i32
    %add3A_16 = arith.addi %mul3A_14, %add3A_15 : i32
    "tpu.region"() ({
      %run_scoped3A = tpu.sem_alloc : memref<!tpu.dma_semaphore, #tpu.memory_space<semaphore_mem>>
      %dma_start3A_87 = arith.constant 0 : i32
      %dma_start3A_88 = arith.constant 0 : i32
      %dma_start3A_89 = tpu.memref_slice %arg9[%dma_start3A_87, %dma_start3A_88] : memref<80x128xf32, #tpu.memory_space<vmem>> -> memref<80x128xf32, #tpu.memory_space<vmem>>
      %dma_start3A_90 = arith.constant 0 : i32
      %dma_start3A_91 = tpu.memref_slice %arg6[%add3A_16, %dma_start3A_90] : memref<10240x128xf32, #tpu.memory_space<vmem_shared>> -> memref<80x128xf32, #tpu.memory_space<vmem_shared>>
      %dma_start3A_92 = arith.constant 0 : i32
      %dma_start3A_93 = tpu.memref_slice %arg6[%add3A_16, %dma_start3A_92] : memref<10240x128xf32, #tpu.memory_space<vmem_shared>> -> memref<80x128xf32, #tpu.memory_space<vmem_shared>>
      %dma_start3A_94 = arith.constant 0 : i32
      %dma_start3A_95 = arith.constant 0 : i32
      %dma_start3A_96 = tpu.memref_slice %arg9[%dma_start3A_94, %dma_start3A_95] : memref<80x128xf32, #tpu.memory_space<vmem>> -> memref<80x128xf32, #tpu.memory_space<vmem>>
      tpu.enqueue_dma source(%dma_start3A_96 : memref<80x128xf32, #tpu.memory_space<vmem>>) target(%dma_start3A_93 : memref<80x128xf32, #tpu.memory_space<vmem_shared>>) target_semaphore(%run_scoped3A : memref<!tpu.dma_semaphore, #tpu.memory_space<semaphore_mem>>)
      %dma_wait3A_97 = arith.constant 0 : i32
      %dma_wait3A_98 = arith.constant 0 : i32
      %dma_wait3A_99 = tpu.memref_slice %arg9[%dma_wait3A_97, %dma_wait3A_98] : memref<80x128xf32, #tpu.memory_space<vmem>> -> memref<80x128xf32, #tpu.memory_space<vmem>>
      %dma_wait3A_100 = arith.constant 0 : i32
      %dma_wait3A_101 = tpu.memref_slice %arg6[%add3A_16, %dma_wait3A_100] : memref<10240x128xf32, #tpu.memory_space<vmem_shared>> -> memref<80x128xf32, #tpu.memory_space<vmem_shared>>
      %dma_wait3A_102 = arith.constant 0 : i32
      %dma_wait3A_103 = tpu.memref_slice %arg6[%add3A_16, %dma_wait3A_102] : memref<10240x128xf32, #tpu.memory_space<vmem_shared>> -> memref<80x128xf32, #tpu.memory_space<vmem_shared>>
      %dma_wait3A_104 = arith.constant 0 : i32
      %dma_wait3A_105 = arith.constant 0 : i32
      %dma_wait3A_106 = tpu.memref_slice %arg9[%dma_wait3A_104, %dma_wait3A_105] : memref<80x128xf32, #tpu.memory_space<vmem>> -> memref<80x128xf32, #tpu.memory_space<vmem>>
      tpu.wait_dma2 semaphore(%run_scoped3A : memref<!tpu.dma_semaphore, #tpu.memory_space<semaphore_mem>>) src(%dma_wait3A_106 : memref<80x128xf32, #tpu.memory_space<vmem>>) dst(%dma_wait3A_103 : memref<80x128xf32, #tpu.memory_space<vmem_shared>>)
      tpu.yield
    }) : () -> ()
    %mul3A_17 = arith.constant 640 : i32
    %mul3A_18 = arith.muli %arg1, %mul3A_17 : i32
    %add3A_19 = arith.constant 160 : i32
    %add3A_20 = arith.addi %mul3A_18, %add3A_19 : i32
    "tpu.region"() ({
      %run_scoped3A = tpu.sem_alloc : memref<!tpu.dma_semaphore, #tpu.memory_space<semaphore_mem>>
      %dma_start3A_87 = arith.constant 0 : i32
      %dma_start3A_88 = arith.constant 0 : i32
      %dma_start3A_89 = tpu.memref_slice %arg9[%dma_start3A_87, %dma_start3A_88] : memref<80x128xf32, #tpu.memory_space<vmem>> -> memref<80x128xf32, #tpu.memory_space<vmem>>
      %dma_start3A_90 = arith.constant 0 : i32
      %dma_start3A_91 = tpu.memref_slice %arg6[%add3A_20, %dma_start3A_90] : memref<10240x128xf32, #tpu.memory_space<vmem_shared>> -> memref<80x128xf32, #tpu.memory_space<vmem_shared>>
      %dma_start3A_92 = arith.constant 0 : i32
      %dma_start3A_93 = tpu.memref_slice %arg6[%add3A_20, %dma_start3A_92] : memref<10240x128xf32, #tpu.memory_space<vmem_shared>> -> memref<80x128xf32, #tpu.memory_space<vmem_shared>>
      %dma_start3A_94 = arith.constant 0 : i32
      %dma_start3A_95 = arith.constant 0 : i32
      %dma_start3A_96 = tpu.memref_slice %arg9[%dma_start3A_94, %dma_start3A_95] : memref<80x128xf32, #tpu.memory_space<vmem>> -> memref<80x128xf32, #tpu.memory_space<vmem>>
      tpu.enqueue_dma source(%dma_start3A_96 : memref<80x128xf32, #tpu.memory_space<vmem>>) target(%dma_start3A_93 : memref<80x128xf32, #tpu.memory_space<vmem_shared>>) target_semaphore(%run_scoped3A : memref<!tpu.dma_semaphore, #tpu.memory_space<semaphore_mem>>)
      %dma_wait3A_97 = arith.constant 0 : i32
      %dma_wait3A_98 = arith.constant 0 : i32
      %dma_wait3A_99 = tpu.memref_slice %arg9[%dma_wait3A_97, %dma_wait3A_98] : memref<80x128xf32, #tpu.memory_space<vmem>> -> memref<80x128xf32, #tpu.memory_space<vmem>>
      %dma_wait3A_100 = arith.constant 0 : i32
      %dma_wait3A_101 = tpu.memref_slice %arg6[%add3A_20, %dma_wait3A_100] : memref<10240x128xf32, #tpu.memory_space<vmem_shared>> -> memref<80x128xf32, #tpu.memory_space<vmem_shared>>
      %dma_wait3A_102 = arith.constant 0 : i32
      %dma_wait3A_103 = tpu.memref_slice %arg6[%add3A_20, %dma_wait3A_102] : memref<10240x128xf32, #tpu.memory_space<vmem_shared>> -> memref<80x128xf32, #tpu.memory_space<vmem_shared>>
      %dma_wait3A_104 = arith.constant 0 : i32
      %dma_wait3A_105 = arith.constant 0 : i32
      %dma_wait3A_106 = tpu.memref_slice %arg9[%dma_wait3A_104, %dma_wait3A_105] : memref<80x128xf32, #tpu.memory_space<vmem>> -> memref<80x128xf32, #tpu.memory_space<vmem>>
      tpu.wait_dma2 semaphore(%run_scoped3A : memref<!tpu.dma_semaphore, #tpu.memory_space<semaphore_mem>>) src(%dma_wait3A_106 : memref<80x128xf32, #tpu.memory_space<vmem>>) dst(%dma_wait3A_103 : memref<80x128xf32, #tpu.memory_space<vmem_shared>>)
      tpu.yield
    }) : () -> ()
    %mul3A_21 = arith.constant 640 : i32
    %mul3A_22 = arith.muli %arg1, %mul3A_21 : i32
    %add3A_23 = arith.constant 240 : i32
    %add3A_24 = arith.addi %mul3A_22, %add3A_23 : i32
    "tpu.region"() ({
      %run_scoped3A = tpu.sem_alloc : memref<!tpu.dma_semaphore, #tpu.memory_space<semaphore_mem>>
      %dma_start3A_87 = arith.constant 0 : i32
      %dma_start3A_88 = arith.constant 0 : i32
      %dma_start3A_89 = tpu.memref_slice %arg9[%dma_start3A_87, %dma_start3A_88] : memref<80x128xf32, #tpu.memory_space<vmem>> -> memref<80x128xf32, #tpu.memory_space<vmem>>
      %dma_start3A_90 = arith.constant 0 : i32
      %dma_start3A_91 = tpu.memref_slice %arg6[%add3A_24, %dma_start3A_90] : memref<10240x128xf32, #tpu.memory_space<vmem_shared>> -> memref<80x128xf32, #tpu.memory_space<vmem_shared>>
      %dma_start3A_92 = arith.constant 0 : i32
      %dma_start3A_93 = tpu.memref_slice %arg6[%add3A_24, %dma_start3A_92] : memref<10240x128xf32, #tpu.memory_space<vmem_shared>> -> memref<80x128xf32, #tpu.memory_space<vmem_shared>>
      %dma_start3A_94 = arith.constant 0 : i32
      %dma_start3A_95 = arith.constant 0 : i32
      %dma_start3A_96 = tpu.memref_slice %arg9[%dma_start3A_94, %dma_start3A_95] : memref<80x128xf32, #tpu.memory_space<vmem>> -> memref<80x128xf32, #tpu.memory_space<vmem>>
      tpu.enqueue_dma source(%dma_start3A_96 : memref<80x128xf32, #tpu.memory_space<vmem>>) target(%dma_start3A_93 : memref<80x128xf32, #tpu.memory_space<vmem_shared>>) target_semaphore(%run_scoped3A : memref<!tpu.dma_semaphore, #tpu.memory_space<semaphore_mem>>)
      %dma_wait3A_97 = arith.constant 0 : i32
      %dma_wait3A_98 = arith.constant 0 : i32
      %dma_wait3A_99 = tpu.memref_slice %arg9[%dma_wait3A_97, %dma_wait3A_98] : memref<80x128xf32, #tpu.memory_space<vmem>> -> memref<80x128xf32, #tpu.memory_space<vmem>>
      %dma_wait3A_100 = arith.constant 0 : i32
      %dma_wait3A_101 = tpu.memref_slice %arg6[%add3A_24, %dma_wait3A_100] : memref<10240x128xf32, #tpu.memory_space<vmem_shared>> -> memref<80x128xf32, #tpu.memory_space<vmem_shared>>
      %dma_wait3A_102 = arith.constant 0 : i32
      %dma_wait3A_103 = tpu.memref_slice %arg6[%add3A_24, %dma_wait3A_102] : memref<10240x128xf32, #tpu.memory_space<vmem_shared>> -> memref<80x128xf32, #tpu.memory_space<vmem_shared>>
      %dma_wait3A_104 = arith.constant 0 : i32
      %dma_wait3A_105 = arith.constant 0 : i32
      %dma_wait3A_106 = tpu.memref_slice %arg9[%dma_wait3A_104, %dma_wait3A_105] : memref<80x128xf32, #tpu.memory_space<vmem>> -> memref<80x128xf32, #tpu.memory_space<vmem>>
      tpu.wait_dma2 semaphore(%run_scoped3A : memref<!tpu.dma_semaphore, #tpu.memory_space<semaphore_mem>>) src(%dma_wait3A_106 : memref<80x128xf32, #tpu.memory_space<vmem>>) dst(%dma_wait3A_103 : memref<80x128xf32, #tpu.memory_space<vmem_shared>>)
      tpu.yield
    }) : () -> ()
    %mul3A_25 = arith.constant 640 : i32
    %mul3A_26 = arith.muli %arg1, %mul3A_25 : i32
    %add3A_27 = arith.constant 320 : i32
    %add3A_28 = arith.addi %mul3A_26, %add3A_27 : i32
    "tpu.region"() ({
      %run_scoped3A = tpu.sem_alloc : memref<!tpu.dma_semaphore, #tpu.memory_space<semaphore_mem>>
      %dma_start3A_87 = arith.constant 0 : i32
      %dma_start3A_88 = arith.constant 0 : i32
      %dma_start3A_89 = tpu.memref_slice %arg9[%dma_start3A_87, %dma_start3A_88] : memref<80x128xf32, #tpu.memory_space<vmem>> -> memref<80x128xf32, #tpu.memory_space<vmem>>
      %dma_start3A_90 = arith.constant 0 : i32
      %dma_start3A_91 = tpu.memref_slice %arg6[%add3A_28, %dma_start3A_90] : memref<10240x128xf32, #tpu.memory_space<vmem_shared>> -> memref<80x128xf32, #tpu.memory_space<vmem_shared>>
      %dma_start3A_92 = arith.constant 0 : i32
      %dma_start3A_93 = tpu.memref_slice %arg6[%add3A_28, %dma_start3A_92] : memref<10240x128xf32, #tpu.memory_space<vmem_shared>> -> memref<80x128xf32, #tpu.memory_space<vmem_shared>>
      %dma_start3A_94 = arith.constant 0 : i32
      %dma_start3A_95 = arith.constant 0 : i32
      %dma_start3A_96 = tpu.memref_slice %arg9[%dma_start3A_94, %dma_start3A_95] : memref<80x128xf32, #tpu.memory_space<vmem>> -> memref<80x128xf32, #tpu.memory_space<vmem>>
      tpu.enqueue_dma source(%dma_start3A_96 : memref<80x128xf32, #tpu.memory_space<vmem>>) target(%dma_start3A_93 : memref<80x128xf32, #tpu.memory_space<vmem_shared>>) target_semaphore(%run_scoped3A : memref<!tpu.dma_semaphore, #tpu.memory_space<semaphore_mem>>)
      %dma_wait3A_97 = arith.constant 0 : i32
      %dma_wait3A_98 = arith.constant 0 : i32
      %dma_wait3A_99 = tpu.memref_slice %arg9[%dma_wait3A_97, %dma_wait3A_98] : memref<80x128xf32, #tpu.memory_space<vmem>> -> memref<80x128xf32, #tpu.memory_space<vmem>>
      %dma_wait3A_100 = arith.constant 0 : i32
      %dma_wait3A_101 = tpu.memref_slice %arg6[%add3A_28, %dma_wait3A_100] : memref<10240x128xf32, #tpu.memory_space<vmem_shared>> -> memref<80x128xf32, #tpu.memory_space<vmem_shared>>
      %dma_wait3A_102 = arith.constant 0 : i32
      %dma_wait3A_103 = tpu.memref_slice %arg6[%add3A_28, %dma_wait3A_102] : memref<10240x128xf32, #tpu.memory_space<vmem_shared>> -> memref<80x128xf32, #tpu.memory_space<vmem_shared>>
      %dma_wait3A_104 = arith.constant 0 : i32
      %dma_wait3A_105 = arith.constant 0 : i32
      %dma_wait3A_106 = tpu.memref_slice %arg9[%dma_wait3A_104, %dma_wait3A_105] : memref<80x128xf32, #tpu.memory_space<vmem>> -> memref<80x128xf32, #tpu.memory_space<vmem>>
      tpu.wait_dma2 semaphore(%run_scoped3A : memref<!tpu.dma_semaphore, #tpu.memory_space<semaphore_mem>>) src(%dma_wait3A_106 : memref<80x128xf32, #tpu.memory_space<vmem>>) dst(%dma_wait3A_103 : memref<80x128xf32, #tpu.memory_space<vmem_shared>>)
      tpu.yield
    }) : () -> ()
    %mul3A_29 = arith.constant 640 : i32
    %mul3A_30 = arith.muli %arg1, %mul3A_29 : i32
    %add3A_31 = arith.constant 400 : i32
    %add3A_32 = arith.addi %mul3A_30, %add3A_31 : i32
    "tpu.region"() ({
      %run_scoped3A = tpu.sem_alloc : memref<!tpu.dma_semaphore, #tpu.memory_space<semaphore_mem>>
      %dma_start3A_87 = arith.constant 0 : i32
      %dma_start3A_88 = arith.constant 0 : i32
      %dma_start3A_89 = tpu.memref_slice %arg9[%dma_start3A_87, %dma_start3A_88] : memref<80x128xf32, #tpu.memory_space<vmem>> -> memref<80x128xf32, #tpu.memory_space<vmem>>
      %dma_start3A_90 = arith.constant 0 : i32
      %dma_start3A_91 = tpu.memref_slice %arg6[%add3A_32, %dma_start3A_90] : memref<10240x128xf32, #tpu.memory_space<vmem_shared>> -> memref<80x128xf32, #tpu.memory_space<vmem_shared>>
      %dma_start3A_92 = arith.constant 0 : i32
      %dma_start3A_93 = tpu.memref_slice %arg6[%add3A_32, %dma_start3A_92] : memref<10240x128xf32, #tpu.memory_space<vmem_shared>> -> memref<80x128xf32, #tpu.memory_space<vmem_shared>>
      %dma_start3A_94 = arith.constant 0 : i32
      %dma_start3A_95 = arith.constant 0 : i32
      %dma_start3A_96 = tpu.memref_slice %arg9[%dma_start3A_94, %dma_start3A_95] : memref<80x128xf32, #tpu.memory_space<vmem>> -> memref<80x128xf32, #tpu.memory_space<vmem>>
      tpu.enqueue_dma source(%dma_start3A_96 : memref<80x128xf32, #tpu.memory_space<vmem>>) target(%dma_start3A_93 : memref<80x128xf32, #tpu.memory_space<vmem_shared>>) target_semaphore(%run_scoped3A : memref<!tpu.dma_semaphore, #tpu.memory_space<semaphore_mem>>)
      %dma_wait3A_97 = arith.constant 0 : i32
      %dma_wait3A_98 = arith.constant 0 : i32
      %dma_wait3A_99 = tpu.memref_slice %arg9[%dma_wait3A_97, %dma_wait3A_98] : memref<80x128xf32, #tpu.memory_space<vmem>> -> memref<80x128xf32, #tpu.memory_space<vmem>>
      %dma_wait3A_100 = arith.constant 0 : i32
      %dma_wait3A_101 = tpu.memref_slice %arg6[%add3A_32, %dma_wait3A_100] : memref<10240x128xf32, #tpu.memory_space<vmem_shared>> -> memref<80x128xf32, #tpu.memory_space<vmem_shared>>
      %dma_wait3A_102 = arith.constant 0 : i32
      %dma_wait3A_103 = tpu.memref_slice %arg6[%add3A_32, %dma_wait3A_102] : memref<10240x128xf32, #tpu.memory_space<vmem_shared>> -> memref<80x128xf32, #tpu.memory_space<vmem_shared>>
      %dma_wait3A_104 = arith.constant 0 : i32
      %dma_wait3A_105 = arith.constant 0 : i32
      %dma_wait3A_106 = tpu.memref_slice %arg9[%dma_wait3A_104, %dma_wait3A_105] : memref<80x128xf32, #tpu.memory_space<vmem>> -> memref<80x128xf32, #tpu.memory_space<vmem>>
      tpu.wait_dma2 semaphore(%run_scoped3A : memref<!tpu.dma_semaphore, #tpu.memory_space<semaphore_mem>>) src(%dma_wait3A_106 : memref<80x128xf32, #tpu.memory_space<vmem>>) dst(%dma_wait3A_103 : memref<80x128xf32, #tpu.memory_space<vmem_shared>>)
      tpu.yield
    }) : () -> ()
    %mul3A_33 = arith.constant 640 : i32
    %mul3A_34 = arith.muli %arg1, %mul3A_33 : i32
    %add3A_35 = arith.constant 480 : i32
    %add3A_36 = arith.addi %mul3A_34, %add3A_35 : i32
    "tpu.region"() ({
      %run_scoped3A = tpu.sem_alloc : memref<!tpu.dma_semaphore, #tpu.memory_space<semaphore_mem>>
      %dma_start3A_87 = arith.constant 0 : i32
      %dma_start3A_88 = arith.constant 0 : i32
      %dma_start3A_89 = tpu.memref_slice %arg9[%dma_start3A_87, %dma_start3A_88] : memref<80x128xf32, #tpu.memory_space<vmem>> -> memref<80x128xf32, #tpu.memory_space<vmem>>
      %dma_start3A_90 = arith.constant 0 : i32
      %dma_start3A_91 = tpu.memref_slice %arg6[%add3A_36, %dma_start3A_90] : memref<10240x128xf32, #tpu.memory_space<vmem_shared>> -> memref<80x128xf32, #tpu.memory_space<vmem_shared>>
      %dma_start3A_92 = arith.constant 0 : i32
      %dma_start3A_93 = tpu.memref_slice %arg6[%add3A_36, %dma_start3A_92] : memref<10240x128xf32, #tpu.memory_space<vmem_shared>> -> memref<80x128xf32, #tpu.memory_space<vmem_shared>>
      %dma_start3A_94 = arith.constant 0 : i32
      %dma_start3A_95 = arith.constant 0 : i32
      %dma_start3A_96 = tpu.memref_slice %arg9[%dma_start3A_94, %dma_start3A_95] : memref<80x128xf32, #tpu.memory_space<vmem>> -> memref<80x128xf32, #tpu.memory_space<vmem>>
      tpu.enqueue_dma source(%dma_start3A_96 : memref<80x128xf32, #tpu.memory_space<vmem>>) target(%dma_start3A_93 : memref<80x128xf32, #tpu.memory_space<vmem_shared>>) target_semaphore(%run_scoped3A : memref<!tpu.dma_semaphore, #tpu.memory_space<semaphore_mem>>)
      %dma_wait3A_97 = arith.constant 0 : i32
      %dma_wait3A_98 = arith.constant 0 : i32
      %dma_wait3A_99 = tpu.memref_slice %arg9[%dma_wait3A_97, %dma_wait3A_98] : memref<80x128xf32, #tpu.memory_space<vmem>> -> memref<80x128xf32, #tpu.memory_space<vmem>>
      %dma_wait3A_100 = arith.constant 0 : i32
      %dma_wait3A_101 = tpu.memref_slice %arg6[%add3A_36, %dma_wait3A_100] : memref<10240x128xf32, #tpu.memory_space<vmem_shared>> -> memref<80x128xf32, #tpu.memory_space<vmem_shared>>
      %dma_wait3A_102 = arith.constant 0 : i32
      %dma_wait3A_103 = tpu.memref_slice %arg6[%add3A_36, %dma_wait3A_102] : memref<10240x128xf32, #tpu.memory_space<vmem_shared>> -> memref<80x128xf32, #tpu.memory_space<vmem_shared>>
      %dma_wait3A_104 = arith.constant 0 : i32
      %dma_wait3A_105 = arith.constant 0 : i32
      %dma_wait3A_106 = tpu.memref_slice %arg9[%dma_wait3A_104, %dma_wait3A_105] : memref<80x128xf32, #tpu.memory_space<vmem>> -> memref<80x128xf32, #tpu.memory_space<vmem>>
      tpu.wait_dma2 semaphore(%run_scoped3A : memref<!tpu.dma_semaphore, #tpu.memory_space<semaphore_mem>>) src(%dma_wait3A_106 : memref<80x128xf32, #tpu.memory_space<vmem>>) dst(%dma_wait3A_103 : memref<80x128xf32, #tpu.memory_space<vmem_shared>>)
      tpu.yield
    }) : () -> ()
    %mul3A_37 = arith.constant 640 : i32
    %mul3A_38 = arith.muli %arg1, %mul3A_37 : i32
    %add3A_39 = arith.constant 560 : i32
    %add3A_40 = arith.addi %mul3A_38, %add3A_39 : i32
    "tpu.region"() ({
      %run_scoped3A = tpu.sem_alloc : memref<!tpu.dma_semaphore, #tpu.memory_space<semaphore_mem>>
      %dma_start3A_87 = arith.constant 0 : i32
      %dma_start3A_88 = arith.constant 0 : i32
      %dma_start3A_89 = tpu.memref_slice %arg9[%dma_start3A_87, %dma_start3A_88] : memref<80x128xf32, #tpu.memory_space<vmem>> -> memref<80x128xf32, #tpu.memory_space<vmem>>
      %dma_start3A_90 = arith.constant 0 : i32
      %dma_start3A_91 = tpu.memref_slice %arg6[%add3A_40, %dma_start3A_90] : memref<10240x128xf32, #tpu.memory_space<vmem_shared>> -> memref<80x128xf32, #tpu.memory_space<vmem_shared>>
      %dma_start3A_92 = arith.constant 0 : i32
      %dma_start3A_93 = tpu.memref_slice %arg6[%add3A_40, %dma_start3A_92] : memref<10240x128xf32, #tpu.memory_space<vmem_shared>> -> memref<80x128xf32, #tpu.memory_space<vmem_shared>>
      %dma_start3A_94 = arith.constant 0 : i32
      %dma_start3A_95 = arith.constant 0 : i32
      %dma_start3A_96 = tpu.memref_slice %arg9[%dma_start3A_94, %dma_start3A_95] : memref<80x128xf32, #tpu.memory_space<vmem>> -> memref<80x128xf32, #tpu.memory_space<vmem>>
      tpu.enqueue_dma source(%dma_start3A_96 : memref<80x128xf32, #tpu.memory_space<vmem>>) target(%dma_start3A_93 : memref<80x128xf32, #tpu.memory_space<vmem_shared>>) target_semaphore(%run_scoped3A : memref<!tpu.dma_semaphore, #tpu.memory_space<semaphore_mem>>)
      %dma_wait3A_97 = arith.constant 0 : i32
      %dma_wait3A_98 = arith.constant 0 : i32
      %dma_wait3A_99 = tpu.memref_slice %arg9[%dma_wait3A_97, %dma_wait3A_98] : memref<80x128xf32, #tpu.memory_space<vmem>> -> memref<80x128xf32, #tpu.memory_space<vmem>>
      %dma_wait3A_100 = arith.constant 0 : i32
      %dma_wait3A_101 = tpu.memref_slice %arg6[%add3A_40, %dma_wait3A_100] : memref<10240x128xf32, #tpu.memory_space<vmem_shared>> -> memref<80x128xf32, #tpu.memory_space<vmem_shared>>
      %dma_wait3A_102 = arith.constant 0 : i32
      %dma_wait3A_103 = tpu.memref_slice %arg6[%add3A_40, %dma_wait3A_102] : memref<10240x128xf32, #tpu.memory_space<vmem_shared>> -> memref<80x128xf32, #tpu.memory_space<vmem_shared>>
      %dma_wait3A_104 = arith.constant 0 : i32
      %dma_wait3A_105 = arith.constant 0 : i32
      %dma_wait3A_106 = tpu.memref_slice %arg9[%dma_wait3A_104, %dma_wait3A_105] : memref<80x128xf32, #tpu.memory_space<vmem>> -> memref<80x128xf32, #tpu.memory_space<vmem>>
      tpu.wait_dma2 semaphore(%run_scoped3A : memref<!tpu.dma_semaphore, #tpu.memory_space<semaphore_mem>>) src(%dma_wait3A_106 : memref<80x128xf32, #tpu.memory_space<vmem>>) dst(%dma_wait3A_103 : memref<80x128xf32, #tpu.memory_space<vmem_shared>>)
      tpu.yield
    }) : () -> ()
    %barrier3A = arith.constant 0 : index
    tpu.barrier barrier_id(%barrier3A)
    %dma_start3A = arith.constant 0 : i32
    %dma_start3A_41 = tpu.memref_slice %arg7[%dma_start3A] : memref<10000xi32, #tpu.memory_space<vmem>> -> memref<80xi32, #tpu.memory_space<vmem>>
    %dma_start3A_42 = arith.constant 0 : i32
    %dma_start3A_43 = arith.constant 0 : i32
    %dma_start3A_44 = tpu.memref_slice %arg2[%dma_start3A_42, %dma_start3A_43] : memref<10000x128xf32, #tpu.memory_space<hbm>> -> memref<10000x128xf32, #tpu.memory_space<hbm>>
    tpu.enqueue_indirect_dma source(%dma_start3A_44 : memref<10000x128xf32, #tpu.memory_space<hbm>>) target(%arg9 : memref<80x128xf32, #tpu.memory_space<vmem>>) offsets(%dma_start3A_41 : memref<80xi32, #tpu.memory_space<vmem>>) semaphore(%arg11 : memref<!tpu.dma_semaphore, #tpu.memory_space<semaphore_mem>>)
    %scan3A_45 = arith.constant 0 : i32
    %scan3A_46 = arith.constant 62 : i32
    %scan3A_47 = arith.addi %scan3A_45, %scan3A_46 : i32
    %scan3A_48 = arith.constant 1 : i32
    scf.for %scan3A_87 = %scan3A_45 to %scan3A_47 step %scan3A_48  : i32 {
      %mul3A_88 = arith.constant 2 : i32
      %mul3A_89 = arith.muli %scan3A_87, %mul3A_88 : i32
      %add3A_90 = arith.constant 0 : i32
      %add3A_91 = arith.addi %add3A_90, %mul3A_89 : i32
      %add3A_92 = arith.constant 1 : i32
      %add3A_93 = arith.addi %add3A_91, %add3A_92 : i32
      %mul3A_94 = arith.constant 80 : i32
      %mul3A_95 = arith.muli %add3A_93, %mul3A_94 : i32
      %dma_start3A_96 = tpu.memref_slice %arg7[%mul3A_95] : memref<10000xi32, #tpu.memory_space<vmem>> -> memref<80xi32, #tpu.memory_space<vmem>>
      %dma_start3A_97 = arith.constant 0 : i32
      %dma_start3A_98 = arith.constant 0 : i32
      %dma_start3A_99 = tpu.memref_slice %arg2[%dma_start3A_97, %dma_start3A_98] : memref<10000x128xf32, #tpu.memory_space<hbm>> -> memref<10000x128xf32, #tpu.memory_space<hbm>>
      tpu.enqueue_indirect_dma source(%dma_start3A_99 : memref<10000x128xf32, #tpu.memory_space<hbm>>) target(%arg10 : memref<80x128xf32, #tpu.memory_space<vmem>>) offsets(%dma_start3A_96 : memref<80xi32, #tpu.memory_space<vmem>>) semaphore(%arg12 : memref<!tpu.dma_semaphore, #tpu.memory_space<semaphore_mem>>)
      %dma_wait3A_100 = arith.constant 0 : i32
      %dma_wait3A_101 = tpu.memref_slice %arg7[%dma_wait3A_100] : memref<10000xi32, #tpu.memory_space<vmem>> -> memref<80xi32, #tpu.memory_space<vmem>>
      %dma_wait3A_102 = arith.constant 0 : i32
      %dma_wait3A_103 = arith.constant 0 : i32
      %dma_wait3A_104 = tpu.memref_slice %arg2[%dma_wait3A_102, %dma_wait3A_103] : memref<10000x128xf32, #tpu.memory_space<hbm>> -> memref<10000x128xf32, #tpu.memory_space<hbm>>
      tpu.wait_indirect_dma semaphore(%arg11 : memref<!tpu.dma_semaphore, #tpu.memory_space<semaphore_mem>>) src(%dma_wait3A_104 : memref<10000x128xf32, #tpu.memory_space<hbm>>) dst(%arg9 : memref<80x128xf32, #tpu.memory_space<vmem>>)
      %mul3A_105 = arith.constant 80 : i32
      %mul3A_106 = arith.muli %add3A_91, %mul3A_105 : i32
      "tpu.region"() ({
        %run_scoped3A = tpu.sem_alloc : memref<!tpu.dma_semaphore, #tpu.memory_space<semaphore_mem>>
        %dma_start3A_124 = tpu.memref_slice %arg8[%mul3A_106] : memref<10000xi32, #tpu.memory_space<vmem>> -> memref<80xi32, #tpu.memory_space<vmem>>
        %dma_start3A_125 = arith.constant 0 : i32
        %dma_start3A_126 = arith.constant 0 : i32
        %dma_start3A_127 = tpu.memref_slice %arg6[%dma_start3A_125, %dma_start3A_126] : memref<10240x128xf32, #tpu.memory_space<vmem_shared>> -> memref<10240x128xf32, #tpu.memory_space<vmem_shared>>
        tpu.enqueue_indirect_dma source(%arg9 : memref<80x128xf32, #tpu.memory_space<vmem>>) target(%dma_start3A_127 : memref<10240x128xf32, #tpu.memory_space<vmem_shared>>) offsets(%dma_start3A_124 : memref<80xi32, #tpu.memory_space<vmem>>) semaphore(%run_scoped3A : memref<!tpu.dma_semaphore, #tpu.memory_space<semaphore_mem>>) {add = true}
        %dma_wait3A_128 = tpu.memref_slice %arg8[%mul3A_106] : memref<10000xi32, #tpu.memory_space<vmem>> -> memref<80xi32, #tpu.memory_space<vmem>>
        %dma_wait3A_129 = arith.constant 0 : i32
        %dma_wait3A_130 = arith.constant 0 : i32
        %dma_wait3A_131 = tpu.memref_slice %arg6[%dma_wait3A_129, %dma_wait3A_130] : memref<10240x128xf32, #tpu.memory_space<vmem_shared>> -> memref<10240x128xf32, #tpu.memory_space<vmem_shared>>
        tpu.wait_indirect_dma semaphore(%run_scoped3A : memref<!tpu.dma_semaphore, #tpu.memory_space<semaphore_mem>>) src(%arg9 : memref<80x128xf32, #tpu.memory_space<vmem>>) dst(%dma_wait3A_131 : memref<10240x128xf32, #tpu.memory_space<vmem_shared>>)
        tpu.yield
      }) : () -> ()
      %add3A_107 = arith.constant 2 : i32
      %add3A_108 = arith.addi %add3A_91, %add3A_107 : i32
      %mul3A_109 = arith.constant 80 : i32
      %mul3A_110 = arith.muli %add3A_108, %mul3A_109 : i32
      %dma_start3A_111 = tpu.memref_slice %arg7[%mul3A_110] : memref<10000xi32, #tpu.memory_space<vmem>> -> memref<80xi32, #tpu.memory_space<vmem>>
      %dma_start3A_112 = arith.constant 0 : i32
      %dma_start3A_113 = arith.constant 0 : i32
      %dma_start3A_114 = tpu.memref_slice %arg2[%dma_start3A_112, %dma_start3A_113] : memref<10000x128xf32, #tpu.memory_space<hbm>> -> memref<10000x128xf32, #tpu.memory_space<hbm>>
      tpu.enqueue_indirect_dma source(%dma_start3A_114 : memref<10000x128xf32, #tpu.memory_space<hbm>>) target(%arg9 : memref<80x128xf32, #tpu.memory_space<vmem>>) offsets(%dma_start3A_111 : memref<80xi32, #tpu.memory_space<vmem>>) semaphore(%arg11 : memref<!tpu.dma_semaphore, #tpu.memory_space<semaphore_mem>>)
      %dma_wait3A_115 = arith.constant 0 : i32
      %dma_wait3A_116 = tpu.memref_slice %arg7[%dma_wait3A_115] : memref<10000xi32, #tpu.memory_space<vmem>> -> memref<80xi32, #tpu.memory_space<vmem>>
      %dma_wait3A_117 = arith.constant 0 : i32
      %dma_wait3A_118 = arith.constant 0 : i32
      %dma_wait3A_119 = tpu.memref_slice %arg2[%dma_wait3A_117, %dma_wait3A_118] : memref<10000x128xf32, #tpu.memory_space<hbm>> -> memref<10000x128xf32, #tpu.memory_space<hbm>>
      tpu.wait_indirect_dma semaphore(%arg12 : memref<!tpu.dma_semaphore, #tpu.memory_space<semaphore_mem>>) src(%dma_wait3A_119 : memref<10000x128xf32, #tpu.memory_space<hbm>>) dst(%arg10 : memref<80x128xf32, #tpu.memory_space<vmem>>)
      %add3A_120 = arith.constant 1 : i32
      %add3A_121 = arith.addi %add3A_91, %add3A_120 : i32
      %mul3A_122 = arith.constant 80 : i32
      %mul3A_123 = arith.muli %add3A_121, %mul3A_122 : i32
      "tpu.region"() ({
        %run_scoped3A = tpu.sem_alloc : memref<!tpu.dma_semaphore, #tpu.memory_space<semaphore_mem>>
        %dma_start3A_124 = tpu.memref_slice %arg8[%mul3A_123] : memref<10000xi32, #tpu.memory_space<vmem>> -> memref<80xi32, #tpu.memory_space<vmem>>
        %dma_start3A_125 = arith.constant 0 : i32
        %dma_start3A_126 = arith.constant 0 : i32
        %dma_start3A_127 = tpu.memref_slice %arg6[%dma_start3A_125, %dma_start3A_126] : memref<10240x128xf32, #tpu.memory_space<vmem_shared>> -> memref<10240x128xf32, #tpu.memory_space<vmem_shared>>
        tpu.enqueue_indirect_dma source(%arg10 : memref<80x128xf32, #tpu.memory_space<vmem>>) target(%dma_start3A_127 : memref<10240x128xf32, #tpu.memory_space<vmem_shared>>) offsets(%dma_start3A_124 : memref<80xi32, #tpu.memory_space<vmem>>) semaphore(%run_scoped3A : memref<!tpu.dma_semaphore, #tpu.memory_space<semaphore_mem>>) {add = true}
        %dma_wait3A_128 = tpu.memref_slice %arg8[%mul3A_123] : memref<10000xi32, #tpu.memory_space<vmem>> -> memref<80xi32, #tpu.memory_space<vmem>>
        %dma_wait3A_129 = arith.constant 0 : i32
        %dma_wait3A_130 = arith.constant 0 : i32
        %dma_wait3A_131 = tpu.memref_slice %arg6[%dma_wait3A_129, %dma_wait3A_130] : memref<10240x128xf32, #tpu.memory_space<vmem_shared>> -> memref<10240x128xf32, #tpu.memory_space<vmem_shared>>
        tpu.wait_indirect_dma semaphore(%run_scoped3A : memref<!tpu.dma_semaphore, #tpu.memory_space<semaphore_mem>>) src(%arg10 : memref<80x128xf32, #tpu.memory_space<vmem>>) dst(%dma_wait3A_131 : memref<10240x128xf32, #tpu.memory_space<vmem_shared>>)
        tpu.yield
      }) : () -> ()
    }
    %scan3A_49 = arith.constant 62 : i32
    %dma_wait3A = arith.constant 0 : i32
    %dma_wait3A_50 = tpu.memref_slice %arg7[%dma_wait3A] : memref<10000xi32, #tpu.memory_space<vmem>> -> memref<80xi32, #tpu.memory_space<vmem>>
    %dma_wait3A_51 = arith.constant 0 : i32
    %dma_wait3A_52 = arith.constant 0 : i32
    %dma_wait3A_53 = tpu.memref_slice %arg2[%dma_wait3A_51, %dma_wait3A_52] : memref<10000x128xf32, #tpu.memory_space<hbm>> -> memref<10000x128xf32, #tpu.memory_space<hbm>>
    tpu.wait_indirect_dma semaphore(%arg11 : memref<!tpu.dma_semaphore, #tpu.memory_space<semaphore_mem>>) src(%dma_wait3A_53 : memref<10000x128xf32, #tpu.memory_space<hbm>>) dst(%arg9 : memref<80x128xf32, #tpu.memory_space<vmem>>)
    "tpu.region"() ({
      %run_scoped3A = tpu.sem_alloc : memref<!tpu.dma_semaphore, #tpu.memory_space<semaphore_mem>>
      %dma_start3A_87 = arith.constant 9920 : i32
      %dma_start3A_88 = tpu.memref_slice %arg8[%dma_start3A_87] : memref<10000xi32, #tpu.memory_space<vmem>> -> memref<80xi32, #tpu.memory_space<vmem>>
      %dma_start3A_89 = arith.constant 0 : i32
      %dma_start3A_90 = arith.constant 0 : i32
      %dma_start3A_91 = tpu.memref_slice %arg6[%dma_start3A_89, %dma_start3A_90] : memref<10240x128xf32, #tpu.memory_space<vmem_shared>> -> memref<10240x128xf32, #tpu.memory_space<vmem_shared>>
      tpu.enqueue_indirect_dma source(%arg9 : memref<80x128xf32, #tpu.memory_space<vmem>>) target(%dma_start3A_91 : memref<10240x128xf32, #tpu.memory_space<vmem_shared>>) offsets(%dma_start3A_88 : memref<80xi32, #tpu.memory_space<vmem>>) semaphore(%run_scoped3A : memref<!tpu.dma_semaphore, #tpu.memory_space<semaphore_mem>>) {add = true}
      %dma_wait3A_92 = arith.constant 9920 : i32
      %dma_wait3A_93 = tpu.memref_slice %arg8[%dma_wait3A_92] : memref<10000xi32, #tpu.memory_space<vmem>> -> memref<80xi32, #tpu.memory_space<vmem>>
      %dma_wait3A_94 = arith.constant 0 : i32
      %dma_wait3A_95 = arith.constant 0 : i32
      %dma_wait3A_96 = tpu.memref_slice %arg6[%dma_wait3A_94, %dma_wait3A_95] : memref<10240x128xf32, #tpu.memory_space<vmem_shared>> -> memref<10240x128xf32, #tpu.memory_space<vmem_shared>>
      tpu.wait_indirect_dma semaphore(%run_scoped3A : memref<!tpu.dma_semaphore, #tpu.memory_space<semaphore_mem>>) src(%arg9 : memref<80x128xf32, #tpu.memory_space<vmem>>) dst(%dma_wait3A_96 : memref<10240x128xf32, #tpu.memory_space<vmem_shared>>)
      tpu.yield
    }) : () -> ()
    %barrier3A_54 = arith.constant 0 : index
    tpu.barrier barrier_id(%barrier3A_54)
    %mul3A_55 = arith.constant 640 : i32
    %mul3A_56 = arith.muli %arg1, %mul3A_55 : i32
    %add3A_57 = arith.constant 0 : i32
    %add3A_58 = arith.addi %mul3A_56, %add3A_57 : i32
    "tpu.region"() ({
      %run_scoped3A = tpu.sem_alloc : memref<!tpu.dma_semaphore, #tpu.memory_space<semaphore_mem>>
      %dma_start3A_87 = arith.constant 0 : i32
      %dma_start3A_88 = arith.constant 0 : i32
      %dma_start3A_89 = tpu.memref_slice %arg9[%dma_start3A_87, %dma_start3A_88] : memref<80x128xf32, #tpu.memory_space<vmem>> -> memref<80x128xf32, #tpu.memory_space<vmem>>
      %dma_start3A_90 = arith.constant 0 : i32
      %dma_start3A_91 = tpu.memref_slice %arg6[%add3A_58, %dma_start3A_90] : memref<10240x128xf32, #tpu.memory_space<vmem_shared>> -> memref<80x128xf32, #tpu.memory_space<vmem_shared>>
      %dma_start3A_92 = arith.constant 0 : i32
      %dma_start3A_93 = arith.constant 0 : i32
      %dma_start3A_94 = tpu.memref_slice %arg9[%dma_start3A_92, %dma_start3A_93] : memref<80x128xf32, #tpu.memory_space<vmem>> -> memref<80x128xf32, #tpu.memory_space<vmem>>
      %dma_start3A_95 = arith.constant 0 : i32
      %dma_start3A_96 = tpu.memref_slice %arg6[%add3A_58, %dma_start3A_95] : memref<10240x128xf32, #tpu.memory_space<vmem_shared>> -> memref<80x128xf32, #tpu.memory_space<vmem_shared>>
      tpu.enqueue_dma source(%dma_start3A_96 : memref<80x128xf32, #tpu.memory_space<vmem_shared>>) target(%dma_start3A_94 : memref<80x128xf32, #tpu.memory_space<vmem>>) target_semaphore(%run_scoped3A : memref<!tpu.dma_semaphore, #tpu.memory_space<semaphore_mem>>)
      %dma_wait3A_97 = arith.constant 0 : i32
      %dma_wait3A_98 = arith.constant 0 : i32
      %dma_wait3A_99 = tpu.memref_slice %arg9[%dma_wait3A_97, %dma_wait3A_98] : memref<80x128xf32, #tpu.memory_space<vmem>> -> memref<80x128xf32, #tpu.memory_space<vmem>>
      %dma_wait3A_100 = arith.constant 0 : i32
      %dma_wait3A_101 = tpu.memref_slice %arg6[%add3A_58, %dma_wait3A_100] : memref<10240x128xf32, #tpu.memory_space<vmem_shared>> -> memref<80x128xf32, #tpu.memory_space<vmem_shared>>
      %dma_wait3A_102 = arith.constant 0 : i32
      %dma_wait3A_103 = arith.constant 0 : i32
      %dma_wait3A_104 = tpu.memref_slice %arg9[%dma_wait3A_102, %dma_wait3A_103] : memref<80x128xf32, #tpu.memory_space<vmem>> -> memref<80x128xf32, #tpu.memory_space<vmem>>
      %dma_wait3A_105 = arith.constant 0 : i32
      %dma_wait3A_106 = tpu.memref_slice %arg6[%add3A_58, %dma_wait3A_105] : memref<10240x128xf32, #tpu.memory_space<vmem_shared>> -> memref<80x128xf32, #tpu.memory_space<vmem_shared>>
      tpu.wait_dma2 semaphore(%run_scoped3A : memref<!tpu.dma_semaphore, #tpu.memory_space<semaphore_mem>>) src(%dma_wait3A_106 : memref<80x128xf32, #tpu.memory_space<vmem_shared>>) dst(%dma_wait3A_104 : memref<80x128xf32, #tpu.memory_space<vmem>>)
      tpu.yield
    }) : () -> ()
    "tpu.region"() ({
      %run_scoped3A = tpu.sem_alloc : memref<!tpu.dma_semaphore, #tpu.memory_space<semaphore_mem>>
      %dma_start3A_87 = arith.constant 0 : i32
      %dma_start3A_88 = arith.constant 0 : i32
      %dma_start3A_89 = tpu.memref_slice %arg9[%dma_start3A_87, %dma_start3A_88] : memref<80x128xf32, #tpu.memory_space<vmem>> -> memref<80x128xf32, #tpu.memory_space<vmem>>
      %dma_start3A_90 = arith.constant 0 : i32
      %dma_start3A_91 = tpu.memref_slice %arg5[%arg0, %add3A_58, %dma_start3A_90] : memref<2x10240x128xf32, #tpu.memory_space<hbm>> -> memref<1x80x128xf32, #tpu.memory_space<hbm>>
      %dma_start3A_92 = tpu.memref_squeeze %dma_start3A_91 : memref<1x80x128xf32, #tpu.memory_space<hbm>> -> memref<80x128xf32, #tpu.memory_space<hbm>>
      %dma_start3A_93 = arith.constant 0 : i32
      %dma_start3A_94 = tpu.memref_slice %arg5[%arg0, %add3A_58, %dma_start3A_93] : memref<2x10240x128xf32, #tpu.memory_space<hbm>> -> memref<1x80x128xf32, #tpu.memory_space<hbm>>
      %dma_start3A_95 = tpu.memref_squeeze %dma_start3A_94 : memref<1x80x128xf32, #tpu.memory_space<hbm>> -> memref<80x128xf32, #tpu.memory_space<hbm>>
      %dma_start3A_96 = arith.constant 0 : i32
      %dma_start3A_97 = arith.constant 0 : i32
      %dma_start3A_98 = tpu.memref_slice %arg9[%dma_start3A_96, %dma_start3A_97] : memref<80x128xf32, #tpu.memory_space<vmem>> -> memref<80x128xf32, #tpu.memory_space<vmem>>
      tpu.enqueue_dma source(%dma_start3A_98 : memref<80x128xf32, #tpu.memory_space<vmem>>) target(%dma_start3A_95 : memref<80x128xf32, #tpu.memory_space<hbm>>) target_semaphore(%run_scoped3A : memref<!tpu.dma_semaphore, #tpu.memory_space<semaphore_mem>>)
      %dma_wait3A_99 = arith.constant 0 : i32
      %dma_wait3A_100 = arith.constant 0 : i32
      %dma_wait3A_101 = tpu.memref_slice %arg9[%dma_wait3A_99, %dma_wait3A_100] : memref<80x128xf32, #tpu.memory_space<vmem>> -> memref<80x128xf32, #tpu.memory_space<vmem>>
      %dma_wait3A_102 = arith.constant 0 : i32
      %dma_wait3A_103 = tpu.memref_slice %arg5[%arg0, %add3A_58, %dma_wait3A_102] : memref<2x10240x128xf32, #tpu.memory_space<hbm>> -> memref<1x80x128xf32, #tpu.memory_space<hbm>>
      %dma_wait3A_104 = tpu.memref_squeeze %dma_wait3A_103 : memref<1x80x128xf32, #tpu.memory_space<hbm>> -> memref<80x128xf32, #tpu.memory_space<hbm>>
      %dma_wait3A_105 = arith.constant 0 : i32
      %dma_wait3A_106 = tpu.memref_slice %arg5[%arg0, %add3A_58, %dma_wait3A_105] : memref<2x10240x128xf32, #tpu.memory_space<hbm>> -> memref<1x80x128xf32, #tpu.memory_space<hbm>>
      %dma_wait3A_107 = tpu.memref_squeeze %dma_wait3A_106 : memref<1x80x128xf32, #tpu.memory_space<hbm>> -> memref<80x128xf32, #tpu.memory_space<hbm>>
      %dma_wait3A_108 = arith.constant 0 : i32
      %dma_wait3A_109 = arith.constant 0 : i32
      %dma_wait3A_110 = tpu.memref_slice %arg9[%dma_wait3A_108, %dma_wait3A_109] : memref<80x128xf32, #tpu.memory_space<vmem>> -> memref<80x128xf32, #tpu.memory_space<vmem>>
      tpu.wait_dma2 semaphore(%run_scoped3A : memref<!tpu.dma_semaphore, #tpu.memory_space<semaphore_mem>>) src(%dma_wait3A_110 : memref<80x128xf32, #tpu.memory_space<vmem>>) dst(%dma_wait3A_107 : memref<80x128xf32, #tpu.memory_space<hbm>>)
      tpu.yield
    }) : () -> ()
    %mul3A_59 = arith.constant 640 : i32
    %mul3A_60 = arith.muli %arg1, %mul3A_59 : i32
    %add3A_61 = arith.constant 80 : i32
    %add3A_62 = arith.addi %mul3A_60, %add3A_61 : i32
    "tpu.region"() ({
      %run_scoped3A = tpu.sem_alloc : memref<!tpu.dma_semaphore, #tpu.memory_space<semaphore_mem>>
      %dma_start3A_87 = arith.constant 0 : i32
      %dma_start3A_88 = arith.constant 0 : i32
      %dma_start3A_89 = tpu.memref_slice %arg9[%dma_start3A_87, %dma_start3A_88] : memref<80x128xf32, #tpu.memory_space<vmem>> -> memref<80x128xf32, #tpu.memory_space<vmem>>
      %dma_start3A_90 = arith.constant 0 : i32
      %dma_start3A_91 = tpu.memref_slice %arg6[%add3A_62, %dma_start3A_90] : memref<10240x128xf32, #tpu.memory_space<vmem_shared>> -> memref<80x128xf32, #tpu.memory_space<vmem_shared>>
      %dma_start3A_92 = arith.constant 0 : i32
      %dma_start3A_93 = arith.constant 0 : i32
      %dma_start3A_94 = tpu.memref_slice %arg9[%dma_start3A_92, %dma_start3A_93] : memref<80x128xf32, #tpu.memory_space<vmem>> -> memref<80x128xf32, #tpu.memory_space<vmem>>
      %dma_start3A_95 = arith.constant 0 : i32
      %dma_start3A_96 = tpu.memref_slice %arg6[%add3A_62, %dma_start3A_95] : memref<10240x128xf32, #tpu.memory_space<vmem_shared>> -> memref<80x128xf32, #tpu.memory_space<vmem_shared>>
      tpu.enqueue_dma source(%dma_start3A_96 : memref<80x128xf32, #tpu.memory_space<vmem_shared>>) target(%dma_start3A_94 : memref<80x128xf32, #tpu.memory_space<vmem>>) target_semaphore(%run_scoped3A : memref<!tpu.dma_semaphore, #tpu.memory_space<semaphore_mem>>)
      %dma_wait3A_97 = arith.constant 0 : i32
      %dma_wait3A_98 = arith.constant 0 : i32
      %dma_wait3A_99 = tpu.memref_slice %arg9[%dma_wait3A_97, %dma_wait3A_98] : memref<80x128xf32, #tpu.memory_space<vmem>> -> memref<80x128xf32, #tpu.memory_space<vmem>>
      %dma_wait3A_100 = arith.constant 0 : i32
      %dma_wait3A_101 = tpu.memref_slice %arg6[%add3A_62, %dma_wait3A_100] : memref<10240x128xf32, #tpu.memory_space<vmem_shared>> -> memref<80x128xf32, #tpu.memory_space<vmem_shared>>
      %dma_wait3A_102 = arith.constant 0 : i32
      %dma_wait3A_103 = arith.constant 0 : i32
      %dma_wait3A_104 = tpu.memref_slice %arg9[%dma_wait3A_102, %dma_wait3A_103] : memref<80x128xf32, #tpu.memory_space<vmem>> -> memref<80x128xf32, #tpu.memory_space<vmem>>
      %dma_wait3A_105 = arith.constant 0 : i32
      %dma_wait3A_106 = tpu.memref_slice %arg6[%add3A_62, %dma_wait3A_105] : memref<10240x128xf32, #tpu.memory_space<vmem_shared>> -> memref<80x128xf32, #tpu.memory_space<vmem_shared>>
      tpu.wait_dma2 semaphore(%run_scoped3A : memref<!tpu.dma_semaphore, #tpu.memory_space<semaphore_mem>>) src(%dma_wait3A_106 : memref<80x128xf32, #tpu.memory_space<vmem_shared>>) dst(%dma_wait3A_104 : memref<80x128xf32, #tpu.memory_space<vmem>>)
      tpu.yield
    }) : () -> ()
    "tpu.region"() ({
      %run_scoped3A = tpu.sem_alloc : memref<!tpu.dma_semaphore, #tpu.memory_space<semaphore_mem>>
      %dma_start3A_87 = arith.constant 0 : i32
      %dma_start3A_88 = arith.constant 0 : i32
      %dma_start3A_89 = tpu.memref_slice %arg9[%dma_start3A_87, %dma_start3A_88] : memref<80x128xf32, #tpu.memory_space<vmem>> -> memref<80x128xf32, #tpu.memory_space<vmem>>
      %dma_start3A_90 = arith.constant 0 : i32
      %dma_start3A_91 = tpu.memref_slice %arg5[%arg0, %add3A_62, %dma_start3A_90] : memref<2x10240x128xf32, #tpu.memory_space<hbm>> -> memref<1x80x128xf32, #tpu.memory_space<hbm>>
      %dma_start3A_92 = tpu.memref_squeeze %dma_start3A_91 : memref<1x80x128xf32, #tpu.memory_space<hbm>> -> memref<80x128xf32, #tpu.memory_space<hbm>>
      %dma_start3A_93 = arith.constant 0 : i32
      %dma_start3A_94 = tpu.memref_slice %arg5[%arg0, %add3A_62, %dma_start3A_93] : memref<2x10240x128xf32, #tpu.memory_space<hbm>> -> memref<1x80x128xf32, #tpu.memory_space<hbm>>
      %dma_start3A_95 = tpu.memref_squeeze %dma_start3A_94 : memref<1x80x128xf32, #tpu.memory_space<hbm>> -> memref<80x128xf32, #tpu.memory_space<hbm>>
      %dma_start3A_96 = arith.constant 0 : i32
      %dma_start3A_97 = arith.constant 0 : i32
      %dma_start3A_98 = tpu.memref_slice %arg9[%dma_start3A_96, %dma_start3A_97] : memref<80x128xf32, #tpu.memory_space<vmem>> -> memref<80x128xf32, #tpu.memory_space<vmem>>
      tpu.enqueue_dma source(%dma_start3A_98 : memref<80x128xf32, #tpu.memory_space<vmem>>) target(%dma_start3A_95 : memref<80x128xf32, #tpu.memory_space<hbm>>) target_semaphore(%run_scoped3A : memref<!tpu.dma_semaphore, #tpu.memory_space<semaphore_mem>>)
      %dma_wait3A_99 = arith.constant 0 : i32
      %dma_wait3A_100 = arith.constant 0 : i32
      %dma_wait3A_101 = tpu.memref_slice %arg9[%dma_wait3A_99, %dma_wait3A_100] : memref<80x128xf32, #tpu.memory_space<vmem>> -> memref<80x128xf32, #tpu.memory_space<vmem>>
      %dma_wait3A_102 = arith.constant 0 : i32
      %dma_wait3A_103 = tpu.memref_slice %arg5[%arg0, %add3A_62, %dma_wait3A_102] : memref<2x10240x128xf32, #tpu.memory_space<hbm>> -> memref<1x80x128xf32, #tpu.memory_space<hbm>>
      %dma_wait3A_104 = tpu.memref_squeeze %dma_wait3A_103 : memref<1x80x128xf32, #tpu.memory_space<hbm>> -> memref<80x128xf32, #tpu.memory_space<hbm>>
      %dma_wait3A_105 = arith.constant 0 : i32
      %dma_wait3A_106 = tpu.memref_slice %arg5[%arg0, %add3A_62, %dma_wait3A_105] : memref<2x10240x128xf32, #tpu.memory_space<hbm>> -> memref<1x80x128xf32, #tpu.memory_space<hbm>>
      %dma_wait3A_107 = tpu.memref_squeeze %dma_wait3A_106 : memref<1x80x128xf32, #tpu.memory_space<hbm>> -> memref<80x128xf32, #tpu.memory_space<hbm>>
      %dma_wait3A_108 = arith.constant 0 : i32
      %dma_wait3A_109 = arith.constant 0 : i32
      %dma_wait3A_110 = tpu.memref_slice %arg9[%dma_wait3A_108, %dma_wait3A_109] : memref<80x128xf32, #tpu.memory_space<vmem>> -> memref<80x128xf32, #tpu.memory_space<vmem>>
      tpu.wait_dma2 semaphore(%run_scoped3A : memref<!tpu.dma_semaphore, #tpu.memory_space<semaphore_mem>>) src(%dma_wait3A_110 : memref<80x128xf32, #tpu.memory_space<vmem>>) dst(%dma_wait3A_107 : memref<80x128xf32, #tpu.memory_space<hbm>>)
      tpu.yield
    }) : () -> ()
    %mul3A_63 = arith.constant 640 : i32
    %mul3A_64 = arith.muli %arg1, %mul3A_63 : i32
    %add3A_65 = arith.constant 160 : i32
    %add3A_66 = arith.addi %mul3A_64, %add3A_65 : i32
    "tpu.region"() ({
      %run_scoped3A = tpu.sem_alloc : memref<!tpu.dma_semaphore, #tpu.memory_space<semaphore_mem>>
      %dma_start3A_87 = arith.constant 0 : i32
      %dma_start3A_88 = arith.constant 0 : i32
      %dma_start3A_89 = tpu.memref_slice %arg9[%dma_start3A_87, %dma_start3A_88] : memref<80x128xf32, #tpu.memory_space<vmem>> -> memref<80x128xf32, #tpu.memory_space<vmem>>
      %dma_start3A_90 = arith.constant 0 : i32
      %dma_start3A_91 = tpu.memref_slice %arg6[%add3A_66, %dma_start3A_90] : memref<10240x128xf32, #tpu.memory_space<vmem_shared>> -> memref<80x128xf32, #tpu.memory_space<vmem_shared>>
      %dma_start3A_92 = arith.constant 0 : i32
      %dma_start3A_93 = arith.constant 0 : i32
      %dma_start3A_94 = tpu.memref_slice %arg9[%dma_start3A_92, %dma_start3A_93] : memref<80x128xf32, #tpu.memory_space<vmem>> -> memref<80x128xf32, #tpu.memory_space<vmem>>
      %dma_start3A_95 = arith.constant 0 : i32
      %dma_start3A_96 = tpu.memref_slice %arg6[%add3A_66, %dma_start3A_95] : memref<10240x128xf32, #tpu.memory_space<vmem_shared>> -> memref<80x128xf32, #tpu.memory_space<vmem_shared>>
      tpu.enqueue_dma source(%dma_start3A_96 : memref<80x128xf32, #tpu.memory_space<vmem_shared>>) target(%dma_start3A_94 : memref<80x128xf32, #tpu.memory_space<vmem>>) target_semaphore(%run_scoped3A : memref<!tpu.dma_semaphore, #tpu.memory_space<semaphore_mem>>)
      %dma_wait3A_97 = arith.constant 0 : i32
      %dma_wait3A_98 = arith.constant 0 : i32
      %dma_wait3A_99 = tpu.memref_slice %arg9[%dma_wait3A_97, %dma_wait3A_98] : memref<80x128xf32, #tpu.memory_space<vmem>> -> memref<80x128xf32, #tpu.memory_space<vmem>>
      %dma_wait3A_100 = arith.constant 0 : i32
      %dma_wait3A_101 = tpu.memref_slice %arg6[%add3A_66, %dma_wait3A_100] : memref<10240x128xf32, #tpu.memory_space<vmem_shared>> -> memref<80x128xf32, #tpu.memory_space<vmem_shared>>
      %dma_wait3A_102 = arith.constant 0 : i32
      %dma_wait3A_103 = arith.constant 0 : i32
      %dma_wait3A_104 = tpu.memref_slice %arg9[%dma_wait3A_102, %dma_wait3A_103] : memref<80x128xf32, #tpu.memory_space<vmem>> -> memref<80x128xf32, #tpu.memory_space<vmem>>
      %dma_wait3A_105 = arith.constant 0 : i32
      %dma_wait3A_106 = tpu.memref_slice %arg6[%add3A_66, %dma_wait3A_105] : memref<10240x128xf32, #tpu.memory_space<vmem_shared>> -> memref<80x128xf32, #tpu.memory_space<vmem_shared>>
      tpu.wait_dma2 semaphore(%run_scoped3A : memref<!tpu.dma_semaphore, #tpu.memory_space<semaphore_mem>>) src(%dma_wait3A_106 : memref<80x128xf32, #tpu.memory_space<vmem_shared>>) dst(%dma_wait3A_104 : memref<80x128xf32, #tpu.memory_space<vmem>>)
      tpu.yield
    }) : () -> ()
    "tpu.region"() ({
      %run_scoped3A = tpu.sem_alloc : memref<!tpu.dma_semaphore, #tpu.memory_space<semaphore_mem>>
      %dma_start3A_87 = arith.constant 0 : i32
      %dma_start3A_88 = arith.constant 0 : i32
      %dma_start3A_89 = tpu.memref_slice %arg9[%dma_start3A_87, %dma_start3A_88] : memref<80x128xf32, #tpu.memory_space<vmem>> -> memref<80x128xf32, #tpu.memory_space<vmem>>
      %dma_start3A_90 = arith.constant 0 : i32
      %dma_start3A_91 = tpu.memref_slice %arg5[%arg0, %add3A_66, %dma_start3A_90] : memref<2x10240x128xf32, #tpu.memory_space<hbm>> -> memref<1x80x128xf32, #tpu.memory_space<hbm>>
      %dma_start3A_92 = tpu.memref_squeeze %dma_start3A_91 : memref<1x80x128xf32, #tpu.memory_space<hbm>> -> memref<80x128xf32, #tpu.memory_space<hbm>>
      %dma_start3A_93 = arith.constant 0 : i32
      %dma_start3A_94 = tpu.memref_slice %arg5[%arg0, %add3A_66, %dma_start3A_93] : memref<2x10240x128xf32, #tpu.memory_space<hbm>> -> memref<1x80x128xf32, #tpu.memory_space<hbm>>
      %dma_start3A_95 = tpu.memref_squeeze %dma_start3A_94 : memref<1x80x128xf32, #tpu.memory_space<hbm>> -> memref<80x128xf32, #tpu.memory_space<hbm>>
      %dma_start3A_96 = arith.constant 0 : i32
      %dma_start3A_97 = arith.constant 0 : i32
      %dma_start3A_98 = tpu.memref_slice %arg9[%dma_start3A_96, %dma_start3A_97] : memref<80x128xf32, #tpu.memory_space<vmem>> -> memref<80x128xf32, #tpu.memory_space<vmem>>
      tpu.enqueue_dma source(%dma_start3A_98 : memref<80x128xf32, #tpu.memory_space<vmem>>) target(%dma_start3A_95 : memref<80x128xf32, #tpu.memory_space<hbm>>) target_semaphore(%run_scoped3A : memref<!tpu.dma_semaphore, #tpu.memory_space<semaphore_mem>>)
      %dma_wait3A_99 = arith.constant 0 : i32
      %dma_wait3A_100 = arith.constant 0 : i32
      %dma_wait3A_101 = tpu.memref_slice %arg9[%dma_wait3A_99, %dma_wait3A_100] : memref<80x128xf32, #tpu.memory_space<vmem>> -> memref<80x128xf32, #tpu.memory_space<vmem>>
      %dma_wait3A_102 = arith.constant 0 : i32
      %dma_wait3A_103 = tpu.memref_slice %arg5[%arg0, %add3A_66, %dma_wait3A_102] : memref<2x10240x128xf32, #tpu.memory_space<hbm>> -> memref<1x80x128xf32, #tpu.memory_space<hbm>>
      %dma_wait3A_104 = tpu.memref_squeeze %dma_wait3A_103 : memref<1x80x128xf32, #tpu.memory_space<hbm>> -> memref<80x128xf32, #tpu.memory_space<hbm>>
      %dma_wait3A_105 = arith.constant 0 : i32
      %dma_wait3A_106 = tpu.memref_slice %arg5[%arg0, %add3A_66, %dma_wait3A_105] : memref<2x10240x128xf32, #tpu.memory_space<hbm>> -> memref<1x80x128xf32, #tpu.memory_space<hbm>>
      %dma_wait3A_107 = tpu.memref_squeeze %dma_wait3A_106 : memref<1x80x128xf32, #tpu.memory_space<hbm>> -> memref<80x128xf32, #tpu.memory_space<hbm>>
      %dma_wait3A_108 = arith.constant 0 : i32
      %dma_wait3A_109 = arith.constant 0 : i32
      %dma_wait3A_110 = tpu.memref_slice %arg9[%dma_wait3A_108, %dma_wait3A_109] : memref<80x128xf32, #tpu.memory_space<vmem>> -> memref<80x128xf32, #tpu.memory_space<vmem>>
      tpu.wait_dma2 semaphore(%run_scoped3A : memref<!tpu.dma_semaphore, #tpu.memory_space<semaphore_mem>>) src(%dma_wait3A_110 : memref<80x128xf32, #tpu.memory_space<vmem>>) dst(%dma_wait3A_107 : memref<80x128xf32, #tpu.memory_space<hbm>>)
      tpu.yield
    }) : () -> ()
    %mul3A_67 = arith.constant 640 : i32
    %mul3A_68 = arith.muli %arg1, %mul3A_67 : i32
    %add3A_69 = arith.constant 240 : i32
    %add3A_70 = arith.addi %mul3A_68, %add3A_69 : i32
    "tpu.region"() ({
      %run_scoped3A = tpu.sem_alloc : memref<!tpu.dma_semaphore, #tpu.memory_space<semaphore_mem>>
      %dma_start3A_87 = arith.constant 0 : i32
      %dma_start3A_88 = arith.constant 0 : i32
      %dma_start3A_89 = tpu.memref_slice %arg9[%dma_start3A_87, %dma_start3A_88] : memref<80x128xf32, #tpu.memory_space<vmem>> -> memref<80x128xf32, #tpu.memory_space<vmem>>
      %dma_start3A_90 = arith.constant 0 : i32
      %dma_start3A_91 = tpu.memref_slice %arg6[%add3A_70, %dma_start3A_90] : memref<10240x128xf32, #tpu.memory_space<vmem_shared>> -> memref<80x128xf32, #tpu.memory_space<vmem_shared>>
      %dma_start3A_92 = arith.constant 0 : i32
      %dma_start3A_93 = arith.constant 0 : i32
      %dma_start3A_94 = tpu.memref_slice %arg9[%dma_start3A_92, %dma_start3A_93] : memref<80x128xf32, #tpu.memory_space<vmem>> -> memref<80x128xf32, #tpu.memory_space<vmem>>
      %dma_start3A_95 = arith.constant 0 : i32
      %dma_start3A_96 = tpu.memref_slice %arg6[%add3A_70, %dma_start3A_95] : memref<10240x128xf32, #tpu.memory_space<vmem_shared>> -> memref<80x128xf32, #tpu.memory_space<vmem_shared>>
      tpu.enqueue_dma source(%dma_start3A_96 : memref<80x128xf32, #tpu.memory_space<vmem_shared>>) target(%dma_start3A_94 : memref<80x128xf32, #tpu.memory_space<vmem>>) target_semaphore(%run_scoped3A : memref<!tpu.dma_semaphore, #tpu.memory_space<semaphore_mem>>)
      %dma_wait3A_97 = arith.constant 0 : i32
      %dma_wait3A_98 = arith.constant 0 : i32
      %dma_wait3A_99 = tpu.memref_slice %arg9[%dma_wait3A_97, %dma_wait3A_98] : memref<80x128xf32, #tpu.memory_space<vmem>> -> memref<80x128xf32, #tpu.memory_space<vmem>>
      %dma_wait3A_100 = arith.constant 0 : i32
      %dma_wait3A_101 = tpu.memref_slice %arg6[%add3A_70, %dma_wait3A_100] : memref<10240x128xf32, #tpu.memory_space<vmem_shared>> -> memref<80x128xf32, #tpu.memory_space<vmem_shared>>
      %dma_wait3A_102 = arith.constant 0 : i32
      %dma_wait3A_103 = arith.constant 0 : i32
      %dma_wait3A_104 = tpu.memref_slice %arg9[%dma_wait3A_102, %dma_wait3A_103] : memref<80x128xf32, #tpu.memory_space<vmem>> -> memref<80x128xf32, #tpu.memory_space<vmem>>
      %dma_wait3A_105 = arith.constant 0 : i32
      %dma_wait3A_106 = tpu.memref_slice %arg6[%add3A_70, %dma_wait3A_105] : memref<10240x128xf32, #tpu.memory_space<vmem_shared>> -> memref<80x128xf32, #tpu.memory_space<vmem_shared>>
      tpu.wait_dma2 semaphore(%run_scoped3A : memref<!tpu.dma_semaphore, #tpu.memory_space<semaphore_mem>>) src(%dma_wait3A_106 : memref<80x128xf32, #tpu.memory_space<vmem_shared>>) dst(%dma_wait3A_104 : memref<80x128xf32, #tpu.memory_space<vmem>>)
      tpu.yield
    }) : () -> ()
    "tpu.region"() ({
      %run_scoped3A = tpu.sem_alloc : memref<!tpu.dma_semaphore, #tpu.memory_space<semaphore_mem>>
      %dma_start3A_87 = arith.constant 0 : i32
      %dma_start3A_88 = arith.constant 0 : i32
      %dma_start3A_89 = tpu.memref_slice %arg9[%dma_start3A_87, %dma_start3A_88] : memref<80x128xf32, #tpu.memory_space<vmem>> -> memref<80x128xf32, #tpu.memory_space<vmem>>
      %dma_start3A_90 = arith.constant 0 : i32
      %dma_start3A_91 = tpu.memref_slice %arg5[%arg0, %add3A_70, %dma_start3A_90] : memref<2x10240x128xf32, #tpu.memory_space<hbm>> -> memref<1x80x128xf32, #tpu.memory_space<hbm>>
      %dma_start3A_92 = tpu.memref_squeeze %dma_start3A_91 : memref<1x80x128xf32, #tpu.memory_space<hbm>> -> memref<80x128xf32, #tpu.memory_space<hbm>>
      %dma_start3A_93 = arith.constant 0 : i32
      %dma_start3A_94 = tpu.memref_slice %arg5[%arg0, %add3A_70, %dma_start3A_93] : memref<2x10240x128xf32, #tpu.memory_space<hbm>> -> memref<1x80x128xf32, #tpu.memory_space<hbm>>
      %dma_start3A_95 = tpu.memref_squeeze %dma_start3A_94 : memref<1x80x128xf32, #tpu.memory_space<hbm>> -> memref<80x128xf32, #tpu.memory_space<hbm>>
      %dma_start3A_96 = arith.constant 0 : i32
      %dma_start3A_97 = arith.constant 0 : i32
      %dma_start3A_98 = tpu.memref_slice %arg9[%dma_start3A_96, %dma_start3A_97] : memref<80x128xf32, #tpu.memory_space<vmem>> -> memref<80x128xf32, #tpu.memory_space<vmem>>
      tpu.enqueue_dma source(%dma_start3A_98 : memref<80x128xf32, #tpu.memory_space<vmem>>) target(%dma_start3A_95 : memref<80x128xf32, #tpu.memory_space<hbm>>) target_semaphore(%run_scoped3A : memref<!tpu.dma_semaphore, #tpu.memory_space<semaphore_mem>>)
      %dma_wait3A_99 = arith.constant 0 : i32
      %dma_wait3A_100 = arith.constant 0 : i32
      %dma_wait3A_101 = tpu.memref_slice %arg9[%dma_wait3A_99, %dma_wait3A_100] : memref<80x128xf32, #tpu.memory_space<vmem>> -> memref<80x128xf32, #tpu.memory_space<vmem>>
      %dma_wait3A_102 = arith.constant 0 : i32
      %dma_wait3A_103 = tpu.memref_slice %arg5[%arg0, %add3A_70, %dma_wait3A_102] : memref<2x10240x128xf32, #tpu.memory_space<hbm>> -> memref<1x80x128xf32, #tpu.memory_space<hbm>>
      %dma_wait3A_104 = tpu.memref_squeeze %dma_wait3A_103 : memref<1x80x128xf32, #tpu.memory_space<hbm>> -> memref<80x128xf32, #tpu.memory_space<hbm>>
      %dma_wait3A_105 = arith.constant 0 : i32
      %dma_wait3A_106 = tpu.memref_slice %arg5[%arg0, %add3A_70, %dma_wait3A_105] : memref<2x10240x128xf32, #tpu.memory_space<hbm>> -> memref<1x80x128xf32, #tpu.memory_space<hbm>>
      %dma_wait3A_107 = tpu.memref_squeeze %dma_wait3A_106 : memref<1x80x128xf32, #tpu.memory_space<hbm>> -> memref<80x128xf32, #tpu.memory_space<hbm>>
      %dma_wait3A_108 = arith.constant 0 : i32
      %dma_wait3A_109 = arith.constant 0 : i32
      %dma_wait3A_110 = tpu.memref_slice %arg9[%dma_wait3A_108, %dma_wait3A_109] : memref<80x128xf32, #tpu.memory_space<vmem>> -> memref<80x128xf32, #tpu.memory_space<vmem>>
      tpu.wait_dma2 semaphore(%run_scoped3A : memref<!tpu.dma_semaphore, #tpu.memory_space<semaphore_mem>>) src(%dma_wait3A_110 : memref<80x128xf32, #tpu.memory_space<vmem>>) dst(%dma_wait3A_107 : memref<80x128xf32, #tpu.memory_space<hbm>>)
      tpu.yield
    }) : () -> ()
    %mul3A_71 = arith.constant 640 : i32
    %mul3A_72 = arith.muli %arg1, %mul3A_71 : i32
    %add3A_73 = arith.constant 320 : i32
    %add3A_74 = arith.addi %mul3A_72, %add3A_73 : i32
    "tpu.region"() ({
      %run_scoped3A = tpu.sem_alloc : memref<!tpu.dma_semaphore, #tpu.memory_space<semaphore_mem>>
      %dma_start3A_87 = arith.constant 0 : i32
      %dma_start3A_88 = arith.constant 0 : i32
      %dma_start3A_89 = tpu.memref_slice %arg9[%dma_start3A_87, %dma_start3A_88] : memref<80x128xf32, #tpu.memory_space<vmem>> -> memref<80x128xf32, #tpu.memory_space<vmem>>
      %dma_start3A_90 = arith.constant 0 : i32
      %dma_start3A_91 = tpu.memref_slice %arg6[%add3A_74, %dma_start3A_90] : memref<10240x128xf32, #tpu.memory_space<vmem_shared>> -> memref<80x128xf32, #tpu.memory_space<vmem_shared>>
      %dma_start3A_92 = arith.constant 0 : i32
      %dma_start3A_93 = arith.constant 0 : i32
      %dma_start3A_94 = tpu.memref_slice %arg9[%dma_start3A_92, %dma_start3A_93] : memref<80x128xf32, #tpu.memory_space<vmem>> -> memref<80x128xf32, #tpu.memory_space<vmem>>
      %dma_start3A_95 = arith.constant 0 : i32
      %dma_start3A_96 = tpu.memref_slice %arg6[%add3A_74, %dma_start3A_95] : memref<10240x128xf32, #tpu.memory_space<vmem_shared>> -> memref<80x128xf32, #tpu.memory_space<vmem_shared>>
      tpu.enqueue_dma source(%dma_start3A_96 : memref<80x128xf32, #tpu.memory_space<vmem_shared>>) target(%dma_start3A_94 : memref<80x128xf32, #tpu.memory_space<vmem>>) target_semaphore(%run_scoped3A : memref<!tpu.dma_semaphore, #tpu.memory_space<semaphore_mem>>)
      %dma_wait3A_97 = arith.constant 0 : i32
      %dma_wait3A_98 = arith.constant 0 : i32
      %dma_wait3A_99 = tpu.memref_slice %arg9[%dma_wait3A_97, %dma_wait3A_98] : memref<80x128xf32, #tpu.memory_space<vmem>> -> memref<80x128xf32, #tpu.memory_space<vmem>>
      %dma_wait3A_100 = arith.constant 0 : i32
      %dma_wait3A_101 = tpu.memref_slice %arg6[%add3A_74, %dma_wait3A_100] : memref<10240x128xf32, #tpu.memory_space<vmem_shared>> -> memref<80x128xf32, #tpu.memory_space<vmem_shared>>
      %dma_wait3A_102 = arith.constant 0 : i32
      %dma_wait3A_103 = arith.constant 0 : i32
      %dma_wait3A_104 = tpu.memref_slice %arg9[%dma_wait3A_102, %dma_wait3A_103] : memref<80x128xf32, #tpu.memory_space<vmem>> -> memref<80x128xf32, #tpu.memory_space<vmem>>
      %dma_wait3A_105 = arith.constant 0 : i32
      %dma_wait3A_106 = tpu.memref_slice %arg6[%add3A_74, %dma_wait3A_105] : memref<10240x128xf32, #tpu.memory_space<vmem_shared>> -> memref<80x128xf32, #tpu.memory_space<vmem_shared>>
      tpu.wait_dma2 semaphore(%run_scoped3A : memref<!tpu.dma_semaphore, #tpu.memory_space<semaphore_mem>>) src(%dma_wait3A_106 : memref<80x128xf32, #tpu.memory_space<vmem_shared>>) dst(%dma_wait3A_104 : memref<80x128xf32, #tpu.memory_space<vmem>>)
      tpu.yield
    }) : () -> ()
    "tpu.region"() ({
      %run_scoped3A = tpu.sem_alloc : memref<!tpu.dma_semaphore, #tpu.memory_space<semaphore_mem>>
      %dma_start3A_87 = arith.constant 0 : i32
      %dma_start3A_88 = arith.constant 0 : i32
      %dma_start3A_89 = tpu.memref_slice %arg9[%dma_start3A_87, %dma_start3A_88] : memref<80x128xf32, #tpu.memory_space<vmem>> -> memref<80x128xf32, #tpu.memory_space<vmem>>
      %dma_start3A_90 = arith.constant 0 : i32
      %dma_start3A_91 = tpu.memref_slice %arg5[%arg0, %add3A_74, %dma_start3A_90] : memref<2x10240x128xf32, #tpu.memory_space<hbm>> -> memref<1x80x128xf32, #tpu.memory_space<hbm>>
      %dma_start3A_92 = tpu.memref_squeeze %dma_start3A_91 : memref<1x80x128xf32, #tpu.memory_space<hbm>> -> memref<80x128xf32, #tpu.memory_space<hbm>>
      %dma_start3A_93 = arith.constant 0 : i32
      %dma_start3A_94 = tpu.memref_slice %arg5[%arg0, %add3A_74, %dma_start3A_93] : memref<2x10240x128xf32, #tpu.memory_space<hbm>> -> memref<1x80x128xf32, #tpu.memory_space<hbm>>
      %dma_start3A_95 = tpu.memref_squeeze %dma_start3A_94 : memref<1x80x128xf32, #tpu.memory_space<hbm>> -> memref<80x128xf32, #tpu.memory_space<hbm>>
      %dma_start3A_96 = arith.constant 0 : i32
      %dma_start3A_97 = arith.constant 0 : i32
      %dma_start3A_98 = tpu.memref_slice %arg9[%dma_start3A_96, %dma_start3A_97] : memref<80x128xf32, #tpu.memory_space<vmem>> -> memref<80x128xf32, #tpu.memory_space<vmem>>
      tpu.enqueue_dma source(%dma_start3A_98 : memref<80x128xf32, #tpu.memory_space<vmem>>) target(%dma_start3A_95 : memref<80x128xf32, #tpu.memory_space<hbm>>) target_semaphore(%run_scoped3A : memref<!tpu.dma_semaphore, #tpu.memory_space<semaphore_mem>>)
      %dma_wait3A_99 = arith.constant 0 : i32
      %dma_wait3A_100 = arith.constant 0 : i32
      %dma_wait3A_101 = tpu.memref_slice %arg9[%dma_wait3A_99, %dma_wait3A_100] : memref<80x128xf32, #tpu.memory_space<vmem>> -> memref<80x128xf32, #tpu.memory_space<vmem>>
      %dma_wait3A_102 = arith.constant 0 : i32
      %dma_wait3A_103 = tpu.memref_slice %arg5[%arg0, %add3A_74, %dma_wait3A_102] : memref<2x10240x128xf32, #tpu.memory_space<hbm>> -> memref<1x80x128xf32, #tpu.memory_space<hbm>>
      %dma_wait3A_104 = tpu.memref_squeeze %dma_wait3A_103 : memref<1x80x128xf32, #tpu.memory_space<hbm>> -> memref<80x128xf32, #tpu.memory_space<hbm>>
      %dma_wait3A_105 = arith.constant 0 : i32
      %dma_wait3A_106 = tpu.memref_slice %arg5[%arg0, %add3A_74, %dma_wait3A_105] : memref<2x10240x128xf32, #tpu.memory_space<hbm>> -> memref<1x80x128xf32, #tpu.memory_space<hbm>>
      %dma_wait3A_107 = tpu.memref_squeeze %dma_wait3A_106 : memref<1x80x128xf32, #tpu.memory_space<hbm>> -> memref<80x128xf32, #tpu.memory_space<hbm>>
      %dma_wait3A_108 = arith.constant 0 : i32
      %dma_wait3A_109 = arith.constant 0 : i32
      %dma_wait3A_110 = tpu.memref_slice %arg9[%dma_wait3A_108, %dma_wait3A_109] : memref<80x128xf32, #tpu.memory_space<vmem>> -> memref<80x128xf32, #tpu.memory_space<vmem>>
      tpu.wait_dma2 semaphore(%run_scoped3A : memref<!tpu.dma_semaphore, #tpu.memory_space<semaphore_mem>>) src(%dma_wait3A_110 : memref<80x128xf32, #tpu.memory_space<vmem>>) dst(%dma_wait3A_107 : memref<80x128xf32, #tpu.memory_space<hbm>>)
      tpu.yield
    }) : () -> ()
    %mul3A_75 = arith.constant 640 : i32
    %mul3A_76 = arith.muli %arg1, %mul3A_75 : i32
    %add3A_77 = arith.constant 400 : i32
    %add3A_78 = arith.addi %mul3A_76, %add3A_77 : i32
    "tpu.region"() ({
      %run_scoped3A = tpu.sem_alloc : memref<!tpu.dma_semaphore, #tpu.memory_space<semaphore_mem>>
      %dma_start3A_87 = arith.constant 0 : i32
      %dma_start3A_88 = arith.constant 0 : i32
      %dma_start3A_89 = tpu.memref_slice %arg9[%dma_start3A_87, %dma_start3A_88] : memref<80x128xf32, #tpu.memory_space<vmem>> -> memref<80x128xf32, #tpu.memory_space<vmem>>
      %dma_start3A_90 = arith.constant 0 : i32
      %dma_start3A_91 = tpu.memref_slice %arg6[%add3A_78, %dma_start3A_90] : memref<10240x128xf32, #tpu.memory_space<vmem_shared>> -> memref<80x128xf32, #tpu.memory_space<vmem_shared>>
      %dma_start3A_92 = arith.constant 0 : i32
      %dma_start3A_93 = arith.constant 0 : i32
      %dma_start3A_94 = tpu.memref_slice %arg9[%dma_start3A_92, %dma_start3A_93] : memref<80x128xf32, #tpu.memory_space<vmem>> -> memref<80x128xf32, #tpu.memory_space<vmem>>
      %dma_start3A_95 = arith.constant 0 : i32
      %dma_start3A_96 = tpu.memref_slice %arg6[%add3A_78, %dma_start3A_95] : memref<10240x128xf32, #tpu.memory_space<vmem_shared>> -> memref<80x128xf32, #tpu.memory_space<vmem_shared>>
      tpu.enqueue_dma source(%dma_start3A_96 : memref<80x128xf32, #tpu.memory_space<vmem_shared>>) target(%dma_start3A_94 : memref<80x128xf32, #tpu.memory_space<vmem>>) target_semaphore(%run_scoped3A : memref<!tpu.dma_semaphore, #tpu.memory_space<semaphore_mem>>)
      %dma_wait3A_97 = arith.constant 0 : i32
      %dma_wait3A_98 = arith.constant 0 : i32
      %dma_wait3A_99 = tpu.memref_slice %arg9[%dma_wait3A_97, %dma_wait3A_98] : memref<80x128xf32, #tpu.memory_space<vmem>> -> memref<80x128xf32, #tpu.memory_space<vmem>>
      %dma_wait3A_100 = arith.constant 0 : i32
      %dma_wait3A_101 = tpu.memref_slice %arg6[%add3A_78, %dma_wait3A_100] : memref<10240x128xf32, #tpu.memory_space<vmem_shared>> -> memref<80x128xf32, #tpu.memory_space<vmem_shared>>
      %dma_wait3A_102 = arith.constant 0 : i32
      %dma_wait3A_103 = arith.constant 0 : i32
      %dma_wait3A_104 = tpu.memref_slice %arg9[%dma_wait3A_102, %dma_wait3A_103] : memref<80x128xf32, #tpu.memory_space<vmem>> -> memref<80x128xf32, #tpu.memory_space<vmem>>
      %dma_wait3A_105 = arith.constant 0 : i32
      %dma_wait3A_106 = tpu.memref_slice %arg6[%add3A_78, %dma_wait3A_105] : memref<10240x128xf32, #tpu.memory_space<vmem_shared>> -> memref<80x128xf32, #tpu.memory_space<vmem_shared>>
      tpu.wait_dma2 semaphore(%run_scoped3A : memref<!tpu.dma_semaphore, #tpu.memory_space<semaphore_mem>>) src(%dma_wait3A_106 : memref<80x128xf32, #tpu.memory_space<vmem_shared>>) dst(%dma_wait3A_104 : memref<80x128xf32, #tpu.memory_space<vmem>>)
      tpu.yield
    }) : () -> ()
    "tpu.region"() ({
      %run_scoped3A = tpu.sem_alloc : memref<!tpu.dma_semaphore, #tpu.memory_space<semaphore_mem>>
      %dma_start3A_87 = arith.constant 0 : i32
      %dma_start3A_88 = arith.constant 0 : i32
      %dma_start3A_89 = tpu.memref_slice %arg9[%dma_start3A_87, %dma_start3A_88] : memref<80x128xf32, #tpu.memory_space<vmem>> -> memref<80x128xf32, #tpu.memory_space<vmem>>
      %dma_start3A_90 = arith.constant 0 : i32
      %dma_start3A_91 = tpu.memref_slice %arg5[%arg0, %add3A_78, %dma_start3A_90] : memref<2x10240x128xf32, #tpu.memory_space<hbm>> -> memref<1x80x128xf32, #tpu.memory_space<hbm>>
      %dma_start3A_92 = tpu.memref_squeeze %dma_start3A_91 : memref<1x80x128xf32, #tpu.memory_space<hbm>> -> memref<80x128xf32, #tpu.memory_space<hbm>>
      %dma_start3A_93 = arith.constant 0 : i32
      %dma_start3A_94 = tpu.memref_slice %arg5[%arg0, %add3A_78, %dma_start3A_93] : memref<2x10240x128xf32, #tpu.memory_space<hbm>> -> memref<1x80x128xf32, #tpu.memory_space<hbm>>
      %dma_start3A_95 = tpu.memref_squeeze %dma_start3A_94 : memref<1x80x128xf32, #tpu.memory_space<hbm>> -> memref<80x128xf32, #tpu.memory_space<hbm>>
      %dma_start3A_96 = arith.constant 0 : i32
      %dma_start3A_97 = arith.constant 0 : i32
      %dma_start3A_98 = tpu.memref_slice %arg9[%dma_start3A_96, %dma_start3A_97] : memref<80x128xf32, #tpu.memory_space<vmem>> -> memref<80x128xf32, #tpu.memory_space<vmem>>
      tpu.enqueue_dma source(%dma_start3A_98 : memref<80x128xf32, #tpu.memory_space<vmem>>) target(%dma_start3A_95 : memref<80x128xf32, #tpu.memory_space<hbm>>) target_semaphore(%run_scoped3A : memref<!tpu.dma_semaphore, #tpu.memory_space<semaphore_mem>>)
      %dma_wait3A_99 = arith.constant 0 : i32
      %dma_wait3A_100 = arith.constant 0 : i32
      %dma_wait3A_101 = tpu.memref_slice %arg9[%dma_wait3A_99, %dma_wait3A_100] : memref<80x128xf32, #tpu.memory_space<vmem>> -> memref<80x128xf32, #tpu.memory_space<vmem>>
      %dma_wait3A_102 = arith.constant 0 : i32
      %dma_wait3A_103 = tpu.memref_slice %arg5[%arg0, %add3A_78, %dma_wait3A_102] : memref<2x10240x128xf32, #tpu.memory_space<hbm>> -> memref<1x80x128xf32, #tpu.memory_space<hbm>>
      %dma_wait3A_104 = tpu.memref_squeeze %dma_wait3A_103 : memref<1x80x128xf32, #tpu.memory_space<hbm>> -> memref<80x128xf32, #tpu.memory_space<hbm>>
      %dma_wait3A_105 = arith.constant 0 : i32
      %dma_wait3A_106 = tpu.memref_slice %arg5[%arg0, %add3A_78, %dma_wait3A_105] : memref<2x10240x128xf32, #tpu.memory_space<hbm>> -> memref<1x80x128xf32, #tpu.memory_space<hbm>>
      %dma_wait3A_107 = tpu.memref_squeeze %dma_wait3A_106 : memref<1x80x128xf32, #tpu.memory_space<hbm>> -> memref<80x128xf32, #tpu.memory_space<hbm>>
      %dma_wait3A_108 = arith.constant 0 : i32
      %dma_wait3A_109 = arith.constant 0 : i32
      %dma_wait3A_110 = tpu.memref_slice %arg9[%dma_wait3A_108, %dma_wait3A_109] : memref<80x128xf32, #tpu.memory_space<vmem>> -> memref<80x128xf32, #tpu.memory_space<vmem>>
      tpu.wait_dma2 semaphore(%run_scoped3A : memref<!tpu.dma_semaphore, #tpu.memory_space<semaphore_mem>>) src(%dma_wait3A_110 : memref<80x128xf32, #tpu.memory_space<vmem>>) dst(%dma_wait3A_107 : memref<80x128xf32, #tpu.memory_space<hbm>>)
      tpu.yield
    }) : () -> ()
    %mul3A_79 = arith.constant 640 : i32
    %mul3A_80 = arith.muli %arg1, %mul3A_79 : i32
    %add3A_81 = arith.constant 480 : i32
    %add3A_82 = arith.addi %mul3A_80, %add3A_81 : i32
    "tpu.region"() ({
      %run_scoped3A = tpu.sem_alloc : memref<!tpu.dma_semaphore, #tpu.memory_space<semaphore_mem>>
      %dma_start3A_87 = arith.constant 0 : i32
      %dma_start3A_88 = arith.constant 0 : i32
      %dma_start3A_89 = tpu.memref_slice %arg9[%dma_start3A_87, %dma_start3A_88] : memref<80x128xf32, #tpu.memory_space<vmem>> -> memref<80x128xf32, #tpu.memory_space<vmem>>
      %dma_start3A_90 = arith.constant 0 : i32
      %dma_start3A_91 = tpu.memref_slice %arg6[%add3A_82, %dma_start3A_90] : memref<10240x128xf32, #tpu.memory_space<vmem_shared>> -> memref<80x128xf32, #tpu.memory_space<vmem_shared>>
      %dma_start3A_92 = arith.constant 0 : i32
      %dma_start3A_93 = arith.constant 0 : i32
      %dma_start3A_94 = tpu.memref_slice %arg9[%dma_start3A_92, %dma_start3A_93] : memref<80x128xf32, #tpu.memory_space<vmem>> -> memref<80x128xf32, #tpu.memory_space<vmem>>
      %dma_start3A_95 = arith.constant 0 : i32
      %dma_start3A_96 = tpu.memref_slice %arg6[%add3A_82, %dma_start3A_95] : memref<10240x128xf32, #tpu.memory_space<vmem_shared>> -> memref<80x128xf32, #tpu.memory_space<vmem_shared>>
      tpu.enqueue_dma source(%dma_start3A_96 : memref<80x128xf32, #tpu.memory_space<vmem_shared>>) target(%dma_start3A_94 : memref<80x128xf32, #tpu.memory_space<vmem>>) target_semaphore(%run_scoped3A : memref<!tpu.dma_semaphore, #tpu.memory_space<semaphore_mem>>)
      %dma_wait3A_97 = arith.constant 0 : i32
      %dma_wait3A_98 = arith.constant 0 : i32
      %dma_wait3A_99 = tpu.memref_slice %arg9[%dma_wait3A_97, %dma_wait3A_98] : memref<80x128xf32, #tpu.memory_space<vmem>> -> memref<80x128xf32, #tpu.memory_space<vmem>>
      %dma_wait3A_100 = arith.constant 0 : i32
      %dma_wait3A_101 = tpu.memref_slice %arg6[%add3A_82, %dma_wait3A_100] : memref<10240x128xf32, #tpu.memory_space<vmem_shared>> -> memref<80x128xf32, #tpu.memory_space<vmem_shared>>
      %dma_wait3A_102 = arith.constant 0 : i32
      %dma_wait3A_103 = arith.constant 0 : i32
      %dma_wait3A_104 = tpu.memref_slice %arg9[%dma_wait3A_102, %dma_wait3A_103] : memref<80x128xf32, #tpu.memory_space<vmem>> -> memref<80x128xf32, #tpu.memory_space<vmem>>
      %dma_wait3A_105 = arith.constant 0 : i32
      %dma_wait3A_106 = tpu.memref_slice %arg6[%add3A_82, %dma_wait3A_105] : memref<10240x128xf32, #tpu.memory_space<vmem_shared>> -> memref<80x128xf32, #tpu.memory_space<vmem_shared>>
      tpu.wait_dma2 semaphore(%run_scoped3A : memref<!tpu.dma_semaphore, #tpu.memory_space<semaphore_mem>>) src(%dma_wait3A_106 : memref<80x128xf32, #tpu.memory_space<vmem_shared>>) dst(%dma_wait3A_104 : memref<80x128xf32, #tpu.memory_space<vmem>>)
      tpu.yield
    }) : () -> ()
    "tpu.region"() ({
      %run_scoped3A = tpu.sem_alloc : memref<!tpu.dma_semaphore, #tpu.memory_space<semaphore_mem>>
      %dma_start3A_87 = arith.constant 0 : i32
      %dma_start3A_88 = arith.constant 0 : i32
      %dma_start3A_89 = tpu.memref_slice %arg9[%dma_start3A_87, %dma_start3A_88] : memref<80x128xf32, #tpu.memory_space<vmem>> -> memref<80x128xf32, #tpu.memory_space<vmem>>
      %dma_start3A_90 = arith.constant 0 : i32
      %dma_start3A_91 = tpu.memref_slice %arg5[%arg0, %add3A_82, %dma_start3A_90] : memref<2x10240x128xf32, #tpu.memory_space<hbm>> -> memref<1x80x128xf32, #tpu.memory_space<hbm>>
      %dma_start3A_92 = tpu.memref_squeeze %dma_start3A_91 : memref<1x80x128xf32, #tpu.memory_space<hbm>> -> memref<80x128xf32, #tpu.memory_space<hbm>>
      %dma_start3A_93 = arith.constant 0 : i32
      %dma_start3A_94 = tpu.memref_slice %arg5[%arg0, %add3A_82, %dma_start3A_93] : memref<2x10240x128xf32, #tpu.memory_space<hbm>> -> memref<1x80x128xf32, #tpu.memory_space<hbm>>
      %dma_start3A_95 = tpu.memref_squeeze %dma_start3A_94 : memref<1x80x128xf32, #tpu.memory_space<hbm>> -> memref<80x128xf32, #tpu.memory_space<hbm>>
      %dma_start3A_96 = arith.constant 0 : i32
      %dma_start3A_97 = arith.constant 0 : i32
      %dma_start3A_98 = tpu.memref_slice %arg9[%dma_start3A_96, %dma_start3A_97] : memref<80x128xf32, #tpu.memory_space<vmem>> -> memref<80x128xf32, #tpu.memory_space<vmem>>
      tpu.enqueue_dma source(%dma_start3A_98 : memref<80x128xf32, #tpu.memory_space<vmem>>) target(%dma_start3A_95 : memref<80x128xf32, #tpu.memory_space<hbm>>) target_semaphore(%run_scoped3A : memref<!tpu.dma_semaphore, #tpu.memory_space<semaphore_mem>>)
      %dma_wait3A_99 = arith.constant 0 : i32
      %dma_wait3A_100 = arith.constant 0 : i32
      %dma_wait3A_101 = tpu.memref_slice %arg9[%dma_wait3A_99, %dma_wait3A_100] : memref<80x128xf32, #tpu.memory_space<vmem>> -> memref<80x128xf32, #tpu.memory_space<vmem>>
      %dma_wait3A_102 = arith.constant 0 : i32
      %dma_wait3A_103 = tpu.memref_slice %arg5[%arg0, %add3A_82, %dma_wait3A_102] : memref<2x10240x128xf32, #tpu.memory_space<hbm>> -> memref<1x80x128xf32, #tpu.memory_space<hbm>>
      %dma_wait3A_104 = tpu.memref_squeeze %dma_wait3A_103 : memref<1x80x128xf32, #tpu.memory_space<hbm>> -> memref<80x128xf32, #tpu.memory_space<hbm>>
      %dma_wait3A_105 = arith.constant 0 : i32
      %dma_wait3A_106 = tpu.memref_slice %arg5[%arg0, %add3A_82, %dma_wait3A_105] : memref<2x10240x128xf32, #tpu.memory_space<hbm>> -> memref<1x80x128xf32, #tpu.memory_space<hbm>>
      %dma_wait3A_107 = tpu.memref_squeeze %dma_wait3A_106 : memref<1x80x128xf32, #tpu.memory_space<hbm>> -> memref<80x128xf32, #tpu.memory_space<hbm>>
      %dma_wait3A_108 = arith.constant 0 : i32
      %dma_wait3A_109 = arith.constant 0 : i32
      %dma_wait3A_110 = tpu.memref_slice %arg9[%dma_wait3A_108, %dma_wait3A_109] : memref<80x128xf32, #tpu.memory_space<vmem>> -> memref<80x128xf32, #tpu.memory_space<vmem>>
      tpu.wait_dma2 semaphore(%run_scoped3A : memref<!tpu.dma_semaphore, #tpu.memory_space<semaphore_mem>>) src(%dma_wait3A_110 : memref<80x128xf32, #tpu.memory_space<vmem>>) dst(%dma_wait3A_107 : memref<80x128xf32, #tpu.memory_space<hbm>>)
      tpu.yield
    }) : () -> ()
    %mul3A_83 = arith.constant 640 : i32
    %mul3A_84 = arith.muli %arg1, %mul3A_83 : i32
    %add3A_85 = arith.constant 560 : i32
    %add3A_86 = arith.addi %mul3A_84, %add3A_85 : i32
    "tpu.region"() ({
      %run_scoped3A = tpu.sem_alloc : memref<!tpu.dma_semaphore, #tpu.memory_space<semaphore_mem>>
      %dma_start3A_87 = arith.constant 0 : i32
      %dma_start3A_88 = arith.constant 0 : i32
      %dma_start3A_89 = tpu.memref_slice %arg9[%dma_start3A_87, %dma_start3A_88] : memref<80x128xf32, #tpu.memory_space<vmem>> -> memref<80x128xf32, #tpu.memory_space<vmem>>
      %dma_start3A_90 = arith.constant 0 : i32
      %dma_start3A_91 = tpu.memref_slice %arg6[%add3A_86, %dma_start3A_90] : memref<10240x128xf32, #tpu.memory_space<vmem_shared>> -> memref<80x128xf32, #tpu.memory_space<vmem_shared>>
      %dma_start3A_92 = arith.constant 0 : i32
      %dma_start3A_93 = arith.constant 0 : i32
      %dma_start3A_94 = tpu.memref_slice %arg9[%dma_start3A_92, %dma_start3A_93] : memref<80x128xf32, #tpu.memory_space<vmem>> -> memref<80x128xf32, #tpu.memory_space<vmem>>
      %dma_start3A_95 = arith.constant 0 : i32
      %dma_start3A_96 = tpu.memref_slice %arg6[%add3A_86, %dma_start3A_95] : memref<10240x128xf32, #tpu.memory_space<vmem_shared>> -> memref<80x128xf32, #tpu.memory_space<vmem_shared>>
      tpu.enqueue_dma source(%dma_start3A_96 : memref<80x128xf32, #tpu.memory_space<vmem_shared>>) target(%dma_start3A_94 : memref<80x128xf32, #tpu.memory_space<vmem>>) target_semaphore(%run_scoped3A : memref<!tpu.dma_semaphore, #tpu.memory_space<semaphore_mem>>)
      %dma_wait3A_97 = arith.constant 0 : i32
      %dma_wait3A_98 = arith.constant 0 : i32
      %dma_wait3A_99 = tpu.memref_slice %arg9[%dma_wait3A_97, %dma_wait3A_98] : memref<80x128xf32, #tpu.memory_space<vmem>> -> memref<80x128xf32, #tpu.memory_space<vmem>>
      %dma_wait3A_100 = arith.constant 0 : i32
      %dma_wait3A_101 = tpu.memref_slice %arg6[%add3A_86, %dma_wait3A_100] : memref<10240x128xf32, #tpu.memory_space<vmem_shared>> -> memref<80x128xf32, #tpu.memory_space<vmem_shared>>
      %dma_wait3A_102 = arith.constant 0 : i32
      %dma_wait3A_103 = arith.constant 0 : i32
      %dma_wait3A_104 = tpu.memref_slice %arg9[%dma_wait3A_102, %dma_wait3A_103] : memref<80x128xf32, #tpu.memory_space<vmem>> -> memref<80x128xf32, #tpu.memory_space<vmem>>
      %dma_wait3A_105 = arith.constant 0 : i32
      %dma_wait3A_106 = tpu.memref_slice %arg6[%add3A_86, %dma_wait3A_105] : memref<10240x128xf32, #tpu.memory_space<vmem_shared>> -> memref<80x128xf32, #tpu.memory_space<vmem_shared>>
      tpu.wait_dma2 semaphore(%run_scoped3A : memref<!tpu.dma_semaphore, #tpu.memory_space<semaphore_mem>>) src(%dma_wait3A_106 : memref<80x128xf32, #tpu.memory_space<vmem_shared>>) dst(%dma_wait3A_104 : memref<80x128xf32, #tpu.memory_space<vmem>>)
      tpu.yield
    }) : () -> ()
    "tpu.region"() ({
      %run_scoped3A = tpu.sem_alloc : memref<!tpu.dma_semaphore, #tpu.memory_space<semaphore_mem>>
      %dma_start3A_87 = arith.constant 0 : i32
      %dma_start3A_88 = arith.constant 0 : i32
      %dma_start3A_89 = tpu.memref_slice %arg9[%dma_start3A_87, %dma_start3A_88] : memref<80x128xf32, #tpu.memory_space<vmem>> -> memref<80x128xf32, #tpu.memory_space<vmem>>
      %dma_start3A_90 = arith.constant 0 : i32
      %dma_start3A_91 = tpu.memref_slice %arg5[%arg0, %add3A_86, %dma_start3A_90] : memref<2x10240x128xf32, #tpu.memory_space<hbm>> -> memref<1x80x128xf32, #tpu.memory_space<hbm>>
      %dma_start3A_92 = tpu.memref_squeeze %dma_start3A_91 : memref<1x80x128xf32, #tpu.memory_space<hbm>> -> memref<80x128xf32, #tpu.memory_space<hbm>>
      %dma_start3A_93 = arith.constant 0 : i32
      %dma_start3A_94 = tpu.memref_slice %arg5[%arg0, %add3A_86, %dma_start3A_93] : memref<2x10240x128xf32, #tpu.memory_space<hbm>> -> memref<1x80x128xf32, #tpu.memory_space<hbm>>
      %dma_start3A_95 = tpu.memref_squeeze %dma_start3A_94 : memref<1x80x128xf32, #tpu.memory_space<hbm>> -> memref<80x128xf32, #tpu.memory_space<hbm>>
      %dma_start3A_96 = arith.constant 0 : i32
      %dma_start3A_97 = arith.constant 0 : i32
      %dma_start3A_98 = tpu.memref_slice %arg9[%dma_start3A_96, %dma_start3A_97] : memref<80x128xf32, #tpu.memory_space<vmem>> -> memref<80x128xf32, #tpu.memory_space<vmem>>
      tpu.enqueue_dma source(%dma_start3A_98 : memref<80x128xf32, #tpu.memory_space<vmem>>) target(%dma_start3A_95 : memref<80x128xf32, #tpu.memory_space<hbm>>) target_semaphore(%run_scoped3A : memref<!tpu.dma_semaphore, #tpu.memory_space<semaphore_mem>>)
      %dma_wait3A_99 = arith.constant 0 : i32
      %dma_wait3A_100 = arith.constant 0 : i32
      %dma_wait3A_101 = tpu.memref_slice %arg9[%dma_wait3A_99, %dma_wait3A_100] : memref<80x128xf32, #tpu.memory_space<vmem>> -> memref<80x128xf32, #tpu.memory_space<vmem>>
      %dma_wait3A_102 = arith.constant 0 : i32
      %dma_wait3A_103 = tpu.memref_slice %arg5[%arg0, %add3A_86, %dma_wait3A_102] : memref<2x10240x128xf32, #tpu.memory_space<hbm>> -> memref<1x80x128xf32, #tpu.memory_space<hbm>>
      %dma_wait3A_104 = tpu.memref_squeeze %dma_wait3A_103 : memref<1x80x128xf32, #tpu.memory_space<hbm>> -> memref<80x128xf32, #tpu.memory_space<hbm>>
      %dma_wait3A_105 = arith.constant 0 : i32
      %dma_wait3A_106 = tpu.memref_slice %arg5[%arg0, %add3A_86, %dma_wait3A_105] : memref<2x10240x128xf32, #tpu.memory_space<hbm>> -> memref<1x80x128xf32, #tpu.memory_space<hbm>>
      %dma_wait3A_107 = tpu.memref_squeeze %dma_wait3A_106 : memref<1x80x128xf32, #tpu.memory_space<hbm>> -> memref<80x128xf32, #tpu.memory_space<hbm>>
      %dma_wait3A_108 = arith.constant 0 : i32
      %dma_wait3A_109 = arith.constant 0 : i32
      %dma_wait3A_110 = tpu.memref_slice %arg9[%dma_wait3A_108, %dma_wait3A_109] : memref<80x128xf32, #tpu.memory_space<vmem>> -> memref<80x128xf32, #tpu.memory_space<vmem>>
      tpu.wait_dma2 semaphore(%run_scoped3A : memref<!tpu.dma_semaphore, #tpu.memory_space<semaphore_mem>>) src(%dma_wait3A_110 : memref<80x128xf32, #tpu.memory_space<vmem>>) dst(%dma_wait3A_107 : memref<80x128xf32, #tpu.memory_space<hbm>>)
      tpu.yield
    }) : () -> ()
    return
  }
}

module attributes {stable_mosaic.version = 14 : i64} {
  func.func @_mid_body(%arg0: memref<10000x128xf32, #tpu.memory_space<vmem>>, %arg1: memref<2x10240x128xf32, #tpu.memory_space<vmem>>, %arg2: memref<2x10240x128xf32, #tpu.memory_space<vmem>>, %arg3: memref<1x128xf32, #tpu.memory_space<vmem>>, %arg4: memref<1x128xf32, #tpu.memory_space<vmem>>, %arg5: memref<128x128xf32, #tpu.memory_space<vmem>>, %arg6: memref<128x128xf32, #tpu.memory_space<vmem>>, %arg7: memref<10000x128xf32, #tpu.memory_space<vmem>>, %arg8: memref<10000x128xf32, #tpu.memory_space<vmem>>) attributes {dimension_semantics = [], scalar_prefetch = 0 : i64, scratch_operands = 0 : i64, tpu.core_type = #tpu.core_type<tc>} {
    %get3A = arith.constant 0 : index
    %get3A_0 = arith.constant 0 : index
    %get3A_1 = arith.constant 0 : index
    %get3A_2 = vector.load %arg1[%get3A, %get3A_0, %get3A_1] : memref<2x10240x128xf32, #tpu.memory_space<vmem>>, vector<2x10240x128xf32>
    %get3A_3 = arith.constant 0 : index
    %get3A_4 = arith.constant 0 : index
    %get3A_5 = arith.constant 0 : index
    %get3A_6 = vector.load %arg2[%get3A_3, %get3A_4, %get3A_5] : memref<2x10240x128xf32, #tpu.memory_space<vmem>>, vector<2x10240x128xf32>
    %slice3A = vector.extract_strided_slice %get3A_6 {offsets = [0, 0, 0], sizes = [1, 10000, 128], strides = [1, 1, 1]} : vector<2x10240x128xf32> to vector<1x10000x128xf32>
    %squeeze3A = vector.shape_cast %slice3A : vector<1x10000x128xf32> to vector<10000x128xf32>
    %slice3A_7 = vector.extract_strided_slice %get3A_6 {offsets = [1, 0, 0], sizes = [1, 10000, 128], strides = [1, 1, 1]} : vector<2x10240x128xf32> to vector<1x10000x128xf32>
    %squeeze3A_8 = vector.shape_cast %slice3A_7 : vector<1x10000x128xf32> to vector<10000x128xf32>
    %add3A = arith.addf %squeeze3A, %squeeze3A_8 : vector<10000x128xf32>
    %slice3A_9 = vector.extract_strided_slice %add3A {offsets = [0, 0], sizes = [10000, 1], strides = [1, 1]} : vector<10000x128xf32> to vector<10000x1xf32>
    %max3A = arith.constant 1.000000e+00 : f32
    %max3A_10 = vector.broadcast %max3A : f32 to vector<10000x1xf32>
    %max3A_11 = arith.maximumf %slice3A_9, %max3A_10 : vector<10000x1xf32>
    %div3A = arith.constant 1.000000e+00 : f32
    %div3A_12 = vector.broadcast %div3A : f32 to vector<10000x1xf32>
    %div3A_13 = arith.divf %div3A_12, %max3A_11 : vector<10000x1xf32>
    %get3A_14 = arith.constant 0 : index
    %get3A_15 = arith.constant 0 : index
    %get3A_16 = vector.load %arg0[%get3A_14, %get3A_15] : memref<10000x128xf32, #tpu.memory_space<vmem>>, vector<10000x128xf32>
    %slice3A_17 = vector.extract_strided_slice %get3A_2 {offsets = [0, 0, 0], sizes = [1, 10000, 128], strides = [1, 1, 1]} : vector<2x10240x128xf32> to vector<1x10000x128xf32>
    %squeeze3A_18 = vector.shape_cast %slice3A_17 : vector<1x10000x128xf32> to vector<10000x128xf32>
    %slice3A_19 = vector.extract_strided_slice %get3A_2 {offsets = [1, 0, 0], sizes = [1, 10000, 128], strides = [1, 1, 1]} : vector<2x10240x128xf32> to vector<1x10000x128xf32>
    %squeeze3A_20 = vector.shape_cast %slice3A_19 : vector<1x10000x128xf32> to vector<10000x128xf32>
    %add3A_21 = arith.addf %squeeze3A_18, %squeeze3A_20 : vector<10000x128xf32>
    %mul3A = vector.broadcast %div3A_13 : vector<10000x1xf32> to vector<10000x128xf32>
    %mul3A_22 = arith.mulf %add3A_21, %mul3A : vector<10000x128xf32>
    %add3A_23 = arith.addf %get3A_16, %mul3A_22 : vector<10000x128xf32>
    %reduce_sum3A = arith.constant dense<0.000000e+00> : vector<128xf32>
    %reduce_sum3A_24 = vector.multi_reduction <add>, %add3A_23, %reduce_sum3A [0] : vector<10000x128xf32> to vector<128xf32>
    %broadcast_in_dim3A = vector.shape_cast %reduce_sum3A_24 : vector<128xf32> to vector<1x128xf32>
    %div3A_25 = arith.constant 1.000000e+04 : f32
    %div3A_26 = vector.broadcast %div3A_25 : f32 to vector<1x128xf32>
    %div3A_27 = arith.divf %broadcast_in_dim3A, %div3A_26 : vector<1x128xf32>
    %sub3A = vector.broadcast %div3A_27 : vector<1x128xf32> to vector<10000x128xf32>
    %sub3A_28 = arith.subf %add3A_23, %sub3A : vector<10000x128xf32>
    %integer_pow3A = arith.mulf %sub3A_28, %sub3A_28 : vector<10000x128xf32>
    %reduce_sum3A_29 = arith.constant dense<0.000000e+00> : vector<128xf32>
    %reduce_sum3A_30 = vector.multi_reduction <add>, %integer_pow3A, %reduce_sum3A_29 [0] : vector<10000x128xf32> to vector<128xf32>
    %broadcast_in_dim3A_31 = vector.shape_cast %reduce_sum3A_30 : vector<128xf32> to vector<1x128xf32>
    %div3A_32 = arith.constant 1.000000e+04 : f32
    %div3A_33 = vector.broadcast %div3A_32 : f32 to vector<1x128xf32>
    %div3A_34 = arith.divf %broadcast_in_dim3A_31, %div3A_33 : vector<1x128xf32>
    %sub3A_35 = vector.broadcast %div3A_27 : vector<1x128xf32> to vector<10000x128xf32>
    %sub3A_36 = arith.subf %add3A_23, %sub3A_35 : vector<10000x128xf32>
    %add3A_37 = arith.constant 9.99999974E-6 : f32
    %add3A_38 = vector.broadcast %add3A_37 : f32 to vector<1x128xf32>
    %add3A_39 = arith.addf %div3A_34, %add3A_38 : vector<1x128xf32>
    %rsqrt3A = math.rsqrt %add3A_39 : vector<1x128xf32>
    %mul3A_40 = vector.broadcast %rsqrt3A : vector<1x128xf32> to vector<10000x128xf32>
    %mul3A_41 = arith.mulf %sub3A_36, %mul3A_40 : vector<10000x128xf32>
    %get3A_42 = arith.constant 0 : index
    %get3A_43 = arith.constant 0 : index
    %get3A_44 = vector.load %arg3[%get3A_42, %get3A_43] : memref<1x128xf32, #tpu.memory_space<vmem>>, vector<1x128xf32>
    %mul3A_45 = vector.broadcast %get3A_44 : vector<1x128xf32> to vector<10000x128xf32>
    %mul3A_46 = arith.mulf %mul3A_41, %mul3A_45 : vector<10000x128xf32>
    %get3A_47 = arith.constant 0 : index
    %get3A_48 = arith.constant 0 : index
    %get3A_49 = vector.load %arg4[%get3A_47, %get3A_48] : memref<1x128xf32, #tpu.memory_space<vmem>>, vector<1x128xf32>
    %add3A_50 = vector.broadcast %get3A_49 : vector<1x128xf32> to vector<10000x128xf32>
    %add3A_51 = arith.addf %mul3A_46, %add3A_50 : vector<10000x128xf32>
    %max3A_52 = arith.constant 0.000000e+00 : f32
    %max3A_53 = vector.broadcast %max3A_52 : f32 to vector<10000x128xf32>
    %max3A_54 = arith.maximumf %add3A_51, %max3A_53 : vector<10000x128xf32>
    %get3A_55 = arith.constant 0 : index
    %get3A_56 = arith.constant 0 : index
    %get3A_57 = vector.load %arg5[%get3A_55, %get3A_56] : memref<128x128xf32, #tpu.memory_space<vmem>>, vector<128x128xf32>
    %dot_general3A = arith.constant dense<0.000000e+00> : vector<10000x128xf32>
    %dot_general3A_58 = tpu.matmul %max3A_54, %get3A_57, %dot_general3A {dimension_numbers = #tpu.dot_dimension_numbers<[1], [0], [0], [1], [0, 0, 1, 1], [], []>, transpose_lhs_hint = false} : vector<10000x128xf32>, vector<128x128xf32>, vector<10000x128xf32> -> vector<10000x128xf32>
    %swap3A = arith.constant 0 : index
    %swap3A_59 = arith.constant 0 : index
    %swap3A_60 = vector.load %arg7[%swap3A, %swap3A_59] : memref<10000x128xf32, #tpu.memory_space<vmem>>, vector<10000x128xf32>
    tpu.vector_store %arg7[%swap3A, %swap3A_59], %dot_general3A_58 {strides = array<i32>} : memref<10000x128xf32, #tpu.memory_space<vmem>>, vector<10000x128xf32>,
    %get3A_61 = arith.constant 0 : index
    %get3A_62 = arith.constant 0 : index
    %get3A_63 = vector.load %arg6[%get3A_61, %get3A_62] : memref<128x128xf32, #tpu.memory_space<vmem>>, vector<128x128xf32>
    %dot_general3A_64 = arith.constant dense<0.000000e+00> : vector<10000x128xf32>
    %dot_general3A_65 = tpu.matmul %max3A_54, %get3A_63, %dot_general3A_64 {dimension_numbers = #tpu.dot_dimension_numbers<[1], [0], [0], [1], [0, 0, 1, 1], [], []>, transpose_lhs_hint = false} : vector<10000x128xf32>, vector<128x128xf32>, vector<10000x128xf32> -> vector<10000x128xf32>
    %swap3A_66 = arith.constant 0 : index
    %swap3A_67 = arith.constant 0 : index
    %swap3A_68 = vector.load %arg8[%swap3A_66, %swap3A_67] : memref<10000x128xf32, #tpu.memory_space<vmem>>, vector<10000x128xf32>
    tpu.vector_store %arg8[%swap3A_66, %swap3A_67], %dot_general3A_65 {strides = array<i32>} : memref<10000x128xf32, #tpu.memory_space<vmem>>, vector<10000x128xf32>,
    return
  }
}

module attributes {stable_mosaic.version = 14 : i64} {
  func.func @_proj_body(%arg0: memref<10000x128xf32, #tpu.memory_space<vmem>>, %arg1: memref<128x128xf32, #tpu.memory_space<vmem>>, %arg2: memref<128x128xf32, #tpu.memory_space<vmem>>, %arg3: memref<10000x128xf32, #tpu.memory_space<vmem>>, %arg4: memref<10000x128xf32, #tpu.memory_space<vmem>>) attributes {dimension_semantics = [], scalar_prefetch = 0 : i64, scratch_operands = 0 : i64, tpu.core_type = #tpu.core_type<tc>} {
    %get3A = arith.constant 0 : index
    %get3A_0 = arith.constant 0 : index
    %get3A_1 = vector.load %arg0[%get3A, %get3A_0] : memref<10000x128xf32, #tpu.memory_space<vmem>>, vector<10000x128xf32>
    %get3A_2 = arith.constant 0 : index
    %get3A_3 = arith.constant 0 : index
    %get3A_4 = vector.load %arg1[%get3A_2, %get3A_3] : memref<128x128xf32, #tpu.memory_space<vmem>>, vector<128x128xf32>
    %dot_general3A = arith.constant dense<0.000000e+00> : vector<10000x128xf32>
    %dot_general3A_5 = tpu.matmul %get3A_1, %get3A_4, %dot_general3A {dimension_numbers = #tpu.dot_dimension_numbers<[1], [0], [0], [1], [0, 0, 1, 1], [], []>, transpose_lhs_hint = false} : vector<10000x128xf32>, vector<128x128xf32>, vector<10000x128xf32> -> vector<10000x128xf32>
    %swap3A = arith.constant 0 : index
    %swap3A_6 = arith.constant 0 : index
    %swap3A_7 = vector.load %arg3[%swap3A, %swap3A_6] : memref<10000x128xf32, #tpu.memory_space<vmem>>, vector<10000x128xf32>
    tpu.vector_store %arg3[%swap3A, %swap3A_6], %dot_general3A_5 {strides = array<i32>} : memref<10000x128xf32, #tpu.memory_space<vmem>>, vector<10000x128xf32>,
    %get3A_8 = arith.constant 0 : index
    %get3A_9 = arith.constant 0 : index
    %get3A_10 = vector.load %arg2[%get3A_8, %get3A_9] : memref<128x128xf32, #tpu.memory_space<vmem>>, vector<128x128xf32>
    %dot_general3A_11 = arith.constant dense<0.000000e+00> : vector<10000x128xf32>
    %dot_general3A_12 = tpu.matmul %get3A_1, %get3A_10, %dot_general3A_11 {dimension_numbers = #tpu.dot_dimension_numbers<[1], [0], [0], [1], [0, 0, 1, 1], [], []>, transpose_lhs_hint = false} : vector<10000x128xf32>, vector<128x128xf32>, vector<10000x128xf32> -> vector<10000x128xf32>
    %swap3A_13 = arith.constant 0 : index
    %swap3A_14 = arith.constant 0 : index
    %swap3A_15 = vector.load %arg4[%swap3A_13, %swap3A_14] : memref<10000x128xf32, #tpu.memory_space<vmem>>, vector<10000x128xf32>
    tpu.vector_store %arg4[%swap3A_13, %swap3A_14], %dot_general3A_12 {strides = array<i32>} : memref<10000x128xf32, #tpu.memory_space<vmem>>, vector<10000x128xf32>,
    return
  }
}

module attributes {stable_mosaic.version = 14 : i64} {
  func.func @_final_body(%arg0: memref<10000x128xf32, #tpu.memory_space<vmem>>, %arg1: memref<2x10240x128xf32, #tpu.memory_space<vmem>>, %arg2: memref<2x10240x128xf32, #tpu.memory_space<vmem>>, %arg3: memref<10000x128xf32, #tpu.memory_space<vmem>>) attributes {dimension_semantics = [], scalar_prefetch = 0 : i64, scratch_operands = 0 : i64, tpu.core_type = #tpu.core_type<tc>} {
    %get3A = arith.constant 0 : index
    %get3A_0 = arith.constant 0 : index
    %get3A_1 = arith.constant 0 : index
    %get3A_2 = vector.load %arg1[%get3A, %get3A_0, %get3A_1] : memref<2x10240x128xf32, #tpu.memory_space<vmem>>, vector<2x10240x128xf32>
    %get3A_3 = arith.constant 0 : index
    %get3A_4 = arith.constant 0 : index
    %get3A_5 = arith.constant 0 : index
    %get3A_6 = vector.load %arg2[%get3A_3, %get3A_4, %get3A_5] : memref<2x10240x128xf32, #tpu.memory_space<vmem>>, vector<2x10240x128xf32>
    %slice3A = vector.extract_strided_slice %get3A_6 {offsets = [0, 0, 0], sizes = [1, 10000, 128], strides = [1, 1, 1]} : vector<2x10240x128xf32> to vector<1x10000x128xf32>
    %squeeze3A = vector.shape_cast %slice3A : vector<1x10000x128xf32> to vector<10000x128xf32>
    %slice3A_7 = vector.extract_strided_slice %get3A_6 {offsets = [1, 0, 0], sizes = [1, 10000, 128], strides = [1, 1, 1]} : vector<2x10240x128xf32> to vector<1x10000x128xf32>
    %squeeze3A_8 = vector.shape_cast %slice3A_7 : vector<1x10000x128xf32> to vector<10000x128xf32>
    %add3A = arith.addf %squeeze3A, %squeeze3A_8 : vector<10000x128xf32>
    %slice3A_9 = vector.extract_strided_slice %add3A {offsets = [0, 0], sizes = [10000, 1], strides = [1, 1]} : vector<10000x128xf32> to vector<10000x1xf32>
    %max3A = arith.constant 1.000000e+00 : f32
    %max3A_10 = vector.broadcast %max3A : f32 to vector<10000x1xf32>
    %max3A_11 = arith.maximumf %slice3A_9, %max3A_10 : vector<10000x1xf32>
    %div3A = arith.constant 1.000000e+00 : f32
    %div3A_12 = vector.broadcast %div3A : f32 to vector<10000x1xf32>
    %div3A_13 = arith.divf %div3A_12, %max3A_11 : vector<10000x1xf32>
    %get3A_14 = arith.constant 0 : index
    %get3A_15 = arith.constant 0 : index
    %get3A_16 = vector.load %arg0[%get3A_14, %get3A_15] : memref<10000x128xf32, #tpu.memory_space<vmem>>, vector<10000x128xf32>
    %slice3A_17 = vector.extract_strided_slice %get3A_2 {offsets = [0, 0, 0], sizes = [1, 10000, 128], strides = [1, 1, 1]} : vector<2x10240x128xf32> to vector<1x10000x128xf32>
    %squeeze3A_18 = vector.shape_cast %slice3A_17 : vector<1x10000x128xf32> to vector<10000x128xf32>
    %slice3A_19 = vector.extract_strided_slice %get3A_2 {offsets = [1, 0, 0], sizes = [1, 10000, 128], strides = [1, 1, 1]} : vector<2x10240x128xf32> to vector<1x10000x128xf32>
    %squeeze3A_20 = vector.shape_cast %slice3A_19 : vector<1x10000x128xf32> to vector<10000x128xf32>
    %add3A_21 = arith.addf %squeeze3A_18, %squeeze3A_20 : vector<10000x128xf32>
    %mul3A = vector.broadcast %div3A_13 : vector<10000x1xf32> to vector<10000x128xf32>
    %mul3A_22 = arith.mulf %add3A_21, %mul3A : vector<10000x128xf32>
    %add3A_23 = arith.addf %get3A_16, %mul3A_22 : vector<10000x128xf32>
    %reduce_max3A = arith.constant dense<0xFF800000> : vector<10000xf32>
    %reduce_max3A_24 = vector.multi_reduction <maximumf>, %add3A_23, %reduce_max3A [1] : vector<10000x128xf32> to vector<10000xf32>
    %broadcast_in_dim3A = vector.shape_cast %reduce_max3A_24 : vector<10000xf32> to vector<10000x1xf32>
    %sub3A = vector.broadcast %broadcast_in_dim3A : vector<10000x1xf32> to vector<10000x128xf32>
    %sub3A_25 = arith.subf %add3A_23, %sub3A : vector<10000x128xf32>
    %exp3A = math.exp %sub3A_25 : vector<10000x128xf32>
    %reduce_sum3A = arith.constant dense<0.000000e+00> : vector<10000xf32>
    %reduce_sum3A_26 = vector.multi_reduction <add>, %exp3A, %reduce_sum3A [1] : vector<10000x128xf32> to vector<10000xf32>
    %broadcast_in_dim3A_27 = vector.shape_cast %reduce_sum3A_26 : vector<10000xf32> to vector<10000x1xf32>
    %log3A = math.log %broadcast_in_dim3A_27 : vector<10000x1xf32>
    %add3A_28 = arith.addf %log3A, %broadcast_in_dim3A : vector<10000x1xf32>
    %sub3A_29 = vector.broadcast %add3A_28 : vector<10000x1xf32> to vector<10000x128xf32>
    %sub3A_30 = arith.subf %add3A_23, %sub3A_29 : vector<10000x128xf32>
    %swap3A = arith.constant 0 : index
    %swap3A_31 = arith.constant 0 : index
    %swap3A_32 = vector.load %arg3[%swap3A, %swap3A_31] : memref<10000x128xf32, #tpu.memory_space<vmem>>, vector<10000x128xf32>
    tpu.vector_store %arg3[%swap3A, %swap3A_31], %sub3A_30 {strides = array<i32>} : memref<10000x128xf32, #tpu.memory_space<vmem>>, vector<10000x128xf32>,
    return
  }
}

</mosaic_0001>

<sc_bundles>
// kernel: kernel.10.cloned.1.call-start
scs
__scs_entry_jumppad:
0x0: {  	(pc) =	sbr.rel $0x88, $3  }
0x1: {  	(tag) =	ssettag $0x0;
	lr =	simm.s32 $0x1  }
0x2: {  	[smem:$0x3F95] =	sst lr;
	_ =	strace $0xD0000000  }
0x3: {  	_ = 	snop  }
0x4: {  	_ = 	snop  }
0x5: {  	_ = 	snop  }
0x6: {  	_ = 	snop  }
0x7: {  	_ = 	snop  }
__scs_overlays_trampoline_lowered:
0x8: {  	[smem:$0x3FA4] =	sst s0  }
0x9: {  	[smem:$0x3FA5] =	sst s1  }
0xa: {  	[smem:$0x3FA6] =	sst s2  }
0xb: {  	[smem:$0x3FA7] =	sst s3  }
0xc: {  	[smem:$0x3FA8] =	sst s4  }
0xd: {  	[smem:$0x3FA9] =	sst s5  }
0xe: {  	[smem:$0x3FAA] =	sst s6  }
0xf: {  	[smem:$0x3FAB] =	sst s7  }
0x10: {  	[smem:$0x3FAC] =	sst s8  }
0x11: {  	[smem:$0x3FAD] =	sst s9;
	s0 =	simm.s32 @!p0 $0x0  }
0x12: {  	s1 =	sld [smem:$0x3F93];
	s0 =	simm.s32 @p0 $0x1  }
0x13: {  	[smem:$0x3FAE] =	sst s0;
	s0 =	simm.s32 @!p1 $0x0  }
0x14: {  	s2 =	sld [smem:$0x3F92];
	s0 =	simm.s32 @p1 $0x1  }
0x15: {  	[smem:$0x3FAF] =	sst s0;
	s0 =	simm.s32 @!p2 $0x0  }
0x16: {  	s3 =	sld [smem:$0x3FDB];
	s0 =	simm.s32 @p2 $0x1  }
0x17: {  	s4 =	simm.s32 $0x1BF5;
	[smem:$0x3FB1] =	sst s0  }
0x18: {  	s0 =	sld [smem:$0x3F94];
	_ =	swait.ge [sflag:s4], $0x0  }
0x19: {  	s7 =	sld [smem:$0x3F95]  }
0x1a: {  	s8 =	sadd.s32 $0xFFFFE003, lr  }
0x1b: {  	s9 =	sadd.s32 $0xFFFFFEF7, lr;
	s5 =	simm.s32 $0xFFFFFFFF;
	p2 =	slt.u32 s8, $0xFFFFF086  }
0x1c: {  	p1 =	slt.u32 s9, $0xF7A;
	s5 =	simm.s32 @!p2 $0x0  }
0x1d: {  	s5 =	simm.s32 @p1 $0x1;
	p0 =	seq.s32 s7, s2  }
0x1e: {  	s7 =	smul.u32 @!p0 $0xF7A, s2;
	p2 =	seq.s32 @!p0 s5, $0x0  }
0x1f: {  	s9 =	smul.u32 $0xF7A, s1;
	s8 =	simm.s32 @!p0 $0x1BF5;
	p2 =	por !p2, p0  }
0x20: {  	[sflag:s8] =	ssyncset.s32 @!p0 $0xFFFFF086;
	s6 =	sadd.s32 @!p0 s3, s7;
	s7 =	simm.s32 @!p0 $0x108  }
0x21: {  	s3 =	sadd.s32 s3, s9;
	s6 =	sadd.s32 @!p0 $0x88, s6;
	s7 =	simm.s32 @p2 $0x1082  }
0x22: {  	[simem:s7], [sflag:s8] =	dma.local @!p0 [hbm:s6], $0xF7A  }
0x23: {  	s9 =	sor.u32 $0xD0000000, s2;
	s6 =	simm.s32 $0x108;
	_ =	swait.ge @!p0 [sflag:s8], $0x0  }
0x24: {  	s3 =	sadd.s32 $0x88, s3;
	s6 =	simm.s32 @!p1 $0x1082;
	[sflag:s4] =	ssyncset.s32 $0xFFFFF086  }
0x25: {  	[simem:s6], [sflag:s4] =	dma.local [hbm:s3], $0xF7A  }
0x26: {  	[smem:$0x3F95] =	sst s1;
	(tag) =	ssettag s2;
	_ =	strace s9  }
0x27: {  	s1 =	sld [smem:$0x3FA5]  }
0x28: {  	s2 =	sld [smem:$0x3FA6]  }
0x29: {  	s4 =	sld [smem:$0x3FA8]  }
0x2a: {  	p0 =	seq.s32 s5, $0x0;
	s5 =	sld [smem:$0x3FA9]  }
0x2b: {  	s6 =	sld [smem:$0x3FAA]  }
0x2c: {  	s7 =	sld [smem:$0x3FAB]  }
0x2d: {  	s3 =	simm.s32 $0x108;
	s8 =	sld [smem:$0x3FAC]  }
0x2e: {  	s3 =	simm.s32 @!p0 $0x1082;
	s9 =	sld [smem:$0x3FAD]  }
0x2f: {  	lr =	sadd.s32 s0, s3;
	s0 =	sld [smem:$0x3FA4]  }
0x30: {  	s3 =	sld [smem:$0x3FA7]  }
0x31: {  	[smem:$0x3FB0] =	sst s10  }
0x32: {  	s10 =	sld [smem:$0x3FAE];
	_ =	sdelay $0x3  }
0x33: {  	p0 =	seq.s32 s10, $0x1;
	s10 =	sld [smem:$0x3FB0];
	_ =	sdelay $0x3  }
0x34: {  	[smem:$0x3FB0] =	sst s10  }
0x35: {  	s10 =	sld [smem:$0x3FAF];
	_ =	sdelay $0x3  }
0x36: {  	p1 =	seq.s32 s10, $0x1;
	s10 =	sld [smem:$0x3FB0];
	_ =	sdelay $0x3  }
0x37: {  	[smem:$0x3FB0] =	sst s10  }
0x38: {  	s10 =	sld [smem:$0x3FB1]  }
0x39: {  	_ = 	snop;
	(pc) =	sbr.ind lr, $3  }
0x3a: {  	_ = 	snop  }
0x3b: {  	_ = 	snop  }
0x3c: {  	p2 =	seq.s32 s10, $0x1;
	s10 =	sld [smem:$0x3FB0]  }
0x3d: {  	_ =	shalt  }
0x3e: {  	_ =	shalt  }
0x3f: {  	_ =	shalt  }
0x40: {  	_ =	shalt  }
0x41: {  	_ =	shalt  }
0x42: {  	_ =	shalt  }
0x43: {  	_ =	shalt  }
0x44: {  	_ =	shalt  }
0x45: {  	_ =	shalt  }
0x46: {  	_ =	shalt  }
0x47: {  	_ =	shalt  }
0x48: {  	_ =	shalt  }
0x49: {  	_ =	shalt  }
0x4a: {  	_ =	shalt  }
0x4b: {  	_ =	shalt  }
0x4c: {  	_ =	shalt  }
0x4d: {  	_ =	shalt  }
0x4e: {  	_ =	shalt  }
0x4f: {  	_ =	shalt  }
0x50: {  	_ =	shalt  }
0x51: {  	_ =	shalt  }
0x52: {  	_ =	shalt  }
0x53: {  	_ =	shalt  }
0x54: {  	_ =	shalt  }
0x55: {  	_ =	shalt  }
0x56: {  	_ =	shalt  }
0x57: {  	_ =	shalt  }
0x58: {  	_ =	shalt  }
0x59: {  	_ =	shalt  }
0x5a: {  	_ =	shalt  }
0x5b: {  	_ =	shalt  }
0x5c: {  	_ =	shalt  }
0x5d: {  	_ =	shalt  }
0x5e: {  	_ =	shalt  }
0x5f: {  	_ =	shalt  }
0x60: {  	_ =	shalt  }
0x61: {  	_ =	shalt  }
0x62: {  	_ =	shalt  }
0x63: {  	_ =	shalt  }
0x64: {  	_ =	shalt  }
0x65: {  	_ =	shalt  }
0x66: {  	_ =	shalt  }
0x67: {  	_ =	shalt  }
0x68: {  	_ =	shalt  }
0x69: {  	_ =	shalt  }
0x6a: {  	_ =	shalt  }
0x6b: {  	_ =	shalt  }
0x6c: {  	_ =	shalt  }
0x6d: {  	_ =	shalt  }
0x6e: {  	_ =	shalt  }
0x6f: {  	_ =	shalt  }
0x70: {  	_ =	shalt  }
0x71: {  	_ =	shalt  }
0x72: {  	_ =	shalt  }
0x73: {  	_ =	shalt  }
0x74: {  	_ =	shalt  }
0x75: {  	_ =	shalt  }
0x76: {  	_ =	shalt  }
0x77: {  	_ =	shalt  }
0x78: {  	_ =	shalt  }
0x79: {  	_ =	shalt  }
0x7a: {  	_ =	shalt  }
0x7b: {  	_ =	shalt  }
0x7c: {  	_ =	shalt  }
0x7d: {  	_ =	shalt  }
0x7e: {  	_ =	shalt  }
0x7f: {  	_ =	shalt  }
0x80: {  	_ =	shalt  }
0x81: {  	_ =	shalt  }
0x82: {  	_ =	shalt  }
0x83: {  	_ =	shalt  }
0x84: {  	_ =	shalt  }
0x85: {  	_ =	shalt  }
0x86: {  	_ =	shalt  }
0x87: {  	_ =	shalt  }
.Lfunc_end0:
.L_simem_size_0:
called_computation_lowered:
.L_overlay_start_0:
0x88: {  	s2 =	sld [smem:$0x3FD9]  }
0x89: {  	s3 =	sld [smem:$0x3FFE];
	_ =	sdelay $0x1  }
0x8a: {  	s1 =	srdreg.scid  }
0x8b: {  	s0 =	sand.u32 $0x1, s1  }
0x8c: {  	s17 =	sshll.u32 s0, $0xA;
	s2 =	sadd.s32 s3, s2  }
0x8d: {  	s2 =	sadd.s32 s2, s17  }
0x8e: {  	[smem:$0x3FBC] =	sst s2  }
0x8f: {  	_ = 	snop  }
0x90: {  	(tm) =	ssettm $0x1  }
0x91: {  	s18 =	sld [smem:$0x3FFB];
	_ =	sdelay $0x3  }
0x92: {  	_ =	strace s18  }
0x93: {  	s2 =	sld [smem:$0x3FFC];
	_ =	sdelay $0x3  }
0x94: {  	_ =	strace s2  }
0x95: {  	s2 =	sld [smem:$0x3FFD];
	_ =	sdelay $0x3  }
0x96: {  	_ =	strace s2  }
0x97: {  	_ =	strace $0x8FFFFFFF  }
0x98: {  	s19 =	sld [smem:$0x3FDB];
	_ =	sdelay $0x1  }
0x99: {  	s20 =	simm.s32 $_scs_section_size  }
0x9a: {  	s4 =	simm.s32 $_size__tile_overlayer_lowered;
	s5 =	simm.s32 $_tile_overlayer_lowered  }
0x9b: {  	s6 =	simm.s32 $0x1BFF;
	s21 =	sshll.u32 s5, $0x1;
	s3 =	sadd.s32 s20, s19  }
0x9c: {  	s22 =	simm.s32 $0x0;
	s4 =	sshll.u32 s4, $0x1;
	s5 =	sadd.s32 s21, s3  }
0x9d: {  	[timem:s22], [sflag:s6] =	dma.local [hbm:s5], s4  }
0x9e: {  	_ =	swait.ge [sflag:s6], s4  }
0x9f: {  	s4 =	ssub.s32 $0x0, s4;
	[sflag:s6] =	ssyncset.done $0x0  }
0xa0: {  	[sflag:s6] =	ssyncadd.s32 s4;
	_ =	sdelay $0x1  }
0xa1: {  	s23 =	simm.s32 $0x1B8B  }
0xa2: {  	_ =	swait.ge [sflag:s23], $0x1  }
0xa3: {  	[sflag:s23] =	ssyncset.done $0x0  }
0xa4: {  	[sflag:s23] =	ssyncadd.s32 $0xFFFFFFFF  }
0xa5: {  	s4 =	sld [smem:$0x0]  }
0xa6: {  	s5 =	sand.u32 $0xFFFFFFFE, s1  }
0xa7: {  	p0 =	sne.s32 s1, s5  }
0xa8: {  	s5 =	sshll.u32 @p0 s5, $0xE  }
0xa9: {  	s5 =	sadd.s32 @p0 $0x11B8D, s5;
	s6 =	sshll.u32 @p0 s4, $0x11  }
0xaa: {  	s5 =	sor.u32 @p0 s6, s5  }
0xab: {  	[sflag:s5] =	ssyncadd.remote.s32 @p0 $0x1;
	_ =	sdelay $0x1  }
0xac: {  	s5 =	simm.s32 @p0 $0x1B8D  }
0xad: {  	_ =	swait.eq @p0 [sflag:s5], $0x1  }
0xae: {  	[sflag:s5] =	ssyncadd.s32 @p0 $0xFFFFFFFF  }
0xaf: {  	s6 =	sshll.u32 @!p0 s1, $0xE  }
0xb0: {  	s6 =	sor.u32 @!p0 $0x4000, s6;
	s5 =	simm.s32 @!p0 $0x1B8D  }
0xb1: {  	s4 =	sshll.u32 @!p0 s4, $0x11;
	s6 =	sadd.s32 @!p0 $0x11B8D, s6;
	_ =	swait.eq @!p0 [sflag:s5], $0x1  }
0xb2: {  	s4 =	sor.u32 @!p0 s4, s6;
	[sflag:s5] =	ssyncadd.s32 @!p0 $0xFFFFFFFF  }
0xb3: {  	s25 =	simm.s32 $0x1B8E;
	s24 =	sld [smem:$0x3FFE];
	[sflag:s4] =	ssyncadd.remote.s32 @!p0 $0x1  }
0xb4: {  	s26 =	simm.s32 $execute0_lowered;
	[smem:$0x3FD2] =	sst s25  }
0xb5: {  	s5 =	sshll.u32 s26, $0x1;
	_ =	strace $0x80000049;
	[dreg:$0x1] =	wrdreg $0xFFFFFFFF  }
0xb6: {  	s28 =	simm.s32 $_size_execute0_lowered;
	s3 =	sadd.s32 s3, s5;
	[dreg:$0x0] =	wrdreg $0x0  }
0xb7: {  	s5 =	sshll.u32 s28, $0x1;
	[dreg:$0x2] =	wrdreg s3  }
0xb8: {  	[dreg:$0x3] =	wrdreg s5  }
0xb9: {  	[dreg:$0x4] =	wrdreg $0xC0  }
0xba: {  	_ =	task [dreg:s22], $0x5FFFF  }
0xbb: {  	[dreg:$0x1] =	wrdreg $0xFFFFFFFF  }
0xbc: {  	[dreg:$0x0] =	wrdreg $0x60  }
0xbd: {  	[dreg:$0x2] =	wrdreg s24  }
0xbe: {  	[dreg:$0x3] =	wrdreg $0x0  }
0xbf: {  	[dreg:$0x4] =	wrdreg $0x9  }
0xc0: {  	_ =	task.clear_ibuf [dreg:s22], $0x5FFFF;
	_ =	strace $0x90000049  }
0xc1: {  	s29 =	simm.s32 $0x9;
	_ =	strace $0x8000004B  }
0xc2: {  	_ =	swait.ge [sflag:s29], $0x1  }
0xc3: {  	[sflag:s29] =	ssyncadd.s32 $0xFFFFFFFF  }
0xc4: {  	_ =	strace $0x9000004B  }
0xc5: {  	_ =	sfence  }
0xc6: {  	s30 =	sld [smem:$0x0];
	_ =	sdelay $0x2  }
0xc7: {  	s31 =	sshll.u32 s1, $0xD;
	s1 =	sshrl.u32 s1, $0x2  }
0xc8: {  	s4 =	sand.u32 $0x4000, s31;
	s1 =	sadd.s32 s1, s30  }
0xc9: {  	s0 =	sor.u32 s4, s0;
	s1 =	sshll.u32 s1, $0x11  }
0xca: {  	s0 =	sor.u32 s1, s0  }
0xcb: {  	s0 =	sadd.s32 $0x8F2B, s0  }
0xcc: {  	[sflag:s0] =	ssyncadd.remote.s32 $0x1  }
0xcd: {  	_ =	sfence.sel $0xFFFF  }
0xce: {  	[dreg:$0x0] =	wrdreg $0xFFFFFFFF;
	(pc) =	sbr.abs _section_cstart, $3  }
0xcf: {  	[dreg:$0x1] =	wrdreg $0xFFFFFFFF  }
0xd0: {  	_ =	task.clear_ibuf [dreg:s22], $0x2FFFF;
	_ =	strace $0x9FFFFFFF  }
0xd1: {  	(tm) =	ssettm $0x7FFFFFFF  }
tec
execute0_lowered:
.L_overlay_start_1:
0x0: {  	(tag) =	ssettag $0x1  }
0x1: {  	s0 =	srdreg.scid;
	s4 =	rddreg [dreg:$0x0]  }
0x2: {  	s2 =	rddreg [dreg:$0x1];
	s1 =	stileid.u32;
	s3 =	simm.s32 $0x0  }
0x3: {  	s25 =	simm.s32 $0x50;
	s26 =	simm.s32 $0x16780;
	s28 =	simm.s32 $0x0  }
0x4: {  	s9 =	sand.u32 $0x1, s0;
	s0 =	rddreg [dreg:$0x2];
	s7 =	smul.u32 $0x50000, s1  }
0x5: {  	[smem:$0x7FF] =	sst s3;
	s12 =	smul.u32 $0x14000, s1;
	s20 =	sadd.s32 $0x66800, s4  }
0x6: {  	s5 =	sshll.u32 s9, $0x4;
	_ =	strace $0x8000004A;
	s6 =	ssub.s32 $0x2, s9  }
0x7: {  	s22 =	smul.u32 $0x140000, s9;
	s5 =	sor.u32 s1, s5;
	s8 =	sshrl.u32 s6, $0x1  }
0x8: {  	s31 =	sshrl.u32 s7, $0x2;
	s13 =	sor.u32 $0x2800, s12;
	s15 =	sadd.s32 $0x5000, s12  }
0x9: {  	s16 =	sadd.s32 $0x7800, s12;
	s17 =	sadd.s32 $0xA000, s12;
	s18 =	sadd.s32 $0xC800, s12  }
0xa: {  	s19 =	sadd.s32 $0xF000, s12;
	s23 =	sadd.s32 $0x11800, s12;
	s5 =	smul.u32 $0x4E2, s5  }
0xb: {  	s21 =	ssub.s32 s6, s8;
	s6 =	sadd.s32 s13, s2;
	s7 =	sadd.s32 s15, s2  }
0xc: {  	s8 =	sadd.s32 s16, s2;
	s9 =	sadd.s32 s17, s2;
	s10 =	sadd.s32 s18, s2  }
0xd: {  	s11 =	sadd.s32 s19, s2;
	s14 =	sadd.s32 s12, s22;
	s13 =	sadd.s32 s22, s13  }
0xe: {  	s12 =	sadd.s32 s23, s2;
	s15 =	sadd.s32 s22, s15;
	s16 =	sadd.s32 s22, s16  }
0xf: {  	s17 =	sadd.s32 s22, s17;
	s18 =	sadd.s32 s22, s18;
	s19 =	sadd.s32 s22, s19  }
0x10: {  	s22 =	sadd.s32 s22, s23;
	s23 =	simm.s32 $0x1;
	s14 =	sshrl.u32 s14, $0x3  }
0x11: {  	s24 =	sshrl.u32 s13, $0x3;
	s15 =	sshrl.u32 s15, $0x3;
	s16 =	sshrl.u32 s16, $0x3  }
0x12: {  	s17 =	sshrl.u32 s17, $0x3;
	s18 =	sshrl.u32 s18, $0x3;
	s19 =	sshrl.u32 s19, $0x3  }
0x13: {  	s22 =	sshrl.u32 s22, $0x3;
	s21 =	smax.u32 s21, $0x1;
	s5 =	sadd.s32 s5, s4  }
0x14: {  	s13 =	sadd.s32 s20, s14;
	s14 =	sadd.s32 s20, s24;
	s15 =	sadd.s32 s20, s15  }
0x15: {  	s16 =	sadd.s32 s20, s16;
	s17 =	sadd.s32 s20, s17;
	s18 =	sadd.s32 s20, s18  }
0x16: {  	s19 =	sadd.s32 s20, s19;
	s20 =	sadd.s32 s20, s22;
	s22 =	simm.s32 $0x14000  }
0x17: {  	v0 =	vimm.f32 $1.000000000e+00;
	v1 =	vimm.f32 $0.0e+00;
	s24 =	simm.s32 $0x18F80;
	s4 =	sadd.s32 $0x2C00, s5;
	s5 =	sadd.s32 s31, s2  }
.LBB2_1:
0x18: {  	[tilespmem:s22], [sflag:$0x1] =	stream.linear.gather [hbm4b:s4+s3], $0x2710, $0x38;
	[tilespmem:$0x1B780] =	vst v63  }
0x19: {  	_ =	swait.ge [sflag:s23], $0x2710  }
0x1a: {  	[sflag:s23] =	ssyncset.done $0x0  }
0x1b: {  	s29 =	simm.s32 $0x0;
	s30 =	simm.s32 $0x200;
	[sflag:s23] =	ssyncadd.s32 $0xFFFFD8F0  }
.LBB2_2:
0x1c: {  	p0 =	sne.s32 s30, $0x9E00;
	[tilespmem:s29+$0x167F0] =	vst v0  }
0x1d: {  	[tilespmem:s29+$0x16780] =	vst v0  }
0x1e: {  	[tilespmem:s29+$0x16790] =	vst v0  }
.Ltmp0:
0x1f: {  	[tilespmem:s29+$0x167A0] =	vst v0;
	(pc) =	sbr.rel @p0 .LBB2_2-.Ltmp0, $4  }
0x20: {  	[tilespmem:s29+$0x167B0] =	vst v0  }
0x21: {  	[tilespmem:s29+$0x167C0] =	vst v0  }
0x22: {  	[tilespmem:s29+$0x167D0] =	vst v0  }
0x23: {  	[tilespmem:s29+$0x167E0] =	vst v0;
	s29 =	sshra.s32 s30, $0x2;
	s30 =	sadd.s32 $0x200, s30  }
0x24: {  	[tilespmem:s29+$0x167F0] =	vst v0  }
0x25: {  	[tilespmem:s29+$0x16780] =	vst v0  }
0x26: {  	[tilespmem:s29+$0x16790] =	vst v0  }
0x27: {  	[tilespmem:s29+$0x167A0] =	vst v0  }
0x28: {  	[tilespmem:s29+$0x167B0] =	vst v0  }
0x29: {  	[tilespmem:s29+$0x167C0] =	vst v0  }
0x2a: {  	[tilespmem:s29+$0x167D0] =	vst v0  }
0x2b: {  	[tilespmem:s29+$0x167E0] =	vst v0;
	s29 =	simm.s32 $0x0;
	s30 =	simm.s32 $0x200  }
.LBB2_4:
0x2c: {  	p0 =	sne.s32 s30, $0x9E00;
	[tilespmem:s29+$0x18FF0] =	vst v1  }
0x2d: {  	[tilespmem:s29+$0x18F80] =	vst v1  }
0x2e: {  	[tilespmem:s29+$0x18F90] =	vst v1  }
.Ltmp1:
0x2f: {  	[tilespmem:s29+$0x18FA0] =	vst v1;
	(pc) =	sbr.rel @p0 .LBB2_4-.Ltmp1, $4  }
0x30: {  	[tilespmem:s29+$0x18FB0] =	vst v1  }
0x31: {  	[tilespmem:s29+$0x18FC0] =	vst v1  }
0x32: {  	[tilespmem:s29+$0x18FD0] =	vst v1  }
0x33: {  	[tilespmem:s29+$0x18FE0] =	vst v1;
	s29 =	sshra.s32 s30, $0x2;
	s30 =	sadd.s32 $0x200, s30  }
0x34: {  	[tilespmem:s29+$0x18FF0] =	vst v1  }
0x35: {  	[tilespmem:s29+$0x18F80] =	vst v1  }
0x36: {  	[tilespmem:s29+$0x18F90] =	vst v1  }
0x37: {  	[tilespmem:s29+$0x18FA0] =	vst v1  }
0x38: {  	[tilespmem:s29+$0x18FB0] =	vst v1  }
0x39: {  	[tilespmem:s29+$0x18FC0] =	vst v1  }
0x3a: {  	[tilespmem:s29+$0x18FD0] =	vst v1  }
0x3b: {  	[tilespmem:s29+$0x18FE0] =	vst v1  }
0x3c: {  	[spmem:s5] =	stream.linear.scatter [tilespmem:s24], [sflag:$0x1], $0x2800, $0x38;
	[tilespmem:$0x1B780] =	vst v63  }
0x3d: {  	_ =	swait.ge [sflag:s23], $0x2800  }
0x3e: {  	[sflag:s23] =	ssyncset.done $0x0  }
0x3f: {  	[sflag:s23] =	ssyncadd.s32 $0xFFFFD800  }
0x40: {  	[spmem:s6] =	stream.linear.scatter [tilespmem:s24], [sflag:$0x1], $0x2800, $0x38;
	[tilespmem:$0x1B780] =	vst v63  }
0x41: {  	_ =	swait.ge [sflag:s23], $0x2800  }
0x42: {  	[sflag:s23] =	ssyncset.done $0x0  }
0x43: {  	[sflag:s23] =	ssyncadd.s32 $0xFFFFD800  }
0x44: {  	[spmem:s7] =	stream.linear.scatter [tilespmem:s24], [sflag:$0x1], $0x2800, $0x38;
	[tilespmem:$0x1B780] =	vst v63  }
0x45: {  	_ =	swait.ge [sflag:s23], $0x2800  }
0x46: {  	[sflag:s23] =	ssyncset.done $0x0  }
0x47: {  	[sflag:s23] =	ssyncadd.s32 $0xFFFFD800  }
0x48: {  	[spmem:s8] =	stream.linear.scatter [tilespmem:s24], [sflag:$0x1], $0x2800, $0x38;
	[tilespmem:$0x1B780] =	vst v63  }
0x49: {  	_ =	swait.ge [sflag:s23], $0x2800  }
0x4a: {  	[sflag:s23] =	ssyncset.done $0x0  }
0x4b: {  	[sflag:s23] =	ssyncadd.s32 $0xFFFFD800  }
0x4c: {  	[spmem:s9] =	stream.linear.scatter [tilespmem:s24], [sflag:$0x1], $0x2800, $0x38;
	[tilespmem:$0x1B780] =	vst v63  }
0x4d: {  	_ =	swait.ge [sflag:s23], $0x2800  }
0x4e: {  	[sflag:s23] =	ssyncset.done $0x0  }
0x4f: {  	[sflag:s23] =	ssyncadd.s32 $0xFFFFD800  }
0x50: {  	[spmem:s10] =	stream.linear.scatter [tilespmem:s24], [sflag:$0x1], $0x2800, $0x38;
	[tilespmem:$0x1B780] =	vst v63  }
0x51: {  	_ =	swait.ge [sflag:s23], $0x2800  }
0x52: {  	[sflag:s23] =	ssyncset.done $0x0  }
0x53: {  	[sflag:s23] =	ssyncadd.s32 $0xFFFFD800  }
0x54: {  	[spmem:s11] =	stream.linear.scatter [tilespmem:s24], [sflag:$0x1], $0x2800, $0x38;
	[tilespmem:$0x1B780] =	vst v63  }
0x55: {  	_ =	swait.ge [sflag:s23], $0x2800  }
0x56: {  	[sflag:s23] =	ssyncset.done $0x0  }
0x57: {  	[sflag:s23] =	ssyncadd.s32 $0xFFFFD800  }
0x58: {  	[spmem:s12] =	stream.linear.scatter [tilespmem:s24], [sflag:$0x1], $0x2800, $0x38;
	[tilespmem:$0x1B780] =	vst v63  }
0x59: {  	_ =	swait.ge [sflag:s23], $0x2800  }
0x5a: {  	[sflag:s23] =	ssyncset.done $0x0  }
0x5b: {  	[sflag:s23] =	ssyncadd.s32 $0xFFFFD800  }
0x5c: {  	s29 =	simm.s32 $0x14000;
	[bflag:$0x0] =	sbarrier.arrive $0xFFFF  }
0x5d: {  	[spmem:s2] =	stream.indirect.scatter.add.f32 [tilespmem:s26], [sflag:$0x1], $0x80, s29, s25, $0xb8;
	[tilespmem:$0x1B780] =	vst v63  }
0x5e: {  	s29 =	simm.s32 $0x140;
	_ =	swait.ge [sflag:s23], $0x2800  }
.LBB2_6:
0x5f: {  	s30 =	sshra.s32 s29, $0x2;
	[sflag:s23] =	ssyncset.done $0x0;
	p0 =	sne.s32 s29, $0x9B00  }
.Ltmp2:
0x60: {  	s30 =	sadd.s32 $0x14000, s30;
	[sflag:s23] =	ssyncadd.s32 $0xFFFFD800;
	(pc) =	sbr.rel @p0 .LBB2_6-.Ltmp2, $3  }
0x61: {  	[spmem:s2] =	stream.indirect.scatter.add.f32 [tilespmem:s26], [sflag:$0x1], $0x80, s30, s25, $0xb8;
	[tilespmem:$0x1B780] =	vst v63  }
0x62: {  	s29 =	sadd.s32 $0x140, s29;
	_ =	sdelay $0x1  }
0x63: {  	_ =	swait.ge [sflag:s23], $0x2800  }
0x64: {  	[sflag:s23] =	ssyncset.done $0x0  }
0x65: {  	[sflag:s23] =	ssyncadd.s32 $0xFFFFD800  }
0x66: {  	[bflag:$0x0] =	sbarrier.arrive $0xFFFF  }
0x67: {  	[tilespmem:s24], [sflag:$0x1] =	stream.linear.gather [spmem:s5], $0x2800, $0x38;
	[tilespmem:$0x1B780] =	vst v63  }
0x68: {  	_ =	swait.ge [sflag:s23], $0x2800  }
0x69: {  	[sflag:s23] =	ssyncset.done $0x0  }
0x6a: {  	[sflag:s23] =	ssyncadd.s32 $0xFFFFD800  }
0x6b: {  	[hbm4b:s13+s3] =	stream.linear.scatter [tilespmem:s24], [sflag:$0x1], $0x2800, $0x38;
	[tilespmem:$0x1B780] =	vst v63  }
0x6c: {  	_ =	swait.ge [sflag:s23], $0x2800  }
0x6d: {  	[sflag:s23] =	ssyncset.done $0x0  }
0x6e: {  	[sflag:s23] =	ssyncadd.s32 $0xFFFFD800  }
0x6f: {  	[tilespmem:s24], [sflag:$0x1] =	stream.linear.gather [spmem:s6], $0x2800, $0x38;
	[tilespmem:$0x1B780] =	vst v63  }
0x70: {  	_ =	swait.ge [sflag:s23], $0x2800  }
0x71: {  	[sflag:s23] =	ssyncset.done $0x0  }
0x72: {  	[sflag:s23] =	ssyncadd.s32 $0xFFFFD800  }
0x73: {  	[hbm4b:s14+s3] =	stream.linear.scatter [tilespmem:s24], [sflag:$0x1], $0x2800, $0x38;
	[tilespmem:$0x1B780] =	vst v63  }
0x74: {  	_ =	swait.ge [sflag:s23], $0x2800  }
0x75: {  	[sflag:s23] =	ssyncset.done $0x0  }
0x76: {  	[sflag:s23] =	ssyncadd.s32 $0xFFFFD800  }
0x77: {  	[tilespmem:s24], [sflag:$0x1] =	stream.linear.gather [spmem:s7], $0x2800, $0x38;
	[tilespmem:$0x1B780] =	vst v63  }
0x78: {  	_ =	swait.ge [sflag:s23], $0x2800  }
0x79: {  	[sflag:s23] =	ssyncset.done $0x0  }
0x7a: {  	[sflag:s23] =	ssyncadd.s32 $0xFFFFD800  }
0x7b: {  	[hbm4b:s15+s3] =	stream.linear.scatter [tilespmem:s24], [sflag:$0x1], $0x2800, $0x38;
	[tilespmem:$0x1B780] =	vst v63  }
0x7c: {  	_ =	swait.ge [sflag:s23], $0x2800  }
0x7d: {  	[sflag:s23] =	ssyncset.done $0x0  }
0x7e: {  	[sflag:s23] =	ssyncadd.s32 $0xFFFFD800  }
0x7f: {  	[tilespmem:s24], [sflag:$0x1] =	stream.linear.gather [spmem:s8], $0x2800, $0x38;
	[tilespmem:$0x1B780] =	vst v63  }
0x80: {  	_ =	swait.ge [sflag:s23], $0x2800  }
0x81: {  	[sflag:s23] =	ssyncset.done $0x0  }
0x82: {  	[sflag:s23] =	ssyncadd.s32 $0xFFFFD800  }
0x83: {  	[hbm4b:s16+s3] =	stream.linear.scatter [tilespmem:s24], [sflag:$0x1], $0x2800, $0x38;
	[tilespmem:$0x1B780] =	vst v63  }
0x84: {  	_ =	swait.ge [sflag:s23], $0x2800  }
0x85: {  	[sflag:s23] =	ssyncset.done $0x0  }
0x86: {  	[sflag:s23] =	ssyncadd.s32 $0xFFFFD800  }
0x87: {  	[tilespmem:s24], [sflag:$0x1] =	stream.linear.gather [spmem:s9], $0x2800, $0x38;
	[tilespmem:$0x1B780] =	vst v63  }
0x88: {  	_ =	swait.ge [sflag:s23], $0x2800  }
0x89: {  	[sflag:s23] =	ssyncset.done $0x0  }
0x8a: {  	[sflag:s23] =	ssyncadd.s32 $0xFFFFD800  }
0x8b: {  	[hbm4b:s17+s3] =	stream.linear.scatter [tilespmem:s24], [sflag:$0x1], $0x2800, $0x38;
	[tilespmem:$0x1B780] =	vst v63  }
0x8c: {  	_ =	swait.ge [sflag:s23], $0x2800  }
0x8d: {  	[sflag:s23] =	ssyncset.done $0x0  }
0x8e: {  	[sflag:s23] =	ssyncadd.s32 $0xFFFFD800  }
0x8f: {  	[tilespmem:s24], [sflag:$0x1] =	stream.linear.gather [spmem:s10], $0x2800, $0x38;
	[tilespmem:$0x1B780] =	vst v63  }
0x90: {  	_ =	swait.ge [sflag:s23], $0x2800  }
0x91: {  	[sflag:s23] =	ssyncset.done $0x0  }
0x92: {  	[sflag:s23] =	ssyncadd.s32 $0xFFFFD800  }
0x93: {  	[hbm4b:s18+s3] =	stream.linear.scatter [tilespmem:s24], [sflag:$0x1], $0x2800, $0x38;
	[tilespmem:$0x1B780] =	vst v63  }
0x94: {  	_ =	swait.ge [sflag:s23], $0x2800  }
0x95: {  	[sflag:s23] =	ssyncset.done $0x0  }
0x96: {  	[sflag:s23] =	ssyncadd.s32 $0xFFFFD800  }
0x97: {  	[tilespmem:s24], [sflag:$0x1] =	stream.linear.gather [spmem:s11], $0x2800, $0x38;
	[tilespmem:$0x1B780] =	vst v63  }
0x98: {  	_ =	swait.ge [sflag:s23], $0x2800  }
0x99: {  	[sflag:s23] =	ssyncset.done $0x0  }
0x9a: {  	[sflag:s23] =	ssyncadd.s32 $0xFFFFD800  }
0x9b: {  	[hbm4b:s19+s3] =	stream.linear.scatter [tilespmem:s24], [sflag:$0x1], $0x2800, $0x38;
	[tilespmem:$0x1B780] =	vst v63  }
0x9c: {  	_ =	swait.ge [sflag:s23], $0x2800  }
0x9d: {  	[sflag:s23] =	ssyncset.done $0x0  }
0x9e: {  	[sflag:s23] =	ssyncadd.s32 $0xFFFFD800  }
0x9f: {  	[tilespmem:s24], [sflag:$0x1] =	stream.linear.gather [spmem:s12], $0x2800, $0x38;
	[tilespmem:$0x1B780] =	vst v63  }
0xa0: {  	s28 =	sadd.s32 $0x1, s28;
	_ =	swait.ge [sflag:s23], $0x2800  }
0xa1: {  	p0 =	sne.s32 s28, s21;
	[sflag:s23] =	ssyncset.done $0x0  }
.Ltmp3:
0xa2: {  	[sflag:s23] =	ssyncadd.s32 $0xFFFFD800;
	(pc) =	sbr.rel @p0 .LBB2_1-.Ltmp3, $4  }
0xa3: {  	[hbm4b:s20+s3] =	stream.linear.scatter [tilespmem:s24], [sflag:$0x1], $0x2800, $0x38;
	[tilespmem:$0x1B780] =	vst v63  }
0xa4: {  	_ =	swait.ge [sflag:s23], $0x2800  }
0xa5: {  	[sflag:s23] =	ssyncset.done $0x0  }
0xa6: {  	[sflag:s23] =	ssyncadd.s32 $0xFFFFD800  }
0xa7: {  	_ =	sfence.sel $0x180000  }
0xa8: {  	[bflag:$0x0] =	sbarrier.arrive $0xFFFF  }
0xa9: {  	p0 =	sne.s32 s1, $0x0;
	_ =	strace $0x9000004A  }
0xaa: {  	s0 =	sadd.s32 @!p0 $0x100000, s0;
	[bflag:$0x2] =	sbarrier.arrive $0xFFFF  }
0xab: {  	[sflag:s0] =	ssyncadd.tile.s32 @!p0 $0x1;
	_ =	shalt  }
.Lfunc_end2:
_tile_overlayer_lowered:
.L_overlay_start_2:
0xac: {  	(tag) =	ssettag $0x2  }
0xad: {  	s0 =	rddreg [dreg:$0x0];
	s2 =	stileid.u32  }
0xae: {  	s1 =	rddreg [dreg:$0x1];
	p0 =	sne.s32 s2, $0x0  }
0xaf: {  	s3 =	rddreg [dreg:$0x2];
	[bflag:$0x3] =	sbarrier.arrive $0xFFFF;
	s2 =	simm.s32 @!p0 $0x1C01  }
0xb0: {  	[timem:s3], [sflag:s2] =	dma.local @!p0 [hbm:s0], s1  }
0xb1: {  	s0 =	simm.s32 @!p0 $0x1  }
0xb2: {  	_ =	swait.ge @!p0 [sflag:s0], s1  }
0xb3: {  	s1 =	ssub.s32 @!p0 $0x0, s1;
	[sflag:s0] =	ssyncset.done @!p0 $0x0  }
0xb4: {  	[sflag:s0] =	ssyncadd.s32 @!p0 s1  }
0xb5: {  	[bflag:$0x3] =	sbarrier.arrive $0xFFFF  }
0xb6: {  	_ =	shalt  }

// kernel: kernel.13.cloned.1.call-start
scs
__scs_entry_jumppad:
0x0: {  	(pc) =	sbr.rel $0x88, $3  }
0x1: {  	(tag) =	ssettag $0x0;
	lr =	simm.s32 $0x1  }
0x2: {  	[smem:$0x3F95] =	sst lr;
	_ =	strace $0xD0000000  }
0x3: {  	_ = 	snop  }
0x4: {  	_ = 	snop  }
0x5: {  	_ = 	snop  }
0x6: {  	_ = 	snop  }
0x7: {  	_ = 	snop  }
__scs_overlays_trampoline_lowered:
0x8: {  	[smem:$0x3FA4] =	sst s0  }
0x9: {  	[smem:$0x3FA5] =	sst s1  }
0xa: {  	[smem:$0x3FA6] =	sst s2  }
0xb: {  	[smem:$0x3FA7] =	sst s3  }
0xc: {  	[smem:$0x3FA8] =	sst s4  }
0xd: {  	[smem:$0x3FA9] =	sst s5  }
0xe: {  	[smem:$0x3FAA] =	sst s6  }
0xf: {  	[smem:$0x3FAB] =	sst s7  }
0x10: {  	[smem:$0x3FAC] =	sst s8  }
0x11: {  	[smem:$0x3FAD] =	sst s9;
	s0 =	simm.s32 @!p0 $0x0  }
0x12: {  	s1 =	sld [smem:$0x3F93];
	s0 =	simm.s32 @p0 $0x1  }
0x13: {  	[smem:$0x3FAE] =	sst s0;
	s0 =	simm.s32 @!p1 $0x0  }
0x14: {  	s2 =	sld [smem:$0x3F92];
	s0 =	simm.s32 @p1 $0x1  }
0x15: {  	[smem:$0x3FAF] =	sst s0;
	s0 =	simm.s32 @!p2 $0x0  }
0x16: {  	s3 =	sld [smem:$0x3FDB];
	s0 =	simm.s32 @p2 $0x1  }
0x17: {  	s4 =	simm.s32 $0x1BF5;
	[smem:$0x3FB1] =	sst s0  }
0x18: {  	s0 =	sld [smem:$0x3F94];
	_ =	swait.ge [sflag:s4], $0x0  }
0x19: {  	s7 =	sld [smem:$0x3F95]  }
0x1a: {  	s8 =	sadd.s32 $0xFFFFE003, lr  }
0x1b: {  	s9 =	sadd.s32 $0xFFFFFEF7, lr;
	s5 =	simm.s32 $0xFFFFFFFF;
	p2 =	slt.u32 s8, $0xFFFFF086  }
0x1c: {  	p1 =	slt.u32 s9, $0xF7A;
	s5 =	simm.s32 @!p2 $0x0  }
0x1d: {  	s5 =	simm.s32 @p1 $0x1;
	p0 =	seq.s32 s7, s2  }
0x1e: {  	s7 =	smul.u32 @!p0 $0xF7A, s2;
	p2 =	seq.s32 @!p0 s5, $0x0  }
0x1f: {  	s9 =	smul.u32 $0xF7A, s1;
	s8 =	simm.s32 @!p0 $0x1BF5;
	p2 =	por !p2, p0  }
0x20: {  	[sflag:s8] =	ssyncset.s32 @!p0 $0xFFFFF086;
	s6 =	sadd.s32 @!p0 s3, s7;
	s7 =	simm.s32 @!p0 $0x108  }
0x21: {  	s3 =	sadd.s32 s3, s9;
	s6 =	sadd.s32 @!p0 $0x88, s6;
	s7 =	simm.s32 @p2 $0x1082  }
0x22: {  	[simem:s7], [sflag:s8] =	dma.local @!p0 [hbm:s6], $0xF7A  }
0x23: {  	s9 =	sor.u32 $0xD0000000, s2;
	s6 =	simm.s32 $0x108;
	_ =	swait.ge @!p0 [sflag:s8], $0x0  }
0x24: {  	s3 =	sadd.s32 $0x88, s3;
	s6 =	simm.s32 @!p1 $0x1082;
	[sflag:s4] =	ssyncset.s32 $0xFFFFF086  }
0x25: {  	[simem:s6], [sflag:s4] =	dma.local [hbm:s3], $0xF7A  }
0x26: {  	[smem:$0x3F95] =	sst s1;
	(tag) =	ssettag s2;
	_ =	strace s9  }
0x27: {  	s1 =	sld [smem:$0x3FA5]  }
0x28: {  	s2 =	sld [smem:$0x3FA6]  }
0x29: {  	s4 =	sld [smem:$0x3FA8]  }
0x2a: {  	p0 =	seq.s32 s5, $0x0;
	s5 =	sld [smem:$0x3FA9]  }
0x2b: {  	s6 =	sld [smem:$0x3FAA]  }
0x2c: {  	s7 =	sld [smem:$0x3FAB]  }
0x2d: {  	s3 =	simm.s32 $0x108;
	s8 =	sld [smem:$0x3FAC]  }
0x2e: {  	s3 =	simm.s32 @!p0 $0x1082;
	s9 =	sld [smem:$0x3FAD]  }
0x2f: {  	lr =	sadd.s32 s0, s3;
	s0 =	sld [smem:$0x3FA4]  }
0x30: {  	s3 =	sld [smem:$0x3FA7]  }
0x31: {  	[smem:$0x3FB0] =	sst s10  }
0x32: {  	s10 =	sld [smem:$0x3FAE];
	_ =	sdelay $0x3  }
0x33: {  	p0 =	seq.s32 s10, $0x1;
	s10 =	sld [smem:$0x3FB0];
	_ =	sdelay $0x3  }
0x34: {  	[smem:$0x3FB0] =	sst s10  }
0x35: {  	s10 =	sld [smem:$0x3FAF];
	_ =	sdelay $0x3  }
0x36: {  	p1 =	seq.s32 s10, $0x1;
	s10 =	sld [smem:$0x3FB0];
	_ =	sdelay $0x3  }
0x37: {  	[smem:$0x3FB0] =	sst s10  }
0x38: {  	s10 =	sld [smem:$0x3FB1]  }
0x39: {  	_ = 	snop;
	(pc) =	sbr.ind lr, $3  }
0x3a: {  	_ = 	snop  }
0x3b: {  	_ = 	snop  }
0x3c: {  	p2 =	seq.s32 s10, $0x1;
	s10 =	sld [smem:$0x3FB0]  }
0x3d: {  	_ =	shalt  }
0x3e: {  	_ =	shalt  }
0x3f: {  	_ =	shalt  }
0x40: {  	_ =	shalt  }
0x41: {  	_ =	shalt  }
0x42: {  	_ =	shalt  }
0x43: {  	_ =	shalt  }
0x44: {  	_ =	shalt  }
0x45: {  	_ =	shalt  }
0x46: {  	_ =	shalt  }
0x47: {  	_ =	shalt  }
0x48: {  	_ =	shalt  }
0x49: {  	_ =	shalt  }
0x4a: {  	_ =	shalt  }
0x4b: {  	_ =	shalt  }
0x4c: {  	_ =	shalt  }
0x4d: {  	_ =	shalt  }
0x4e: {  	_ =	shalt  }
0x4f: {  	_ =	shalt  }
0x50: {  	_ =	shalt  }
0x51: {  	_ =	shalt  }
0x52: {  	_ =	shalt  }
0x53: {  	_ =	shalt  }
0x54: {  	_ =	shalt  }
0x55: {  	_ =	shalt  }
0x56: {  	_ =	shalt  }
0x57: {  	_ =	shalt  }
0x58: {  	_ =	shalt  }
0x59: {  	_ =	shalt  }
0x5a: {  	_ =	shalt  }
0x5b: {  	_ =	shalt  }
0x5c: {  	_ =	shalt  }
0x5d: {  	_ =	shalt  }
0x5e: {  	_ =	shalt  }
0x5f: {  	_ =	shalt  }
0x60: {  	_ =	shalt  }
0x61: {  	_ =	shalt  }
0x62: {  	_ =	shalt  }
0x63: {  	_ =	shalt  }
0x64: {  	_ =	shalt  }
0x65: {  	_ =	shalt  }
0x66: {  	_ =	shalt  }
0x67: {  	_ =	shalt  }
0x68: {  	_ =	shalt  }
0x69: {  	_ =	shalt  }
0x6a: {  	_ =	shalt  }
0x6b: {  	_ =	shalt  }
0x6c: {  	_ =	shalt  }
0x6d: {  	_ =	shalt  }
0x6e: {  	_ =	shalt  }
0x6f: {  	_ =	shalt  }
0x70: {  	_ =	shalt  }
0x71: {  	_ =	shalt  }
0x72: {  	_ =	shalt  }
0x73: {  	_ =	shalt  }
0x74: {  	_ =	shalt  }
0x75: {  	_ =	shalt  }
0x76: {  	_ =	shalt  }
0x77: {  	_ =	shalt  }
0x78: {  	_ =	shalt  }
0x79: {  	_ =	shalt  }
0x7a: {  	_ =	shalt  }
0x7b: {  	_ =	shalt  }
0x7c: {  	_ =	shalt  }
0x7d: {  	_ =	shalt  }
0x7e: {  	_ =	shalt  }
0x7f: {  	_ =	shalt  }
0x80: {  	_ =	shalt  }
0x81: {  	_ =	shalt  }
0x82: {  	_ =	shalt  }
0x83: {  	_ =	shalt  }
0x84: {  	_ =	shalt  }
0x85: {  	_ =	shalt  }
0x86: {  	_ =	shalt  }
0x87: {  	_ =	shalt  }
.Lfunc_end0:
.L_simem_size_0:
called_computation.1_lowered:
.L_overlay_start_0:
0x88: {  	s2 =	sld [smem:$0x3FD9]  }
0x89: {  	s3 =	sld [smem:$0x3FFE];
	_ =	sdelay $0x1  }
0x8a: {  	s1 =	srdreg.scid  }
0x8b: {  	s0 =	sand.u32 $0x1, s1  }
0x8c: {  	s17 =	sshll.u32 s0, $0xA;
	s2 =	sadd.s32 s3, s2  }
0x8d: {  	s2 =	sadd.s32 s2, s17  }
0x8e: {  	[smem:$0x3FBC] =	sst s2  }
0x8f: {  	_ = 	snop  }
0x90: {  	s2 =	sld [smem:$0x3FD0];
	(tm) =	ssettm $0x1  }
0x91: {  	s18 =	sld [smem:$0x3FFB];
	_ =	sdelay $0x3  }
0x92: {  	_ =	strace s18  }
0x93: {  	s3 =	sld [smem:$0x3FFC];
	_ =	sdelay $0x3  }
0x94: {  	_ =	strace s3  }
0x95: {  	s3 =	sld [smem:$0x3FFD];
	_ =	sdelay $0x3  }
0x96: {  	_ =	strace s3  }
0x97: {  	_ =	strace $0x8FFFFFFF  }
0x98: {  	s19 =	sld [smem:$0x3FDB];
	_ =	sdelay $0x1  }
0x99: {  	s4 =	simm.s32 $_scs_section_size  }
0x9a: {  	s5 =	simm.s32 $_size__tile_overlayer_lowered;
	s6 =	simm.s32 $_tile_overlayer_lowered  }
0x9b: {  	s22 =	simm.s32 $0x1BFF;
	s21 =	sshll.u32 s6, $0x1;
	s3 =	sadd.s32 s4, s19  }
0x9c: {  	s7 =	simm.s32 $0x0;
	s20 =	sshll.u32 s5, $0x1;
	s5 =	sadd.s32 s21, s3  }
0x9d: {  	[timem:s7], [sflag:s22] =	dma.local [hbm:s5], s20  }
0x9e: {  	_ =	swait.ge [sflag:s22], s20  }
0x9f: {  	s4 =	ssub.s32 $0x0, s20;
	[sflag:s22] =	ssyncset.done $0x0  }
0xa0: {  	[sflag:s22] =	ssyncadd.s32 s4;
	_ =	sdelay $0x1  }
0xa1: {  	s23 =	simm.s32 $0x1B8B  }
0xa2: {  	_ =	swait.ge [sflag:s23], $0x1  }
0xa3: {  	[sflag:s23] =	ssyncset.done $0x0  }
0xa4: {  	s25 =	simm.s32 $0x1B8E;
	s24 =	sld [smem:$0x3FFE];
	[sflag:s23] =	ssyncadd.s32 $0xFFFFFFFF  }
0xa5: {  	s26 =	simm.s32 $execute0_lowered;
	[smem:$0x3FD2] =	sst s25  }
0xa6: {  	s5 =	sshll.u32 s26, $0x1;
	_ =	strace $0x80000046;
	[dreg:$0x1] =	wrdreg $0xFFFFFFFF  }
0xa7: {  	s28 =	simm.s32 $_size_execute0_lowered;
	s3 =	sadd.s32 s3, s5;
	[dreg:$0x0] =	wrdreg $0x0  }
0xa8: {  	s5 =	sshll.u32 s28, $0x1;
	[dreg:$0x2] =	wrdreg s3  }
0xa9: {  	[dreg:$0x3] =	wrdreg s5  }
0xaa: {  	[dreg:$0x4] =	wrdreg $0xC0  }
0xab: {  	_ =	task [dreg:s7], $0x5FFFF  }
0xac: {  	[dreg:$0x1] =	wrdreg $0xFFFFFFFF  }
0xad: {  	[dreg:$0x0] =	wrdreg $0x60  }
0xae: {  	[dreg:$0x2] =	wrdreg s2  }
0xaf: {  	[dreg:$0x3] =	wrdreg s24  }
0xb0: {  	[dreg:$0x4] =	wrdreg $0x0  }
0xb1: {  	[dreg:$0x5] =	wrdreg $0xA  }
0xb2: {  	_ =	task.clear_ibuf [dreg:s7], $0x6FFFF;
	_ =	strace $0x90000046  }
0xb3: {  	s29 =	simm.s32 $0xA;
	_ =	strace $0x80000048  }
0xb4: {  	_ =	swait.ge [sflag:s29], $0x1  }
0xb5: {  	[sflag:s29] =	ssyncadd.s32 $0xFFFFFFFF  }
0xb6: {  	_ =	strace $0x90000048  }
0xb7: {  	_ =	sfence  }
0xb8: {  	s30 =	sld [smem:$0x0];
	_ =	sdelay $0x2  }
0xb9: {  	s31 =	sshll.u32 s1, $0xD;
	s1 =	sshrl.u32 s1, $0x2  }
0xba: {  	s3 =	sand.u32 $0x4000, s31;
	s1 =	sadd.s32 s1, s30  }
0xbb: {  	s0 =	sor.u32 s3, s0;
	s1 =	sshll.u32 s1, $0x11  }
0xbc: {  	s0 =	sor.u32 s1, s0  }
0xbd: {  	s0 =	sadd.s32 $0x8F2B, s0  }
0xbe: {  	[sflag:s0] =	ssyncadd.remote.s32 $0x1  }
0xbf: {  	_ =	sfence.sel $0xFFFF  }
0xc0: {  	[dreg:$0x0] =	wrdreg $0xFFFFFFFF;
	(pc) =	sbr.abs _section_cstart, $3  }
0xc1: {  	[dreg:$0x1] =	wrdreg $0xFFFFFFFF  }
0xc2: {  	_ =	task.clear_ibuf [dreg:s7], $0x2FFFF;
	_ =	strace $0x9FFFFFFF  }
0xc3: {  	(tm) =	ssettm $0x7FFFFFFF  }
tec
execute0_lowered:
.L_overlay_start_1:
0x0: {  	(tag) =	ssettag $0x1  }
0x1: {  	s0 =	rddreg [dreg:$0x0]  }
0x2: {  	s1 =	srdreg.scid;
	s2 =	rddreg [dreg:$0x1]  }
0x3: {  	s3 =	rddreg [dreg:$0x2];
	s9 =	stileid.u32;
	s4 =	simm.s32 $0x0  }
0x4: {  	s28 =	simm.s32 $0x18F00;
	s29 =	simm.s32 $0x50;
	s30 =	simm.s32 $0x1B700  }
0x5: {  	s31 =	simm.s32 $0x1;
	s1 =	sand.u32 $0x1, s1;
	s8 =	smul.u32 $0x50000, s9  }
0x6: {  	[smem:$0x7FF] =	sst s4;
	s14 =	smul.u32 $0x14000, s9;
	s5 =	sshll.u32 s1, $0x4  }
0x7: {  	_ =	strace $0x80000047;
	s6 =	ssub.s32 $0x2, s1;
	s1 =	smul.u32 $0x140000, s1  }
0x8: {  	s5 =	sor.u32 s9, s5;
	s7 =	sshrl.u32 s6, $0x1;
	s26 =	sshrl.u32 s8, $0x2  }
0x9: {  	s17 =	sadd.s32 $0x5000, s14;
	s18 =	sadd.s32 $0x7800, s14;
	s19 =	sadd.s32 $0xA000, s14  }
0xa: {  	s20 =	sadd.s32 $0xC800, s14;
	s21 =	sadd.s32 $0xF000, s14;
	s22 =	sadd.s32 $0x11800, s14  }
0xb: {  	s5 =	smul.u32 $0x4E2, s5;
	s23 =	ssub.s32 s6, s7;
	s7 =	sadd.s32 s26, s3  }
0xc: {  	s6 =	sor.u32 $0x2800, s14;
	s9 =	sadd.s32 s17, s3;
	s10 =	sadd.s32 s18, s3  }
0xd: {  	s11 =	sadd.s32 s19, s3;
	s12 =	sadd.s32 s20, s3;
	s13 =	sadd.s32 s21, s3  }
0xe: {  	s15 =	sadd.s32 s14, s1;
	s14 =	sadd.s32 s22, s3;
	s17 =	sadd.s32 s1, s17  }
0xf: {  	s18 =	sadd.s32 s1, s18;
	s19 =	sadd.s32 s1, s19;
	s26 =	sadd.s32 s1, s21  }
0x10: {  	s8 =	sadd.s32 s6, s3;
	s15 =	sshrl.u32 s15, $0x3;
	s18 =	sshrl.u32 s18, $0x3  }
0x11: {  	s24 =	sshrl.u32 s19, $0x3;
	s21 =	sshrl.u32 s26, $0x3;
	s23 =	smax.u32 s23, $0x1  }
0x12: {  	s26 =	simm.s32 $0x0;
	s5 =	sadd.s32 s5, s2;
	s2 =	sadd.s32 $0x16800, s2  }
0x13: {  	s25 =	sadd.s32 $0xCA00, s5;
	s5 =	sadd.s32 $0x2C00, s5;
	s16 =	sadd.s32 s2, s15  }
0x14: {  	s18 =	sadd.s32 s2, s18;
	s19 =	sadd.s32 s2, s24;
	[dreg:$0x4] =	wrdreg s25  }
0x15: {  	s21 =	sadd.s32 s2, s21;
	[dreg:$0x5] =	wrdreg s5;
	s5 =	sadd.s32 s1, s6  }
0x16: {  	s24 =	simm.s32 $0x14000;
	[dreg:$0x6] =	wrdreg s16;
	s5 =	sshrl.u32 s5, $0x3  }
0x17: {  	s25 =	sadd.s32 s1, s20;
	s1 =	sadd.s32 s1, s22;
	s5 =	sadd.s32 s2, s5  }
0x18: {  	s1 =	sshrl.u32 s1, $0x3;
	[dreg:$0x7] =	wrdreg s5;
	s5 =	sshrl.u32 s17, $0x3  }
0x19: {  	s22 =	sadd.s32 s2, s1;
	s17 =	sadd.s32 s2, s5;
	s5 =	sshrl.u32 s25, $0x3  }
0x1a: {  	v0 =	vimm.f32 $0.0e+00;
	s1 =	simm.s32 $0x2;
	s25 =	simm.s32 $0x3;
	s20 =	sadd.s32 s2, s5  }
.LBB2_1:
0x1b: {  	s2 =	rddreg [dreg:$0x4]  }
0x1c: {  	[tilespmem:s24], [sflag:$0x3] =	stream.linear.gather [hbm4b:s2+s4], $0x2710, $0x38;
	[tilespmem:$0x1DF00] =	vst v63  }
0x1d: {  	_ =	swait.ge [sflag:s25], $0x2710  }
0x1e: {  	[sflag:s25] =	ssyncset.done $0x0  }
0x1f: {  	s5 =	simm.s32 $0x16780;
	s16 =	rddreg [dreg:$0x5];
	[sflag:s25] =	ssyncadd.s32 $0xFFFFD8F0  }
0x20: {  	[tilespmem:s5], [sflag:$0x3] =	stream.linear.gather [hbm4b:s16+s4], $0x2710, $0x38;
	[tilespmem:$0x1DF00] =	vst v63  }
0x21: {  	_ =	swait.ge [sflag:s25], $0x2710  }
0x22: {  	[sflag:s25] =	ssyncset.done $0x0  }
0x23: {  	s2 =	simm.s32 $0x0;
	s5 =	simm.s32 $0x200;
	[sflag:s25] =	ssyncadd.s32 $0xFFFFD8F0  }
.LBB2_2:
0x24: {  	p0 =	sne.s32 s5, $0x9E00;
	[tilespmem:s2+$0x18F70] =	vst v0  }
0x25: {  	[tilespmem:s2+$0x18F00] =	vst v0  }
0x26: {  	[tilespmem:s2+$0x18F10] =	vst v0  }
.Ltmp0:
0x27: {  	[tilespmem:s2+$0x18F20] =	vst v0;
	(pc) =	sbr.rel @p0 .LBB2_2-.Ltmp0, $4  }
0x28: {  	[tilespmem:s2+$0x18F30] =	vst v0  }
0x29: {  	[tilespmem:s2+$0x18F40] =	vst v0  }
0x2a: {  	[tilespmem:s2+$0x18F50] =	vst v0  }
0x2b: {  	[tilespmem:s2+$0x18F60] =	vst v0;
	s2 =	sshra.s32 s5, $0x2;
	s5 =	sadd.s32 $0x200, s5  }
0x2c: {  	[tilespmem:s2+$0x18F70] =	vst v0  }
0x2d: {  	[tilespmem:s2+$0x18F00] =	vst v0  }
0x2e: {  	[tilespmem:s2+$0x18F10] =	vst v0  }
0x2f: {  	[tilespmem:s2+$0x18F20] =	vst v0  }
0x30: {  	[tilespmem:s2+$0x18F30] =	vst v0  }
0x31: {  	[tilespmem:s2+$0x18F40] =	vst v0  }
0x32: {  	[tilespmem:s2+$0x18F50] =	vst v0  }
0x33: {  	[tilespmem:s2+$0x18F60] =	vst v0  }
0x34: {  	[spmem:s7] =	stream.linear.scatter [tilespmem:s28], [sflag:$0x3], $0x2800, $0x38;
	[tilespmem:$0x1DF00] =	vst v63  }
0x35: {  	_ =	swait.ge [sflag:s25], $0x2800  }
0x36: {  	[sflag:s25] =	ssyncset.done $0x0  }
0x37: {  	[sflag:s25] =	ssyncadd.s32 $0xFFFFD800  }
0x38: {  	[spmem:s8] =	stream.linear.scatter [tilespmem:s28], [sflag:$0x3], $0x2800, $0x38;
	[tilespmem:$0x1DF00] =	vst v63  }
0x39: {  	_ =	swait.ge [sflag:s25], $0x2800  }
0x3a: {  	[sflag:s25] =	ssyncset.done $0x0  }
0x3b: {  	[sflag:s25] =	ssyncadd.s32 $0xFFFFD800  }
0x3c: {  	[spmem:s9] =	stream.linear.scatter [tilespmem:s28], [sflag:$0x3], $0x2800, $0x38;
	[tilespmem:$0x1DF00] =	vst v63  }
0x3d: {  	_ =	swait.ge [sflag:s25], $0x2800  }
0x3e: {  	[sflag:s25] =	ssyncset.done $0x0  }
0x3f: {  	[sflag:s25] =	ssyncadd.s32 $0xFFFFD800  }
0x40: {  	[spmem:s10] =	stream.linear.scatter [tilespmem:s28], [sflag:$0x3], $0x2800, $0x38;
	[tilespmem:$0x1DF00] =	vst v63  }
0x41: {  	_ =	swait.ge [sflag:s25], $0x2800  }
0x42: {  	[sflag:s25] =	ssyncset.done $0x0  }
0x43: {  	[sflag:s25] =	ssyncadd.s32 $0xFFFFD800  }
0x44: {  	[spmem:s11] =	stream.linear.scatter [tilespmem:s28], [sflag:$0x3], $0x2800, $0x38;
	[tilespmem:$0x1DF00] =	vst v63  }
0x45: {  	_ =	swait.ge [sflag:s25], $0x2800  }
0x46: {  	[sflag:s25] =	ssyncset.done $0x0  }
0x47: {  	[sflag:s25] =	ssyncadd.s32 $0xFFFFD800  }
0x48: {  	[spmem:s12] =	stream.linear.scatter [tilespmem:s28], [sflag:$0x3], $0x2800, $0x38;
	[tilespmem:$0x1DF00] =	vst v63  }
0x49: {  	_ =	swait.ge [sflag:s25], $0x2800  }
0x4a: {  	[sflag:s25] =	ssyncset.done $0x0  }
0x4b: {  	[sflag:s25] =	ssyncadd.s32 $0xFFFFD800  }
0x4c: {  	[spmem:s13] =	stream.linear.scatter [tilespmem:s28], [sflag:$0x3], $0x2800, $0x38;
	[tilespmem:$0x1DF00] =	vst v63  }
0x4d: {  	_ =	swait.ge [sflag:s25], $0x2800  }
0x4e: {  	[sflag:s25] =	ssyncset.done $0x0  }
0x4f: {  	[sflag:s25] =	ssyncadd.s32 $0xFFFFD800  }
0x50: {  	[spmem:s14] =	stream.linear.scatter [tilespmem:s28], [sflag:$0x3], $0x2800, $0x38;
	[tilespmem:$0x1DF00] =	vst v63  }
0x51: {  	_ =	swait.ge [sflag:s25], $0x2800  }
0x52: {  	[sflag:s25] =	ssyncset.done $0x0  }
0x53: {  	[sflag:s25] =	ssyncadd.s32 $0xFFFFD800  }
0x54: {  	[bflag:$0x0] =	sbarrier.arrive $0xFFFF  }
0x55: {  	[tilespmem:s28], [sflag:$0x1] =	stream.indirect.gather [hbm4b:s0+s29], $0x80, s24, s29, $0xb8;
	[tilespmem:$0x1DF00] =	vst v63  }
0x56: {  	s5 =	simm.s32 $0x14050  }
0x57: {  	[tilespmem:s30], [sflag:$0x2] =	stream.indirect.gather [hbm4b:s0+s29], $0x80, s5, s29, $0xb8;
	[tilespmem:$0x1DF00] =	vst v63  }
0x58: {  	_ =	swait.ge [sflag:s31], $0x2800  }
0x59: {  	[sflag:s31] =	ssyncset.done $0x0  }
0x5a: {  	s6 =	simm.s32 $0x16780;
	[sflag:s31] =	ssyncadd.s32 $0xFFFFD800  }
0x5b: {  	[spmem:s3] =	stream.indirect.scatter.add.f32 [tilespmem:s28], [sflag:$0x3], $0x80, s6, s29, $0xb8;
	[tilespmem:$0x1DF00] =	vst v63  }
0x5c: {  	_ =	swait.ge [sflag:s25], $0x2800  }
0x5d: {  	[sflag:s25] =	ssyncset.done $0x0  }
0x5e: {  	s15 =	simm.s32 $0x140A0;
	[sflag:s25] =	ssyncadd.s32 $0xFFFFD800  }
0x5f: {  	[tilespmem:s28], [sflag:$0x1] =	stream.indirect.gather [hbm4b:s0+s29], $0x80, s15, s29, $0xb8;
	[tilespmem:$0x1DF00] =	vst v63  }
0x60: {  	_ =	swait.ge [sflag:s1], $0x2800  }
0x61: {  	[sflag:s1] =	ssyncset.done $0x0  }
0x62: {  	s16 =	simm.s32 $0x167D0;
	[sflag:s1] =	ssyncadd.s32 $0xFFFFD800  }
0x63: {  	[spmem:s3] =	stream.indirect.scatter.add.f32 [tilespmem:s30], [sflag:$0x3], $0x80, s16, s29, $0xb8;
	[tilespmem:$0x1DF00] =	vst v63  }
0x64: {  	_ =	swait.ge [sflag:s25], $0x2800  }
0x65: {  	s2 =	simm.s32 $0xA0;
	s5 =	simm.s32 $0x500;
	[sflag:s25] =	ssyncset.done $0x0  }
.LBB2_4:
0x66: {  	s6 =	sadd.s32 $0x14050, s2  }
0x67: {  	[sflag:s25] =	ssyncadd.s32 $0xFFFFD800;
	s15 =	smov.u32 s5;
	s16 =	sadd.s32 $0x280, s5  }
0x68: {  	[tilespmem:s30], [sflag:$0x2] =	stream.indirect.gather [hbm4b:s0+s29], $0x80, s6, s29, $0xb8;
	[tilespmem:$0x1DF00] =	vst v63  }
0x69: {  	p0 =	sne.s32 s5, $0x9880;
	_ =	swait.ge [sflag:s31], $0x2800  }
0x6a: {  	[sflag:s31] =	ssyncset.done $0x0  }
0x6b: {  	s5 =	sadd.s32 $0x16780, s2;
	[sflag:s31] =	ssyncadd.s32 $0xFFFFD800  }
0x6c: {  	[spmem:s3] =	stream.indirect.scatter.add.f32 [tilespmem:s28], [sflag:$0x3], $0x80, s5, s29, $0xb8;
	[tilespmem:$0x1DF00] =	vst v63  }
0x6d: {  	_ =	swait.ge [sflag:s25], $0x2800  }
0x6e: {  	[sflag:s25] =	ssyncset.done $0x0  }
0x6f: {  	s5 =	sadd.s32 $0x140A0, s2;
	[sflag:s25] =	ssyncadd.s32 $0xFFFFD800  }
0x70: {  	[tilespmem:s28], [sflag:$0x1] =	stream.indirect.gather [hbm4b:s0+s29], $0x80, s5, s29, $0xb8;
	[tilespmem:$0x1DF00] =	vst v63  }
0x71: {  	_ =	swait.ge [sflag:s1], $0x2800  }
.Ltmp1:
0x72: {  	[sflag:s1] =	ssyncset.done $0x0;
	(pc) =	sbr.rel @p0 .LBB2_4-.Ltmp1, $4  }
0x73: {  	s2 =	sadd.s32 $0x167D0, s2;
	[sflag:s1] =	ssyncadd.s32 $0xFFFFD800  }
0x74: {  	[spmem:s3] =	stream.indirect.scatter.add.f32 [tilespmem:s30], [sflag:$0x3], $0x80, s2, s29, $0xb8;
	[tilespmem:$0x1DF00] =	vst v63  }
0x75: {  	_ =	swait.ge [sflag:s25], $0x2800  }
0x76: {  	s5 =	smov.u32 s16;
	s2 =	sshra.s32 s15, $0x2;
	[sflag:s25] =	ssyncset.done $0x0  }
0x77: {  	s5 =	sadd.s32 $0x14050, s2;
	[sflag:s25] =	ssyncadd.s32 $0xFFFFD800  }
0x78: {  	[tilespmem:s30], [sflag:$0x2] =	stream.indirect.gather [hbm4b:s0+s29], $0x80, s5, s29, $0xb8;
	[tilespmem:$0x1DF00] =	vst v63  }
0x79: {  	_ =	swait.ge [sflag:s31], $0x2800  }
0x7a: {  	[sflag:s31] =	ssyncset.done $0x0  }
0x7b: {  	s15 =	sadd.s32 $0x16780, s2;
	[sflag:s31] =	ssyncadd.s32 $0xFFFFD800  }
0x7c: {  	[spmem:s3] =	stream.indirect.scatter.add.f32 [tilespmem:s28], [sflag:$0x3], $0x80, s15, s29, $0xb8;
	[tilespmem:$0x1DF00] =	vst v63  }
0x7d: {  	_ =	swait.ge [sflag:s25], $0x2800  }
0x7e: {  	[sflag:s25] =	ssyncset.done $0x0  }
0x7f: {  	s16 =	sadd.s32 $0x140A0, s2;
	[sflag:s25] =	ssyncadd.s32 $0xFFFFD800  }
0x80: {  	[tilespmem:s28], [sflag:$0x1] =	stream.indirect.gather [hbm4b:s0+s29], $0x80, s16, s29, $0xb8;
	[tilespmem:$0x1DF00] =	vst v63  }
0x81: {  	_ =	swait.ge [sflag:s1], $0x2800  }
0x82: {  	[sflag:s1] =	ssyncset.done $0x0  }
0x83: {  	s5 =	sadd.s32 $0x167D0, s2;
	[sflag:s1] =	ssyncadd.s32 $0xFFFFD800  }
0x84: {  	[spmem:s3] =	stream.indirect.scatter.add.f32 [tilespmem:s30], [sflag:$0x3], $0x80, s5, s29, $0xb8;
	[tilespmem:$0x1DF00] =	vst v63  }
0x85: {  	_ =	swait.ge [sflag:s25], $0x2800  }
0x86: {  	[sflag:s25] =	ssyncset.done $0x0  }
0x87: {  	[sflag:s25] =	ssyncadd.s32 $0xFFFFD800  }
0x88: {  	_ =	swait.ge [sflag:s31], $0x2800  }
0x89: {  	[sflag:s31] =	ssyncset.done $0x0  }
0x8a: {  	s6 =	simm.s32 $0x18E40;
	[sflag:s31] =	ssyncadd.s32 $0xFFFFD800  }
0x8b: {  	[spmem:s3] =	stream.indirect.scatter.add.f32 [tilespmem:s28], [sflag:$0x3], $0x80, s6, s29, $0xb8;
	[tilespmem:$0x1DF00] =	vst v63  }
0x8c: {  	_ =	swait.ge [sflag:s25], $0x2800  }
0x8d: {  	[sflag:s25] =	ssyncset.done $0x0  }
0x8e: {  	[sflag:s25] =	ssyncadd.s32 $0xFFFFD800  }
0x8f: {  	[bflag:$0x0] =	sbarrier.arrive $0xFFFF  }
0x90: {  	[tilespmem:s28], [sflag:$0x3] =	stream.linear.gather [spmem:s7], $0x2800, $0x38;
	[tilespmem:$0x1DF00] =	vst v63  }
0x91: {  	_ =	swait.ge [sflag:s25], $0x2800  }
0x92: {  	[sflag:s25] =	ssyncset.done $0x0  }
0x93: {  	s15 =	rddreg [dreg:$0x6];
	[sflag:s25] =	ssyncadd.s32 $0xFFFFD800  }
0x94: {  	[hbm4b:s15+s4] =	stream.linear.scatter [tilespmem:s28], [sflag:$0x3], $0x2800, $0x38;
	[tilespmem:$0x1DF00] =	vst v63  }
0x95: {  	_ =	swait.ge [sflag:s25], $0x2800  }
0x96: {  	[sflag:s25] =	ssyncset.done $0x0  }
0x97: {  	[sflag:s25] =	ssyncadd.s32 $0xFFFFD800  }
0x98: {  	[tilespmem:s28], [sflag:$0x3] =	stream.linear.gather [spmem:s8], $0x2800, $0x38;
	[tilespmem:$0x1DF00] =	vst v63  }
0x99: {  	_ =	swait.ge [sflag:s25], $0x2800  }
0x9a: {  	[sflag:s25] =	ssyncset.done $0x0  }
0x9b: {  	s16 =	rddreg [dreg:$0x7];
	[sflag:s25] =	ssyncadd.s32 $0xFFFFD800  }
0x9c: {  	[hbm4b:s16+s4] =	stream.linear.scatter [tilespmem:s28], [sflag:$0x3], $0x2800, $0x38;
	[tilespmem:$0x1DF00] =	vst v63  }
0x9d: {  	_ =	swait.ge [sflag:s25], $0x2800  }
0x9e: {  	[sflag:s25] =	ssyncset.done $0x0  }
0x9f: {  	[sflag:s25] =	ssyncadd.s32 $0xFFFFD800  }
0xa0: {  	[tilespmem:s28], [sflag:$0x3] =	stream.linear.gather [spmem:s9], $0x2800, $0x38;
	[tilespmem:$0x1DF00] =	vst v63  }
0xa1: {  	_ =	swait.ge [sflag:s25], $0x2800  }
0xa2: {  	[sflag:s25] =	ssyncset.done $0x0  }
0xa3: {  	[sflag:s25] =	ssyncadd.s32 $0xFFFFD800  }
0xa4: {  	[hbm4b:s17+s4] =	stream.linear.scatter [tilespmem:s28], [sflag:$0x3], $0x2800, $0x38;
	[tilespmem:$0x1DF00] =	vst v63  }
0xa5: {  	_ =	swait.ge [sflag:s25], $0x2800  }
0xa6: {  	[sflag:s25] =	ssyncset.done $0x0  }
0xa7: {  	[sflag:s25] =	ssyncadd.s32 $0xFFFFD800  }
0xa8: {  	[tilespmem:s28], [sflag:$0x3] =	stream.linear.gather [spmem:s10], $0x2800, $0x38;
	[tilespmem:$0x1DF00] =	vst v63  }
0xa9: {  	_ =	swait.ge [sflag:s25], $0x2800  }
0xaa: {  	[sflag:s25] =	ssyncset.done $0x0  }
0xab: {  	[sflag:s25] =	ssyncadd.s32 $0xFFFFD800  }
0xac: {  	[hbm4b:s18+s4] =	stream.linear.scatter [tilespmem:s28], [sflag:$0x3], $0x2800, $0x38;
	[tilespmem:$0x1DF00] =	vst v63  }
0xad: {  	_ =	swait.ge [sflag:s25], $0x2800  }
0xae: {  	[sflag:s25] =	ssyncset.done $0x0  }
0xaf: {  	[sflag:s25] =	ssyncadd.s32 $0xFFFFD800  }
0xb0: {  	[tilespmem:s28], [sflag:$0x3] =	stream.linear.gather [spmem:s11], $0x2800, $0x38;
	[tilespmem:$0x1DF00] =	vst v63  }
0xb1: {  	_ =	swait.ge [sflag:s25], $0x2800  }
0xb2: {  	[sflag:s25] =	ssyncset.done $0x0  }
0xb3: {  	[sflag:s25] =	ssyncadd.s32 $0xFFFFD800  }
0xb4: {  	[hbm4b:s19+s4] =	stream.linear.scatter [tilespmem:s28], [sflag:$0x3], $0x2800, $0x38;
	[tilespmem:$0x1DF00] =	vst v63  }
0xb5: {  	_ =	swait.ge [sflag:s25], $0x2800  }
0xb6: {  	[sflag:s25] =	ssyncset.done $0x0  }
0xb7: {  	[sflag:s25] =	ssyncadd.s32 $0xFFFFD800  }
0xb8: {  	[tilespmem:s28], [sflag:$0x3] =	stream.linear.gather [spmem:s12], $0x2800, $0x38;
	[tilespmem:$0x1DF00] =	vst v63  }
0xb9: {  	_ =	swait.ge [sflag:s25], $0x2800  }
0xba: {  	[sflag:s25] =	ssyncset.done $0x0  }
0xbb: {  	[sflag:s25] =	ssyncadd.s32 $0xFFFFD800  }
0xbc: {  	[hbm4b:s20+s4] =	stream.linear.scatter [tilespmem:s28], [sflag:$0x3], $0x2800, $0x38;
	[tilespmem:$0x1DF00] =	vst v63  }
0xbd: {  	_ =	swait.ge [sflag:s25], $0x2800  }
0xbe: {  	[sflag:s25] =	ssyncset.done $0x0  }
0xbf: {  	[sflag:s25] =	ssyncadd.s32 $0xFFFFD800  }
0xc0: {  	[tilespmem:s28], [sflag:$0x3] =	stream.linear.gather [spmem:s13], $0x2800, $0x38;
	[tilespmem:$0x1DF00] =	vst v63  }
0xc1: {  	_ =	swait.ge [sflag:s25], $0x2800  }
0xc2: {  	[sflag:s25] =	ssyncset.done $0x0  }
0xc3: {  	[sflag:s25] =	ssyncadd.s32 $0xFFFFD800  }
0xc4: {  	[hbm4b:s21+s4] =	stream.linear.scatter [tilespmem:s28], [sflag:$0x3], $0x2800, $0x38;
	[tilespmem:$0x1DF00] =	vst v63  }
0xc5: {  	_ =	swait.ge [sflag:s25], $0x2800  }
0xc6: {  	[sflag:s25] =	ssyncset.done $0x0  }
0xc7: {  	[sflag:s25] =	ssyncadd.s32 $0xFFFFD800  }
0xc8: {  	[tilespmem:s28], [sflag:$0x3] =	stream.linear.gather [spmem:s14], $0x2800, $0x38;
	[tilespmem:$0x1DF00] =	vst v63  }
0xc9: {  	s26 =	sadd.s32 $0x1, s26;
	_ =	swait.ge [sflag:s25], $0x2800  }
0xca: {  	p0 =	sne.s32 s26, s23;
	[sflag:s25] =	ssyncset.done $0x0  }
.Ltmp2:
0xcb: {  	[sflag:s25] =	ssyncadd.s32 $0xFFFFD800;
	(pc) =	sbr.rel @p0 .LBB2_1-.Ltmp2, $4  }
0xcc: {  	[hbm4b:s22+s4] =	stream.linear.scatter [tilespmem:s28], [sflag:$0x3], $0x2800, $0x38;
	[tilespmem:$0x1DF00] =	vst v63  }
0xcd: {  	_ =	swait.ge [sflag:s25], $0x2800  }
0xce: {  	[sflag:s25] =	ssyncset.done $0x0  }
0xcf: {  	[sflag:s25] =	ssyncadd.s32 $0xFFFFD800  }
0xd0: {  	_ =	sfence.sel $0x180000  }
0xd1: {  	[bflag:$0x0] =	sbarrier.arrive $0xFFFF  }
0xd2: {  	_ =	strace $0x90000047  }
0xd3: {  	s0 =	stileid.u32;
	[bflag:$0x2] =	sbarrier.arrive $0xFFFF  }
0xd4: {  	p0 =	sne.s32 s0, $0x0;
	s0 =	rddreg [dreg:$0x3]  }
0xd5: {  	s0 =	sadd.s32 @!p0 $0x100000, s0  }
0xd6: {  	[sflag:s0] =	ssyncadd.tile.s32 @!p0 $0x1;
	_ =	shalt  }
.Lfunc_end2:
_tile_overlayer_lowered:
.L_overlay_start_2:
0xd7: {  	(tag) =	ssettag $0x2  }
0xd8: {  	s0 =	rddreg [dreg:$0x0];
	s2 =	stileid.u32  }
0xd9: {  	s1 =	rddreg [dreg:$0x1];
	p0 =	sne.s32 s2, $0x0  }
0xda: {  	s3 =	rddreg [dreg:$0x2];
	[bflag:$0x3] =	sbarrier.arrive $0xFFFF;
	s2 =	simm.s32 @!p0 $0x1C03  }
0xdb: {  	[timem:s3], [sflag:s2] =	dma.local @!p0 [hbm:s0], s1  }
0xdc: {  	s0 =	simm.s32 @!p0 $0x3  }
0xdd: {  	_ =	swait.ge @!p0 [sflag:s0], s1  }
0xde: {  	s1 =	ssub.s32 @!p0 $0x0, s1;
	[sflag:s0] =	ssyncset.done @!p0 $0x0  }
0xdf: {  	[sflag:s0] =	ssyncadd.s32 @!p0 s1  }
0xe0: {  	[bflag:$0x3] =	sbarrier.arrive $0xFFFF  }
0xe1: {  	_ =	shalt  }

// kernel: kernel.16.cloned.1.call-start
scs
__scs_entry_jumppad:
0x0: {  	(pc) =	sbr.rel $0x88, $3  }
0x1: {  	(tag) =	ssettag $0x0;
	lr =	simm.s32 $0x1  }
0x2: {  	[smem:$0x3F95] =	sst lr;
	_ =	strace $0xD0000000  }
0x3: {  	_ = 	snop  }
0x4: {  	_ = 	snop  }
0x5: {  	_ = 	snop  }
0x6: {  	_ = 	snop  }
0x7: {  	_ = 	snop  }
__scs_overlays_trampoline_lowered:
0x8: {  	[smem:$0x3FA4] =	sst s0  }
0x9: {  	[smem:$0x3FA5] =	sst s1  }
0xa: {  	[smem:$0x3FA6] =	sst s2  }
0xb: {  	[smem:$0x3FA7] =	sst s3  }
0xc: {  	[smem:$0x3FA8] =	sst s4  }
0xd: {  	[smem:$0x3FA9] =	sst s5  }
0xe: {  	[smem:$0x3FAA] =	sst s6  }
0xf: {  	[smem:$0x3FAB] =	sst s7  }
0x10: {  	[smem:$0x3FAC] =	sst s8  }
0x11: {  	[smem:$0x3FAD] =	sst s9;
	s0 =	simm.s32 @!p0 $0x0  }
0x12: {  	s1 =	sld [smem:$0x3F93];
	s0 =	simm.s32 @p0 $0x1  }
0x13: {  	[smem:$0x3FAE] =	sst s0;
	s0 =	simm.s32 @!p1 $0x0  }
0x14: {  	s2 =	sld [smem:$0x3F92];
	s0 =	simm.s32 @p1 $0x1  }
0x15: {  	[smem:$0x3FAF] =	sst s0;
	s0 =	simm.s32 @!p2 $0x0  }
0x16: {  	s3 =	sld [smem:$0x3FDB];
	s0 =	simm.s32 @p2 $0x1  }
0x17: {  	s4 =	simm.s32 $0x1BF5;
	[smem:$0x3FB1] =	sst s0  }
0x18: {  	s0 =	sld [smem:$0x3F94];
	_ =	swait.ge [sflag:s4], $0x0  }
0x19: {  	s7 =	sld [smem:$0x3F95]  }
0x1a: {  	s8 =	sadd.s32 $0xFFFFE003, lr  }
0x1b: {  	s9 =	sadd.s32 $0xFFFFFEF7, lr;
	s5 =	simm.s32 $0xFFFFFFFF;
	p2 =	slt.u32 s8, $0xFFFFF086  }
0x1c: {  	p1 =	slt.u32 s9, $0xF7A;
	s5 =	simm.s32 @!p2 $0x0  }
0x1d: {  	s5 =	simm.s32 @p1 $0x1;
	p0 =	seq.s32 s7, s2  }
0x1e: {  	s7 =	smul.u32 @!p0 $0xF7A, s2;
	p2 =	seq.s32 @!p0 s5, $0x0  }
0x1f: {  	s9 =	smul.u32 $0xF7A, s1;
	s8 =	simm.s32 @!p0 $0x1BF5;
	p2 =	por !p2, p0  }
0x20: {  	[sflag:s8] =	ssyncset.s32 @!p0 $0xFFFFF086;
	s6 =	sadd.s32 @!p0 s3, s7;
	s7 =	simm.s32 @!p0 $0x108  }
0x21: {  	s3 =	sadd.s32 s3, s9;
	s6 =	sadd.s32 @!p0 $0x88, s6;
	s7 =	simm.s32 @p2 $0x1082  }
0x22: {  	[simem:s7], [sflag:s8] =	dma.local @!p0 [hbm:s6], $0xF7A  }
0x23: {  	s9 =	sor.u32 $0xD0000000, s2;
	s6 =	simm.s32 $0x108;
	_ =	swait.ge @!p0 [sflag:s8], $0x0  }
0x24: {  	s3 =	sadd.s32 $0x88, s3;
	s6 =	simm.s32 @!p1 $0x1082;
	[sflag:s4] =	ssyncset.s32 $0xFFFFF086  }
0x25: {  	[simem:s6], [sflag:s4] =	dma.local [hbm:s3], $0xF7A  }
0x26: {  	[smem:$0x3F95] =	sst s1;
	(tag) =	ssettag s2;
	_ =	strace s9  }
0x27: {  	s1 =	sld [smem:$0x3FA5]  }
0x28: {  	s2 =	sld [smem:$0x3FA6]  }
0x29: {  	s4 =	sld [smem:$0x3FA8]  }
0x2a: {  	p0 =	seq.s32 s5, $0x0;
	s5 =	sld [smem:$0x3FA9]  }
0x2b: {  	s6 =	sld [smem:$0x3FAA]  }
0x2c: {  	s7 =	sld [smem:$0x3FAB]  }
0x2d: {  	s3 =	simm.s32 $0x108;
	s8 =	sld [smem:$0x3FAC]  }
0x2e: {  	s3 =	simm.s32 @!p0 $0x1082;
	s9 =	sld [smem:$0x3FAD]  }
0x2f: {  	lr =	sadd.s32 s0, s3;
	s0 =	sld [smem:$0x3FA4]  }
0x30: {  	s3 =	sld [smem:$0x3FA7]  }
0x31: {  	[smem:$0x3FB0] =	sst s10  }
0x32: {  	s10 =	sld [smem:$0x3FAE];
	_ =	sdelay $0x3  }
0x33: {  	p0 =	seq.s32 s10, $0x1;
	s10 =	sld [smem:$0x3FB0];
	_ =	sdelay $0x3  }
0x34: {  	[smem:$0x3FB0] =	sst s10  }
0x35: {  	s10 =	sld [smem:$0x3FAF];
	_ =	sdelay $0x3  }
0x36: {  	p1 =	seq.s32 s10, $0x1;
	s10 =	sld [smem:$0x3FB0];
	_ =	sdelay $0x3  }
0x37: {  	[smem:$0x3FB0] =	sst s10  }
0x38: {  	s10 =	sld [smem:$0x3FB1]  }
0x39: {  	_ = 	snop;
	(pc) =	sbr.ind lr, $3  }
0x3a: {  	_ = 	snop  }
0x3b: {  	_ = 	snop  }
0x3c: {  	p2 =	seq.s32 s10, $0x1;
	s10 =	sld [smem:$0x3FB0]  }
0x3d: {  	_ =	shalt  }
0x3e: {  	_ =	shalt  }
0x3f: {  	_ =	shalt  }
0x40: {  	_ =	shalt  }
0x41: {  	_ =	shalt  }
0x42: {  	_ =	shalt  }
0x43: {  	_ =	shalt  }
0x44: {  	_ =	shalt  }
0x45: {  	_ =	shalt  }
0x46: {  	_ =	shalt  }
0x47: {  	_ =	shalt  }
0x48: {  	_ =	shalt  }
0x49: {  	_ =	shalt  }
0x4a: {  	_ =	shalt  }
0x4b: {  	_ =	shalt  }
0x4c: {  	_ =	shalt  }
0x4d: {  	_ =	shalt  }
0x4e: {  	_ =	shalt  }
0x4f: {  	_ =	shalt  }
0x50: {  	_ =	shalt  }
0x51: {  	_ =	shalt  }
0x52: {  	_ =	shalt  }
0x53: {  	_ =	shalt  }
0x54: {  	_ =	shalt  }
0x55: {  	_ =	shalt  }
0x56: {  	_ =	shalt  }
0x57: {  	_ =	shalt  }
0x58: {  	_ =	shalt  }
0x59: {  	_ =	shalt  }
0x5a: {  	_ =	shalt  }
0x5b: {  	_ =	shalt  }
0x5c: {  	_ =	shalt  }
0x5d: {  	_ =	shalt  }
0x5e: {  	_ =	shalt  }
0x5f: {  	_ =	shalt  }
0x60: {  	_ =	shalt  }
0x61: {  	_ =	shalt  }
0x62: {  	_ =	shalt  }
0x63: {  	_ =	shalt  }
0x64: {  	_ =	shalt  }
0x65: {  	_ =	shalt  }
0x66: {  	_ =	shalt  }
0x67: {  	_ =	shalt  }
0x68: {  	_ =	shalt  }
0x69: {  	_ =	shalt  }
0x6a: {  	_ =	shalt  }
0x6b: {  	_ =	shalt  }
0x6c: {  	_ =	shalt  }
0x6d: {  	_ =	shalt  }
0x6e: {  	_ =	shalt  }
0x6f: {  	_ =	shalt  }
0x70: {  	_ =	shalt  }
0x71: {  	_ =	shalt  }
0x72: {  	_ =	shalt  }
0x73: {  	_ =	shalt  }
0x74: {  	_ =	shalt  }
0x75: {  	_ =	shalt  }
0x76: {  	_ =	shalt  }
0x77: {  	_ =	shalt  }
0x78: {  	_ =	shalt  }
0x79: {  	_ =	shalt  }
0x7a: {  	_ =	shalt  }
0x7b: {  	_ =	shalt  }
0x7c: {  	_ =	shalt  }
0x7d: {  	_ =	shalt  }
0x7e: {  	_ =	shalt  }
0x7f: {  	_ =	shalt  }
0x80: {  	_ =	shalt  }
0x81: {  	_ =	shalt  }
0x82: {  	_ =	shalt  }
0x83: {  	_ =	shalt  }
0x84: {  	_ =	shalt  }
0x85: {  	_ =	shalt  }
0x86: {  	_ =	shalt  }
0x87: {  	_ =	shalt  }
.Lfunc_end0:
.L_simem_size_0:
called_computation.2_lowered:
.L_overlay_start_0:
0x88: {  	s2 =	sld [smem:$0x3FD9]  }
0x89: {  	s3 =	sld [smem:$0x3FFE];
	_ =	sdelay $0x1  }
0x8a: {  	s1 =	srdreg.scid  }
0x8b: {  	s0 =	sand.u32 $0x1, s1  }
0x8c: {  	s17 =	sshll.u32 s0, $0xA;
	s2 =	sadd.s32 s3, s2  }
0x8d: {  	s2 =	sadd.s32 s2, s17  }
0x8e: {  	[smem:$0x3FBC] =	sst s2  }
0x8f: {  	_ = 	snop  }
0x90: {  	s2 =	sld [smem:$0x3FD0];
	(tm) =	ssettm $0x1  }
0x91: {  	s18 =	sld [smem:$0x3FFB];
	_ =	sdelay $0x3  }
0x92: {  	_ =	strace s18  }
0x93: {  	s3 =	sld [smem:$0x3FFC];
	_ =	sdelay $0x3  }
0x94: {  	_ =	strace s3  }
0x95: {  	s3 =	sld [smem:$0x3FFD];
	_ =	sdelay $0x3  }
0x96: {  	_ =	strace s3  }
0x97: {  	_ =	strace $0x8FFFFFFF  }
0x98: {  	s19 =	sld [smem:$0x3FDB];
	_ =	sdelay $0x1  }
0x99: {  	s4 =	simm.s32 $_scs_section_size  }
0x9a: {  	s5 =	simm.s32 $_size__tile_overlayer_lowered;
	s6 =	simm.s32 $_tile_overlayer_lowered  }
0x9b: {  	s22 =	simm.s32 $0x1BFF;
	s21 =	sshll.u32 s6, $0x1;
	s3 =	sadd.s32 s4, s19  }
0x9c: {  	s7 =	simm.s32 $0x0;
	s20 =	sshll.u32 s5, $0x1;
	s5 =	sadd.s32 s21, s3  }
0x9d: {  	[timem:s7], [sflag:s22] =	dma.local [hbm:s5], s20  }
0x9e: {  	_ =	swait.ge [sflag:s22], s20  }
0x9f: {  	s4 =	ssub.s32 $0x0, s20;
	[sflag:s22] =	ssyncset.done $0x0  }
0xa0: {  	[sflag:s22] =	ssyncadd.s32 s4;
	_ =	sdelay $0x1  }
0xa1: {  	s23 =	simm.s32 $0x1B8B  }
0xa2: {  	_ =	swait.ge [sflag:s23], $0x1  }
0xa3: {  	[sflag:s23] =	ssyncset.done $0x0  }
0xa4: {  	s25 =	simm.s32 $0x1B8E;
	s24 =	sld [smem:$0x3FFE];
	[sflag:s23] =	ssyncadd.s32 $0xFFFFFFFF  }
0xa5: {  	s26 =	simm.s32 $execute0_lowered;
	[smem:$0x3FD2] =	sst s25  }
0xa6: {  	s5 =	sshll.u32 s26, $0x1;
	_ =	strace $0x8000004C;
	[dreg:$0x1] =	wrdreg $0xFFFFFFFF  }
0xa7: {  	s28 =	simm.s32 $_size_execute0_lowered;
	s3 =	sadd.s32 s3, s5;
	[dreg:$0x0] =	wrdreg $0x0  }
0xa8: {  	s5 =	sshll.u32 s28, $0x1;
	[dreg:$0x2] =	wrdreg s3  }
0xa9: {  	[dreg:$0x3] =	wrdreg s5  }
0xaa: {  	[dreg:$0x4] =	wrdreg $0xC0  }
0xab: {  	_ =	task [dreg:s7], $0x5FFFF  }
0xac: {  	[dreg:$0x1] =	wrdreg $0xFFFFFFFF  }
0xad: {  	[dreg:$0x0] =	wrdreg $0x60  }
0xae: {  	[dreg:$0x2] =	wrdreg s2  }
0xaf: {  	[dreg:$0x3] =	wrdreg s24  }
0xb0: {  	[dreg:$0x4] =	wrdreg $0x0  }
0xb1: {  	[dreg:$0x5] =	wrdreg $0x9  }
0xb2: {  	_ =	task.clear_ibuf [dreg:s7], $0x6FFFF;
	_ =	strace $0x9000004C  }
0xb3: {  	s29 =	simm.s32 $0x9;
	_ =	strace $0x8000004E  }
0xb4: {  	_ =	swait.ge [sflag:s29], $0x1  }
0xb5: {  	[sflag:s29] =	ssyncadd.s32 $0xFFFFFFFF  }
0xb6: {  	_ =	strace $0x9000004E  }
0xb7: {  	_ =	sfence  }
0xb8: {  	s30 =	sld [smem:$0x0];
	_ =	sdelay $0x2  }
0xb9: {  	s31 =	sshll.u32 s1, $0xD;
	s1 =	sshrl.u32 s1, $0x2  }
0xba: {  	s3 =	sand.u32 $0x4000, s31;
	s1 =	sadd.s32 s1, s30  }
0xbb: {  	s0 =	sor.u32 s3, s0;
	s1 =	sshll.u32 s1, $0x11  }
0xbc: {  	s0 =	sor.u32 s1, s0  }
0xbd: {  	s0 =	sadd.s32 $0x8F2B, s0  }
0xbe: {  	[sflag:s0] =	ssyncadd.remote.s32 $0x1  }
0xbf: {  	_ =	sfence.sel $0xFFFF  }
0xc0: {  	[dreg:$0x0] =	wrdreg $0xFFFFFFFF;
	(pc) =	sbr.abs _section_cstart, $3  }
0xc1: {  	[dreg:$0x1] =	wrdreg $0xFFFFFFFF  }
0xc2: {  	_ =	task.clear_ibuf [dreg:s7], $0x2FFFF;
	_ =	strace $0x9FFFFFFF  }
0xc3: {  	(tm) =	ssettm $0x7FFFFFFF  }
tec
execute0_lowered:
.L_overlay_start_1:
0x0: {  	(tag) =	ssettag $0x1  }
0x1: {  	s0 =	rddreg [dreg:$0x0]  }
0x2: {  	s1 =	srdreg.scid;
	s2 =	rddreg [dreg:$0x1]  }
0x3: {  	s3 =	rddreg [dreg:$0x2];
	s9 =	stileid.u32;
	s4 =	simm.s32 $0x0  }
0x4: {  	s28 =	simm.s32 $0x18F00;
	s29 =	simm.s32 $0x50;
	s30 =	simm.s32 $0x1B700  }
0x5: {  	s31 =	simm.s32 $0x1;
	s1 =	sand.u32 $0x1, s1;
	s8 =	smul.u32 $0x50000, s9  }
0x6: {  	[smem:$0x7FF] =	sst s4;
	s14 =	smul.u32 $0x14000, s9;
	s5 =	sshll.u32 s1, $0x4  }
0x7: {  	_ =	strace $0x8000004D;
	s6 =	ssub.s32 $0x2, s1;
	s1 =	smul.u32 $0x140000, s1  }
0x8: {  	s5 =	sor.u32 s9, s5;
	s7 =	sshrl.u32 s6, $0x1;
	s26 =	sshrl.u32 s8, $0x2  }
0x9: {  	s17 =	sadd.s32 $0x5000, s14;
	s18 =	sadd.s32 $0x7800, s14;
	s19 =	sadd.s32 $0xA000, s14  }
0xa: {  	s20 =	sadd.s32 $0xC800, s14;
	s21 =	sadd.s32 $0xF000, s14;
	s22 =	sadd.s32 $0x11800, s14  }
0xb: {  	s5 =	smul.u32 $0x4E2, s5;
	s23 =	ssub.s32 s6, s7;
	s7 =	sadd.s32 s26, s3  }
0xc: {  	s6 =	sor.u32 $0x2800, s14;
	s9 =	sadd.s32 s17, s3;
	s10 =	sadd.s32 s18, s3  }
0xd: {  	s11 =	sadd.s32 s19, s3;
	s12 =	sadd.s32 s20, s3;
	s13 =	sadd.s32 s21, s3  }
0xe: {  	s15 =	sadd.s32 s14, s1;
	s14 =	sadd.s32 s22, s3;
	s17 =	sadd.s32 s1, s17  }
0xf: {  	s18 =	sadd.s32 s1, s18;
	s19 =	sadd.s32 s1, s19;
	s26 =	sadd.s32 s1, s21  }
0x10: {  	s8 =	sadd.s32 s6, s3;
	s15 =	sshrl.u32 s15, $0x3;
	s18 =	sshrl.u32 s18, $0x3  }
0x11: {  	s24 =	sshrl.u32 s19, $0x3;
	s21 =	sshrl.u32 s26, $0x3;
	s23 =	smax.u32 s23, $0x1  }
0x12: {  	s26 =	simm.s32 $0x0;
	s5 =	sadd.s32 s5, s2;
	s2 =	sadd.s32 $0x16800, s2  }
0x13: {  	s25 =	sadd.s32 $0xCA00, s5;
	s5 =	sadd.s32 $0x2C00, s5;
	s16 =	sadd.s32 s2, s15  }
0x14: {  	s18 =	sadd.s32 s2, s18;
	s19 =	sadd.s32 s2, s24;
	[dreg:$0x4] =	wrdreg s25  }
0x15: {  	s21 =	sadd.s32 s2, s21;
	[dreg:$0x5] =	wrdreg s5;
	s5 =	sadd.s32 s1, s6  }
0x16: {  	s24 =	simm.s32 $0x14000;
	[dreg:$0x6] =	wrdreg s16;
	s5 =	sshrl.u32 s5, $0x3  }
0x17: {  	s25 =	sadd.s32 s1, s20;
	s1 =	sadd.s32 s1, s22;
	s5 =	sadd.s32 s2, s5  }
0x18: {  	s1 =	sshrl.u32 s1, $0x3;
	[dreg:$0x7] =	wrdreg s5;
	s5 =	sshrl.u32 s17, $0x3  }
0x19: {  	s22 =	sadd.s32 s2, s1;
	s17 =	sadd.s32 s2, s5;
	s5 =	sshrl.u32 s25, $0x3  }
0x1a: {  	v0 =	vimm.f32 $0.0e+00;
	s1 =	simm.s32 $0x2;
	s25 =	simm.s32 $0x3;
	s20 =	sadd.s32 s2, s5  }
.LBB2_1:
0x1b: {  	s2 =	rddreg [dreg:$0x4]  }
0x1c: {  	[tilespmem:s24], [sflag:$0x3] =	stream.linear.gather [hbm4b:s2+s4], $0x2710, $0x38;
	[tilespmem:$0x1DF00] =	vst v63  }
0x1d: {  	_ =	swait.ge [sflag:s25], $0x2710  }
0x1e: {  	[sflag:s25] =	ssyncset.done $0x0  }
0x1f: {  	s5 =	simm.s32 $0x16780;
	s16 =	rddreg [dreg:$0x5];
	[sflag:s25] =	ssyncadd.s32 $0xFFFFD8F0  }
0x20: {  	[tilespmem:s5], [sflag:$0x3] =	stream.linear.gather [hbm4b:s16+s4], $0x2710, $0x38;
	[tilespmem:$0x1DF00] =	vst v63  }
0x21: {  	_ =	swait.ge [sflag:s25], $0x2710  }
0x22: {  	[sflag:s25] =	ssyncset.done $0x0  }
0x23: {  	s2 =	simm.s32 $0x0;
	s5 =	simm.s32 $0x200;
	[sflag:s25] =	ssyncadd.s32 $0xFFFFD8F0  }
.LBB2_2:
0x24: {  	p0 =	sne.s32 s5, $0x9E00;
	[tilespmem:s2+$0x18F70] =	vst v0  }
0x25: {  	[tilespmem:s2+$0x18F00] =	vst v0  }
0x26: {  	[tilespmem:s2+$0x18F10] =	vst v0  }
.Ltmp0:
0x27: {  	[tilespmem:s2+$0x18F20] =	vst v0;
	(pc) =	sbr.rel @p0 .LBB2_2-.Ltmp0, $4  }
0x28: {  	[tilespmem:s2+$0x18F30] =	vst v0  }
0x29: {  	[tilespmem:s2+$0x18F40] =	vst v0  }
0x2a: {  	[tilespmem:s2+$0x18F50] =	vst v0  }
0x2b: {  	[tilespmem:s2+$0x18F60] =	vst v0;
	s2 =	sshra.s32 s5, $0x2;
	s5 =	sadd.s32 $0x200, s5  }
0x2c: {  	[tilespmem:s2+$0x18F70] =	vst v0  }
0x2d: {  	[tilespmem:s2+$0x18F00] =	vst v0  }
0x2e: {  	[tilespmem:s2+$0x18F10] =	vst v0  }
0x2f: {  	[tilespmem:s2+$0x18F20] =	vst v0  }
0x30: {  	[tilespmem:s2+$0x18F30] =	vst v0  }
0x31: {  	[tilespmem:s2+$0x18F40] =	vst v0  }
0x32: {  	[tilespmem:s2+$0x18F50] =	vst v0  }
0x33: {  	[tilespmem:s2+$0x18F60] =	vst v0  }
0x34: {  	[spmem:s7] =	stream.linear.scatter [tilespmem:s28], [sflag:$0x3], $0x2800, $0x38;
	[tilespmem:$0x1DF00] =	vst v63  }
0x35: {  	_ =	swait.ge [sflag:s25], $0x2800  }
0x36: {  	[sflag:s25] =	ssyncset.done $0x0  }
0x37: {  	[sflag:s25] =	ssyncadd.s32 $0xFFFFD800  }
0x38: {  	[spmem:s8] =	stream.linear.scatter [tilespmem:s28], [sflag:$0x3], $0x2800, $0x38;
	[tilespmem:$0x1DF00] =	vst v63  }
0x39: {  	_ =	swait.ge [sflag:s25], $0x2800  }
0x3a: {  	[sflag:s25] =	ssyncset.done $0x0  }
0x3b: {  	[sflag:s25] =	ssyncadd.s32 $0xFFFFD800  }
0x3c: {  	[spmem:s9] =	stream.linear.scatter [tilespmem:s28], [sflag:$0x3], $0x2800, $0x38;
	[tilespmem:$0x1DF00] =	vst v63  }
0x3d: {  	_ =	swait.ge [sflag:s25], $0x2800  }
0x3e: {  	[sflag:s25] =	ssyncset.done $0x0  }
0x3f: {  	[sflag:s25] =	ssyncadd.s32 $0xFFFFD800  }
0x40: {  	[spmem:s10] =	stream.linear.scatter [tilespmem:s28], [sflag:$0x3], $0x2800, $0x38;
	[tilespmem:$0x1DF00] =	vst v63  }
0x41: {  	_ =	swait.ge [sflag:s25], $0x2800  }
0x42: {  	[sflag:s25] =	ssyncset.done $0x0  }
0x43: {  	[sflag:s25] =	ssyncadd.s32 $0xFFFFD800  }
0x44: {  	[spmem:s11] =	stream.linear.scatter [tilespmem:s28], [sflag:$0x3], $0x2800, $0x38;
	[tilespmem:$0x1DF00] =	vst v63  }
0x45: {  	_ =	swait.ge [sflag:s25], $0x2800  }
0x46: {  	[sflag:s25] =	ssyncset.done $0x0  }
0x47: {  	[sflag:s25] =	ssyncadd.s32 $0xFFFFD800  }
0x48: {  	[spmem:s12] =	stream.linear.scatter [tilespmem:s28], [sflag:$0x3], $0x2800, $0x38;
	[tilespmem:$0x1DF00] =	vst v63  }
0x49: {  	_ =	swait.ge [sflag:s25], $0x2800  }
0x4a: {  	[sflag:s25] =	ssyncset.done $0x0  }
0x4b: {  	[sflag:s25] =	ssyncadd.s32 $0xFFFFD800  }
0x4c: {  	[spmem:s13] =	stream.linear.scatter [tilespmem:s28], [sflag:$0x3], $0x2800, $0x38;
	[tilespmem:$0x1DF00] =	vst v63  }
0x4d: {  	_ =	swait.ge [sflag:s25], $0x2800  }
0x4e: {  	[sflag:s25] =	ssyncset.done $0x0  }
0x4f: {  	[sflag:s25] =	ssyncadd.s32 $0xFFFFD800  }
0x50: {  	[spmem:s14] =	stream.linear.scatter [tilespmem:s28], [sflag:$0x3], $0x2800, $0x38;
	[tilespmem:$0x1DF00] =	vst v63  }
0x51: {  	_ =	swait.ge [sflag:s25], $0x2800  }
0x52: {  	[sflag:s25] =	ssyncset.done $0x0  }
0x53: {  	[sflag:s25] =	ssyncadd.s32 $0xFFFFD800  }
0x54: {  	[bflag:$0x0] =	sbarrier.arrive $0xFFFF  }
0x55: {  	[tilespmem:s28], [sflag:$0x1] =	stream.indirect.gather [hbm4b:s0+s29], $0x80, s24, s29, $0xb8;
	[tilespmem:$0x1DF00] =	vst v63  }
0x56: {  	s5 =	simm.s32 $0x14050  }
0x57: {  	[tilespmem:s30], [sflag:$0x2] =	stream.indirect.gather [hbm4b:s0+s29], $0x80, s5, s29, $0xb8;
	[tilespmem:$0x1DF00] =	vst v63  }
0x58: {  	_ =	swait.ge [sflag:s31], $0x2800  }
0x59: {  	[sflag:s31] =	ssyncset.done $0x0  }
0x5a: {  	s6 =	simm.s32 $0x16780;
	[sflag:s31] =	ssyncadd.s32 $0xFFFFD800  }
0x5b: {  	[spmem:s3] =	stream.indirect.scatter.add.f32 [tilespmem:s28], [sflag:$0x3], $0x80, s6, s29, $0xb8;
	[tilespmem:$0x1DF00] =	vst v63  }
0x5c: {  	_ =	swait.ge [sflag:s25], $0x2800  }
0x5d: {  	[sflag:s25] =	ssyncset.done $0x0  }
0x5e: {  	s15 =	simm.s32 $0x140A0;
	[sflag:s25] =	ssyncadd.s32 $0xFFFFD800  }
0x5f: {  	[tilespmem:s28], [sflag:$0x1] =	stream.indirect.gather [hbm4b:s0+s29], $0x80, s15, s29, $0xb8;
	[tilespmem:$0x1DF00] =	vst v63  }
0x60: {  	_ =	swait.ge [sflag:s1], $0x2800  }
0x61: {  	[sflag:s1] =	ssyncset.done $0x0  }
0x62: {  	s16 =	simm.s32 $0x167D0;
	[sflag:s1] =	ssyncadd.s32 $0xFFFFD800  }
0x63: {  	[spmem:s3] =	stream.indirect.scatter.add.f32 [tilespmem:s30], [sflag:$0x3], $0x80, s16, s29, $0xb8;
	[tilespmem:$0x1DF00] =	vst v63  }
0x64: {  	_ =	swait.ge [sflag:s25], $0x2800  }
0x65: {  	s2 =	simm.s32 $0xA0;
	s5 =	simm.s32 $0x500;
	[sflag:s25] =	ssyncset.done $0x0  }
.LBB2_4:
0x66: {  	s6 =	sadd.s32 $0x14050, s2  }
0x67: {  	[sflag:s25] =	ssyncadd.s32 $0xFFFFD800;
	s15 =	smov.u32 s5;
	s16 =	sadd.s32 $0x280, s5  }
0x68: {  	[tilespmem:s30], [sflag:$0x2] =	stream.indirect.gather [hbm4b:s0+s29], $0x80, s6, s29, $0xb8;
	[tilespmem:$0x1DF00] =	vst v63  }
0x69: {  	p0 =	sne.s32 s5, $0x9880;
	_ =	swait.ge [sflag:s31], $0x2800  }
0x6a: {  	[sflag:s31] =	ssyncset.done $0x0  }
0x6b: {  	s5 =	sadd.s32 $0x16780, s2;
	[sflag:s31] =	ssyncadd.s32 $0xFFFFD800  }
0x6c: {  	[spmem:s3] =	stream.indirect.scatter.add.f32 [tilespmem:s28], [sflag:$0x3], $0x80, s5, s29, $0xb8;
	[tilespmem:$0x1DF00] =	vst v63  }
0x6d: {  	_ =	swait.ge [sflag:s25], $0x2800  }
0x6e: {  	[sflag:s25] =	ssyncset.done $0x0  }
0x6f: {  	s5 =	sadd.s32 $0x140A0, s2;
	[sflag:s25] =	ssyncadd.s32 $0xFFFFD800  }
0x70: {  	[tilespmem:s28], [sflag:$0x1] =	stream.indirect.gather [hbm4b:s0+s29], $0x80, s5, s29, $0xb8;
	[tilespmem:$0x1DF00] =	vst v63  }
0x71: {  	_ =	swait.ge [sflag:s1], $0x2800  }
.Ltmp1:
0x72: {  	[sflag:s1] =	ssyncset.done $0x0;
	(pc) =	sbr.rel @p0 .LBB2_4-.Ltmp1, $4  }
0x73: {  	s2 =	sadd.s32 $0x167D0, s2;
	[sflag:s1] =	ssyncadd.s32 $0xFFFFD800  }
0x74: {  	[spmem:s3] =	stream.indirect.scatter.add.f32 [tilespmem:s30], [sflag:$0x3], $0x80, s2, s29, $0xb8;
	[tilespmem:$0x1DF00] =	vst v63  }
0x75: {  	_ =	swait.ge [sflag:s25], $0x2800  }
0x76: {  	s5 =	smov.u32 s16;
	s2 =	sshra.s32 s15, $0x2;
	[sflag:s25] =	ssyncset.done $0x0  }
0x77: {  	s5 =	sadd.s32 $0x14050, s2;
	[sflag:s25] =	ssyncadd.s32 $0xFFFFD800  }
0x78: {  	[tilespmem:s30], [sflag:$0x2] =	stream.indirect.gather [hbm4b:s0+s29], $0x80, s5, s29, $0xb8;
	[tilespmem:$0x1DF00] =	vst v63  }
0x79: {  	_ =	swait.ge [sflag:s31], $0x2800  }
0x7a: {  	[sflag:s31] =	ssyncset.done $0x0  }
0x7b: {  	s15 =	sadd.s32 $0x16780, s2;
	[sflag:s31] =	ssyncadd.s32 $0xFFFFD800  }
0x7c: {  	[spmem:s3] =	stream.indirect.scatter.add.f32 [tilespmem:s28], [sflag:$0x3], $0x80, s15, s29, $0xb8;
	[tilespmem:$0x1DF00] =	vst v63  }
0x7d: {  	_ =	swait.ge [sflag:s25], $0x2800  }
0x7e: {  	[sflag:s25] =	ssyncset.done $0x0  }
0x7f: {  	s16 =	sadd.s32 $0x140A0, s2;
	[sflag:s25] =	ssyncadd.s32 $0xFFFFD800  }
0x80: {  	[tilespmem:s28], [sflag:$0x1] =	stream.indirect.gather [hbm4b:s0+s29], $0x80, s16, s29, $0xb8;
	[tilespmem:$0x1DF00] =	vst v63  }
0x81: {  	_ =	swait.ge [sflag:s1], $0x2800  }
0x82: {  	[sflag:s1] =	ssyncset.done $0x0  }
0x83: {  	s5 =	sadd.s32 $0x167D0, s2;
	[sflag:s1] =	ssyncadd.s32 $0xFFFFD800  }
0x84: {  	[spmem:s3] =	stream.indirect.scatter.add.f32 [tilespmem:s30], [sflag:$0x3], $0x80, s5, s29, $0xb8;
	[tilespmem:$0x1DF00] =	vst v63  }
0x85: {  	_ =	swait.ge [sflag:s25], $0x2800  }
0x86: {  	[sflag:s25] =	ssyncset.done $0x0  }
0x87: {  	[sflag:s25] =	ssyncadd.s32 $0xFFFFD800  }
0x88: {  	_ =	swait.ge [sflag:s31], $0x2800  }
0x89: {  	[sflag:s31] =	ssyncset.done $0x0  }
0x8a: {  	s6 =	simm.s32 $0x18E40;
	[sflag:s31] =	ssyncadd.s32 $0xFFFFD800  }
0x8b: {  	[spmem:s3] =	stream.indirect.scatter.add.f32 [tilespmem:s28], [sflag:$0x3], $0x80, s6, s29, $0xb8;
	[tilespmem:$0x1DF00] =	vst v63  }
0x8c: {  	_ =	swait.ge [sflag:s25], $0x2800  }
0x8d: {  	[sflag:s25] =	ssyncset.done $0x0  }
0x8e: {  	[sflag:s25] =	ssyncadd.s32 $0xFFFFD800  }
0x8f: {  	[bflag:$0x0] =	sbarrier.arrive $0xFFFF  }
0x90: {  	[tilespmem:s28], [sflag:$0x3] =	stream.linear.gather [spmem:s7], $0x2800, $0x38;
	[tilespmem:$0x1DF00] =	vst v63  }
0x91: {  	_ =	swait.ge [sflag:s25], $0x2800  }
0x92: {  	[sflag:s25] =	ssyncset.done $0x0  }
0x93: {  	s15 =	rddreg [dreg:$0x6];
	[sflag:s25] =	ssyncadd.s32 $0xFFFFD800  }
0x94: {  	[hbm4b:s15+s4] =	stream.linear.scatter [tilespmem:s28], [sflag:$0x3], $0x2800, $0x38;
	[tilespmem:$0x1DF00] =	vst v63  }
0x95: {  	_ =	swait.ge [sflag:s25], $0x2800  }
0x96: {  	[sflag:s25] =	ssyncset.done $0x0  }
0x97: {  	[sflag:s25] =	ssyncadd.s32 $0xFFFFD800  }
0x98: {  	[tilespmem:s28], [sflag:$0x3] =	stream.linear.gather [spmem:s8], $0x2800, $0x38;
	[tilespmem:$0x1DF00] =	vst v63  }
0x99: {  	_ =	swait.ge [sflag:s25], $0x2800  }
0x9a: {  	[sflag:s25] =	ssyncset.done $0x0  }
0x9b: {  	s16 =	rddreg [dreg:$0x7];
	[sflag:s25] =	ssyncadd.s32 $0xFFFFD800  }
0x9c: {  	[hbm4b:s16+s4] =	stream.linear.scatter [tilespmem:s28], [sflag:$0x3], $0x2800, $0x38;
	[tilespmem:$0x1DF00] =	vst v63  }
0x9d: {  	_ =	swait.ge [sflag:s25], $0x2800  }
0x9e: {  	[sflag:s25] =	ssyncset.done $0x0  }
0x9f: {  	[sflag:s25] =	ssyncadd.s32 $0xFFFFD800  }
0xa0: {  	[tilespmem:s28], [sflag:$0x3] =	stream.linear.gather [spmem:s9], $0x2800, $0x38;
	[tilespmem:$0x1DF00] =	vst v63  }
0xa1: {  	_ =	swait.ge [sflag:s25], $0x2800  }
0xa2: {  	[sflag:s25] =	ssyncset.done $0x0  }
0xa3: {  	[sflag:s25] =	ssyncadd.s32 $0xFFFFD800  }
0xa4: {  	[hbm4b:s17+s4] =	stream.linear.scatter [tilespmem:s28], [sflag:$0x3], $0x2800, $0x38;
	[tilespmem:$0x1DF00] =	vst v63  }
0xa5: {  	_ =	swait.ge [sflag:s25], $0x2800  }
0xa6: {  	[sflag:s25] =	ssyncset.done $0x0  }
0xa7: {  	[sflag:s25] =	ssyncadd.s32 $0xFFFFD800  }
0xa8: {  	[tilespmem:s28], [sflag:$0x3] =	stream.linear.gather [spmem:s10], $0x2800, $0x38;
	[tilespmem:$0x1DF00] =	vst v63  }
0xa9: {  	_ =	swait.ge [sflag:s25], $0x2800  }
0xaa: {  	[sflag:s25] =	ssyncset.done $0x0  }
0xab: {  	[sflag:s25] =	ssyncadd.s32 $0xFFFFD800  }
0xac: {  	[hbm4b:s18+s4] =	stream.linear.scatter [tilespmem:s28], [sflag:$0x3], $0x2800, $0x38;
	[tilespmem:$0x1DF00] =	vst v63  }
0xad: {  	_ =	swait.ge [sflag:s25], $0x2800  }
0xae: {  	[sflag:s25] =	ssyncset.done $0x0  }
0xaf: {  	[sflag:s25] =	ssyncadd.s32 $0xFFFFD800  }
0xb0: {  	[tilespmem:s28], [sflag:$0x3] =	stream.linear.gather [spmem:s11], $0x2800, $0x38;
	[tilespmem:$0x1DF00] =	vst v63  }
0xb1: {  	_ =	swait.ge [sflag:s25], $0x2800  }
0xb2: {  	[sflag:s25] =	ssyncset.done $0x0  }
0xb3: {  	[sflag:s25] =	ssyncadd.s32 $0xFFFFD800  }
0xb4: {  	[hbm4b:s19+s4] =	stream.linear.scatter [tilespmem:s28], [sflag:$0x3], $0x2800, $0x38;
	[tilespmem:$0x1DF00] =	vst v63  }
0xb5: {  	_ =	swait.ge [sflag:s25], $0x2800  }
0xb6: {  	[sflag:s25] =	ssyncset.done $0x0  }
0xb7: {  	[sflag:s25] =	ssyncadd.s32 $0xFFFFD800  }
0xb8: {  	[tilespmem:s28], [sflag:$0x3] =	stream.linear.gather [spmem:s12], $0x2800, $0x38;
	[tilespmem:$0x1DF00] =	vst v63  }
0xb9: {  	_ =	swait.ge [sflag:s25], $0x2800  }
0xba: {  	[sflag:s25] =	ssyncset.done $0x0  }
0xbb: {  	[sflag:s25] =	ssyncadd.s32 $0xFFFFD800  }
0xbc: {  	[hbm4b:s20+s4] =	stream.linear.scatter [tilespmem:s28], [sflag:$0x3], $0x2800, $0x38;
	[tilespmem:$0x1DF00] =	vst v63  }
0xbd: {  	_ =	swait.ge [sflag:s25], $0x2800  }
0xbe: {  	[sflag:s25] =	ssyncset.done $0x0  }
0xbf: {  	[sflag:s25] =	ssyncadd.s32 $0xFFFFD800  }
0xc0: {  	[tilespmem:s28], [sflag:$0x3] =	stream.linear.gather [spmem:s13], $0x2800, $0x38;
	[tilespmem:$0x1DF00] =	vst v63  }
0xc1: {  	_ =	swait.ge [sflag:s25], $0x2800  }
0xc2: {  	[sflag:s25] =	ssyncset.done $0x0  }
0xc3: {  	[sflag:s25] =	ssyncadd.s32 $0xFFFFD800  }
0xc4: {  	[hbm4b:s21+s4] =	stream.linear.scatter [tilespmem:s28], [sflag:$0x3], $0x2800, $0x38;
	[tilespmem:$0x1DF00] =	vst v63  }
0xc5: {  	_ =	swait.ge [sflag:s25], $0x2800  }
0xc6: {  	[sflag:s25] =	ssyncset.done $0x0  }
0xc7: {  	[sflag:s25] =	ssyncadd.s32 $0xFFFFD800  }
0xc8: {  	[tilespmem:s28], [sflag:$0x3] =	stream.linear.gather [spmem:s14], $0x2800, $0x38;
	[tilespmem:$0x1DF00] =	vst v63  }
0xc9: {  	s26 =	sadd.s32 $0x1, s26;
	_ =	swait.ge [sflag:s25], $0x2800  }
0xca: {  	p0 =	sne.s32 s26, s23;
	[sflag:s25] =	ssyncset.done $0x0  }
.Ltmp2:
0xcb: {  	[sflag:s25] =	ssyncadd.s32 $0xFFFFD800;
	(pc) =	sbr.rel @p0 .LBB2_1-.Ltmp2, $4  }
0xcc: {  	[hbm4b:s22+s4] =	stream.linear.scatter [tilespmem:s28], [sflag:$0x3], $0x2800, $0x38;
	[tilespmem:$0x1DF00] =	vst v63  }
0xcd: {  	_ =	swait.ge [sflag:s25], $0x2800  }
0xce: {  	[sflag:s25] =	ssyncset.done $0x0  }
0xcf: {  	[sflag:s25] =	ssyncadd.s32 $0xFFFFD800  }
0xd0: {  	_ =	sfence.sel $0x180000  }
0xd1: {  	[bflag:$0x0] =	sbarrier.arrive $0xFFFF  }
0xd2: {  	_ =	strace $0x9000004D  }
0xd3: {  	s0 =	stileid.u32;
	[bflag:$0x2] =	sbarrier.arrive $0xFFFF  }
0xd4: {  	p0 =	sne.s32 s0, $0x0;
	s0 =	rddreg [dreg:$0x3]  }
0xd5: {  	s0 =	sadd.s32 @!p0 $0x100000, s0  }
0xd6: {  	[sflag:s0] =	ssyncadd.tile.s32 @!p0 $0x1;
	_ =	shalt  }
.Lfunc_end2:
_tile_overlayer_lowered:
.L_overlay_start_2:
0xd7: {  	(tag) =	ssettag $0x2  }
0xd8: {  	s0 =	rddreg [dreg:$0x0];
	s2 =	stileid.u32  }
0xd9: {  	s1 =	rddreg [dreg:$0x1];
	p0 =	sne.s32 s2, $0x0  }
0xda: {  	s3 =	rddreg [dreg:$0x2];
	[bflag:$0x3] =	sbarrier.arrive $0xFFFF;
	s2 =	simm.s32 @!p0 $0x1C03  }
0xdb: {  	[timem:s3], [sflag:s2] =	dma.local @!p0 [hbm:s0], s1  }
0xdc: {  	s0 =	simm.s32 @!p0 $0x3  }
0xdd: {  	_ =	swait.ge @!p0 [sflag:s0], s1  }
0xde: {  	s1 =	ssub.s32 @!p0 $0x0, s1;
	[sflag:s0] =	ssyncset.done @!p0 $0x0  }
0xdf: {  	[sflag:s0] =	ssyncadd.s32 @!p0 s1  }
0xe0: {  	[bflag:$0x3] =	sbarrier.arrive $0xFFFF  }
0xe1: {  	_ =	shalt  }

// kernel: kernel.19.cloned.1.call-start
scs
__scs_entry_jumppad:
0x0: {  	(pc) =	sbr.rel $0x88, $3  }
0x1: {  	(tag) =	ssettag $0x0;
	lr =	simm.s32 $0x1  }
0x2: {  	[smem:$0x3F95] =	sst lr;
	_ =	strace $0xD0000000  }
0x3: {  	_ = 	snop  }
0x4: {  	_ = 	snop  }
0x5: {  	_ = 	snop  }
0x6: {  	_ = 	snop  }
0x7: {  	_ = 	snop  }
__scs_overlays_trampoline_lowered:
0x8: {  	[smem:$0x3FA4] =	sst s0  }
0x9: {  	[smem:$0x3FA5] =	sst s1  }
0xa: {  	[smem:$0x3FA6] =	sst s2  }
0xb: {  	[smem:$0x3FA7] =	sst s3  }
0xc: {  	[smem:$0x3FA8] =	sst s4  }
0xd: {  	[smem:$0x3FA9] =	sst s5  }
0xe: {  	[smem:$0x3FAA] =	sst s6  }
0xf: {  	[smem:$0x3FAB] =	sst s7  }
0x10: {  	[smem:$0x3FAC] =	sst s8  }
0x11: {  	[smem:$0x3FAD] =	sst s9;
	s0 =	simm.s32 @!p0 $0x0  }
0x12: {  	s1 =	sld [smem:$0x3F93];
	s0 =	simm.s32 @p0 $0x1  }
0x13: {  	[smem:$0x3FAE] =	sst s0;
	s0 =	simm.s32 @!p1 $0x0  }
0x14: {  	s2 =	sld [smem:$0x3F92];
	s0 =	simm.s32 @p1 $0x1  }
0x15: {  	[smem:$0x3FAF] =	sst s0;
	s0 =	simm.s32 @!p2 $0x0  }
0x16: {  	s3 =	sld [smem:$0x3FDB];
	s0 =	simm.s32 @p2 $0x1  }
0x17: {  	s4 =	simm.s32 $0x1BF5;
	[smem:$0x3FB1] =	sst s0  }
0x18: {  	s0 =	sld [smem:$0x3F94];
	_ =	swait.ge [sflag:s4], $0x0  }
0x19: {  	s7 =	sld [smem:$0x3F95]  }
0x1a: {  	s8 =	sadd.s32 $0xFFFFE003, lr  }
0x1b: {  	s9 =	sadd.s32 $0xFFFFFEF7, lr;
	s5 =	simm.s32 $0xFFFFFFFF;
	p2 =	slt.u32 s8, $0xFFFFF086  }
0x1c: {  	p1 =	slt.u32 s9, $0xF7A;
	s5 =	simm.s32 @!p2 $0x0  }
0x1d: {  	s5 =	simm.s32 @p1 $0x1;
	p0 =	seq.s32 s7, s2  }
0x1e: {  	s7 =	smul.u32 @!p0 $0xF7A, s2;
	p2 =	seq.s32 @!p0 s5, $0x0  }
0x1f: {  	s9 =	smul.u32 $0xF7A, s1;
	s8 =	simm.s32 @!p0 $0x1BF5;
	p2 =	por !p2, p0  }
0x20: {  	[sflag:s8] =	ssyncset.s32 @!p0 $0xFFFFF086;
	s6 =	sadd.s32 @!p0 s3, s7;
	s7 =	simm.s32 @!p0 $0x108  }
0x21: {  	s3 =	sadd.s32 s3, s9;
	s6 =	sadd.s32 @!p0 $0x88, s6;
	s7 =	simm.s32 @p2 $0x1082  }
0x22: {  	[simem:s7], [sflag:s8] =	dma.local @!p0 [hbm:s6], $0xF7A  }
0x23: {  	s9 =	sor.u32 $0xD0000000, s2;
	s6 =	simm.s32 $0x108;
	_ =	swait.ge @!p0 [sflag:s8], $0x0  }
0x24: {  	s3 =	sadd.s32 $0x88, s3;
	s6 =	simm.s32 @!p1 $0x1082;
	[sflag:s4] =	ssyncset.s32 $0xFFFFF086  }
0x25: {  	[simem:s6], [sflag:s4] =	dma.local [hbm:s3], $0xF7A  }
0x26: {  	[smem:$0x3F95] =	sst s1;
	(tag) =	ssettag s2;
	_ =	strace s9  }
0x27: {  	s1 =	sld [smem:$0x3FA5]  }
0x28: {  	s2 =	sld [smem:$0x3FA6]  }
0x29: {  	s4 =	sld [smem:$0x3FA8]  }
0x2a: {  	p0 =	seq.s32 s5, $0x0;
	s5 =	sld [smem:$0x3FA9]  }
0x2b: {  	s6 =	sld [smem:$0x3FAA]  }
0x2c: {  	s7 =	sld [smem:$0x3FAB]  }
0x2d: {  	s3 =	simm.s32 $0x108;
	s8 =	sld [smem:$0x3FAC]  }
0x2e: {  	s3 =	simm.s32 @!p0 $0x1082;
	s9 =	sld [smem:$0x3FAD]  }
0x2f: {  	lr =	sadd.s32 s0, s3;
	s0 =	sld [smem:$0x3FA4]  }
0x30: {  	s3 =	sld [smem:$0x3FA7]  }
0x31: {  	[smem:$0x3FB0] =	sst s10  }
0x32: {  	s10 =	sld [smem:$0x3FAE];
	_ =	sdelay $0x3  }
0x33: {  	p0 =	seq.s32 s10, $0x1;
	s10 =	sld [smem:$0x3FB0];
	_ =	sdelay $0x3  }
0x34: {  	[smem:$0x3FB0] =	sst s10  }
0x35: {  	s10 =	sld [smem:$0x3FAF];
	_ =	sdelay $0x3  }
0x36: {  	p1 =	seq.s32 s10, $0x1;
	s10 =	sld [smem:$0x3FB0];
	_ =	sdelay $0x3  }
0x37: {  	[smem:$0x3FB0] =	sst s10  }
0x38: {  	s10 =	sld [smem:$0x3FB1]  }
0x39: {  	_ = 	snop;
	(pc) =	sbr.ind lr, $3  }
0x3a: {  	_ = 	snop  }
0x3b: {  	_ = 	snop  }
0x3c: {  	p2 =	seq.s32 s10, $0x1;
	s10 =	sld [smem:$0x3FB0]  }
0x3d: {  	_ =	shalt  }
0x3e: {  	_ =	shalt  }
0x3f: {  	_ =	shalt  }
0x40: {  	_ =	shalt  }
0x41: {  	_ =	shalt  }
0x42: {  	_ =	shalt  }
0x43: {  	_ =	shalt  }
0x44: {  	_ =	shalt  }
0x45: {  	_ =	shalt  }
0x46: {  	_ =	shalt  }
0x47: {  	_ =	shalt  }
0x48: {  	_ =	shalt  }
0x49: {  	_ =	shalt  }
0x4a: {  	_ =	shalt  }
0x4b: {  	_ =	shalt  }
0x4c: {  	_ =	shalt  }
0x4d: {  	_ =	shalt  }
0x4e: {  	_ =	shalt  }
0x4f: {  	_ =	shalt  }
0x50: {  	_ =	shalt  }
0x51: {  	_ =	shalt  }
0x52: {  	_ =	shalt  }
0x53: {  	_ =	shalt  }
0x54: {  	_ =	shalt  }
0x55: {  	_ =	shalt  }
0x56: {  	_ =	shalt  }
0x57: {  	_ =	shalt  }
0x58: {  	_ =	shalt  }
0x59: {  	_ =	shalt  }
0x5a: {  	_ =	shalt  }
0x5b: {  	_ =	shalt  }
0x5c: {  	_ =	shalt  }
0x5d: {  	_ =	shalt  }
0x5e: {  	_ =	shalt  }
0x5f: {  	_ =	shalt  }
0x60: {  	_ =	shalt  }
0x61: {  	_ =	shalt  }
0x62: {  	_ =	shalt  }
0x63: {  	_ =	shalt  }
0x64: {  	_ =	shalt  }
0x65: {  	_ =	shalt  }
0x66: {  	_ =	shalt  }
0x67: {  	_ =	shalt  }
0x68: {  	_ =	shalt  }
0x69: {  	_ =	shalt  }
0x6a: {  	_ =	shalt  }
0x6b: {  	_ =	shalt  }
0x6c: {  	_ =	shalt  }
0x6d: {  	_ =	shalt  }
0x6e: {  	_ =	shalt  }
0x6f: {  	_ =	shalt  }
0x70: {  	_ =	shalt  }
0x71: {  	_ =	shalt  }
0x72: {  	_ =	shalt  }
0x73: {  	_ =	shalt  }
0x74: {  	_ =	shalt  }
0x75: {  	_ =	shalt  }
0x76: {  	_ =	shalt  }
0x77: {  	_ =	shalt  }
0x78: {  	_ =	shalt  }
0x79: {  	_ =	shalt  }
0x7a: {  	_ =	shalt  }
0x7b: {  	_ =	shalt  }
0x7c: {  	_ =	shalt  }
0x7d: {  	_ =	shalt  }
0x7e: {  	_ =	shalt  }
0x7f: {  	_ =	shalt  }
0x80: {  	_ =	shalt  }
0x81: {  	_ =	shalt  }
0x82: {  	_ =	shalt  }
0x83: {  	_ =	shalt  }
0x84: {  	_ =	shalt  }
0x85: {  	_ =	shalt  }
0x86: {  	_ =	shalt  }
0x87: {  	_ =	shalt  }
.Lfunc_end0:
.L_simem_size_0:
called_computation.3_lowered:
.L_overlay_start_0:
0x88: {  	s2 =	sld [smem:$0x3FD9]  }
0x89: {  	s3 =	sld [smem:$0x3FFE];
	_ =	sdelay $0x1  }
0x8a: {  	s1 =	srdreg.scid  }
0x8b: {  	s0 =	sand.u32 $0x1, s1  }
0x8c: {  	s17 =	sshll.u32 s0, $0xA;
	s2 =	sadd.s32 s3, s2  }
0x8d: {  	s2 =	sadd.s32 s2, s17  }
0x8e: {  	[smem:$0x3FBC] =	sst s2  }
0x8f: {  	_ = 	snop  }
0x90: {  	s2 =	sld [smem:$0x3FD0];
	(tm) =	ssettm $0x1  }
0x91: {  	s18 =	sld [smem:$0x3FFB];
	_ =	sdelay $0x3  }
0x92: {  	_ =	strace s18  }
0x93: {  	s3 =	sld [smem:$0x3FFC];
	_ =	sdelay $0x3  }
0x94: {  	_ =	strace s3  }
0x95: {  	s3 =	sld [smem:$0x3FFD];
	_ =	sdelay $0x3  }
0x96: {  	_ =	strace s3  }
0x97: {  	_ =	strace $0x8FFFFFFF  }
0x98: {  	s19 =	sld [smem:$0x3FDB];
	_ =	sdelay $0x1  }
0x99: {  	s4 =	simm.s32 $_scs_section_size  }
0x9a: {  	s5 =	simm.s32 $_size__tile_overlayer_lowered;
	s6 =	simm.s32 $_tile_overlayer_lowered  }
0x9b: {  	s22 =	simm.s32 $0x1BFF;
	s21 =	sshll.u32 s6, $0x1;
	s3 =	sadd.s32 s4, s19  }
0x9c: {  	s7 =	simm.s32 $0x0;
	s20 =	sshll.u32 s5, $0x1;
	s5 =	sadd.s32 s21, s3  }
0x9d: {  	[timem:s7], [sflag:s22] =	dma.local [hbm:s5], s20  }
0x9e: {  	_ =	swait.ge [sflag:s22], s20  }
0x9f: {  	s4 =	ssub.s32 $0x0, s20;
	[sflag:s22] =	ssyncset.done $0x0  }
0xa0: {  	[sflag:s22] =	ssyncadd.s32 s4;
	_ =	sdelay $0x1  }
0xa1: {  	s23 =	simm.s32 $0x1B8B  }
0xa2: {  	_ =	swait.ge [sflag:s23], $0x1  }
0xa3: {  	[sflag:s23] =	ssyncset.done $0x0  }
0xa4: {  	s25 =	simm.s32 $0x1B8E;
	s24 =	sld [smem:$0x3FFE];
	[sflag:s23] =	ssyncadd.s32 $0xFFFFFFFF  }
0xa5: {  	s26 =	simm.s32 $execute0_lowered;
	[smem:$0x3FD2] =	sst s25  }
0xa6: {  	s5 =	sshll.u32 s26, $0x1;
	_ =	strace $0x8000004F;
	[dreg:$0x1] =	wrdreg $0xFFFFFFFF  }
0xa7: {  	s28 =	simm.s32 $_size_execute0_lowered;
	s3 =	sadd.s32 s3, s5;
	[dreg:$0x0] =	wrdreg $0x0  }
0xa8: {  	s5 =	sshll.u32 s28, $0x1;
	[dreg:$0x2] =	wrdreg s3  }
0xa9: {  	[dreg:$0x3] =	wrdreg s5  }
0xaa: {  	[dreg:$0x4] =	wrdreg $0xC0  }
0xab: {  	_ =	task [dreg:s7], $0x5FFFF  }
0xac: {  	[dreg:$0x1] =	wrdreg $0xFFFFFFFF  }
0xad: {  	[dreg:$0x0] =	wrdreg $0x60  }
0xae: {  	[dreg:$0x2] =	wrdreg s2  }
0xaf: {  	[dreg:$0x3] =	wrdreg s24  }
0xb0: {  	[dreg:$0x4] =	wrdreg $0x0  }
0xb1: {  	[dreg:$0x5] =	wrdreg $0x9  }
0xb2: {  	_ =	task.clear_ibuf [dreg:s7], $0x6FFFF;
	_ =	strace $0x9000004F  }
0xb3: {  	s29 =	simm.s32 $0x9;
	_ =	strace $0x80000051  }
0xb4: {  	_ =	swait.ge [sflag:s29], $0x1  }
0xb5: {  	[sflag:s29] =	ssyncadd.s32 $0xFFFFFFFF  }
0xb6: {  	_ =	strace $0x90000051  }
0xb7: {  	_ =	sfence  }
0xb8: {  	s30 =	sld [smem:$0x0];
	_ =	sdelay $0x2  }
0xb9: {  	s31 =	sshll.u32 s1, $0xD;
	s1 =	sshrl.u32 s1, $0x2  }
0xba: {  	s3 =	sand.u32 $0x4000, s31;
	s1 =	sadd.s32 s1, s30  }
0xbb: {  	s0 =	sor.u32 s3, s0;
	s1 =	sshll.u32 s1, $0x11  }
0xbc: {  	s0 =	sor.u32 s1, s0  }
0xbd: {  	s0 =	sadd.s32 $0x8F2B, s0  }
0xbe: {  	[sflag:s0] =	ssyncadd.remote.s32 $0x1  }
0xbf: {  	_ =	sfence.sel $0xFFFF  }
0xc0: {  	[dreg:$0x0] =	wrdreg $0xFFFFFFFF;
	(pc) =	sbr.abs _section_cstart, $3  }
0xc1: {  	[dreg:$0x1] =	wrdreg $0xFFFFFFFF  }
0xc2: {  	_ =	task.clear_ibuf [dreg:s7], $0x2FFFF;
	_ =	strace $0x9FFFFFFF  }
0xc3: {  	(tm) =	ssettm $0x7FFFFFFF  }
tec
execute0_lowered:
.L_overlay_start_1:
0x0: {  	(tag) =	ssettag $0x1  }
0x1: {  	s0 =	rddreg [dreg:$0x0]  }
0x2: {  	s1 =	srdreg.scid;
	s2 =	rddreg [dreg:$0x1]  }
0x3: {  	s3 =	rddreg [dreg:$0x2];
	s9 =	stileid.u32;
	s4 =	simm.s32 $0x0  }
0x4: {  	s28 =	simm.s32 $0x18F00;
	s29 =	simm.s32 $0x50;
	s30 =	simm.s32 $0x1B700  }
0x5: {  	s31 =	simm.s32 $0x1;
	s1 =	sand.u32 $0x1, s1;
	s8 =	smul.u32 $0x50000, s9  }
0x6: {  	[smem:$0x7FF] =	sst s4;
	s14 =	smul.u32 $0x14000, s9;
	s5 =	sshll.u32 s1, $0x4  }
0x7: {  	_ =	strace $0x80000050;
	s6 =	ssub.s32 $0x2, s1;
	s1 =	smul.u32 $0x140000, s1  }
0x8: {  	s5 =	sor.u32 s9, s5;
	s7 =	sshrl.u32 s6, $0x1;
	s26 =	sshrl.u32 s8, $0x2  }
0x9: {  	s17 =	sadd.s32 $0x5000, s14;
	s18 =	sadd.s32 $0x7800, s14;
	s19 =	sadd.s32 $0xA000, s14  }
0xa: {  	s20 =	sadd.s32 $0xC800, s14;
	s21 =	sadd.s32 $0xF000, s14;
	s22 =	sadd.s32 $0x11800, s14  }
0xb: {  	s5 =	smul.u32 $0x4E2, s5;
	s23 =	ssub.s32 s6, s7;
	s7 =	sadd.s32 s26, s3  }
0xc: {  	s6 =	sor.u32 $0x2800, s14;
	s9 =	sadd.s32 s17, s3;
	s10 =	sadd.s32 s18, s3  }
0xd: {  	s11 =	sadd.s32 s19, s3;
	s12 =	sadd.s32 s20, s3;
	s13 =	sadd.s32 s21, s3  }
0xe: {  	s15 =	sadd.s32 s14, s1;
	s14 =	sadd.s32 s22, s3;
	s17 =	sadd.s32 s1, s17  }
0xf: {  	s18 =	sadd.s32 s1, s18;
	s19 =	sadd.s32 s1, s19;
	s26 =	sadd.s32 s1, s21  }
0x10: {  	s8 =	sadd.s32 s6, s3;
	s15 =	sshrl.u32 s15, $0x3;
	s18 =	sshrl.u32 s18, $0x3  }
0x11: {  	s24 =	sshrl.u32 s19, $0x3;
	s21 =	sshrl.u32 s26, $0x3;
	s23 =	smax.u32 s23, $0x1  }
0x12: {  	s26 =	simm.s32 $0x0;
	s5 =	sadd.s32 s5, s2;
	s2 =	sadd.s32 $0x16800, s2  }
0x13: {  	s25 =	sadd.s32 $0xCA00, s5;
	s5 =	sadd.s32 $0x2C00, s5;
	s16 =	sadd.s32 s2, s15  }
0x14: {  	s18 =	sadd.s32 s2, s18;
	s19 =	sadd.s32 s2, s24;
	[dreg:$0x4] =	wrdreg s25  }
0x15: {  	s21 =	sadd.s32 s2, s21;
	[dreg:$0x5] =	wrdreg s5;
	s5 =	sadd.s32 s1, s6  }
0x16: {  	s24 =	simm.s32 $0x14000;
	[dreg:$0x6] =	wrdreg s16;
	s5 =	sshrl.u32 s5, $0x3  }
0x17: {  	s25 =	sadd.s32 s1, s20;
	s1 =	sadd.s32 s1, s22;
	s5 =	sadd.s32 s2, s5  }
0x18: {  	s1 =	sshrl.u32 s1, $0x3;
	[dreg:$0x7] =	wrdreg s5;
	s5 =	sshrl.u32 s17, $0x3  }
0x19: {  	s22 =	sadd.s32 s2, s1;
	s17 =	sadd.s32 s2, s5;
	s5 =	sshrl.u32 s25, $0x3  }
0x1a: {  	v0 =	vimm.f32 $0.0e+00;
	s1 =	simm.s32 $0x2;
	s25 =	simm.s32 $0x3;
	s20 =	sadd.s32 s2, s5  }
.LBB2_1:
0x1b: {  	s2 =	rddreg [dreg:$0x4]  }
0x1c: {  	[tilespmem:s24], [sflag:$0x3] =	stream.linear.gather [hbm4b:s2+s4], $0x2710, $0x38;
	[tilespmem:$0x1DF00] =	vst v63  }
0x1d: {  	_ =	swait.ge [sflag:s25], $0x2710  }
0x1e: {  	[sflag:s25] =	ssyncset.done $0x0  }
0x1f: {  	s5 =	simm.s32 $0x16780;
	s16 =	rddreg [dreg:$0x5];
	[sflag:s25] =	ssyncadd.s32 $0xFFFFD8F0  }
0x20: {  	[tilespmem:s5], [sflag:$0x3] =	stream.linear.gather [hbm4b:s16+s4], $0x2710, $0x38;
	[tilespmem:$0x1DF00] =	vst v63  }
0x21: {  	_ =	swait.ge [sflag:s25], $0x2710  }
0x22: {  	[sflag:s25] =	ssyncset.done $0x0  }
0x23: {  	s2 =	simm.s32 $0x0;
	s5 =	simm.s32 $0x200;
	[sflag:s25] =	ssyncadd.s32 $0xFFFFD8F0  }
.LBB2_2:
0x24: {  	p0 =	sne.s32 s5, $0x9E00;
	[tilespmem:s2+$0x18F70] =	vst v0  }
0x25: {  	[tilespmem:s2+$0x18F00] =	vst v0  }
0x26: {  	[tilespmem:s2+$0x18F10] =	vst v0  }
.Ltmp0:
0x27: {  	[tilespmem:s2+$0x18F20] =	vst v0;
	(pc) =	sbr.rel @p0 .LBB2_2-.Ltmp0, $4  }
0x28: {  	[tilespmem:s2+$0x18F30] =	vst v0  }
0x29: {  	[tilespmem:s2+$0x18F40] =	vst v0  }
0x2a: {  	[tilespmem:s2+$0x18F50] =	vst v0  }
0x2b: {  	[tilespmem:s2+$0x18F60] =	vst v0;
	s2 =	sshra.s32 s5, $0x2;
	s5 =	sadd.s32 $0x200, s5  }
0x2c: {  	[tilespmem:s2+$0x18F70] =	vst v0  }
0x2d: {  	[tilespmem:s2+$0x18F00] =	vst v0  }
0x2e: {  	[tilespmem:s2+$0x18F10] =	vst v0  }
0x2f: {  	[tilespmem:s2+$0x18F20] =	vst v0  }
0x30: {  	[tilespmem:s2+$0x18F30] =	vst v0  }
0x31: {  	[tilespmem:s2+$0x18F40] =	vst v0  }
0x32: {  	[tilespmem:s2+$0x18F50] =	vst v0  }
0x33: {  	[tilespmem:s2+$0x18F60] =	vst v0  }
0x34: {  	[spmem:s7] =	stream.linear.scatter [tilespmem:s28], [sflag:$0x3], $0x2800, $0x38;
	[tilespmem:$0x1DF00] =	vst v63  }
0x35: {  	_ =	swait.ge [sflag:s25], $0x2800  }
0x36: {  	[sflag:s25] =	ssyncset.done $0x0  }
0x37: {  	[sflag:s25] =	ssyncadd.s32 $0xFFFFD800  }
0x38: {  	[spmem:s8] =	stream.linear.scatter [tilespmem:s28], [sflag:$0x3], $0x2800, $0x38;
	[tilespmem:$0x1DF00] =	vst v63  }
0x39: {  	_ =	swait.ge [sflag:s25], $0x2800  }
0x3a: {  	[sflag:s25] =	ssyncset.done $0x0  }
0x3b: {  	[sflag:s25] =	ssyncadd.s32 $0xFFFFD800  }
0x3c: {  	[spmem:s9] =	stream.linear.scatter [tilespmem:s28], [sflag:$0x3], $0x2800, $0x38;
	[tilespmem:$0x1DF00] =	vst v63  }
0x3d: {  	_ =	swait.ge [sflag:s25], $0x2800  }
0x3e: {  	[sflag:s25] =	ssyncset.done $0x0  }
0x3f: {  	[sflag:s25] =	ssyncadd.s32 $0xFFFFD800  }
0x40: {  	[spmem:s10] =	stream.linear.scatter [tilespmem:s28], [sflag:$0x3], $0x2800, $0x38;
	[tilespmem:$0x1DF00] =	vst v63  }
0x41: {  	_ =	swait.ge [sflag:s25], $0x2800  }
0x42: {  	[sflag:s25] =	ssyncset.done $0x0  }
0x43: {  	[sflag:s25] =	ssyncadd.s32 $0xFFFFD800  }
0x44: {  	[spmem:s11] =	stream.linear.scatter [tilespmem:s28], [sflag:$0x3], $0x2800, $0x38;
	[tilespmem:$0x1DF00] =	vst v63  }
0x45: {  	_ =	swait.ge [sflag:s25], $0x2800  }
0x46: {  	[sflag:s25] =	ssyncset.done $0x0  }
0x47: {  	[sflag:s25] =	ssyncadd.s32 $0xFFFFD800  }
0x48: {  	[spmem:s12] =	stream.linear.scatter [tilespmem:s28], [sflag:$0x3], $0x2800, $0x38;
	[tilespmem:$0x1DF00] =	vst v63  }
0x49: {  	_ =	swait.ge [sflag:s25], $0x2800  }
0x4a: {  	[sflag:s25] =	ssyncset.done $0x0  }
0x4b: {  	[sflag:s25] =	ssyncadd.s32 $0xFFFFD800  }
0x4c: {  	[spmem:s13] =	stream.linear.scatter [tilespmem:s28], [sflag:$0x3], $0x2800, $0x38;
	[tilespmem:$0x1DF00] =	vst v63  }
0x4d: {  	_ =	swait.ge [sflag:s25], $0x2800  }
0x4e: {  	[sflag:s25] =	ssyncset.done $0x0  }
0x4f: {  	[sflag:s25] =	ssyncadd.s32 $0xFFFFD800  }
0x50: {  	[spmem:s14] =	stream.linear.scatter [tilespmem:s28], [sflag:$0x3], $0x2800, $0x38;
	[tilespmem:$0x1DF00] =	vst v63  }
0x51: {  	_ =	swait.ge [sflag:s25], $0x2800  }
0x52: {  	[sflag:s25] =	ssyncset.done $0x0  }
0x53: {  	[sflag:s25] =	ssyncadd.s32 $0xFFFFD800  }
0x54: {  	[bflag:$0x0] =	sbarrier.arrive $0xFFFF  }
0x55: {  	[tilespmem:s28], [sflag:$0x1] =	stream.indirect.gather [hbm4b:s0+s29], $0x80, s24, s29, $0xb8;
	[tilespmem:$0x1DF00] =	vst v63  }
0x56: {  	s5 =	simm.s32 $0x14050  }
0x57: {  	[tilespmem:s30], [sflag:$0x2] =	stream.indirect.gather [hbm4b:s0+s29], $0x80, s5, s29, $0xb8;
	[tilespmem:$0x1DF00] =	vst v63  }
0x58: {  	_ =	swait.ge [sflag:s31], $0x2800  }
0x59: {  	[sflag:s31] =	ssyncset.done $0x0  }
0x5a: {  	s6 =	simm.s32 $0x16780;
	[sflag:s31] =	ssyncadd.s32 $0xFFFFD800  }
0x5b: {  	[spmem:s3] =	stream.indirect.scatter.add.f32 [tilespmem:s28], [sflag:$0x3], $0x80, s6, s29, $0xb8;
	[tilespmem:$0x1DF00] =	vst v63  }
0x5c: {  	_ =	swait.ge [sflag:s25], $0x2800  }
0x5d: {  	[sflag:s25] =	ssyncset.done $0x0  }
0x5e: {  	s15 =	simm.s32 $0x140A0;
	[sflag:s25] =	ssyncadd.s32 $0xFFFFD800  }
0x5f: {  	[tilespmem:s28], [sflag:$0x1] =	stream.indirect.gather [hbm4b:s0+s29], $0x80, s15, s29, $0xb8;
	[tilespmem:$0x1DF00] =	vst v63  }
0x60: {  	_ =	swait.ge [sflag:s1], $0x2800  }
0x61: {  	[sflag:s1] =	ssyncset.done $0x0  }
0x62: {  	s16 =	simm.s32 $0x167D0;
	[sflag:s1] =	ssyncadd.s32 $0xFFFFD800  }
0x63: {  	[spmem:s3] =	stream.indirect.scatter.add.f32 [tilespmem:s30], [sflag:$0x3], $0x80, s16, s29, $0xb8;
	[tilespmem:$0x1DF00] =	vst v63  }
0x64: {  	_ =	swait.ge [sflag:s25], $0x2800  }
0x65: {  	s2 =	simm.s32 $0xA0;
	s5 =	simm.s32 $0x500;
	[sflag:s25] =	ssyncset.done $0x0  }
.LBB2_4:
0x66: {  	s6 =	sadd.s32 $0x14050, s2  }
0x67: {  	[sflag:s25] =	ssyncadd.s32 $0xFFFFD800;
	s15 =	smov.u32 s5;
	s16 =	sadd.s32 $0x280, s5  }
0x68: {  	[tilespmem:s30], [sflag:$0x2] =	stream.indirect.gather [hbm4b:s0+s29], $0x80, s6, s29, $0xb8;
	[tilespmem:$0x1DF00] =	vst v63  }
0x69: {  	p0 =	sne.s32 s5, $0x9880;
	_ =	swait.ge [sflag:s31], $0x2800  }
0x6a: {  	[sflag:s31] =	ssyncset.done $0x0  }
0x6b: {  	s5 =	sadd.s32 $0x16780, s2;
	[sflag:s31] =	ssyncadd.s32 $0xFFFFD800  }
0x6c: {  	[spmem:s3] =	stream.indirect.scatter.add.f32 [tilespmem:s28], [sflag:$0x3], $0x80, s5, s29, $0xb8;
	[tilespmem:$0x1DF00] =	vst v63  }
0x6d: {  	_ =	swait.ge [sflag:s25], $0x2800  }
0x6e: {  	[sflag:s25] =	ssyncset.done $0x0  }
0x6f: {  	s5 =	sadd.s32 $0x140A0, s2;
	[sflag:s25] =	ssyncadd.s32 $0xFFFFD800  }
0x70: {  	[tilespmem:s28], [sflag:$0x1] =	stream.indirect.gather [hbm4b:s0+s29], $0x80, s5, s29, $0xb8;
	[tilespmem:$0x1DF00] =	vst v63  }
0x71: {  	_ =	swait.ge [sflag:s1], $0x2800  }
.Ltmp1:
0x72: {  	[sflag:s1] =	ssyncset.done $0x0;
	(pc) =	sbr.rel @p0 .LBB2_4-.Ltmp1, $4  }
0x73: {  	s2 =	sadd.s32 $0x167D0, s2;
	[sflag:s1] =	ssyncadd.s32 $0xFFFFD800  }
0x74: {  	[spmem:s3] =	stream.indirect.scatter.add.f32 [tilespmem:s30], [sflag:$0x3], $0x80, s2, s29, $0xb8;
	[tilespmem:$0x1DF00] =	vst v63  }
0x75: {  	_ =	swait.ge [sflag:s25], $0x2800  }
0x76: {  	s5 =	smov.u32 s16;
	s2 =	sshra.s32 s15, $0x2;
	[sflag:s25] =	ssyncset.done $0x0  }
0x77: {  	s5 =	sadd.s32 $0x14050, s2;
	[sflag:s25] =	ssyncadd.s32 $0xFFFFD800  }
0x78: {  	[tilespmem:s30], [sflag:$0x2] =	stream.indirect.gather [hbm4b:s0+s29], $0x80, s5, s29, $0xb8;
	[tilespmem:$0x1DF00] =	vst v63  }
0x79: {  	_ =	swait.ge [sflag:s31], $0x2800  }
0x7a: {  	[sflag:s31] =	ssyncset.done $0x0  }
0x7b: {  	s15 =	sadd.s32 $0x16780, s2;
	[sflag:s31] =	ssyncadd.s32 $0xFFFFD800  }
0x7c: {  	[spmem:s3] =	stream.indirect.scatter.add.f32 [tilespmem:s28], [sflag:$0x3], $0x80, s15, s29, $0xb8;
	[tilespmem:$0x1DF00] =	vst v63  }
0x7d: {  	_ =	swait.ge [sflag:s25], $0x2800  }
0x7e: {  	[sflag:s25] =	ssyncset.done $0x0  }
0x7f: {  	s16 =	sadd.s32 $0x140A0, s2;
	[sflag:s25] =	ssyncadd.s32 $0xFFFFD800  }
0x80: {  	[tilespmem:s28], [sflag:$0x1] =	stream.indirect.gather [hbm4b:s0+s29], $0x80, s16, s29, $0xb8;
	[tilespmem:$0x1DF00] =	vst v63  }
0x81: {  	_ =	swait.ge [sflag:s1], $0x2800  }
0x82: {  	[sflag:s1] =	ssyncset.done $0x0  }
0x83: {  	s5 =	sadd.s32 $0x167D0, s2;
	[sflag:s1] =	ssyncadd.s32 $0xFFFFD800  }
0x84: {  	[spmem:s3] =	stream.indirect.scatter.add.f32 [tilespmem:s30], [sflag:$0x3], $0x80, s5, s29, $0xb8;
	[tilespmem:$0x1DF00] =	vst v63  }
0x85: {  	_ =	swait.ge [sflag:s25], $0x2800  }
0x86: {  	[sflag:s25] =	ssyncset.done $0x0  }
0x87: {  	[sflag:s25] =	ssyncadd.s32 $0xFFFFD800  }
0x88: {  	_ =	swait.ge [sflag:s31], $0x2800  }
0x89: {  	[sflag:s31] =	ssyncset.done $0x0  }
0x8a: {  	s6 =	simm.s32 $0x18E40;
	[sflag:s31] =	ssyncadd.s32 $0xFFFFD800  }
0x8b: {  	[spmem:s3] =	stream.indirect.scatter.add.f32 [tilespmem:s28], [sflag:$0x3], $0x80, s6, s29, $0xb8;
	[tilespmem:$0x1DF00] =	vst v63  }
0x8c: {  	_ =	swait.ge [sflag:s25], $0x2800  }
0x8d: {  	[sflag:s25] =	ssyncset.done $0x0  }
0x8e: {  	[sflag:s25] =	ssyncadd.s32 $0xFFFFD800  }
0x8f: {  	[bflag:$0x0] =	sbarrier.arrive $0xFFFF  }
0x90: {  	[tilespmem:s28], [sflag:$0x3] =	stream.linear.gather [spmem:s7], $0x2800, $0x38;
	[tilespmem:$0x1DF00] =	vst v63  }
0x91: {  	_ =	swait.ge [sflag:s25], $0x2800  }
0x92: {  	[sflag:s25] =	ssyncset.done $0x0  }
0x93: {  	s15 =	rddreg [dreg:$0x6];
	[sflag:s25] =	ssyncadd.s32 $0xFFFFD800  }
0x94: {  	[hbm4b:s15+s4] =	stream.linear.scatter [tilespmem:s28], [sflag:$0x3], $0x2800, $0x38;
	[tilespmem:$0x1DF00] =	vst v63  }
0x95: {  	_ =	swait.ge [sflag:s25], $0x2800  }
0x96: {  	[sflag:s25] =	ssyncset.done $0x0  }
0x97: {  	[sflag:s25] =	ssyncadd.s32 $0xFFFFD800  }
0x98: {  	[tilespmem:s28], [sflag:$0x3] =	stream.linear.gather [spmem:s8], $0x2800, $0x38;
	[tilespmem:$0x1DF00] =	vst v63  }
0x99: {  	_ =	swait.ge [sflag:s25], $0x2800  }
0x9a: {  	[sflag:s25] =	ssyncset.done $0x0  }
0x9b: {  	s16 =	rddreg [dreg:$0x7];
	[sflag:s25] =	ssyncadd.s32 $0xFFFFD800  }
0x9c: {  	[hbm4b:s16+s4] =	stream.linear.scatter [tilespmem:s28], [sflag:$0x3], $0x2800, $0x38;
	[tilespmem:$0x1DF00] =	vst v63  }
0x9d: {  	_ =	swait.ge [sflag:s25], $0x2800  }
0x9e: {  	[sflag:s25] =	ssyncset.done $0x0  }
0x9f: {  	[sflag:s25] =	ssyncadd.s32 $0xFFFFD800  }
0xa0: {  	[tilespmem:s28], [sflag:$0x3] =	stream.linear.gather [spmem:s9], $0x2800, $0x38;
	[tilespmem:$0x1DF00] =	vst v63  }
0xa1: {  	_ =	swait.ge [sflag:s25], $0x2800  }
0xa2: {  	[sflag:s25] =	ssyncset.done $0x0  }
0xa3: {  	[sflag:s25] =	ssyncadd.s32 $0xFFFFD800  }
0xa4: {  	[hbm4b:s17+s4] =	stream.linear.scatter [tilespmem:s28], [sflag:$0x3], $0x2800, $0x38;
	[tilespmem:$0x1DF00] =	vst v63  }
0xa5: {  	_ =	swait.ge [sflag:s25], $0x2800  }
0xa6: {  	[sflag:s25] =	ssyncset.done $0x0  }
0xa7: {  	[sflag:s25] =	ssyncadd.s32 $0xFFFFD800  }
0xa8: {  	[tilespmem:s28], [sflag:$0x3] =	stream.linear.gather [spmem:s10], $0x2800, $0x38;
	[tilespmem:$0x1DF00] =	vst v63  }
0xa9: {  	_ =	swait.ge [sflag:s25], $0x2800  }
0xaa: {  	[sflag:s25] =	ssyncset.done $0x0  }
0xab: {  	[sflag:s25] =	ssyncadd.s32 $0xFFFFD800  }
0xac: {  	[hbm4b:s18+s4] =	stream.linear.scatter [tilespmem:s28], [sflag:$0x3], $0x2800, $0x38;
	[tilespmem:$0x1DF00] =	vst v63  }
0xad: {  	_ =	swait.ge [sflag:s25], $0x2800  }
0xae: {  	[sflag:s25] =	ssyncset.done $0x0  }
0xaf: {  	[sflag:s25] =	ssyncadd.s32 $0xFFFFD800  }
0xb0: {  	[tilespmem:s28], [sflag:$0x3] =	stream.linear.gather [spmem:s11], $0x2800, $0x38;
	[tilespmem:$0x1DF00] =	vst v63  }
0xb1: {  	_ =	swait.ge [sflag:s25], $0x2800  }
0xb2: {  	[sflag:s25] =	ssyncset.done $0x0  }
0xb3: {  	[sflag:s25] =	ssyncadd.s32 $0xFFFFD800  }
0xb4: {  	[hbm4b:s19+s4] =	stream.linear.scatter [tilespmem:s28], [sflag:$0x3], $0x2800, $0x38;
	[tilespmem:$0x1DF00] =	vst v63  }
0xb5: {  	_ =	swait.ge [sflag:s25], $0x2800  }
0xb6: {  	[sflag:s25] =	ssyncset.done $0x0  }
0xb7: {  	[sflag:s25] =	ssyncadd.s32 $0xFFFFD800  }
0xb8: {  	[tilespmem:s28], [sflag:$0x3] =	stream.linear.gather [spmem:s12], $0x2800, $0x38;
	[tilespmem:$0x1DF00] =	vst v63  }
0xb9: {  	_ =	swait.ge [sflag:s25], $0x2800  }
0xba: {  	[sflag:s25] =	ssyncset.done $0x0  }
0xbb: {  	[sflag:s25] =	ssyncadd.s32 $0xFFFFD800  }
0xbc: {  	[hbm4b:s20+s4] =	stream.linear.scatter [tilespmem:s28], [sflag:$0x3], $0x2800, $0x38;
	[tilespmem:$0x1DF00] =	vst v63  }
0xbd: {  	_ =	swait.ge [sflag:s25], $0x2800  }
0xbe: {  	[sflag:s25] =	ssyncset.done $0x0  }
0xbf: {  	[sflag:s25] =	ssyncadd.s32 $0xFFFFD800  }
0xc0: {  	[tilespmem:s28], [sflag:$0x3] =	stream.linear.gather [spmem:s13], $0x2800, $0x38;
	[tilespmem:$0x1DF00] =	vst v63  }
0xc1: {  	_ =	swait.ge [sflag:s25], $0x2800  }
0xc2: {  	[sflag:s25] =	ssyncset.done $0x0  }
0xc3: {  	[sflag:s25] =	ssyncadd.s32 $0xFFFFD800  }
0xc4: {  	[hbm4b:s21+s4] =	stream.linear.scatter [tilespmem:s28], [sflag:$0x3], $0x2800, $0x38;
	[tilespmem:$0x1DF00] =	vst v63  }
0xc5: {  	_ =	swait.ge [sflag:s25], $0x2800  }
0xc6: {  	[sflag:s25] =	ssyncset.done $0x0  }
0xc7: {  	[sflag:s25] =	ssyncadd.s32 $0xFFFFD800  }
0xc8: {  	[tilespmem:s28], [sflag:$0x3] =	stream.linear.gather [spmem:s14], $0x2800, $0x38;
	[tilespmem:$0x1DF00] =	vst v63  }
0xc9: {  	s26 =	sadd.s32 $0x1, s26;
	_ =	swait.ge [sflag:s25], $0x2800  }
0xca: {  	p0 =	sne.s32 s26, s23;
	[sflag:s25] =	ssyncset.done $0x0  }
.Ltmp2:
0xcb: {  	[sflag:s25] =	ssyncadd.s32 $0xFFFFD800;
	(pc) =	sbr.rel @p0 .LBB2_1-.Ltmp2, $4  }
0xcc: {  	[hbm4b:s22+s4] =	stream.linear.scatter [tilespmem:s28], [sflag:$0x3], $0x2800, $0x38;
	[tilespmem:$0x1DF00] =	vst v63  }
0xcd: {  	_ =	swait.ge [sflag:s25], $0x2800  }
0xce: {  	[sflag:s25] =	ssyncset.done $0x0  }
0xcf: {  	[sflag:s25] =	ssyncadd.s32 $0xFFFFD800  }
0xd0: {  	_ =	sfence.sel $0x180000  }
0xd1: {  	[bflag:$0x0] =	sbarrier.arrive $0xFFFF  }
0xd2: {  	_ =	strace $0x90000050  }
0xd3: {  	s0 =	stileid.u32;
	[bflag:$0x2] =	sbarrier.arrive $0xFFFF  }
0xd4: {  	p0 =	sne.s32 s0, $0x0;
	s0 =	rddreg [dreg:$0x3]  }
0xd5: {  	s0 =	sadd.s32 @!p0 $0x100000, s0  }
0xd6: {  	[sflag:s0] =	ssyncadd.tile.s32 @!p0 $0x1;
	_ =	shalt  }
.Lfunc_end2:
_tile_overlayer_lowered:
.L_overlay_start_2:
0xd7: {  	(tag) =	ssettag $0x2  }
0xd8: {  	s0 =	rddreg [dreg:$0x0];
	s2 =	stileid.u32  }
0xd9: {  	s1 =	rddreg [dreg:$0x1];
	p0 =	sne.s32 s2, $0x0  }
0xda: {  	s3 =	rddreg [dreg:$0x2];
	[bflag:$0x3] =	sbarrier.arrive $0xFFFF;
	s2 =	simm.s32 @!p0 $0x1C03  }
0xdb: {  	[timem:s3], [sflag:s2] =	dma.local @!p0 [hbm:s0], s1  }
0xdc: {  	s0 =	simm.s32 @!p0 $0x3  }
0xdd: {  	_ =	swait.ge @!p0 [sflag:s0], s1  }
0xde: {  	s1 =	ssub.s32 @!p0 $0x0, s1;
	[sflag:s0] =	ssyncset.done @!p0 $0x0  }
0xdf: {  	[sflag:s0] =	ssyncadd.s32 @!p0 s1  }
0xe0: {  	[bflag:$0x3] =	sbarrier.arrive $0xFFFF  }
0xe1: {  	_ =	shalt  }

</sc_bundles>
